<compile_context>
chip_gen: v7x
topology: tpu7x:2x2x1
jax: 0.10.2.dev20260603
libtpu: 0.0.44.dev20260713+nightly
codegen_flags: <defaults>
</compile_context>

<pallas_src>
import functools

import jax
import jax.numpy as jnp
from jax import lax
from jax.experimental import pallas as pl
from jax.experimental.pallas import tpu as pltpu
from jax.experimental.pallas import tpu_sc as plsc

_NC = 2
_NS = 16
_NW = _NC * _NS
_CHUNK = 128
_NBUF = 16


def _sc_mesh():
    return plsc.VectorSubcoreMesh(core_axis_name="c", subcore_axis_name="s")


_DEGW = 16


def _deg_kernel(n, e_pad):
    ept = e_pad // _NW
    nchunks = ept // _CHUNK
    n_tbl = ((n + 16 + 127) // 128) * 128
    rows_zero = n_tbl // _NS

    @functools.partial(
        pl.kernel,
        out_type=jax.ShapeDtypeStruct((_NC * n_tbl, _DEGW), jnp.float32),
        mesh=_sc_mesh(),
        compiler_params=pltpu.CompilerParams(use_tc_tiling_on_sc=False),
        scratch_types=[
            pltpu.VMEM((nchunks, _CHUNK), jnp.int32),
            pltpu.VMEM((_CHUNK, _DEGW), jnp.float32),
            pltpu.VMEM_SHARED((n_tbl, _DEGW), jnp.float32),
            pltpu.SemaphoreType.DMA,
        ],
    )
    def k(dst_hbm, ones_hbm, zeros_hbm, out_hbm, dst_v, ones_v, acc, sem):
        cid = lax.axis_index("c")
        sid = lax.axis_index("s")
        wid = sid * _NC + cid
        pltpu.sync_copy(ones_hbm, ones_v)
        pltpu.sync_copy(dst_hbm.at[pl.ds(wid * nchunks, nchunks)], dst_v)
        pltpu.sync_copy(zeros_hbm, acc.at[pl.ds(sid * rows_zero, rows_zero)])
        plsc.subcore_barrier()

        dwin = 16

        def body(jo, _):
            descs = [
                pltpu.async_copy(
                    ones_v, acc.at[dst_v.at[jo * dwin + b]], sem, add=True)
                for b in range(dwin)
            ]
            for dsc in descs:
                dsc.wait()
            return 0

        lax.fori_loop(0, nchunks // dwin, body, 0)

        def tail(j, _):
            pltpu.sync_copy(ones_v, acc.at[dst_v.at[j]], add=True)
            return 0

        lax.fori_loop((nchunks // dwin) * dwin, nchunks, tail, 0)
        plsc.subcore_barrier()
        pltpu.sync_copy(
            acc.at[pl.ds(sid * rows_zero, rows_zero)],
            out_hbm.at[pl.ds(cid * n_tbl + sid * rows_zero, rows_zero)])

    return k


def _scatter_kernel(n, d, e_pad):
    ept = e_pad // _NW
    nchunks = ept // _CHUNK
    n_tbl = ((n + 16 + 127) // 128) * 128
    rows_zero = n_tbl // _NS

    nbuf = _NBUF

    rows_stage = n // _NS

    @functools.partial(
        pl.kernel,
        out_type=jax.ShapeDtypeStruct((_NC * n_tbl, d), jnp.float32),
        mesh=_sc_mesh(),
        compiler_params=pltpu.CompilerParams(use_tc_tiling_on_sc=False),
        scratch_types=[
            pltpu.VMEM((nchunks, _CHUNK), jnp.int32),
            pltpu.VMEM((nbuf, _CHUNK), jnp.int32),
        ] + [pltpu.VMEM((_CHUNK, d), jnp.float32)] * nbuf + [
            pltpu.VMEM_SHARED((n_tbl, d), jnp.float32),
            pltpu.VMEM_SHARED((n, d), jnp.float32),
            pltpu.SemaphoreType.DMA,
            pltpu.SemaphoreType.DMA,
        ],
    )
    def k(src_hbm, dst_hbm, g_hbm, zeros_hbm, out_hbm, dst_v, idxw, *rest):
        rows = rest[:nbuf]
        acc = rest[nbuf]
        g_sp = rest[nbuf + 1]
        sem_g = rest[nbuf + 2]
        sem_s = rest[nbuf + 3]
        cid = lax.axis_index("c")
        sid = lax.axis_index("s")
        wid = sid * _NC + cid
        pltpu.sync_copy(dst_hbm.at[pl.ds(wid * nchunks, nchunks)], dst_v)
        pltpu.sync_copy(
            g_hbm.at[pl.ds(sid * rows_stage, rows_stage)],
            g_sp.at[pl.ds(sid * rows_stage, rows_stage)])
        pltpu.sync_copy(zeros_hbm, acc.at[pl.ds(sid * rows_zero, rows_zero)])
        plsc.subcore_barrier()
        base = wid * nchunks

        def body(jo, _):
            pltpu.sync_copy(
                src_hbm.at[pl.ds(base + jo * nbuf, nbuf)], idxw)
            gdescs = [
                pltpu.async_copy(g_sp.at[idxw.at[b]], rows[b], sem_g)
                for b in range(nbuf)
            ]
            sdescs = []
            for b in range(nbuf):
                gdescs[b].wait()
                sdescs.append(pltpu.async_copy(
                    rows[b], acc.at[dst_v.at[jo * nbuf + b]],
                    sem_s, add=True))
            for dsc in sdescs:
                dsc.wait()
            return 0

        lax.fori_loop(0, nchunks // nbuf, body, 0)
        plsc.subcore_barrier()
        pltpu.sync_copy(
            acc.at[pl.ds(sid * rows_zero, rows_zero)],
            out_hbm.at[pl.ds(cid * n_tbl + sid * rows_zero, rows_zero)])

    return k


def _logits_kernel(n, e):
    per = e // _NW
    iters = per // 16

    @functools.partial(
        pl.kernel,
        out_type=jax.ShapeDtypeStruct((2 * e,), jnp.float32),
        mesh=_sc_mesh(),
        compiler_params=pltpu.CompilerParams(needs_layout_passes=False),
        scratch_types=[
            pltpu.VMEM((n,), jnp.float32),
            pltpu.VMEM((n,), jnp.float32),
            pltpu.VMEM((per,), jnp.int32),
            pltpu.VMEM((per,), jnp.int32),
            pltpu.VMEM((per,), jnp.float32),
        ],
    )
    def k(u_hbm, v_hbm, p0_hbm, p1_hbm, n0_hbm, n1_hbm, out_hbm,
          u_v, v_v, a_v, b_v, o_v):
        cid = lax.axis_index("c")
        sid = lax.axis_index("s")
        wid = sid * _NC + cid
        pltpu.sync_copy(u_hbm, u_v)
        pltpu.sync_copy(v_hbm, v_v)
        ebase = wid * per
        for a_hbm, b_hbm, obase in (
                (p0_hbm, p1_hbm, ebase),
                (n0_hbm, n1_hbm, e + ebase)):
            pltpu.sync_copy(a_hbm.at[pl.ds(ebase, per)], a_v)
            pltpu.sync_copy(b_hbm.at[pl.ds(ebase, per)], b_v)

            def body(i, _):
                ia = a_v[pl.ds(i * 16, 16)]
                ib = b_v[pl.ds(i * 16, 16)]
                ga = plsc.load_gather(u_v, [ia])
                gb = plsc.load_gather(v_v, [ib])
                o_v[pl.ds(i * 16, 16)] = ga + gb
                return 0

            lax.fori_loop(0, iters, body, 0)
            pltpu.sync_copy(o_v, out_hbm.at[pl.ds(obase, per)])

    return k


def _tc1(x, w1, degp, n, d_in, d_hid, bn):
    def body(x_ref, w_ref, degp_ref, dinv_ref, g1_ref):
        deg = degp_ref[0][:, 0:1] + degp_ref[1][:, 0:1] + 1.0
        dinv = lax.rsqrt(deg)
        dinv_ref[...] = dinv
        t = jnp.dot(x_ref[...], w_ref[...], preferred_element_type=jnp.float32)
        g1_ref[...] = t * dinv

    grid = n // bn
    return pl.pallas_call(
        body,
        grid=(grid,),
        in_specs=[
            pl.BlockSpec((bn, d_in), lambda i: (i, 0)),
            pl.BlockSpec((d_in, d_hid), lambda i: (0, 0)),
            pl.BlockSpec((_NC, bn, _DEGW), lambda i: (0, i, 0)),
        ],
        out_specs=[
            pl.BlockSpec((bn, 1), lambda i: (i, 0)),
            pl.BlockSpec((bn, d_hid), lambda i: (i, 0)),
        ],
        out_shape=[
            jax.ShapeDtypeStruct((n, 1), jnp.float32),
            jax.ShapeDtypeStruct((n, d_hid), jnp.float32),
        ],
    )(x, w1, degp)


def _tc2(p1, g1, dinv, b1, w2, n, d_hid, d_out, bn):
    def body(p_ref, g1_ref, dinv_ref, b1_ref, w_ref, g2_ref):
        s = p_ref[0] + p_ref[1] + g1_ref[...]
        h = jnp.maximum(s * dinv_ref[...] + b1_ref[...], 0.0)
        t = jnp.dot(h, w_ref[...], preferred_element_type=jnp.float32)
        g2_ref[...] = t * dinv_ref[...]

    grid = n // bn
    return pl.pallas_call(
        body,
        grid=(grid,),
        in_specs=[
            pl.BlockSpec((_NC, bn, d_hid), lambda i: (0, i, 0)),
            pl.BlockSpec((bn, d_hid), lambda i: (i, 0)),
            pl.BlockSpec((bn, 1), lambda i: (i, 0)),
            pl.BlockSpec((1, d_hid), lambda i: (0, 0)),
            pl.BlockSpec((d_hid, d_out), lambda i: (0, 0)),
        ],
        out_specs=pl.BlockSpec((bn, d_out), lambda i: (i, 0)),
        out_shape=jax.ShapeDtypeStruct((n, d_out), jnp.float32),
    )(p1, g1, dinv, b1, w2)


def _tc3(p2, g2, dinv, b2, wep_row, b_ep, n, d_out, bn):
    def body(p_ref, g2_ref, dinv_ref, b2_ref, w_ref, bep_ref,
             z_ref, u_ref, v_ref):
        s = p_ref[0] + p_ref[1] + g2_ref[...]
        z = s * dinv_ref[...] + b2_ref[...]
        z_ref[...] = z
        wa = w_ref[:, 0:d_out]
        wb = w_ref[:, d_out:2 * d_out]
        u_ref[...] = jnp.sum(z * wa, axis=1, keepdims=True) + bep_ref[0, 0]
        v_ref[...] = jnp.sum(z * wb, axis=1, keepdims=True)

    grid = n // bn
    return pl.pallas_call(
        body,
        grid=(grid,),
        in_specs=[
            pl.BlockSpec((_NC, bn, d_out), lambda i: (0, i, 0)),
            pl.BlockSpec((bn, d_out), lambda i: (i, 0)),
            pl.BlockSpec((bn, 1), lambda i: (i, 0)),
            pl.BlockSpec((1, d_out), lambda i: (0, 0)),
            pl.BlockSpec((1, 2 * d_out), lambda i: (0, 0)),
            pl.BlockSpec((1, 1), lambda i: (0, 0)),
        ],
        out_specs=[
            pl.BlockSpec((bn, d_out), lambda i: (i, 0)),
            pl.BlockSpec((bn, 1), lambda i: (i, 0)),
            pl.BlockSpec((bn, 1), lambda i: (i, 0)),
        ],
        out_shape=[
            jax.ShapeDtypeStruct((n, d_out), jnp.float32),
            jax.ShapeDtypeStruct((n, 1), jnp.float32),
            jax.ShapeDtypeStruct((n, 1), jnp.float32),
        ],
    )(p2, g2, dinv, b2, wep_row, b_ep)


def kernel(x, edge_index, pos_edge_index, neg_edge_index,
           W1, b1, W2, b2, W_ep, b_ep):
    n, d_in = x.shape
    e = edge_index.shape[1]
    d_hid = W1.shape[1]
    d_out = W2.shape[1]
    bn = 1000

    ept = -(-e // (_NW * _CHUNK * _NBUF)) * (_CHUNK * _NBUF)
    e_pad = ept * _NW
    pad = e_pad - e
    e_src = jnp.concatenate(
        [edge_index[0], jnp.zeros((pad,), jnp.int32)]).reshape(-1, _CHUNK)
    e_dst = jnp.concatenate(
        [edge_index[1], jnp.full((pad,), n, jnp.int32)]).reshape(-1, _CHUNK)

    ones_c = jnp.ones((_CHUNK, _DEGW), jnp.float32)
    n_tbl = ((n + 16 + 127) // 128) * 128
    zeros_deg = jnp.zeros((n_tbl // _NS, _DEGW), jnp.float32)
    zeros16 = jnp.zeros((n_tbl // _NS, d_hid), jnp.float32)
    zeros32 = jnp.zeros((n_tbl // _NS, d_out), jnp.float32)

    degp = _deg_kernel(n, e_pad)(e_dst, ones_c, zeros_deg)
    degp = degp.reshape(_NC, n_tbl, _DEGW)

    dinv, g1 = _tc1(x, W1, degp, n, d_in, d_hid, bn)

    p1 = _scatter_kernel(n, d_hid, e_pad)(e_src, e_dst, g1, zeros16)
    p1 = p1.reshape(_NC, n_tbl, d_hid)

    g2 = _tc2(p1, g1, dinv, b1.reshape(1, d_hid), W2, n, d_hid, d_out, bn)

    p2 = _scatter_kernel(n, d_out, e_pad)(e_src, e_dst, g2, zeros32)
    p2 = p2.reshape(_NC, n_tbl, d_out)

    z, u, v = _tc3(p2, g2, dinv, b2.reshape(1, d_out),
                   W_ep.reshape(1, 2 * d_out), b_ep.reshape(1, 1),
                   n, d_out, bn)

    logits = _logits_kernel(n, e)(
        u.reshape(n), v.reshape(n),
        pos_edge_index[0], pos_edge_index[1],
        neg_edge_index[0], neg_edge_index[1])

    return (z, logits.reshape(2 * e, 1))

# --- scband reference (transcript-rebuilt; emitter-appended) ---
"""Pipeline reference for scband-multi-task-gcn-link-25340307046431 (READ-ONLY COPY).

The authoritative reference and input builder live on the scoring server;
editing this copy changes nothing except your own understanding.
"""

import jax, jax.numpy as jnp
import numpy as np

N = 10000
E = 320000
D_IN = 128
D_HID = 16
D_OUT = 32


def gcn_conv(x, edge_index, W, b):
    n = x.shape[0]
    h = x @ W
    loop = jnp.arange(n, dtype=edge_index.dtype)
    src = jnp.concatenate([edge_index[0], loop])
    dst = jnp.concatenate([edge_index[1], loop])
    deg = jax.ops.segment_sum(jnp.ones(src.shape[0], dtype=h.dtype), dst, num_segments=n)
    dinv = jnp.where(deg > 0, jax.lax.rsqrt(jnp.maximum(deg, 1e-12)), 0.0)
    norm = dinv[src] * dinv[dst]
    out = jax.ops.segment_sum(h[src] * norm[:, None], dst, num_segments=n)
    return out + b


def setup_inputs(seed: int = 0):
    key = jax.random.key(seed)
    ks = jax.random.split(key, 10)
    x = jax.random.normal(ks[0], (N, D_IN), dtype=jnp.float32)
    edge_index = jax.random.randint(ks[1], (2, E), 0, N, dtype=jnp.int32)
    pos_edge_index = jax.random.randint(ks[2], (2, E), 0, N, dtype=jnp.int32)
    neg_edge_index = jax.random.randint(ks[3], (2, E), 0, N, dtype=jnp.int32)
    W1 = jax.random.normal(ks[4], (D_IN, D_HID), dtype=jnp.float32) / np.sqrt(D_IN)
    b1 = jnp.zeros((D_HID,), dtype=jnp.float32)
    W2 = jax.random.normal(ks[5], (D_HID, D_OUT), dtype=jnp.float32) / np.sqrt(D_HID)
    b2 = jnp.zeros((D_OUT,), dtype=jnp.float32)
    W_ep = jax.random.normal(ks[6], (2 * D_OUT, 1), dtype=jnp.float32) / np.sqrt(2 * D_OUT)
    b_ep = jnp.zeros((1,), dtype=jnp.float32)
    return {"x": x, "edge_index": edge_index, "pos_edge_index": pos_edge_index, "neg_edge_index": neg_edge_index, "W1": W1, "b1": b1, "W2": W2, "b2": b2, "W_ep": W_ep, "b_ep": b_ep}


def reference(x, edge_index, pos_edge_index, neg_edge_index, W1, b1, W2, b2, W_ep, b_ep):
    h = jax.nn.relu(gcn_conv(x, edge_index, W1, b1))
    z = gcn_conv(h, edge_index, W2, b2)
    pos_feat = jnp.concatenate([z[pos_edge_index[0]], z[pos_edge_index[1]]], axis=1)
    neg_feat = jnp.concatenate([z[neg_edge_index[0]], z[neg_edge_index[1]]], axis=1)
    pos_logits = pos_feat @ W_ep + b_ep
    neg_logits = neg_feat @ W_ep + b_ep
    edge_prediction_output = jnp.concatenate([pos_logits, neg_logits], axis=0)
    return (z, edge_prediction_output)

if __name__ == "__main__":
    import jax
    _d = setup_inputs()
    print(jax.jit(kernel)(*tuple(_d.values())))

</pallas_src>

<mosaic_0001>
#map = affine_map<(d0, d1) -> (0)>
module attributes {stable_mosaic.version = 14 : i64} {
  func.func @k(%arg0: i32, %arg1: i32, %arg2: memref<10000xf32, #tpu.memory_space<hbm>>, %arg3: memref<10000xf32, #tpu.memory_space<hbm>>, %arg4: memref<320000xi32, #tpu.memory_space<hbm>>, %arg5: memref<320000xi32, #tpu.memory_space<hbm>>, %arg6: memref<320000xi32, #tpu.memory_space<hbm>>, %arg7: memref<320000xi32, #tpu.memory_space<hbm>>, %arg8: memref<640000xf32, #tpu.memory_space<hbm>>, %arg9: memref<10000xf32, #tpu.memory_space<vmem>>, %arg10: memref<10000xf32, #tpu.memory_space<vmem>>, %arg11: memref<10000xi32, #tpu.memory_space<vmem>>, %arg12: memref<10000xi32, #tpu.memory_space<vmem>>, %arg13: memref<10000xf32, #tpu.memory_space<vmem>>) attributes {dimension_semantics = [#tpu.dimension_semantics<core_parallel>, #tpu.dimension_semantics<subcore_parallel>], iteration_bounds = array<i64: 2, 16>, scalar_prefetch = 0 : i64, scratch_operands = 5 : i64, tpu.core_type = #tpu.core_type<sc_vector_subcore>, window_params = [{transform_indices = #map}, {transform_indices = #map}, {transform_indices = #map}, {transform_indices = #map}, {transform_indices = #map}, {transform_indices = #map}, {transform_indices = #map}]} {
    %mul3A = arith.constant 2 : i32
    %mul3A_0 = arith.muli %arg1, %mul3A : i32
    %add3A = arith.addi %mul3A_0, %arg0 : i32
    "tpu.region"() ({
      %run_scoped3A = tpu.sem_alloc : memref<!tpu.dma_semaphore, #tpu.memory_space<semaphore_mem>>
      tpu.enqueue_dma source(%arg2 : memref<10000xf32, #tpu.memory_space<hbm>>) target(%arg9 : memref<10000xf32, #tpu.memory_space<vmem>>) target_semaphore(%run_scoped3A : memref<!tpu.dma_semaphore, #tpu.memory_space<semaphore_mem>>)
      tpu.wait_dma2 semaphore(%run_scoped3A : memref<!tpu.dma_semaphore, #tpu.memory_space<semaphore_mem>>) src(%arg2 : memref<10000xf32, #tpu.memory_space<hbm>>) dst(%arg9 : memref<10000xf32, #tpu.memory_space<vmem>>)
      tpu.yield
    }) : () -> ()
    "tpu.region"() ({
      %run_scoped3A = tpu.sem_alloc : memref<!tpu.dma_semaphore, #tpu.memory_space<semaphore_mem>>
      tpu.enqueue_dma source(%arg3 : memref<10000xf32, #tpu.memory_space<hbm>>) target(%arg10 : memref<10000xf32, #tpu.memory_space<vmem>>) target_semaphore(%run_scoped3A : memref<!tpu.dma_semaphore, #tpu.memory_space<semaphore_mem>>)
      tpu.wait_dma2 semaphore(%run_scoped3A : memref<!tpu.dma_semaphore, #tpu.memory_space<semaphore_mem>>) src(%arg3 : memref<10000xf32, #tpu.memory_space<hbm>>) dst(%arg10 : memref<10000xf32, #tpu.memory_space<vmem>>)
      tpu.yield
    }) : () -> ()
    %mul3A_1 = arith.constant 10000 : i32
    %mul3A_2 = arith.muli %add3A, %mul3A_1 : i32
    %add3A_3 = arith.constant 320000 : i32
    %add3A_4 = arith.addi %add3A_3, %mul3A_2 : i32
    "tpu.region"() ({
      %run_scoped3A = tpu.sem_alloc : memref<!tpu.dma_semaphore, #tpu.memory_space<semaphore_mem>>
      %dma_start3A = tpu.memref_slice %arg4[%mul3A_2] : memref<320000xi32, #tpu.memory_space<hbm>> -> memref<10000xi32, #tpu.memory_space<hbm>>
      %dma_start3A_18 = tpu.memref_slice %arg4[%mul3A_2] : memref<320000xi32, #tpu.memory_space<hbm>> -> memref<10000xi32, #tpu.memory_space<hbm>>
      tpu.enqueue_dma source(%dma_start3A_18 : memref<10000xi32, #tpu.memory_space<hbm>>) target(%arg11 : memref<10000xi32, #tpu.memory_space<vmem>>) target_semaphore(%run_scoped3A : memref<!tpu.dma_semaphore, #tpu.memory_space<semaphore_mem>>)
      %dma_wait3A = tpu.memref_slice %arg4[%mul3A_2] : memref<320000xi32, #tpu.memory_space<hbm>> -> memref<10000xi32, #tpu.memory_space<hbm>>
      %dma_wait3A_19 = tpu.memref_slice %arg4[%mul3A_2] : memref<320000xi32, #tpu.memory_space<hbm>> -> memref<10000xi32, #tpu.memory_space<hbm>>
      tpu.wait_dma2 semaphore(%run_scoped3A : memref<!tpu.dma_semaphore, #tpu.memory_space<semaphore_mem>>) src(%dma_wait3A_19 : memref<10000xi32, #tpu.memory_space<hbm>>) dst(%arg11 : memref<10000xi32, #tpu.memory_space<vmem>>)
      tpu.yield
    }) : () -> ()
    "tpu.region"() ({
      %run_scoped3A = tpu.sem_alloc : memref<!tpu.dma_semaphore, #tpu.memory_space<semaphore_mem>>
      %dma_start3A = tpu.memref_slice %arg5[%mul3A_2] : memref<320000xi32, #tpu.memory_space<hbm>> -> memref<10000xi32, #tpu.memory_space<hbm>>
      %dma_start3A_18 = tpu.memref_slice %arg5[%mul3A_2] : memref<320000xi32, #tpu.memory_space<hbm>> -> memref<10000xi32, #tpu.memory_space<hbm>>
      tpu.enqueue_dma source(%dma_start3A_18 : memref<10000xi32, #tpu.memory_space<hbm>>) target(%arg12 : memref<10000xi32, #tpu.memory_space<vmem>>) target_semaphore(%run_scoped3A : memref<!tpu.dma_semaphore, #tpu.memory_space<semaphore_mem>>)
      %dma_wait3A = tpu.memref_slice %arg5[%mul3A_2] : memref<320000xi32, #tpu.memory_space<hbm>> -> memref<10000xi32, #tpu.memory_space<hbm>>
      %dma_wait3A_19 = tpu.memref_slice %arg5[%mul3A_2] : memref<320000xi32, #tpu.memory_space<hbm>> -> memref<10000xi32, #tpu.memory_space<hbm>>
      tpu.wait_dma2 semaphore(%run_scoped3A : memref<!tpu.dma_semaphore, #tpu.memory_space<semaphore_mem>>) src(%dma_wait3A_19 : memref<10000xi32, #tpu.memory_space<hbm>>) dst(%arg12 : memref<10000xi32, #tpu.memory_space<vmem>>)
      tpu.yield
    }) : () -> ()
    %scan3A = arith.constant 0 : i32
    %scan3A_5 = arith.constant 0 : i32
    %scan3A_6 = arith.constant 625 : i32
    %scan3A_7 = arith.addi %scan3A_5, %scan3A_6 : i32
    %scan3A_8 = arith.constant 1 : i32
    %scan3A_9 = scf.for %scan3A_18 = %scan3A_5 to %scan3A_7 step %scan3A_8 iter_args(%scan3A_19 = %scan3A) -> (i32)  : i32 {
      %mul3A_20 = arith.constant 16 : i32
      %mul3A_21 = arith.muli %scan3A_18, %mul3A_20 : i32
      %get3A = arith.index_cast %mul3A_21 : i32 to index
      %get3A_22 = tpu.vector_load %arg11[%get3A] {strides = array<i32>} : memref<10000xi32, #tpu.memory_space<vmem>>, vector<16xi32>,
      %mul3A_23 = arith.constant 16 : i32
      %mul3A_24 = arith.muli %scan3A_18, %mul3A_23 : i32
      %get3A_25 = arith.index_cast %mul3A_24 : i32 to index
      %get3A_26 = tpu.vector_load %arg12[%get3A_25] {strides = array<i32>} : memref<10000xi32, #tpu.memory_space<vmem>>, vector<16xi32>,
      %gather3A = tpu.vector_load_idx %arg9[%get3A_22] : memref<10000xf32, #tpu.memory_space<vmem>>[vector<16xi32>], vector<16xf32>,
      %gather3A_27 = tpu.vector_load_idx %arg10[%get3A_26] : memref<10000xf32, #tpu.memory_space<vmem>>[vector<16xi32>], vector<16xf32>,
      %add3A_28 = arith.addf %gather3A, %gather3A_27 : vector<16xf32>
      %mul3A_29 = arith.constant 16 : i32
      %mul3A_30 = arith.muli %scan3A_18, %mul3A_29 : i32
      %swap3A = arith.index_cast %mul3A_30 : i32 to index
      %swap3A_31 = tpu.vector_load %arg13[%swap3A] {strides = array<i32>} : memref<10000xf32, #tpu.memory_space<vmem>>, vector<16xf32>,
      tpu.vector_store %arg13[%swap3A], %add3A_28 {strides = array<i32>} : memref<10000xf32, #tpu.memory_space<vmem>>, vector<16xf32>,
      %scan3A_32 = arith.constant 0 : i32
      scf.yield %scan3A_32 : i32
    }
    %scan3A_10 = arith.constant 625 : i32
    "tpu.region"() ({
      %run_scoped3A = tpu.sem_alloc : memref<!tpu.dma_semaphore, #tpu.memory_space<semaphore_mem>>
      %dma_start3A = tpu.memref_slice %arg8[%mul3A_2] : memref<640000xf32, #tpu.memory_space<hbm>> -> memref<10000xf32, #tpu.memory_space<hbm>>
      %dma_start3A_18 = tpu.memref_slice %arg8[%mul3A_2] : memref<640000xf32, #tpu.memory_space<hbm>> -> memref<10000xf32, #tpu.memory_space<hbm>>
      tpu.enqueue_dma source(%arg13 : memref<10000xf32, #tpu.memory_space<vmem>>) target(%dma_start3A_18 : memref<10000xf32, #tpu.memory_space<hbm>>) target_semaphore(%run_scoped3A : memref<!tpu.dma_semaphore, #tpu.memory_space<semaphore_mem>>)
      %dma_wait3A = tpu.memref_slice %arg8[%mul3A_2] : memref<640000xf32, #tpu.memory_space<hbm>> -> memref<10000xf32, #tpu.memory_space<hbm>>
      %dma_wait3A_19 = tpu.memref_slice %arg8[%mul3A_2] : memref<640000xf32, #tpu.memory_space<hbm>> -> memref<10000xf32, #tpu.memory_space<hbm>>
      tpu.wait_dma2 semaphore(%run_scoped3A : memref<!tpu.dma_semaphore, #tpu.memory_space<semaphore_mem>>) src(%arg13 : memref<10000xf32, #tpu.memory_space<vmem>>) dst(%dma_wait3A_19 : memref<10000xf32, #tpu.memory_space<hbm>>)
      tpu.yield
    }) : () -> ()
    "tpu.region"() ({
      %run_scoped3A = tpu.sem_alloc : memref<!tpu.dma_semaphore, #tpu.memory_space<semaphore_mem>>
      %dma_start3A = tpu.memref_slice %arg6[%mul3A_2] : memref<320000xi32, #tpu.memory_space<hbm>> -> memref<10000xi32, #tpu.memory_space<hbm>>
      %dma_start3A_18 = tpu.memref_slice %arg6[%mul3A_2] : memref<320000xi32, #tpu.memory_space<hbm>> -> memref<10000xi32, #tpu.memory_space<hbm>>
      tpu.enqueue_dma source(%dma_start3A_18 : memref<10000xi32, #tpu.memory_space<hbm>>) target(%arg11 : memref<10000xi32, #tpu.memory_space<vmem>>) target_semaphore(%run_scoped3A : memref<!tpu.dma_semaphore, #tpu.memory_space<semaphore_mem>>)
      %dma_wait3A = tpu.memref_slice %arg6[%mul3A_2] : memref<320000xi32, #tpu.memory_space<hbm>> -> memref<10000xi32, #tpu.memory_space<hbm>>
      %dma_wait3A_19 = tpu.memref_slice %arg6[%mul3A_2] : memref<320000xi32, #tpu.memory_space<hbm>> -> memref<10000xi32, #tpu.memory_space<hbm>>
      tpu.wait_dma2 semaphore(%run_scoped3A : memref<!tpu.dma_semaphore, #tpu.memory_space<semaphore_mem>>) src(%dma_wait3A_19 : memref<10000xi32, #tpu.memory_space<hbm>>) dst(%arg11 : memref<10000xi32, #tpu.memory_space<vmem>>)
      tpu.yield
    }) : () -> ()
    "tpu.region"() ({
      %run_scoped3A = tpu.sem_alloc : memref<!tpu.dma_semaphore, #tpu.memory_space<semaphore_mem>>
      %dma_start3A = tpu.memref_slice %arg7[%mul3A_2] : memref<320000xi32, #tpu.memory_space<hbm>> -> memref<10000xi32, #tpu.memory_space<hbm>>
      %dma_start3A_18 = tpu.memref_slice %arg7[%mul3A_2] : memref<320000xi32, #tpu.memory_space<hbm>> -> memref<10000xi32, #tpu.memory_space<hbm>>
      tpu.enqueue_dma source(%dma_start3A_18 : memref<10000xi32, #tpu.memory_space<hbm>>) target(%arg12 : memref<10000xi32, #tpu.memory_space<vmem>>) target_semaphore(%run_scoped3A : memref<!tpu.dma_semaphore, #tpu.memory_space<semaphore_mem>>)
      %dma_wait3A = tpu.memref_slice %arg7[%mul3A_2] : memref<320000xi32, #tpu.memory_space<hbm>> -> memref<10000xi32, #tpu.memory_space<hbm>>
      %dma_wait3A_19 = tpu.memref_slice %arg7[%mul3A_2] : memref<320000xi32, #tpu.memory_space<hbm>> -> memref<10000xi32, #tpu.memory_space<hbm>>
      tpu.wait_dma2 semaphore(%run_scoped3A : memref<!tpu.dma_semaphore, #tpu.memory_space<semaphore_mem>>) src(%dma_wait3A_19 : memref<10000xi32, #tpu.memory_space<hbm>>) dst(%arg12 : memref<10000xi32, #tpu.memory_space<vmem>>)
      tpu.yield
    }) : () -> ()
    %scan3A_11 = arith.constant 0 : i32
    %scan3A_12 = arith.constant 0 : i32
    %scan3A_13 = arith.constant 625 : i32
    %scan3A_14 = arith.addi %scan3A_12, %scan3A_13 : i32
    %scan3A_15 = arith.constant 1 : i32
    %scan3A_16 = scf.for %scan3A_18 = %scan3A_12 to %scan3A_14 step %scan3A_15 iter_args(%scan3A_19 = %scan3A_11) -> (i32)  : i32 {
      %mul3A_20 = arith.constant 16 : i32
      %mul3A_21 = arith.muli %scan3A_18, %mul3A_20 : i32
      %get3A = arith.index_cast %mul3A_21 : i32 to index
      %get3A_22 = tpu.vector_load %arg11[%get3A] {strides = array<i32>} : memref<10000xi32, #tpu.memory_space<vmem>>, vector<16xi32>,
      %mul3A_23 = arith.constant 16 : i32
      %mul3A_24 = arith.muli %scan3A_18, %mul3A_23 : i32
      %get3A_25 = arith.index_cast %mul3A_24 : i32 to index
      %get3A_26 = tpu.vector_load %arg12[%get3A_25] {strides = array<i32>} : memref<10000xi32, #tpu.memory_space<vmem>>, vector<16xi32>,
      %gather3A = tpu.vector_load_idx %arg9[%get3A_22] : memref<10000xf32, #tpu.memory_space<vmem>>[vector<16xi32>], vector<16xf32>,
      %gather3A_27 = tpu.vector_load_idx %arg10[%get3A_26] : memref<10000xf32, #tpu.memory_space<vmem>>[vector<16xi32>], vector<16xf32>,
      %add3A_28 = arith.addf %gather3A, %gather3A_27 : vector<16xf32>
      %mul3A_29 = arith.constant 16 : i32
      %mul3A_30 = arith.muli %scan3A_18, %mul3A_29 : i32
      %swap3A = arith.index_cast %mul3A_30 : i32 to index
      %swap3A_31 = tpu.vector_load %arg13[%swap3A] {strides = array<i32>} : memref<10000xf32, #tpu.memory_space<vmem>>, vector<16xf32>,
      tpu.vector_store %arg13[%swap3A], %add3A_28 {strides = array<i32>} : memref<10000xf32, #tpu.memory_space<vmem>>, vector<16xf32>,
      %scan3A_32 = arith.constant 0 : i32
      scf.yield %scan3A_32 : i32
    }
    %scan3A_17 = arith.constant 625 : i32
    "tpu.region"() ({
      %run_scoped3A = tpu.sem_alloc : memref<!tpu.dma_semaphore, #tpu.memory_space<semaphore_mem>>
      %dma_start3A = tpu.memref_slice %arg8[%add3A_4] : memref<640000xf32, #tpu.memory_space<hbm>> -> memref<10000xf32, #tpu.memory_space<hbm>>
      %dma_start3A_18 = tpu.memref_slice %arg8[%add3A_4] : memref<640000xf32, #tpu.memory_space<hbm>> -> memref<10000xf32, #tpu.memory_space<hbm>>
      tpu.enqueue_dma source(%arg13 : memref<10000xf32, #tpu.memory_space<vmem>>) target(%dma_start3A_18 : memref<10000xf32, #tpu.memory_space<hbm>>) target_semaphore(%run_scoped3A : memref<!tpu.dma_semaphore, #tpu.memory_space<semaphore_mem>>)
      %dma_wait3A = tpu.memref_slice %arg8[%add3A_4] : memref<640000xf32, #tpu.memory_space<hbm>> -> memref<10000xf32, #tpu.memory_space<hbm>>
      %dma_wait3A_19 = tpu.memref_slice %arg8[%add3A_4] : memref<640000xf32, #tpu.memory_space<hbm>> -> memref<10000xf32, #tpu.memory_space<hbm>>
      tpu.wait_dma2 semaphore(%run_scoped3A : memref<!tpu.dma_semaphore, #tpu.memory_space<semaphore_mem>>) src(%arg13 : memref<10000xf32, #tpu.memory_space<vmem>>) dst(%dma_wait3A_19 : memref<10000xf32, #tpu.memory_space<hbm>>)
      tpu.yield
    }) : () -> ()
    return
  }
}

#map = affine_map<(d0, d1) -> (0, 0)>
module attributes {stable_mosaic.version = 14 : i64} {
  func.func @k(%arg0: i32, %arg1: i32, %arg2: memref<2560x128xi32, #tpu.memory_space<hbm>>, %arg3: memref<2560x128xi32, #tpu.memory_space<hbm>>, %arg4: memref<10000x16xf32, #tpu.memory_space<hbm>>, %arg5: memref<632x16xf32, #tpu.memory_space<hbm>>, %arg6: memref<20224x16xf32, #tpu.memory_space<hbm>>, %arg7: memref<80x128xi32, #tpu.memory_space<vmem>>, %arg8: memref<16x128xi32, #tpu.memory_space<vmem>>, %arg9: memref<128x16xf32, #tpu.memory_space<vmem>>, %arg10: memref<128x16xf32, #tpu.memory_space<vmem>>, %arg11: memref<128x16xf32, #tpu.memory_space<vmem>>, %arg12: memref<128x16xf32, #tpu.memory_space<vmem>>, %arg13: memref<128x16xf32, #tpu.memory_space<vmem>>, %arg14: memref<128x16xf32, #tpu.memory_space<vmem>>, %arg15: memref<128x16xf32, #tpu.memory_space<vmem>>, %arg16: memref<128x16xf32, #tpu.memory_space<vmem>>, %arg17: memref<128x16xf32, #tpu.memory_space<vmem>>, %arg18: memref<128x16xf32, #tpu.memory_space<vmem>>, %arg19: memref<128x16xf32, #tpu.memory_space<vmem>>, %arg20: memref<128x16xf32, #tpu.memory_space<vmem>>, %arg21: memref<128x16xf32, #tpu.memory_space<vmem>>, %arg22: memref<128x16xf32, #tpu.memory_space<vmem>>, %arg23: memref<128x16xf32, #tpu.memory_space<vmem>>, %arg24: memref<128x16xf32, #tpu.memory_space<vmem>>, %arg25: memref<10112x16xf32, #tpu.memory_space<vmem_shared>>, %arg26: memref<10000x16xf32, #tpu.memory_space<vmem_shared>>, %arg27: memref<!tpu.dma_semaphore, #tpu.memory_space<semaphore_mem>>, %arg28: memref<!tpu.dma_semaphore, #tpu.memory_space<semaphore_mem>>) attributes {dimension_semantics = [#tpu.dimension_semantics<core_parallel>, #tpu.dimension_semantics<subcore_parallel>], iteration_bounds = array<i64: 2, 16>, scalar_prefetch = 0 : i64, scratch_operands = 22 : i64, tpu.core_type = #tpu.core_type<sc_vector_subcore>, window_params = [{transform_indices = #map}, {transform_indices = #map}, {transform_indices = #map}, {transform_indices = #map}, {transform_indices = #map}]} {
    %mul3A = arith.constant 2 : i32
    %mul3A_0 = arith.muli %arg1, %mul3A : i32
    %add3A = arith.addi %mul3A_0, %arg0 : i32
    %mul3A_1 = arith.constant 80 : i32
    %mul3A_2 = arith.muli %add3A, %mul3A_1 : i32
    "tpu.region"() ({
      %run_scoped3A = tpu.sem_alloc : memref<!tpu.dma_semaphore, #tpu.memory_space<semaphore_mem>>
      %dma_start3A = arith.constant 0 : i32
      %dma_start3A_25 = tpu.memref_slice %arg3[%mul3A_2, %dma_start3A] : memref<2560x128xi32, #tpu.memory_space<hbm>> -> memref<80x128xi32, #tpu.memory_space<hbm>>
      %dma_start3A_26 = arith.constant 0 : i32
      %dma_start3A_27 = tpu.memref_slice %arg3[%mul3A_2, %dma_start3A_26] : memref<2560x128xi32, #tpu.memory_space<hbm>> -> memref<80x128xi32, #tpu.memory_space<hbm>>
      tpu.enqueue_dma source(%dma_start3A_27 : memref<80x128xi32, #tpu.memory_space<hbm>>) target(%arg7 : memref<80x128xi32, #tpu.memory_space<vmem>>) target_semaphore(%run_scoped3A : memref<!tpu.dma_semaphore, #tpu.memory_space<semaphore_mem>>)
      %dma_wait3A = arith.constant 0 : i32
      %dma_wait3A_28 = tpu.memref_slice %arg3[%mul3A_2, %dma_wait3A] : memref<2560x128xi32, #tpu.memory_space<hbm>> -> memref<80x128xi32, #tpu.memory_space<hbm>>
      %dma_wait3A_29 = arith.constant 0 : i32
      %dma_wait3A_30 = tpu.memref_slice %arg3[%mul3A_2, %dma_wait3A_29] : memref<2560x128xi32, #tpu.memory_space<hbm>> -> memref<80x128xi32, #tpu.memory_space<hbm>>
      tpu.wait_dma2 semaphore(%run_scoped3A : memref<!tpu.dma_semaphore, #tpu.memory_space<semaphore_mem>>) src(%dma_wait3A_30 : memref<80x128xi32, #tpu.memory_space<hbm>>) dst(%arg7 : memref<80x128xi32, #tpu.memory_space<vmem>>)
      tpu.yield
    }) : () -> ()
    %mul3A_3 = arith.constant 625 : i32
    %mul3A_4 = arith.muli %arg1, %mul3A_3 : i32
    %mul3A_5 = arith.constant 625 : i32
    %mul3A_6 = arith.muli %arg1, %mul3A_5 : i32
    "tpu.region"() ({
      %run_scoped3A = tpu.sem_alloc : memref<!tpu.dma_semaphore, #tpu.memory_space<semaphore_mem>>
      %dma_start3A = arith.constant 0 : i32
      %dma_start3A_25 = tpu.memref_slice %arg26[%mul3A_6, %dma_start3A] : memref<10000x16xf32, #tpu.memory_space<vmem_shared>> -> memref<625x16xf32, #tpu.memory_space<vmem_shared>>
      %dma_start3A_26 = arith.constant 0 : i32
      %dma_start3A_27 = tpu.memref_slice %arg4[%mul3A_4, %dma_start3A_26] : memref<10000x16xf32, #tpu.memory_space<hbm>> -> memref<625x16xf32, #tpu.memory_space<hbm>>
      tpu.enqueue_dma source(%dma_start3A_27 : memref<625x16xf32, #tpu.memory_space<hbm>>) target(%dma_start3A_25 : memref<625x16xf32, #tpu.memory_space<vmem_shared>>) target_semaphore(%run_scoped3A : memref<!tpu.dma_semaphore, #tpu.memory_space<semaphore_mem>>)
      %dma_wait3A = arith.constant 0 : i32
      %dma_wait3A_28 = tpu.memref_slice %arg26[%mul3A_6, %dma_wait3A] : memref<10000x16xf32, #tpu.memory_space<vmem_shared>> -> memref<625x16xf32, #tpu.memory_space<vmem_shared>>
      %dma_wait3A_29 = arith.constant 0 : i32
      %dma_wait3A_30 = tpu.memref_slice %arg4[%mul3A_4, %dma_wait3A_29] : memref<10000x16xf32, #tpu.memory_space<hbm>> -> memref<625x16xf32, #tpu.memory_space<hbm>>
      tpu.wait_dma2 semaphore(%run_scoped3A : memref<!tpu.dma_semaphore, #tpu.memory_space<semaphore_mem>>) src(%dma_wait3A_30 : memref<625x16xf32, #tpu.memory_space<hbm>>) dst(%dma_wait3A_28 : memref<625x16xf32, #tpu.memory_space<vmem_shared>>)
      tpu.yield
    }) : () -> ()
    %mul3A_7 = arith.constant 632 : i32
    %mul3A_8 = arith.muli %arg1, %mul3A_7 : i32
    "tpu.region"() ({
      %run_scoped3A = tpu.sem_alloc : memref<!tpu.dma_semaphore, #tpu.memory_space<semaphore_mem>>
      %dma_start3A = arith.constant 0 : i32
      %dma_start3A_25 = tpu.memref_slice %arg25[%mul3A_8, %dma_start3A] : memref<10112x16xf32, #tpu.memory_space<vmem_shared>> -> memref<632x16xf32, #tpu.memory_space<vmem_shared>>
      tpu.enqueue_dma source(%arg5 : memref<632x16xf32, #tpu.memory_space<hbm>>) target(%dma_start3A_25 : memref<632x16xf32, #tpu.memory_space<vmem_shared>>) target_semaphore(%run_scoped3A : memref<!tpu.dma_semaphore, #tpu.memory_space<semaphore_mem>>)
      %dma_wait3A = arith.constant 0 : i32
      %dma_wait3A_26 = tpu.memref_slice %arg25[%mul3A_8, %dma_wait3A] : memref<10112x16xf32, #tpu.memory_space<vmem_shared>> -> memref<632x16xf32, #tpu.memory_space<vmem_shared>>
      tpu.wait_dma2 semaphore(%run_scoped3A : memref<!tpu.dma_semaphore, #tpu.memory_space<semaphore_mem>>) src(%arg5 : memref<632x16xf32, #tpu.memory_space<hbm>>) dst(%dma_wait3A_26 : memref<632x16xf32, #tpu.memory_space<vmem_shared>>)
      tpu.yield
    }) : () -> ()
    %barrier3A = arith.constant 0 : index
    tpu.barrier barrier_id(%barrier3A)
    %mul3A_9 = arith.constant 80 : i32
    %mul3A_10 = arith.muli %add3A, %mul3A_9 : i32
    %scan3A = arith.constant 0 : i32
    %scan3A_11 = arith.constant 0 : i32
    %scan3A_12 = arith.constant 5 : i32
    %scan3A_13 = arith.addi %scan3A_11, %scan3A_12 : i32
    %scan3A_14 = arith.constant 1 : i32
    %scan3A_15 = scf.for %scan3A_25 = %scan3A_11 to %scan3A_13 step %scan3A_14 iter_args(%scan3A_26 = %scan3A) -> (i32)  : i32 {
      %mul3A_27 = arith.constant 16 : i32
      %mul3A_28 = arith.muli %scan3A_25, %mul3A_27 : i32
      %add3A_29 = arith.addi %mul3A_10, %mul3A_28 : i32
      "tpu.region"() ({
        %run_scoped3A = tpu.sem_alloc : memref<!tpu.dma_semaphore, #tpu.memory_space<semaphore_mem>>
        %dma_start3A_509 = arith.constant 0 : i32
        %dma_start3A_510 = tpu.memref_slice %arg2[%add3A_29, %dma_start3A_509] : memref<2560x128xi32, #tpu.memory_space<hbm>> -> memref<16x128xi32, #tpu.memory_space<hbm>>
        %dma_start3A_511 = arith.constant 0 : i32
        %dma_start3A_512 = tpu.memref_slice %arg2[%add3A_29, %dma_start3A_511] : memref<2560x128xi32, #tpu.memory_space<hbm>> -> memref<16x128xi32, #tpu.memory_space<hbm>>
        tpu.enqueue_dma source(%dma_start3A_512 : memref<16x128xi32, #tpu.memory_space<hbm>>) target(%arg8 : memref<16x128xi32, #tpu.memory_space<vmem>>) target_semaphore(%run_scoped3A : memref<!tpu.dma_semaphore, #tpu.memory_space<semaphore_mem>>)
        %dma_wait3A_513 = arith.constant 0 : i32
        %dma_wait3A_514 = tpu.memref_slice %arg2[%add3A_29, %dma_wait3A_513] : memref<2560x128xi32, #tpu.memory_space<hbm>> -> memref<16x128xi32, #tpu.memory_space<hbm>>
        %dma_wait3A_515 = arith.constant 0 : i32
        %dma_wait3A_516 = tpu.memref_slice %arg2[%add3A_29, %dma_wait3A_515] : memref<2560x128xi32, #tpu.memory_space<hbm>> -> memref<16x128xi32, #tpu.memory_space<hbm>>
        tpu.wait_dma2 semaphore(%run_scoped3A : memref<!tpu.dma_semaphore, #tpu.memory_space<semaphore_mem>>) src(%dma_wait3A_516 : memref<16x128xi32, #tpu.memory_space<hbm>>) dst(%arg8 : memref<16x128xi32, #tpu.memory_space<vmem>>)
        tpu.yield
      }) : () -> ()
      %dma_start3A = arith.constant 0 : i32
      %dma_start3A_30 = arith.constant 0 : i32
      %dma_start3A_31 = tpu.memref_slice %arg8[%dma_start3A, %dma_start3A_30] : memref<16x128xi32, #tpu.memory_space<vmem>> -> memref<1x128xi32, #tpu.memory_space<vmem>>
      %dma_start3A_32 = tpu.memref_squeeze %dma_start3A_31 : memref<1x128xi32, #tpu.memory_space<vmem>> -> memref<128xi32, #tpu.memory_space<vmem>>
      %dma_start3A_33 = arith.constant 0 : i32
      %dma_start3A_34 = arith.constant 0 : i32
      %dma_start3A_35 = tpu.memref_slice %arg26[%dma_start3A_33, %dma_start3A_34] : memref<10000x16xf32, #tpu.memory_space<vmem_shared>> -> memref<10000x16xf32, #tpu.memory_space<vmem_shared>>
      tpu.enqueue_indirect_dma source(%dma_start3A_35 : memref<10000x16xf32, #tpu.memory_space<vmem_shared>>) target(%arg9 : memref<128x16xf32, #tpu.memory_space<vmem>>) offsets(%dma_start3A_32 : memref<128xi32, #tpu.memory_space<vmem>>) semaphore(%arg27 : memref<!tpu.dma_semaphore, #tpu.memory_space<semaphore_mem>>)
      %dma_start3A_36 = arith.constant 1 : i32
      %dma_start3A_37 = arith.constant 0 : i32
      %dma_start3A_38 = tpu.memref_slice %arg8[%dma_start3A_36, %dma_start3A_37] : memref<16x128xi32, #tpu.memory_space<vmem>> -> memref<1x128xi32, #tpu.memory_space<vmem>>
      %dma_start3A_39 = tpu.memref_squeeze %dma_start3A_38 : memref<1x128xi32, #tpu.memory_space<vmem>> -> memref<128xi32, #tpu.memory_space<vmem>>
      %dma_start3A_40 = arith.constant 0 : i32
      %dma_start3A_41 = arith.constant 0 : i32
      %dma_start3A_42 = tpu.memref_slice %arg26[%dma_start3A_40, %dma_start3A_41] : memref<10000x16xf32, #tpu.memory_space<vmem_shared>> -> memref<10000x16xf32, #tpu.memory_space<vmem_shared>>
      tpu.enqueue_indirect_dma source(%dma_start3A_42 : memref<10000x16xf32, #tpu.memory_space<vmem_shared>>) target(%arg10 : memref<128x16xf32, #tpu.memory_space<vmem>>) offsets(%dma_start3A_39 : memref<128xi32, #tpu.memory_space<vmem>>) semaphore(%arg27 : memref<!tpu.dma_semaphore, #tpu.memory_space<semaphore_mem>>)
      %dma_start3A_43 = arith.constant 2 : i32
      %dma_start3A_44 = arith.constant 0 : i32
      %dma_start3A_45 = tpu.memref_slice %arg8[%dma_start3A_43, %dma_start3A_44] : memref<16x128xi32, #tpu.memory_space<vmem>> -> memref<1x128xi32, #tpu.memory_space<vmem>>
      %dma_start3A_46 = tpu.memref_squeeze %dma_start3A_45 : memref<1x128xi32, #tpu.memory_space<vmem>> -> memref<128xi32, #tpu.memory_space<vmem>>
      %dma_start3A_47 = arith.constant 0 : i32
      %dma_start3A_48 = arith.constant 0 : i32
      %dma_start3A_49 = tpu.memref_slice %arg26[%dma_start3A_47, %dma_start3A_48] : memref<10000x16xf32, #tpu.memory_space<vmem_shared>> -> memref<10000x16xf32, #tpu.memory_space<vmem_shared>>
      tpu.enqueue_indirect_dma source(%dma_start3A_49 : memref<10000x16xf32, #tpu.memory_space<vmem_shared>>) target(%arg11 : memref<128x16xf32, #tpu.memory_space<vmem>>) offsets(%dma_start3A_46 : memref<128xi32, #tpu.memory_space<vmem>>) semaphore(%arg27 : memref<!tpu.dma_semaphore, #tpu.memory_space<semaphore_mem>>)
      %dma_start3A_50 = arith.constant 3 : i32
      %dma_start3A_51 = arith.constant 0 : i32
      %dma_start3A_52 = tpu.memref_slice %arg8[%dma_start3A_50, %dma_start3A_51] : memref<16x128xi32, #tpu.memory_space<vmem>> -> memref<1x128xi32, #tpu.memory_space<vmem>>
      %dma_start3A_53 = tpu.memref_squeeze %dma_start3A_52 : memref<1x128xi32, #tpu.memory_space<vmem>> -> memref<128xi32, #tpu.memory_space<vmem>>
      %dma_start3A_54 = arith.constant 0 : i32
      %dma_start3A_55 = arith.constant 0 : i32
      %dma_start3A_56 = tpu.memref_slice %arg26[%dma_start3A_54, %dma_start3A_55] : memref<10000x16xf32, #tpu.memory_space<vmem_shared>> -> memref<10000x16xf32, #tpu.memory_space<vmem_shared>>
      tpu.enqueue_indirect_dma source(%dma_start3A_56 : memref<10000x16xf32, #tpu.memory_space<vmem_shared>>) target(%arg12 : memref<128x16xf32, #tpu.memory_space<vmem>>) offsets(%dma_start3A_53 : memref<128xi32, #tpu.memory_space<vmem>>) semaphore(%arg27 : memref<!tpu.dma_semaphore, #tpu.memory_space<semaphore_mem>>)
      %dma_start3A_57 = arith.constant 4 : i32
      %dma_start3A_58 = arith.constant 0 : i32
      %dma_start3A_59 = tpu.memref_slice %arg8[%dma_start3A_57, %dma_start3A_58] : memref<16x128xi32, #tpu.memory_space<vmem>> -> memref<1x128xi32, #tpu.memory_space<vmem>>
      %dma_start3A_60 = tpu.memref_squeeze %dma_start3A_59 : memref<1x128xi32, #tpu.memory_space<vmem>> -> memref<128xi32, #tpu.memory_space<vmem>>
      %dma_start3A_61 = arith.constant 0 : i32
      %dma_start3A_62 = arith.constant 0 : i32
      %dma_start3A_63 = tpu.memref_slice %arg26[%dma_start3A_61, %dma_start3A_62] : memref<10000x16xf32, #tpu.memory_space<vmem_shared>> -> memref<10000x16xf32, #tpu.memory_space<vmem_shared>>
      tpu.enqueue_indirect_dma source(%dma_start3A_63 : memref<10000x16xf32, #tpu.memory_space<vmem_shared>>) target(%arg13 : memref<128x16xf32, #tpu.memory_space<vmem>>) offsets(%dma_start3A_60 : memref<128xi32, #tpu.memory_space<vmem>>) semaphore(%arg27 : memref<!tpu.dma_semaphore, #tpu.memory_space<semaphore_mem>>)
      %dma_start3A_64 = arith.constant 5 : i32
      %dma_start3A_65 = arith.constant 0 : i32
      %dma_start3A_66 = tpu.memref_slice %arg8[%dma_start3A_64, %dma_start3A_65] : memref<16x128xi32, #tpu.memory_space<vmem>> -> memref<1x128xi32, #tpu.memory_space<vmem>>
      %dma_start3A_67 = tpu.memref_squeeze %dma_start3A_66 : memref<1x128xi32, #tpu.memory_space<vmem>> -> memref<128xi32, #tpu.memory_space<vmem>>
      %dma_start3A_68 = arith.constant 0 : i32
      %dma_start3A_69 = arith.constant 0 : i32
      %dma_start3A_70 = tpu.memref_slice %arg26[%dma_start3A_68, %dma_start3A_69] : memref<10000x16xf32, #tpu.memory_space<vmem_shared>> -> memref<10000x16xf32, #tpu.memory_space<vmem_shared>>
      tpu.enqueue_indirect_dma source(%dma_start3A_70 : memref<10000x16xf32, #tpu.memory_space<vmem_shared>>) target(%arg14 : memref<128x16xf32, #tpu.memory_space<vmem>>) offsets(%dma_start3A_67 : memref<128xi32, #tpu.memory_space<vmem>>) semaphore(%arg27 : memref<!tpu.dma_semaphore, #tpu.memory_space<semaphore_mem>>)
      %dma_start3A_71 = arith.constant 6 : i32
      %dma_start3A_72 = arith.constant 0 : i32
      %dma_start3A_73 = tpu.memref_slice %arg8[%dma_start3A_71, %dma_start3A_72] : memref<16x128xi32, #tpu.memory_space<vmem>> -> memref<1x128xi32, #tpu.memory_space<vmem>>
      %dma_start3A_74 = tpu.memref_squeeze %dma_start3A_73 : memref<1x128xi32, #tpu.memory_space<vmem>> -> memref<128xi32, #tpu.memory_space<vmem>>
      %dma_start3A_75 = arith.constant 0 : i32
      %dma_start3A_76 = arith.constant 0 : i32
      %dma_start3A_77 = tpu.memref_slice %arg26[%dma_start3A_75, %dma_start3A_76] : memref<10000x16xf32, #tpu.memory_space<vmem_shared>> -> memref<10000x16xf32, #tpu.memory_space<vmem_shared>>
      tpu.enqueue_indirect_dma source(%dma_start3A_77 : memref<10000x16xf32, #tpu.memory_space<vmem_shared>>) target(%arg15 : memref<128x16xf32, #tpu.memory_space<vmem>>) offsets(%dma_start3A_74 : memref<128xi32, #tpu.memory_space<vmem>>) semaphore(%arg27 : memref<!tpu.dma_semaphore, #tpu.memory_space<semaphore_mem>>)
      %dma_start3A_78 = arith.constant 7 : i32
      %dma_start3A_79 = arith.constant 0 : i32
      %dma_start3A_80 = tpu.memref_slice %arg8[%dma_start3A_78, %dma_start3A_79] : memref<16x128xi32, #tpu.memory_space<vmem>> -> memref<1x128xi32, #tpu.memory_space<vmem>>
      %dma_start3A_81 = tpu.memref_squeeze %dma_start3A_80 : memref<1x128xi32, #tpu.memory_space<vmem>> -> memref<128xi32, #tpu.memory_space<vmem>>
      %dma_start3A_82 = arith.constant 0 : i32
      %dma_start3A_83 = arith.constant 0 : i32
      %dma_start3A_84 = tpu.memref_slice %arg26[%dma_start3A_82, %dma_start3A_83] : memref<10000x16xf32, #tpu.memory_space<vmem_shared>> -> memref<10000x16xf32, #tpu.memory_space<vmem_shared>>
      tpu.enqueue_indirect_dma source(%dma_start3A_84 : memref<10000x16xf32, #tpu.memory_space<vmem_shared>>) target(%arg16 : memref<128x16xf32, #tpu.memory_space<vmem>>) offsets(%dma_start3A_81 : memref<128xi32, #tpu.memory_space<vmem>>) semaphore(%arg27 : memref<!tpu.dma_semaphore, #tpu.memory_space<semaphore_mem>>)
      %dma_start3A_85 = arith.constant 8 : i32
      %dma_start3A_86 = arith.constant 0 : i32
      %dma_start3A_87 = tpu.memref_slice %arg8[%dma_start3A_85, %dma_start3A_86] : memref<16x128xi32, #tpu.memory_space<vmem>> -> memref<1x128xi32, #tpu.memory_space<vmem>>
      %dma_start3A_88 = tpu.memref_squeeze %dma_start3A_87 : memref<1x128xi32, #tpu.memory_space<vmem>> -> memref<128xi32, #tpu.memory_space<vmem>>
      %dma_start3A_89 = arith.constant 0 : i32
      %dma_start3A_90 = arith.constant 0 : i32
      %dma_start3A_91 = tpu.memref_slice %arg26[%dma_start3A_89, %dma_start3A_90] : memref<10000x16xf32, #tpu.memory_space<vmem_shared>> -> memref<10000x16xf32, #tpu.memory_space<vmem_shared>>
      tpu.enqueue_indirect_dma source(%dma_start3A_91 : memref<10000x16xf32, #tpu.memory_space<vmem_shared>>) target(%arg17 : memref<128x16xf32, #tpu.memory_space<vmem>>) offsets(%dma_start3A_88 : memref<128xi32, #tpu.memory_space<vmem>>) semaphore(%arg27 : memref<!tpu.dma_semaphore, #tpu.memory_space<semaphore_mem>>)
      %dma_start3A_92 = arith.constant 9 : i32
      %dma_start3A_93 = arith.constant 0 : i32
      %dma_start3A_94 = tpu.memref_slice %arg8[%dma_start3A_92, %dma_start3A_93] : memref<16x128xi32, #tpu.memory_space<vmem>> -> memref<1x128xi32, #tpu.memory_space<vmem>>
      %dma_start3A_95 = tpu.memref_squeeze %dma_start3A_94 : memref<1x128xi32, #tpu.memory_space<vmem>> -> memref<128xi32, #tpu.memory_space<vmem>>
      %dma_start3A_96 = arith.constant 0 : i32
      %dma_start3A_97 = arith.constant 0 : i32
      %dma_start3A_98 = tpu.memref_slice %arg26[%dma_start3A_96, %dma_start3A_97] : memref<10000x16xf32, #tpu.memory_space<vmem_shared>> -> memref<10000x16xf32, #tpu.memory_space<vmem_shared>>
      tpu.enqueue_indirect_dma source(%dma_start3A_98 : memref<10000x16xf32, #tpu.memory_space<vmem_shared>>) target(%arg18 : memref<128x16xf32, #tpu.memory_space<vmem>>) offsets(%dma_start3A_95 : memref<128xi32, #tpu.memory_space<vmem>>) semaphore(%arg27 : memref<!tpu.dma_semaphore, #tpu.memory_space<semaphore_mem>>)
      %dma_start3A_99 = arith.constant 10 : i32
      %dma_start3A_100 = arith.constant 0 : i32
      %dma_start3A_101 = tpu.memref_slice %arg8[%dma_start3A_99, %dma_start3A_100] : memref<16x128xi32, #tpu.memory_space<vmem>> -> memref<1x128xi32, #tpu.memory_space<vmem>>
      %dma_start3A_102 = tpu.memref_squeeze %dma_start3A_101 : memref<1x128xi32, #tpu.memory_space<vmem>> -> memref<128xi32, #tpu.memory_space<vmem>>
      %dma_start3A_103 = arith.constant 0 : i32
      %dma_start3A_104 = arith.constant 0 : i32
      %dma_start3A_105 = tpu.memref_slice %arg26[%dma_start3A_103, %dma_start3A_104] : memref<10000x16xf32, #tpu.memory_space<vmem_shared>> -> memref<10000x16xf32, #tpu.memory_space<vmem_shared>>
      tpu.enqueue_indirect_dma source(%dma_start3A_105 : memref<10000x16xf32, #tpu.memory_space<vmem_shared>>) target(%arg19 : memref<128x16xf32, #tpu.memory_space<vmem>>) offsets(%dma_start3A_102 : memref<128xi32, #tpu.memory_space<vmem>>) semaphore(%arg27 : memref<!tpu.dma_semaphore, #tpu.memory_space<semaphore_mem>>)
      %dma_start3A_106 = arith.constant 11 : i32
      %dma_start3A_107 = arith.constant 0 : i32
      %dma_start3A_108 = tpu.memref_slice %arg8[%dma_start3A_106, %dma_start3A_107] : memref<16x128xi32, #tpu.memory_space<vmem>> -> memref<1x128xi32, #tpu.memory_space<vmem>>
      %dma_start3A_109 = tpu.memref_squeeze %dma_start3A_108 : memref<1x128xi32, #tpu.memory_space<vmem>> -> memref<128xi32, #tpu.memory_space<vmem>>
      %dma_start3A_110 = arith.constant 0 : i32
      %dma_start3A_111 = arith.constant 0 : i32
      %dma_start3A_112 = tpu.memref_slice %arg26[%dma_start3A_110, %dma_start3A_111] : memref<10000x16xf32, #tpu.memory_space<vmem_shared>> -> memref<10000x16xf32, #tpu.memory_space<vmem_shared>>
      tpu.enqueue_indirect_dma source(%dma_start3A_112 : memref<10000x16xf32, #tpu.memory_space<vmem_shared>>) target(%arg20 : memref<128x16xf32, #tpu.memory_space<vmem>>) offsets(%dma_start3A_109 : memref<128xi32, #tpu.memory_space<vmem>>) semaphore(%arg27 : memref<!tpu.dma_semaphore, #tpu.memory_space<semaphore_mem>>)
      %dma_start3A_113 = arith.constant 12 : i32
      %dma_start3A_114 = arith.constant 0 : i32
      %dma_start3A_115 = tpu.memref_slice %arg8[%dma_start3A_113, %dma_start3A_114] : memref<16x128xi32, #tpu.memory_space<vmem>> -> memref<1x128xi32, #tpu.memory_space<vmem>>
      %dma_start3A_116 = tpu.memref_squeeze %dma_start3A_115 : memref<1x128xi32, #tpu.memory_space<vmem>> -> memref<128xi32, #tpu.memory_space<vmem>>
      %dma_start3A_117 = arith.constant 0 : i32
      %dma_start3A_118 = arith.constant 0 : i32
      %dma_start3A_119 = tpu.memref_slice %arg26[%dma_start3A_117, %dma_start3A_118] : memref<10000x16xf32, #tpu.memory_space<vmem_shared>> -> memref<10000x16xf32, #tpu.memory_space<vmem_shared>>
      tpu.enqueue_indirect_dma source(%dma_start3A_119 : memref<10000x16xf32, #tpu.memory_space<vmem_shared>>) target(%arg21 : memref<128x16xf32, #tpu.memory_space<vmem>>) offsets(%dma_start3A_116 : memref<128xi32, #tpu.memory_space<vmem>>) semaphore(%arg27 : memref<!tpu.dma_semaphore, #tpu.memory_space<semaphore_mem>>)
      %dma_start3A_120 = arith.constant 13 : i32
      %dma_start3A_121 = arith.constant 0 : i32
      %dma_start3A_122 = tpu.memref_slice %arg8[%dma_start3A_120, %dma_start3A_121] : memref<16x128xi32, #tpu.memory_space<vmem>> -> memref<1x128xi32, #tpu.memory_space<vmem>>
      %dma_start3A_123 = tpu.memref_squeeze %dma_start3A_122 : memref<1x128xi32, #tpu.memory_space<vmem>> -> memref<128xi32, #tpu.memory_space<vmem>>
      %dma_start3A_124 = arith.constant 0 : i32
      %dma_start3A_125 = arith.constant 0 : i32
      %dma_start3A_126 = tpu.memref_slice %arg26[%dma_start3A_124, %dma_start3A_125] : memref<10000x16xf32, #tpu.memory_space<vmem_shared>> -> memref<10000x16xf32, #tpu.memory_space<vmem_shared>>
      tpu.enqueue_indirect_dma source(%dma_start3A_126 : memref<10000x16xf32, #tpu.memory_space<vmem_shared>>) target(%arg22 : memref<128x16xf32, #tpu.memory_space<vmem>>) offsets(%dma_start3A_123 : memref<128xi32, #tpu.memory_space<vmem>>) semaphore(%arg27 : memref<!tpu.dma_semaphore, #tpu.memory_space<semaphore_mem>>)
      %dma_start3A_127 = arith.constant 14 : i32
      %dma_start3A_128 = arith.constant 0 : i32
      %dma_start3A_129 = tpu.memref_slice %arg8[%dma_start3A_127, %dma_start3A_128] : memref<16x128xi32, #tpu.memory_space<vmem>> -> memref<1x128xi32, #tpu.memory_space<vmem>>
      %dma_start3A_130 = tpu.memref_squeeze %dma_start3A_129 : memref<1x128xi32, #tpu.memory_space<vmem>> -> memref<128xi32, #tpu.memory_space<vmem>>
      %dma_start3A_131 = arith.constant 0 : i32
      %dma_start3A_132 = arith.constant 0 : i32
      %dma_start3A_133 = tpu.memref_slice %arg26[%dma_start3A_131, %dma_start3A_132] : memref<10000x16xf32, #tpu.memory_space<vmem_shared>> -> memref<10000x16xf32, #tpu.memory_space<vmem_shared>>
      tpu.enqueue_indirect_dma source(%dma_start3A_133 : memref<10000x16xf32, #tpu.memory_space<vmem_shared>>) target(%arg23 : memref<128x16xf32, #tpu.memory_space<vmem>>) offsets(%dma_start3A_130 : memref<128xi32, #tpu.memory_space<vmem>>) semaphore(%arg27 : memref<!tpu.dma_semaphore, #tpu.memory_space<semaphore_mem>>)
      %dma_start3A_134 = arith.constant 15 : i32
      %dma_start3A_135 = arith.constant 0 : i32
      %dma_start3A_136 = tpu.memref_slice %arg8[%dma_start3A_134, %dma_start3A_135] : memref<16x128xi32, #tpu.memory_space<vmem>> -> memref<1x128xi32, #tpu.memory_space<vmem>>
      %dma_start3A_137 = tpu.memref_squeeze %dma_start3A_136 : memref<1x128xi32, #tpu.memory_space<vmem>> -> memref<128xi32, #tpu.memory_space<vmem>>
      %dma_start3A_138 = arith.constant 0 : i32
      %dma_start3A_139 = arith.constant 0 : i32
      %dma_start3A_140 = tpu.memref_slice %arg26[%dma_start3A_138, %dma_start3A_139] : memref<10000x16xf32, #tpu.memory_space<vmem_shared>> -> memref<10000x16xf32, #tpu.memory_space<vmem_shared>>
      tpu.enqueue_indirect_dma source(%dma_start3A_140 : memref<10000x16xf32, #tpu.memory_space<vmem_shared>>) target(%arg24 : memref<128x16xf32, #tpu.memory_space<vmem>>) offsets(%dma_start3A_137 : memref<128xi32, #tpu.memory_space<vmem>>) semaphore(%arg27 : memref<!tpu.dma_semaphore, #tpu.memory_space<semaphore_mem>>)
      %dma_wait3A = arith.constant 0 : i32
      %dma_wait3A_141 = arith.constant 0 : i32
      %dma_wait3A_142 = tpu.memref_slice %arg8[%dma_wait3A, %dma_wait3A_141] : memref<16x128xi32, #tpu.memory_space<vmem>> -> memref<1x128xi32, #tpu.memory_space<vmem>>
      %dma_wait3A_143 = tpu.memref_squeeze %dma_wait3A_142 : memref<1x128xi32, #tpu.memory_space<vmem>> -> memref<128xi32, #tpu.memory_space<vmem>>
      %dma_wait3A_144 = arith.constant 0 : i32
      %dma_wait3A_145 = arith.constant 0 : i32
      %dma_wait3A_146 = tpu.memref_slice %arg26[%dma_wait3A_144, %dma_wait3A_145] : memref<10000x16xf32, #tpu.memory_space<vmem_shared>> -> memref<10000x16xf32, #tpu.memory_space<vmem_shared>>
      tpu.wait_indirect_dma semaphore(%arg27 : memref<!tpu.dma_semaphore, #tpu.memory_space<semaphore_mem>>) src(%dma_wait3A_146 : memref<10000x16xf32, #tpu.memory_space<vmem_shared>>) dst(%arg9 : memref<128x16xf32, #tpu.memory_space<vmem>>)
      %mul3A_147 = arith.constant 16 : i32
      %mul3A_148 = arith.muli %scan3A_25, %mul3A_147 : i32
      %add3A_149 = arith.constant 0 : i32
      %add3A_150 = arith.addi %mul3A_148, %add3A_149 : i32
      %dma_start3A_151 = arith.constant 0 : i32
      %dma_start3A_152 = tpu.memref_slice %arg7[%add3A_150, %dma_start3A_151] : memref<80x128xi32, #tpu.memory_space<vmem>> -> memref<1x128xi32, #tpu.memory_space<vmem>>
      %dma_start3A_153 = tpu.memref_squeeze %dma_start3A_152 : memref<1x128xi32, #tpu.memory_space<vmem>> -> memref<128xi32, #tpu.memory_space<vmem>>
      %dma_start3A_154 = arith.constant 0 : i32
      %dma_start3A_155 = arith.constant 0 : i32
      %dma_start3A_156 = tpu.memref_slice %arg25[%dma_start3A_154, %dma_start3A_155] : memref<10112x16xf32, #tpu.memory_space<vmem_shared>> -> memref<10112x16xf32, #tpu.memory_space<vmem_shared>>
      tpu.enqueue_indirect_dma source(%arg9 : memref<128x16xf32, #tpu.memory_space<vmem>>) target(%dma_start3A_156 : memref<10112x16xf32, #tpu.memory_space<vmem_shared>>) offsets(%dma_start3A_153 : memref<128xi32, #tpu.memory_space<vmem>>) semaphore(%arg28 : memref<!tpu.dma_semaphore, #tpu.memory_space<semaphore_mem>>) {add = true}
      %dma_wait3A_157 = arith.constant 1 : i32
      %dma_wait3A_158 = arith.constant 0 : i32
      %dma_wait3A_159 = tpu.memref_slice %arg8[%dma_wait3A_157, %dma_wait3A_158] : memref<16x128xi32, #tpu.memory_space<vmem>> -> memref<1x128xi32, #tpu.memory_space<vmem>>
      %dma_wait3A_160 = tpu.memref_squeeze %dma_wait3A_159 : memref<1x128xi32, #tpu.memory_space<vmem>> -> memref<128xi32, #tpu.memory_space<vmem>>
      %dma_wait3A_161 = arith.constant 0 : i32
      %dma_wait3A_162 = arith.constant 0 : i32
      %dma_wait3A_163 = tpu.memref_slice %arg26[%dma_wait3A_161, %dma_wait3A_162] : memref<10000x16xf32, #tpu.memory_space<vmem_shared>> -> memref<10000x16xf32, #tpu.memory_space<vmem_shared>>
      tpu.wait_indirect_dma semaphore(%arg27 : memref<!tpu.dma_semaphore, #tpu.memory_space<semaphore_mem>>) src(%dma_wait3A_163 : memref<10000x16xf32, #tpu.memory_space<vmem_shared>>) dst(%arg10 : memref<128x16xf32, #tpu.memory_space<vmem>>)
      %mul3A_164 = arith.constant 16 : i32
      %mul3A_165 = arith.muli %scan3A_25, %mul3A_164 : i32
      %add3A_166 = arith.constant 1 : i32
      %add3A_167 = arith.addi %mul3A_165, %add3A_166 : i32
      %dma_start3A_168 = arith.constant 0 : i32
      %dma_start3A_169 = tpu.memref_slice %arg7[%add3A_167, %dma_start3A_168] : memref<80x128xi32, #tpu.memory_space<vmem>> -> memref<1x128xi32, #tpu.memory_space<vmem>>
      %dma_start3A_170 = tpu.memref_squeeze %dma_start3A_169 : memref<1x128xi32, #tpu.memory_space<vmem>> -> memref<128xi32, #tpu.memory_space<vmem>>
      %dma_start3A_171 = arith.constant 0 : i32
      %dma_start3A_172 = arith.constant 0 : i32
      %dma_start3A_173 = tpu.memref_slice %arg25[%dma_start3A_171, %dma_start3A_172] : memref<10112x16xf32, #tpu.memory_space<vmem_shared>> -> memref<10112x16xf32, #tpu.memory_space<vmem_shared>>
      tpu.enqueue_indirect_dma source(%arg10 : memref<128x16xf32, #tpu.memory_space<vmem>>) target(%dma_start3A_173 : memref<10112x16xf32, #tpu.memory_space<vmem_shared>>) offsets(%dma_start3A_170 : memref<128xi32, #tpu.memory_space<vmem>>) semaphore(%arg28 : memref<!tpu.dma_semaphore, #tpu.memory_space<semaphore_mem>>) {add = true}
      %dma_wait3A_174 = arith.constant 2 : i32
      %dma_wait3A_175 = arith.constant 0 : i32
      %dma_wait3A_176 = tpu.memref_slice %arg8[%dma_wait3A_174, %dma_wait3A_175] : memref<16x128xi32, #tpu.memory_space<vmem>> -> memref<1x128xi32, #tpu.memory_space<vmem>>
      %dma_wait3A_177 = tpu.memref_squeeze %dma_wait3A_176 : memref<1x128xi32, #tpu.memory_space<vmem>> -> memref<128xi32, #tpu.memory_space<vmem>>
      %dma_wait3A_178 = arith.constant 0 : i32
      %dma_wait3A_179 = arith.constant 0 : i32
      %dma_wait3A_180 = tpu.memref_slice %arg26[%dma_wait3A_178, %dma_wait3A_179] : memref<10000x16xf32, #tpu.memory_space<vmem_shared>> -> memref<10000x16xf32, #tpu.memory_space<vmem_shared>>
      tpu.wait_indirect_dma semaphore(%arg27 : memref<!tpu.dma_semaphore, #tpu.memory_space<semaphore_mem>>) src(%dma_wait3A_180 : memref<10000x16xf32, #tpu.memory_space<vmem_shared>>) dst(%arg11 : memref<128x16xf32, #tpu.memory_space<vmem>>)
      %mul3A_181 = arith.constant 16 : i32
      %mul3A_182 = arith.muli %scan3A_25, %mul3A_181 : i32
      %add3A_183 = arith.constant 2 : i32
      %add3A_184 = arith.addi %mul3A_182, %add3A_183 : i32
      %dma_start3A_185 = arith.constant 0 : i32
      %dma_start3A_186 = tpu.memref_slice %arg7[%add3A_184, %dma_start3A_185] : memref<80x128xi32, #tpu.memory_space<vmem>> -> memref<1x128xi32, #tpu.memory_space<vmem>>
      %dma_start3A_187 = tpu.memref_squeeze %dma_start3A_186 : memref<1x128xi32, #tpu.memory_space<vmem>> -> memref<128xi32, #tpu.memory_space<vmem>>
      %dma_start3A_188 = arith.constant 0 : i32
      %dma_start3A_189 = arith.constant 0 : i32
      %dma_start3A_190 = tpu.memref_slice %arg25[%dma_start3A_188, %dma_start3A_189] : memref<10112x16xf32, #tpu.memory_space<vmem_shared>> -> memref<10112x16xf32, #tpu.memory_space<vmem_shared>>
      tpu.enqueue_indirect_dma source(%arg11 : memref<128x16xf32, #tpu.memory_space<vmem>>) target(%dma_start3A_190 : memref<10112x16xf32, #tpu.memory_space<vmem_shared>>) offsets(%dma_start3A_187 : memref<128xi32, #tpu.memory_space<vmem>>) semaphore(%arg28 : memref<!tpu.dma_semaphore, #tpu.memory_space<semaphore_mem>>) {add = true}
      %dma_wait3A_191 = arith.constant 3 : i32
      %dma_wait3A_192 = arith.constant 0 : i32
      %dma_wait3A_193 = tpu.memref_slice %arg8[%dma_wait3A_191, %dma_wait3A_192] : memref<16x128xi32, #tpu.memory_space<vmem>> -> memref<1x128xi32, #tpu.memory_space<vmem>>
      %dma_wait3A_194 = tpu.memref_squeeze %dma_wait3A_193 : memref<1x128xi32, #tpu.memory_space<vmem>> -> memref<128xi32, #tpu.memory_space<vmem>>
      %dma_wait3A_195 = arith.constant 0 : i32
      %dma_wait3A_196 = arith.constant 0 : i32
      %dma_wait3A_197 = tpu.memref_slice %arg26[%dma_wait3A_195, %dma_wait3A_196] : memref<10000x16xf32, #tpu.memory_space<vmem_shared>> -> memref<10000x16xf32, #tpu.memory_space<vmem_shared>>
      tpu.wait_indirect_dma semaphore(%arg27 : memref<!tpu.dma_semaphore, #tpu.memory_space<semaphore_mem>>) src(%dma_wait3A_197 : memref<10000x16xf32, #tpu.memory_space<vmem_shared>>) dst(%arg12 : memref<128x16xf32, #tpu.memory_space<vmem>>)
      %mul3A_198 = arith.constant 16 : i32
      %mul3A_199 = arith.muli %scan3A_25, %mul3A_198 : i32
      %add3A_200 = arith.constant 3 : i32
      %add3A_201 = arith.addi %mul3A_199, %add3A_200 : i32
      %dma_start3A_202 = arith.constant 0 : i32
      %dma_start3A_203 = tpu.memref_slice %arg7[%add3A_201, %dma_start3A_202] : memref<80x128xi32, #tpu.memory_space<vmem>> -> memref<1x128xi32, #tpu.memory_space<vmem>>
      %dma_start3A_204 = tpu.memref_squeeze %dma_start3A_203 : memref<1x128xi32, #tpu.memory_space<vmem>> -> memref<128xi32, #tpu.memory_space<vmem>>
      %dma_start3A_205 = arith.constant 0 : i32
      %dma_start3A_206 = arith.constant 0 : i32
      %dma_start3A_207 = tpu.memref_slice %arg25[%dma_start3A_205, %dma_start3A_206] : memref<10112x16xf32, #tpu.memory_space<vmem_shared>> -> memref<10112x16xf32, #tpu.memory_space<vmem_shared>>
      tpu.enqueue_indirect_dma source(%arg12 : memref<128x16xf32, #tpu.memory_space<vmem>>) target(%dma_start3A_207 : memref<10112x16xf32, #tpu.memory_space<vmem_shared>>) offsets(%dma_start3A_204 : memref<128xi32, #tpu.memory_space<vmem>>) semaphore(%arg28 : memref<!tpu.dma_semaphore, #tpu.memory_space<semaphore_mem>>) {add = true}
      %dma_wait3A_208 = arith.constant 4 : i32
      %dma_wait3A_209 = arith.constant 0 : i32
      %dma_wait3A_210 = tpu.memref_slice %arg8[%dma_wait3A_208, %dma_wait3A_209] : memref<16x128xi32, #tpu.memory_space<vmem>> -> memref<1x128xi32, #tpu.memory_space<vmem>>
      %dma_wait3A_211 = tpu.memref_squeeze %dma_wait3A_210 : memref<1x128xi32, #tpu.memory_space<vmem>> -> memref<128xi32, #tpu.memory_space<vmem>>
      %dma_wait3A_212 = arith.constant 0 : i32
      %dma_wait3A_213 = arith.constant 0 : i32
      %dma_wait3A_214 = tpu.memref_slice %arg26[%dma_wait3A_212, %dma_wait3A_213] : memref<10000x16xf32, #tpu.memory_space<vmem_shared>> -> memref<10000x16xf32, #tpu.memory_space<vmem_shared>>
      tpu.wait_indirect_dma semaphore(%arg27 : memref<!tpu.dma_semaphore, #tpu.memory_space<semaphore_mem>>) src(%dma_wait3A_214 : memref<10000x16xf32, #tpu.memory_space<vmem_shared>>) dst(%arg13 : memref<128x16xf32, #tpu.memory_space<vmem>>)
      %mul3A_215 = arith.constant 16 : i32
      %mul3A_216 = arith.muli %scan3A_25, %mul3A_215 : i32
      %add3A_217 = arith.constant 4 : i32
      %add3A_218 = arith.addi %mul3A_216, %add3A_217 : i32
      %dma_start3A_219 = arith.constant 0 : i32
      %dma_start3A_220 = tpu.memref_slice %arg7[%add3A_218, %dma_start3A_219] : memref<80x128xi32, #tpu.memory_space<vmem>> -> memref<1x128xi32, #tpu.memory_space<vmem>>
      %dma_start3A_221 = tpu.memref_squeeze %dma_start3A_220 : memref<1x128xi32, #tpu.memory_space<vmem>> -> memref<128xi32, #tpu.memory_space<vmem>>
      %dma_start3A_222 = arith.constant 0 : i32
      %dma_start3A_223 = arith.constant 0 : i32
      %dma_start3A_224 = tpu.memref_slice %arg25[%dma_start3A_222, %dma_start3A_223] : memref<10112x16xf32, #tpu.memory_space<vmem_shared>> -> memref<10112x16xf32, #tpu.memory_space<vmem_shared>>
      tpu.enqueue_indirect_dma source(%arg13 : memref<128x16xf32, #tpu.memory_space<vmem>>) target(%dma_start3A_224 : memref<10112x16xf32, #tpu.memory_space<vmem_shared>>) offsets(%dma_start3A_221 : memref<128xi32, #tpu.memory_space<vmem>>) semaphore(%arg28 : memref<!tpu.dma_semaphore, #tpu.memory_space<semaphore_mem>>) {add = true}
      %dma_wait3A_225 = arith.constant 5 : i32
      %dma_wait3A_226 = arith.constant 0 : i32
      %dma_wait3A_227 = tpu.memref_slice %arg8[%dma_wait3A_225, %dma_wait3A_226] : memref<16x128xi32, #tpu.memory_space<vmem>> -> memref<1x128xi32, #tpu.memory_space<vmem>>
      %dma_wait3A_228 = tpu.memref_squeeze %dma_wait3A_227 : memref<1x128xi32, #tpu.memory_space<vmem>> -> memref<128xi32, #tpu.memory_space<vmem>>
      %dma_wait3A_229 = arith.constant 0 : i32
      %dma_wait3A_230 = arith.constant 0 : i32
      %dma_wait3A_231 = tpu.memref_slice %arg26[%dma_wait3A_229, %dma_wait3A_230] : memref<10000x16xf32, #tpu.memory_space<vmem_shared>> -> memref<10000x16xf32, #tpu.memory_space<vmem_shared>>
      tpu.wait_indirect_dma semaphore(%arg27 : memref<!tpu.dma_semaphore, #tpu.memory_space<semaphore_mem>>) src(%dma_wait3A_231 : memref<10000x16xf32, #tpu.memory_space<vmem_shared>>) dst(%arg14 : memref<128x16xf32, #tpu.memory_space<vmem>>)
      %mul3A_232 = arith.constant 16 : i32
      %mul3A_233 = arith.muli %scan3A_25, %mul3A_232 : i32
      %add3A_234 = arith.constant 5 : i32
      %add3A_235 = arith.addi %mul3A_233, %add3A_234 : i32
      %dma_start3A_236 = arith.constant 0 : i32
      %dma_start3A_237 = tpu.memref_slice %arg7[%add3A_235, %dma_start3A_236] : memref<80x128xi32, #tpu.memory_space<vmem>> -> memref<1x128xi32, #tpu.memory_space<vmem>>
      %dma_start3A_238 = tpu.memref_squeeze %dma_start3A_237 : memref<1x128xi32, #tpu.memory_space<vmem>> -> memref<128xi32, #tpu.memory_space<vmem>>
      %dma_start3A_239 = arith.constant 0 : i32
      %dma_start3A_240 = arith.constant 0 : i32
      %dma_start3A_241 = tpu.memref_slice %arg25[%dma_start3A_239, %dma_start3A_240] : memref<10112x16xf32, #tpu.memory_space<vmem_shared>> -> memref<10112x16xf32, #tpu.memory_space<vmem_shared>>
      tpu.enqueue_indirect_dma source(%arg14 : memref<128x16xf32, #tpu.memory_space<vmem>>) target(%dma_start3A_241 : memref<10112x16xf32, #tpu.memory_space<vmem_shared>>) offsets(%dma_start3A_238 : memref<128xi32, #tpu.memory_space<vmem>>) semaphore(%arg28 : memref<!tpu.dma_semaphore, #tpu.memory_space<semaphore_mem>>) {add = true}
      %dma_wait3A_242 = arith.constant 6 : i32
      %dma_wait3A_243 = arith.constant 0 : i32
      %dma_wait3A_244 = tpu.memref_slice %arg8[%dma_wait3A_242, %dma_wait3A_243] : memref<16x128xi32, #tpu.memory_space<vmem>> -> memref<1x128xi32, #tpu.memory_space<vmem>>
      %dma_wait3A_245 = tpu.memref_squeeze %dma_wait3A_244 : memref<1x128xi32, #tpu.memory_space<vmem>> -> memref<128xi32, #tpu.memory_space<vmem>>
      %dma_wait3A_246 = arith.constant 0 : i32
      %dma_wait3A_247 = arith.constant 0 : i32
      %dma_wait3A_248 = tpu.memref_slice %arg26[%dma_wait3A_246, %dma_wait3A_247] : memref<10000x16xf32, #tpu.memory_space<vmem_shared>> -> memref<10000x16xf32, #tpu.memory_space<vmem_shared>>
      tpu.wait_indirect_dma semaphore(%arg27 : memref<!tpu.dma_semaphore, #tpu.memory_space<semaphore_mem>>) src(%dma_wait3A_248 : memref<10000x16xf32, #tpu.memory_space<vmem_shared>>) dst(%arg15 : memref<128x16xf32, #tpu.memory_space<vmem>>)
      %mul3A_249 = arith.constant 16 : i32
      %mul3A_250 = arith.muli %scan3A_25, %mul3A_249 : i32
      %add3A_251 = arith.constant 6 : i32
      %add3A_252 = arith.addi %mul3A_250, %add3A_251 : i32
      %dma_start3A_253 = arith.constant 0 : i32
      %dma_start3A_254 = tpu.memref_slice %arg7[%add3A_252, %dma_start3A_253] : memref<80x128xi32, #tpu.memory_space<vmem>> -> memref<1x128xi32, #tpu.memory_space<vmem>>
      %dma_start3A_255 = tpu.memref_squeeze %dma_start3A_254 : memref<1x128xi32, #tpu.memory_space<vmem>> -> memref<128xi32, #tpu.memory_space<vmem>>
      %dma_start3A_256 = arith.constant 0 : i32
      %dma_start3A_257 = arith.constant 0 : i32
      %dma_start3A_258 = tpu.memref_slice %arg25[%dma_start3A_256, %dma_start3A_257] : memref<10112x16xf32, #tpu.memory_space<vmem_shared>> -> memref<10112x16xf32, #tpu.memory_space<vmem_shared>>
      tpu.enqueue_indirect_dma source(%arg15 : memref<128x16xf32, #tpu.memory_space<vmem>>) target(%dma_start3A_258 : memref<10112x16xf32, #tpu.memory_space<vmem_shared>>) offsets(%dma_start3A_255 : memref<128xi32, #tpu.memory_space<vmem>>) semaphore(%arg28 : memref<!tpu.dma_semaphore, #tpu.memory_space<semaphore_mem>>) {add = true}
      %dma_wait3A_259 = arith.constant 7 : i32
      %dma_wait3A_260 = arith.constant 0 : i32
      %dma_wait3A_261 = tpu.memref_slice %arg8[%dma_wait3A_259, %dma_wait3A_260] : memref<16x128xi32, #tpu.memory_space<vmem>> -> memref<1x128xi32, #tpu.memory_space<vmem>>
      %dma_wait3A_262 = tpu.memref_squeeze %dma_wait3A_261 : memref<1x128xi32, #tpu.memory_space<vmem>> -> memref<128xi32, #tpu.memory_space<vmem>>
      %dma_wait3A_263 = arith.constant 0 : i32
      %dma_wait3A_264 = arith.constant 0 : i32
      %dma_wait3A_265 = tpu.memref_slice %arg26[%dma_wait3A_263, %dma_wait3A_264] : memref<10000x16xf32, #tpu.memory_space<vmem_shared>> -> memref<10000x16xf32, #tpu.memory_space<vmem_shared>>
      tpu.wait_indirect_dma semaphore(%arg27 : memref<!tpu.dma_semaphore, #tpu.memory_space<semaphore_mem>>) src(%dma_wait3A_265 : memref<10000x16xf32, #tpu.memory_space<vmem_shared>>) dst(%arg16 : memref<128x16xf32, #tpu.memory_space<vmem>>)
      %mul3A_266 = arith.constant 16 : i32
      %mul3A_267 = arith.muli %scan3A_25, %mul3A_266 : i32
      %add3A_268 = arith.constant 7 : i32
      %add3A_269 = arith.addi %mul3A_267, %add3A_268 : i32
      %dma_start3A_270 = arith.constant 0 : i32
      %dma_start3A_271 = tpu.memref_slice %arg7[%add3A_269, %dma_start3A_270] : memref<80x128xi32, #tpu.memory_space<vmem>> -> memref<1x128xi32, #tpu.memory_space<vmem>>
      %dma_start3A_272 = tpu.memref_squeeze %dma_start3A_271 : memref<1x128xi32, #tpu.memory_space<vmem>> -> memref<128xi32, #tpu.memory_space<vmem>>
      %dma_start3A_273 = arith.constant 0 : i32
      %dma_start3A_274 = arith.constant 0 : i32
      %dma_start3A_275 = tpu.memref_slice %arg25[%dma_start3A_273, %dma_start3A_274] : memref<10112x16xf32, #tpu.memory_space<vmem_shared>> -> memref<10112x16xf32, #tpu.memory_space<vmem_shared>>
      tpu.enqueue_indirect_dma source(%arg16 : memref<128x16xf32, #tpu.memory_space<vmem>>) target(%dma_start3A_275 : memref<10112x16xf32, #tpu.memory_space<vmem_shared>>) offsets(%dma_start3A_272 : memref<128xi32, #tpu.memory_space<vmem>>) semaphore(%arg28 : memref<!tpu.dma_semaphore, #tpu.memory_space<semaphore_mem>>) {add = true}
      %dma_wait3A_276 = arith.constant 8 : i32
      %dma_wait3A_277 = arith.constant 0 : i32
      %dma_wait3A_278 = tpu.memref_slice %arg8[%dma_wait3A_276, %dma_wait3A_277] : memref<16x128xi32, #tpu.memory_space<vmem>> -> memref<1x128xi32, #tpu.memory_space<vmem>>
      %dma_wait3A_279 = tpu.memref_squeeze %dma_wait3A_278 : memref<1x128xi32, #tpu.memory_space<vmem>> -> memref<128xi32, #tpu.memory_space<vmem>>
      %dma_wait3A_280 = arith.constant 0 : i32
      %dma_wait3A_281 = arith.constant 0 : i32
      %dma_wait3A_282 = tpu.memref_slice %arg26[%dma_wait3A_280, %dma_wait3A_281] : memref<10000x16xf32, #tpu.memory_space<vmem_shared>> -> memref<10000x16xf32, #tpu.memory_space<vmem_shared>>
      tpu.wait_indirect_dma semaphore(%arg27 : memref<!tpu.dma_semaphore, #tpu.memory_space<semaphore_mem>>) src(%dma_wait3A_282 : memref<10000x16xf32, #tpu.memory_space<vmem_shared>>) dst(%arg17 : memref<128x16xf32, #tpu.memory_space<vmem>>)
      %mul3A_283 = arith.constant 16 : i32
      %mul3A_284 = arith.muli %scan3A_25, %mul3A_283 : i32
      %add3A_285 = arith.constant 8 : i32
      %add3A_286 = arith.addi %mul3A_284, %add3A_285 : i32
      %dma_start3A_287 = arith.constant 0 : i32
      %dma_start3A_288 = tpu.memref_slice %arg7[%add3A_286, %dma_start3A_287] : memref<80x128xi32, #tpu.memory_space<vmem>> -> memref<1x128xi32, #tpu.memory_space<vmem>>
      %dma_start3A_289 = tpu.memref_squeeze %dma_start3A_288 : memref<1x128xi32, #tpu.memory_space<vmem>> -> memref<128xi32, #tpu.memory_space<vmem>>
      %dma_start3A_290 = arith.constant 0 : i32
      %dma_start3A_291 = arith.constant 0 : i32
      %dma_start3A_292 = tpu.memref_slice %arg25[%dma_start3A_290, %dma_start3A_291] : memref<10112x16xf32, #tpu.memory_space<vmem_shared>> -> memref<10112x16xf32, #tpu.memory_space<vmem_shared>>
      tpu.enqueue_indirect_dma source(%arg17 : memref<128x16xf32, #tpu.memory_space<vmem>>) target(%dma_start3A_292 : memref<10112x16xf32, #tpu.memory_space<vmem_shared>>) offsets(%dma_start3A_289 : memref<128xi32, #tpu.memory_space<vmem>>) semaphore(%arg28 : memref<!tpu.dma_semaphore, #tpu.memory_space<semaphore_mem>>) {add = true}
      %dma_wait3A_293 = arith.constant 9 : i32
      %dma_wait3A_294 = arith.constant 0 : i32
      %dma_wait3A_295 = tpu.memref_slice %arg8[%dma_wait3A_293, %dma_wait3A_294] : memref<16x128xi32, #tpu.memory_space<vmem>> -> memref<1x128xi32, #tpu.memory_space<vmem>>
      %dma_wait3A_296 = tpu.memref_squeeze %dma_wait3A_295 : memref<1x128xi32, #tpu.memory_space<vmem>> -> memref<128xi32, #tpu.memory_space<vmem>>
      %dma_wait3A_297 = arith.constant 0 : i32
      %dma_wait3A_298 = arith.constant 0 : i32
      %dma_wait3A_299 = tpu.memref_slice %arg26[%dma_wait3A_297, %dma_wait3A_298] : memref<10000x16xf32, #tpu.memory_space<vmem_shared>> -> memref<10000x16xf32, #tpu.memory_space<vmem_shared>>
      tpu.wait_indirect_dma semaphore(%arg27 : memref<!tpu.dma_semaphore, #tpu.memory_space<semaphore_mem>>) src(%dma_wait3A_299 : memref<10000x16xf32, #tpu.memory_space<vmem_shared>>) dst(%arg18 : memref<128x16xf32, #tpu.memory_space<vmem>>)
      %mul3A_300 = arith.constant 16 : i32
      %mul3A_301 = arith.muli %scan3A_25, %mul3A_300 : i32
      %add3A_302 = arith.constant 9 : i32
      %add3A_303 = arith.addi %mul3A_301, %add3A_302 : i32
      %dma_start3A_304 = arith.constant 0 : i32
      %dma_start3A_305 = tpu.memref_slice %arg7[%add3A_303, %dma_start3A_304] : memref<80x128xi32, #tpu.memory_space<vmem>> -> memref<1x128xi32, #tpu.memory_space<vmem>>
      %dma_start3A_306 = tpu.memref_squeeze %dma_start3A_305 : memref<1x128xi32, #tpu.memory_space<vmem>> -> memref<128xi32, #tpu.memory_space<vmem>>
      %dma_start3A_307 = arith.constant 0 : i32
      %dma_start3A_308 = arith.constant 0 : i32
      %dma_start3A_309 = tpu.memref_slice %arg25[%dma_start3A_307, %dma_start3A_308] : memref<10112x16xf32, #tpu.memory_space<vmem_shared>> -> memref<10112x16xf32, #tpu.memory_space<vmem_shared>>
      tpu.enqueue_indirect_dma source(%arg18 : memref<128x16xf32, #tpu.memory_space<vmem>>) target(%dma_start3A_309 : memref<10112x16xf32, #tpu.memory_space<vmem_shared>>) offsets(%dma_start3A_306 : memref<128xi32, #tpu.memory_space<vmem>>) semaphore(%arg28 : memref<!tpu.dma_semaphore, #tpu.memory_space<semaphore_mem>>) {add = true}
      %dma_wait3A_310 = arith.constant 10 : i32
      %dma_wait3A_311 = arith.constant 0 : i32
      %dma_wait3A_312 = tpu.memref_slice %arg8[%dma_wait3A_310, %dma_wait3A_311] : memref<16x128xi32, #tpu.memory_space<vmem>> -> memref<1x128xi32, #tpu.memory_space<vmem>>
      %dma_wait3A_313 = tpu.memref_squeeze %dma_wait3A_312 : memref<1x128xi32, #tpu.memory_space<vmem>> -> memref<128xi32, #tpu.memory_space<vmem>>
      %dma_wait3A_314 = arith.constant 0 : i32
      %dma_wait3A_315 = arith.constant 0 : i32
      %dma_wait3A_316 = tpu.memref_slice %arg26[%dma_wait3A_314, %dma_wait3A_315] : memref<10000x16xf32, #tpu.memory_space<vmem_shared>> -> memref<10000x16xf32, #tpu.memory_space<vmem_shared>>
      tpu.wait_indirect_dma semaphore(%arg27 : memref<!tpu.dma_semaphore, #tpu.memory_space<semaphore_mem>>) src(%dma_wait3A_316 : memref<10000x16xf32, #tpu.memory_space<vmem_shared>>) dst(%arg19 : memref<128x16xf32, #tpu.memory_space<vmem>>)
      %mul3A_317 = arith.constant 16 : i32
      %mul3A_318 = arith.muli %scan3A_25, %mul3A_317 : i32
      %add3A_319 = arith.constant 10 : i32
      %add3A_320 = arith.addi %mul3A_318, %add3A_319 : i32
      %dma_start3A_321 = arith.constant 0 : i32
      %dma_start3A_322 = tpu.memref_slice %arg7[%add3A_320, %dma_start3A_321] : memref<80x128xi32, #tpu.memory_space<vmem>> -> memref<1x128xi32, #tpu.memory_space<vmem>>
      %dma_start3A_323 = tpu.memref_squeeze %dma_start3A_322 : memref<1x128xi32, #tpu.memory_space<vmem>> -> memref<128xi32, #tpu.memory_space<vmem>>
      %dma_start3A_324 = arith.constant 0 : i32
      %dma_start3A_325 = arith.constant 0 : i32
      %dma_start3A_326 = tpu.memref_slice %arg25[%dma_start3A_324, %dma_start3A_325] : memref<10112x16xf32, #tpu.memory_space<vmem_shared>> -> memref<10112x16xf32, #tpu.memory_space<vmem_shared>>
      tpu.enqueue_indirect_dma source(%arg19 : memref<128x16xf32, #tpu.memory_space<vmem>>) target(%dma_start3A_326 : memref<10112x16xf32, #tpu.memory_space<vmem_shared>>) offsets(%dma_start3A_323 : memref<128xi32, #tpu.memory_space<vmem>>) semaphore(%arg28 : memref<!tpu.dma_semaphore, #tpu.memory_space<semaphore_mem>>) {add = true}
      %dma_wait3A_327 = arith.constant 11 : i32
      %dma_wait3A_328 = arith.constant 0 : i32
      %dma_wait3A_329 = tpu.memref_slice %arg8[%dma_wait3A_327, %dma_wait3A_328] : memref<16x128xi32, #tpu.memory_space<vmem>> -> memref<1x128xi32, #tpu.memory_space<vmem>>
      %dma_wait3A_330 = tpu.memref_squeeze %dma_wait3A_329 : memref<1x128xi32, #tpu.memory_space<vmem>> -> memref<128xi32, #tpu.memory_space<vmem>>
      %dma_wait3A_331 = arith.constant 0 : i32
      %dma_wait3A_332 = arith.constant 0 : i32
      %dma_wait3A_333 = tpu.memref_slice %arg26[%dma_wait3A_331, %dma_wait3A_332] : memref<10000x16xf32, #tpu.memory_space<vmem_shared>> -> memref<10000x16xf32, #tpu.memory_space<vmem_shared>>
      tpu.wait_indirect_dma semaphore(%arg27 : memref<!tpu.dma_semaphore, #tpu.memory_space<semaphore_mem>>) src(%dma_wait3A_333 : memref<10000x16xf32, #tpu.memory_space<vmem_shared>>) dst(%arg20 : memref<128x16xf32, #tpu.memory_space<vmem>>)
      %mul3A_334 = arith.constant 16 : i32
      %mul3A_335 = arith.muli %scan3A_25, %mul3A_334 : i32
      %add3A_336 = arith.constant 11 : i32
      %add3A_337 = arith.addi %mul3A_335, %add3A_336 : i32
      %dma_start3A_338 = arith.constant 0 : i32
      %dma_start3A_339 = tpu.memref_slice %arg7[%add3A_337, %dma_start3A_338] : memref<80x128xi32, #tpu.memory_space<vmem>> -> memref<1x128xi32, #tpu.memory_space<vmem>>
      %dma_start3A_340 = tpu.memref_squeeze %dma_start3A_339 : memref<1x128xi32, #tpu.memory_space<vmem>> -> memref<128xi32, #tpu.memory_space<vmem>>
      %dma_start3A_341 = arith.constant 0 : i32
      %dma_start3A_342 = arith.constant 0 : i32
      %dma_start3A_343 = tpu.memref_slice %arg25[%dma_start3A_341, %dma_start3A_342] : memref<10112x16xf32, #tpu.memory_space<vmem_shared>> -> memref<10112x16xf32, #tpu.memory_space<vmem_shared>>
      tpu.enqueue_indirect_dma source(%arg20 : memref<128x16xf32, #tpu.memory_space<vmem>>) target(%dma_start3A_343 : memref<10112x16xf32, #tpu.memory_space<vmem_shared>>) offsets(%dma_start3A_340 : memref<128xi32, #tpu.memory_space<vmem>>) semaphore(%arg28 : memref<!tpu.dma_semaphore, #tpu.memory_space<semaphore_mem>>) {add = true}
      %dma_wait3A_344 = arith.constant 12 : i32
      %dma_wait3A_345 = arith.constant 0 : i32
      %dma_wait3A_346 = tpu.memref_slice %arg8[%dma_wait3A_344, %dma_wait3A_345] : memref<16x128xi32, #tpu.memory_space<vmem>> -> memref<1x128xi32, #tpu.memory_space<vmem>>
      %dma_wait3A_347 = tpu.memref_squeeze %dma_wait3A_346 : memref<1x128xi32, #tpu.memory_space<vmem>> -> memref<128xi32, #tpu.memory_space<vmem>>
      %dma_wait3A_348 = arith.constant 0 : i32
      %dma_wait3A_349 = arith.constant 0 : i32
      %dma_wait3A_350 = tpu.memref_slice %arg26[%dma_wait3A_348, %dma_wait3A_349] : memref<10000x16xf32, #tpu.memory_space<vmem_shared>> -> memref<10000x16xf32, #tpu.memory_space<vmem_shared>>
      tpu.wait_indirect_dma semaphore(%arg27 : memref<!tpu.dma_semaphore, #tpu.memory_space<semaphore_mem>>) src(%dma_wait3A_350 : memref<10000x16xf32, #tpu.memory_space<vmem_shared>>) dst(%arg21 : memref<128x16xf32, #tpu.memory_space<vmem>>)
      %mul3A_351 = arith.constant 16 : i32
      %mul3A_352 = arith.muli %scan3A_25, %mul3A_351 : i32
      %add3A_353 = arith.constant 12 : i32
      %add3A_354 = arith.addi %mul3A_352, %add3A_353 : i32
      %dma_start3A_355 = arith.constant 0 : i32
      %dma_start3A_356 = tpu.memref_slice %arg7[%add3A_354, %dma_start3A_355] : memref<80x128xi32, #tpu.memory_space<vmem>> -> memref<1x128xi32, #tpu.memory_space<vmem>>
      %dma_start3A_357 = tpu.memref_squeeze %dma_start3A_356 : memref<1x128xi32, #tpu.memory_space<vmem>> -> memref<128xi32, #tpu.memory_space<vmem>>
      %dma_start3A_358 = arith.constant 0 : i32
      %dma_start3A_359 = arith.constant 0 : i32
      %dma_start3A_360 = tpu.memref_slice %arg25[%dma_start3A_358, %dma_start3A_359] : memref<10112x16xf32, #tpu.memory_space<vmem_shared>> -> memref<10112x16xf32, #tpu.memory_space<vmem_shared>>
      tpu.enqueue_indirect_dma source(%arg21 : memref<128x16xf32, #tpu.memory_space<vmem>>) target(%dma_start3A_360 : memref<10112x16xf32, #tpu.memory_space<vmem_shared>>) offsets(%dma_start3A_357 : memref<128xi32, #tpu.memory_space<vmem>>) semaphore(%arg28 : memref<!tpu.dma_semaphore, #tpu.memory_space<semaphore_mem>>) {add = true}
      %dma_wait3A_361 = arith.constant 13 : i32
      %dma_wait3A_362 = arith.constant 0 : i32
      %dma_wait3A_363 = tpu.memref_slice %arg8[%dma_wait3A_361, %dma_wait3A_362] : memref<16x128xi32, #tpu.memory_space<vmem>> -> memref<1x128xi32, #tpu.memory_space<vmem>>
      %dma_wait3A_364 = tpu.memref_squeeze %dma_wait3A_363 : memref<1x128xi32, #tpu.memory_space<vmem>> -> memref<128xi32, #tpu.memory_space<vmem>>
      %dma_wait3A_365 = arith.constant 0 : i32
      %dma_wait3A_366 = arith.constant 0 : i32
      %dma_wait3A_367 = tpu.memref_slice %arg26[%dma_wait3A_365, %dma_wait3A_366] : memref<10000x16xf32, #tpu.memory_space<vmem_shared>> -> memref<10000x16xf32, #tpu.memory_space<vmem_shared>>
      tpu.wait_indirect_dma semaphore(%arg27 : memref<!tpu.dma_semaphore, #tpu.memory_space<semaphore_mem>>) src(%dma_wait3A_367 : memref<10000x16xf32, #tpu.memory_space<vmem_shared>>) dst(%arg22 : memref<128x16xf32, #tpu.memory_space<vmem>>)
      %mul3A_368 = arith.constant 16 : i32
      %mul3A_369 = arith.muli %scan3A_25, %mul3A_368 : i32
      %add3A_370 = arith.constant 13 : i32
      %add3A_371 = arith.addi %mul3A_369, %add3A_370 : i32
      %dma_start3A_372 = arith.constant 0 : i32
      %dma_start3A_373 = tpu.memref_slice %arg7[%add3A_371, %dma_start3A_372] : memref<80x128xi32, #tpu.memory_space<vmem>> -> memref<1x128xi32, #tpu.memory_space<vmem>>
      %dma_start3A_374 = tpu.memref_squeeze %dma_start3A_373 : memref<1x128xi32, #tpu.memory_space<vmem>> -> memref<128xi32, #tpu.memory_space<vmem>>
      %dma_start3A_375 = arith.constant 0 : i32
      %dma_start3A_376 = arith.constant 0 : i32
      %dma_start3A_377 = tpu.memref_slice %arg25[%dma_start3A_375, %dma_start3A_376] : memref<10112x16xf32, #tpu.memory_space<vmem_shared>> -> memref<10112x16xf32, #tpu.memory_space<vmem_shared>>
      tpu.enqueue_indirect_dma source(%arg22 : memref<128x16xf32, #tpu.memory_space<vmem>>) target(%dma_start3A_377 : memref<10112x16xf32, #tpu.memory_space<vmem_shared>>) offsets(%dma_start3A_374 : memref<128xi32, #tpu.memory_space<vmem>>) semaphore(%arg28 : memref<!tpu.dma_semaphore, #tpu.memory_space<semaphore_mem>>) {add = true}
      %dma_wait3A_378 = arith.constant 14 : i32
      %dma_wait3A_379 = arith.constant 0 : i32
      %dma_wait3A_380 = tpu.memref_slice %arg8[%dma_wait3A_378, %dma_wait3A_379] : memref<16x128xi32, #tpu.memory_space<vmem>> -> memref<1x128xi32, #tpu.memory_space<vmem>>
      %dma_wait3A_381 = tpu.memref_squeeze %dma_wait3A_380 : memref<1x128xi32, #tpu.memory_space<vmem>> -> memref<128xi32, #tpu.memory_space<vmem>>
      %dma_wait3A_382 = arith.constant 0 : i32
      %dma_wait3A_383 = arith.constant 0 : i32
      %dma_wait3A_384 = tpu.memref_slice %arg26[%dma_wait3A_382, %dma_wait3A_383] : memref<10000x16xf32, #tpu.memory_space<vmem_shared>> -> memref<10000x16xf32, #tpu.memory_space<vmem_shared>>
      tpu.wait_indirect_dma semaphore(%arg27 : memref<!tpu.dma_semaphore, #tpu.memory_space<semaphore_mem>>) src(%dma_wait3A_384 : memref<10000x16xf32, #tpu.memory_space<vmem_shared>>) dst(%arg23 : memref<128x16xf32, #tpu.memory_space<vmem>>)
      %mul3A_385 = arith.constant 16 : i32
      %mul3A_386 = arith.muli %scan3A_25, %mul3A_385 : i32
      %add3A_387 = arith.constant 14 : i32
      %add3A_388 = arith.addi %mul3A_386, %add3A_387 : i32
      %dma_start3A_389 = arith.constant 0 : i32
      %dma_start3A_390 = tpu.memref_slice %arg7[%add3A_388, %dma_start3A_389] : memref<80x128xi32, #tpu.memory_space<vmem>> -> memref<1x128xi32, #tpu.memory_space<vmem>>
      %dma_start3A_391 = tpu.memref_squeeze %dma_start3A_390 : memref<1x128xi32, #tpu.memory_space<vmem>> -> memref<128xi32, #tpu.memory_space<vmem>>
      %dma_start3A_392 = arith.constant 0 : i32
      %dma_start3A_393 = arith.constant 0 : i32
      %dma_start3A_394 = tpu.memref_slice %arg25[%dma_start3A_392, %dma_start3A_393] : memref<10112x16xf32, #tpu.memory_space<vmem_shared>> -> memref<10112x16xf32, #tpu.memory_space<vmem_shared>>
      tpu.enqueue_indirect_dma source(%arg23 : memref<128x16xf32, #tpu.memory_space<vmem>>) target(%dma_start3A_394 : memref<10112x16xf32, #tpu.memory_space<vmem_shared>>) offsets(%dma_start3A_391 : memref<128xi32, #tpu.memory_space<vmem>>) semaphore(%arg28 : memref<!tpu.dma_semaphore, #tpu.memory_space<semaphore_mem>>) {add = true}
      %dma_wait3A_395 = arith.constant 15 : i32
      %dma_wait3A_396 = arith.constant 0 : i32
      %dma_wait3A_397 = tpu.memref_slice %arg8[%dma_wait3A_395, %dma_wait3A_396] : memref<16x128xi32, #tpu.memory_space<vmem>> -> memref<1x128xi32, #tpu.memory_space<vmem>>
      %dma_wait3A_398 = tpu.memref_squeeze %dma_wait3A_397 : memref<1x128xi32, #tpu.memory_space<vmem>> -> memref<128xi32, #tpu.memory_space<vmem>>
      %dma_wait3A_399 = arith.constant 0 : i32
      %dma_wait3A_400 = arith.constant 0 : i32
      %dma_wait3A_401 = tpu.memref_slice %arg26[%dma_wait3A_399, %dma_wait3A_400] : memref<10000x16xf32, #tpu.memory_space<vmem_shared>> -> memref<10000x16xf32, #tpu.memory_space<vmem_shared>>
      tpu.wait_indirect_dma semaphore(%arg27 : memref<!tpu.dma_semaphore, #tpu.memory_space<semaphore_mem>>) src(%dma_wait3A_401 : memref<10000x16xf32, #tpu.memory_space<vmem_shared>>) dst(%arg24 : memref<128x16xf32, #tpu.memory_space<vmem>>)
      %mul3A_402 = arith.constant 16 : i32
      %mul3A_403 = arith.muli %scan3A_25, %mul3A_402 : i32
      %add3A_404 = arith.constant 15 : i32
      %add3A_405 = arith.addi %mul3A_403, %add3A_404 : i32
      %dma_start3A_406 = arith.constant 0 : i32
      %dma_start3A_407 = tpu.memref_slice %arg7[%add3A_405, %dma_start3A_406] : memref<80x128xi32, #tpu.memory_space<vmem>> -> memref<1x128xi32, #tpu.memory_space<vmem>>
      %dma_start3A_408 = tpu.memref_squeeze %dma_start3A_407 : memref<1x128xi32, #tpu.memory_space<vmem>> -> memref<128xi32, #tpu.memory_space<vmem>>
      %dma_start3A_409 = arith.constant 0 : i32
      %dma_start3A_410 = arith.constant 0 : i32
      %dma_start3A_411 = tpu.memref_slice %arg25[%dma_start3A_409, %dma_start3A_410] : memref<10112x16xf32, #tpu.memory_space<vmem_shared>> -> memref<10112x16xf32, #tpu.memory_space<vmem_shared>>
      tpu.enqueue_indirect_dma source(%arg24 : memref<128x16xf32, #tpu.memory_space<vmem>>) target(%dma_start3A_411 : memref<10112x16xf32, #tpu.memory_space<vmem_shared>>) offsets(%dma_start3A_408 : memref<128xi32, #tpu.memory_space<vmem>>) semaphore(%arg28 : memref<!tpu.dma_semaphore, #tpu.memory_space<semaphore_mem>>) {add = true}
      %dma_wait3A_412 = arith.constant 0 : i32
      %dma_wait3A_413 = tpu.memref_slice %arg7[%add3A_150, %dma_wait3A_412] : memref<80x128xi32, #tpu.memory_space<vmem>> -> memref<1x128xi32, #tpu.memory_space<vmem>>
      %dma_wait3A_414 = tpu.memref_squeeze %dma_wait3A_413 : memref<1x128xi32, #tpu.memory_space<vmem>> -> memref<128xi32, #tpu.memory_space<vmem>>
      %dma_wait3A_415 = arith.constant 0 : i32
      %dma_wait3A_416 = arith.constant 0 : i32
      %dma_wait3A_417 = tpu.memref_slice %arg25[%dma_wait3A_415, %dma_wait3A_416] : memref<10112x16xf32, #tpu.memory_space<vmem_shared>> -> memref<10112x16xf32, #tpu.memory_space<vmem_shared>>
      tpu.wait_indirect_dma semaphore(%arg28 : memref<!tpu.dma_semaphore, #tpu.memory_space<semaphore_mem>>) src(%arg9 : memref<128x16xf32, #tpu.memory_space<vmem>>) dst(%dma_wait3A_417 : memref<10112x16xf32, #tpu.memory_space<vmem_shared>>)
      %dma_wait3A_418 = arith.constant 0 : i32
      %dma_wait3A_419 = tpu.memref_slice %arg7[%add3A_167, %dma_wait3A_418] : memref<80x128xi32, #tpu.memory_space<vmem>> -> memref<1x128xi32, #tpu.memory_space<vmem>>
      %dma_wait3A_420 = tpu.memref_squeeze %dma_wait3A_419 : memref<1x128xi32, #tpu.memory_space<vmem>> -> memref<128xi32, #tpu.memory_space<vmem>>
      %dma_wait3A_421 = arith.constant 0 : i32
      %dma_wait3A_422 = arith.constant 0 : i32
      %dma_wait3A_423 = tpu.memref_slice %arg25[%dma_wait3A_421, %dma_wait3A_422] : memref<10112x16xf32, #tpu.memory_space<vmem_shared>> -> memref<10112x16xf32, #tpu.memory_space<vmem_shared>>
      tpu.wait_indirect_dma semaphore(%arg28 : memref<!tpu.dma_semaphore, #tpu.memory_space<semaphore_mem>>) src(%arg10 : memref<128x16xf32, #tpu.memory_space<vmem>>) dst(%dma_wait3A_423 : memref<10112x16xf32, #tpu.memory_space<vmem_shared>>)
      %dma_wait3A_424 = arith.constant 0 : i32
      %dma_wait3A_425 = tpu.memref_slice %arg7[%add3A_184, %dma_wait3A_424] : memref<80x128xi32, #tpu.memory_space<vmem>> -> memref<1x128xi32, #tpu.memory_space<vmem>>
      %dma_wait3A_426 = tpu.memref_squeeze %dma_wait3A_425 : memref<1x128xi32, #tpu.memory_space<vmem>> -> memref<128xi32, #tpu.memory_space<vmem>>
      %dma_wait3A_427 = arith.constant 0 : i32
      %dma_wait3A_428 = arith.constant 0 : i32
      %dma_wait3A_429 = tpu.memref_slice %arg25[%dma_wait3A_427, %dma_wait3A_428] : memref<10112x16xf32, #tpu.memory_space<vmem_shared>> -> memref<10112x16xf32, #tpu.memory_space<vmem_shared>>
      tpu.wait_indirect_dma semaphore(%arg28 : memref<!tpu.dma_semaphore, #tpu.memory_space<semaphore_mem>>) src(%arg11 : memref<128x16xf32, #tpu.memory_space<vmem>>) dst(%dma_wait3A_429 : memref<10112x16xf32, #tpu.memory_space<vmem_shared>>)
      %dma_wait3A_430 = arith.constant 0 : i32
      %dma_wait3A_431 = tpu.memref_slice %arg7[%add3A_201, %dma_wait3A_430] : memref<80x128xi32, #tpu.memory_space<vmem>> -> memref<1x128xi32, #tpu.memory_space<vmem>>
      %dma_wait3A_432 = tpu.memref_squeeze %dma_wait3A_431 : memref<1x128xi32, #tpu.memory_space<vmem>> -> memref<128xi32, #tpu.memory_space<vmem>>
      %dma_wait3A_433 = arith.constant 0 : i32
      %dma_wait3A_434 = arith.constant 0 : i32
      %dma_wait3A_435 = tpu.memref_slice %arg25[%dma_wait3A_433, %dma_wait3A_434] : memref<10112x16xf32, #tpu.memory_space<vmem_shared>> -> memref<10112x16xf32, #tpu.memory_space<vmem_shared>>
      tpu.wait_indirect_dma semaphore(%arg28 : memref<!tpu.dma_semaphore, #tpu.memory_space<semaphore_mem>>) src(%arg12 : memref<128x16xf32, #tpu.memory_space<vmem>>) dst(%dma_wait3A_435 : memref<10112x16xf32, #tpu.memory_space<vmem_shared>>)
      %dma_wait3A_436 = arith.constant 0 : i32
      %dma_wait3A_437 = tpu.memref_slice %arg7[%add3A_218, %dma_wait3A_436] : memref<80x128xi32, #tpu.memory_space<vmem>> -> memref<1x128xi32, #tpu.memory_space<vmem>>
      %dma_wait3A_438 = tpu.memref_squeeze %dma_wait3A_437 : memref<1x128xi32, #tpu.memory_space<vmem>> -> memref<128xi32, #tpu.memory_space<vmem>>
      %dma_wait3A_439 = arith.constant 0 : i32
      %dma_wait3A_440 = arith.constant 0 : i32
      %dma_wait3A_441 = tpu.memref_slice %arg25[%dma_wait3A_439, %dma_wait3A_440] : memref<10112x16xf32, #tpu.memory_space<vmem_shared>> -> memref<10112x16xf32, #tpu.memory_space<vmem_shared>>
      tpu.wait_indirect_dma semaphore(%arg28 : memref<!tpu.dma_semaphore, #tpu.memory_space<semaphore_mem>>) src(%arg13 : memref<128x16xf32, #tpu.memory_space<vmem>>) dst(%dma_wait3A_441 : memref<10112x16xf32, #tpu.memory_space<vmem_shared>>)
      %dma_wait3A_442 = arith.constant 0 : i32
      %dma_wait3A_443 = tpu.memref_slice %arg7[%add3A_235, %dma_wait3A_442] : memref<80x128xi32, #tpu.memory_space<vmem>> -> memref<1x128xi32, #tpu.memory_space<vmem>>
      %dma_wait3A_444 = tpu.memref_squeeze %dma_wait3A_443 : memref<1x128xi32, #tpu.memory_space<vmem>> -> memref<128xi32, #tpu.memory_space<vmem>>
      %dma_wait3A_445 = arith.constant 0 : i32
      %dma_wait3A_446 = arith.constant 0 : i32
      %dma_wait3A_447 = tpu.memref_slice %arg25[%dma_wait3A_445, %dma_wait3A_446] : memref<10112x16xf32, #tpu.memory_space<vmem_shared>> -> memref<10112x16xf32, #tpu.memory_space<vmem_shared>>
      tpu.wait_indirect_dma semaphore(%arg28 : memref<!tpu.dma_semaphore, #tpu.memory_space<semaphore_mem>>) src(%arg14 : memref<128x16xf32, #tpu.memory_space<vmem>>) dst(%dma_wait3A_447 : memref<10112x16xf32, #tpu.memory_space<vmem_shared>>)
      %dma_wait3A_448 = arith.constant 0 : i32
      %dma_wait3A_449 = tpu.memref_slice %arg7[%add3A_252, %dma_wait3A_448] : memref<80x128xi32, #tpu.memory_space<vmem>> -> memref<1x128xi32, #tpu.memory_space<vmem>>
      %dma_wait3A_450 = tpu.memref_squeeze %dma_wait3A_449 : memref<1x128xi32, #tpu.memory_space<vmem>> -> memref<128xi32, #tpu.memory_space<vmem>>
      %dma_wait3A_451 = arith.constant 0 : i32
      %dma_wait3A_452 = arith.constant 0 : i32
      %dma_wait3A_453 = tpu.memref_slice %arg25[%dma_wait3A_451, %dma_wait3A_452] : memref<10112x16xf32, #tpu.memory_space<vmem_shared>> -> memref<10112x16xf32, #tpu.memory_space<vmem_shared>>
      tpu.wait_indirect_dma semaphore(%arg28 : memref<!tpu.dma_semaphore, #tpu.memory_space<semaphore_mem>>) src(%arg15 : memref<128x16xf32, #tpu.memory_space<vmem>>) dst(%dma_wait3A_453 : memref<10112x16xf32, #tpu.memory_space<vmem_shared>>)
      %dma_wait3A_454 = arith.constant 0 : i32
      %dma_wait3A_455 = tpu.memref_slice %arg7[%add3A_269, %dma_wait3A_454] : memref<80x128xi32, #tpu.memory_space<vmem>> -> memref<1x128xi32, #tpu.memory_space<vmem>>
      %dma_wait3A_456 = tpu.memref_squeeze %dma_wait3A_455 : memref<1x128xi32, #tpu.memory_space<vmem>> -> memref<128xi32, #tpu.memory_space<vmem>>
      %dma_wait3A_457 = arith.constant 0 : i32
      %dma_wait3A_458 = arith.constant 0 : i32
      %dma_wait3A_459 = tpu.memref_slice %arg25[%dma_wait3A_457, %dma_wait3A_458] : memref<10112x16xf32, #tpu.memory_space<vmem_shared>> -> memref<10112x16xf32, #tpu.memory_space<vmem_shared>>
      tpu.wait_indirect_dma semaphore(%arg28 : memref<!tpu.dma_semaphore, #tpu.memory_space<semaphore_mem>>) src(%arg16 : memref<128x16xf32, #tpu.memory_space<vmem>>) dst(%dma_wait3A_459 : memref<10112x16xf32, #tpu.memory_space<vmem_shared>>)
      %dma_wait3A_460 = arith.constant 0 : i32
      %dma_wait3A_461 = tpu.memref_slice %arg7[%add3A_286, %dma_wait3A_460] : memref<80x128xi32, #tpu.memory_space<vmem>> -> memref<1x128xi32, #tpu.memory_space<vmem>>
      %dma_wait3A_462 = tpu.memref_squeeze %dma_wait3A_461 : memref<1x128xi32, #tpu.memory_space<vmem>> -> memref<128xi32, #tpu.memory_space<vmem>>
      %dma_wait3A_463 = arith.constant 0 : i32
      %dma_wait3A_464 = arith.constant 0 : i32
      %dma_wait3A_465 = tpu.memref_slice %arg25[%dma_wait3A_463, %dma_wait3A_464] : memref<10112x16xf32, #tpu.memory_space<vmem_shared>> -> memref<10112x16xf32, #tpu.memory_space<vmem_shared>>
      tpu.wait_indirect_dma semaphore(%arg28 : memref<!tpu.dma_semaphore, #tpu.memory_space<semaphore_mem>>) src(%arg17 : memref<128x16xf32, #tpu.memory_space<vmem>>) dst(%dma_wait3A_465 : memref<10112x16xf32, #tpu.memory_space<vmem_shared>>)
      %dma_wait3A_466 = arith.constant 0 : i32
      %dma_wait3A_467 = tpu.memref_slice %arg7[%add3A_303, %dma_wait3A_466] : memref<80x128xi32, #tpu.memory_space<vmem>> -> memref<1x128xi32, #tpu.memory_space<vmem>>
      %dma_wait3A_468 = tpu.memref_squeeze %dma_wait3A_467 : memref<1x128xi32, #tpu.memory_space<vmem>> -> memref<128xi32, #tpu.memory_space<vmem>>
      %dma_wait3A_469 = arith.constant 0 : i32
      %dma_wait3A_470 = arith.constant 0 : i32
      %dma_wait3A_471 = tpu.memref_slice %arg25[%dma_wait3A_469, %dma_wait3A_470] : memref<10112x16xf32, #tpu.memory_space<vmem_shared>> -> memref<10112x16xf32, #tpu.memory_space<vmem_shared>>
      tpu.wait_indirect_dma semaphore(%arg28 : memref<!tpu.dma_semaphore, #tpu.memory_space<semaphore_mem>>) src(%arg18 : memref<128x16xf32, #tpu.memory_space<vmem>>) dst(%dma_wait3A_471 : memref<10112x16xf32, #tpu.memory_space<vmem_shared>>)
      %dma_wait3A_472 = arith.constant 0 : i32
      %dma_wait3A_473 = tpu.memref_slice %arg7[%add3A_320, %dma_wait3A_472] : memref<80x128xi32, #tpu.memory_space<vmem>> -> memref<1x128xi32, #tpu.memory_space<vmem>>
      %dma_wait3A_474 = tpu.memref_squeeze %dma_wait3A_473 : memref<1x128xi32, #tpu.memory_space<vmem>> -> memref<128xi32, #tpu.memory_space<vmem>>
      %dma_wait3A_475 = arith.constant 0 : i32
      %dma_wait3A_476 = arith.constant 0 : i32
      %dma_wait3A_477 = tpu.memref_slice %arg25[%dma_wait3A_475, %dma_wait3A_476] : memref<10112x16xf32, #tpu.memory_space<vmem_shared>> -> memref<10112x16xf32, #tpu.memory_space<vmem_shared>>
      tpu.wait_indirect_dma semaphore(%arg28 : memref<!tpu.dma_semaphore, #tpu.memory_space<semaphore_mem>>) src(%arg19 : memref<128x16xf32, #tpu.memory_space<vmem>>) dst(%dma_wait3A_477 : memref<10112x16xf32, #tpu.memory_space<vmem_shared>>)
      %dma_wait3A_478 = arith.constant 0 : i32
      %dma_wait3A_479 = tpu.memref_slice %arg7[%add3A_337, %dma_wait3A_478] : memref<80x128xi32, #tpu.memory_space<vmem>> -> memref<1x128xi32, #tpu.memory_space<vmem>>
      %dma_wait3A_480 = tpu.memref_squeeze %dma_wait3A_479 : memref<1x128xi32, #tpu.memory_space<vmem>> -> memref<128xi32, #tpu.memory_space<vmem>>
      %dma_wait3A_481 = arith.constant 0 : i32
      %dma_wait3A_482 = arith.constant 0 : i32
      %dma_wait3A_483 = tpu.memref_slice %arg25[%dma_wait3A_481, %dma_wait3A_482] : memref<10112x16xf32, #tpu.memory_space<vmem_shared>> -> memref<10112x16xf32, #tpu.memory_space<vmem_shared>>
      tpu.wait_indirect_dma semaphore(%arg28 : memref<!tpu.dma_semaphore, #tpu.memory_space<semaphore_mem>>) src(%arg20 : memref<128x16xf32, #tpu.memory_space<vmem>>) dst(%dma_wait3A_483 : memref<10112x16xf32, #tpu.memory_space<vmem_shared>>)
      %dma_wait3A_484 = arith.constant 0 : i32
      %dma_wait3A_485 = tpu.memref_slice %arg7[%add3A_354, %dma_wait3A_484] : memref<80x128xi32, #tpu.memory_space<vmem>> -> memref<1x128xi32, #tpu.memory_space<vmem>>
      %dma_wait3A_486 = tpu.memref_squeeze %dma_wait3A_485 : memref<1x128xi32, #tpu.memory_space<vmem>> -> memref<128xi32, #tpu.memory_space<vmem>>
      %dma_wait3A_487 = arith.constant 0 : i32
      %dma_wait3A_488 = arith.constant 0 : i32
      %dma_wait3A_489 = tpu.memref_slice %arg25[%dma_wait3A_487, %dma_wait3A_488] : memref<10112x16xf32, #tpu.memory_space<vmem_shared>> -> memref<10112x16xf32, #tpu.memory_space<vmem_shared>>
      tpu.wait_indirect_dma semaphore(%arg28 : memref<!tpu.dma_semaphore, #tpu.memory_space<semaphore_mem>>) src(%arg21 : memref<128x16xf32, #tpu.memory_space<vmem>>) dst(%dma_wait3A_489 : memref<10112x16xf32, #tpu.memory_space<vmem_shared>>)
      %dma_wait3A_490 = arith.constant 0 : i32
      %dma_wait3A_491 = tpu.memref_slice %arg7[%add3A_371, %dma_wait3A_490] : memref<80x128xi32, #tpu.memory_space<vmem>> -> memref<1x128xi32, #tpu.memory_space<vmem>>
      %dma_wait3A_492 = tpu.memref_squeeze %dma_wait3A_491 : memref<1x128xi32, #tpu.memory_space<vmem>> -> memref<128xi32, #tpu.memory_space<vmem>>
      %dma_wait3A_493 = arith.constant 0 : i32
      %dma_wait3A_494 = arith.constant 0 : i32
      %dma_wait3A_495 = tpu.memref_slice %arg25[%dma_wait3A_493, %dma_wait3A_494] : memref<10112x16xf32, #tpu.memory_space<vmem_shared>> -> memref<10112x16xf32, #tpu.memory_space<vmem_shared>>
      tpu.wait_indirect_dma semaphore(%arg28 : memref<!tpu.dma_semaphore, #tpu.memory_space<semaphore_mem>>) src(%arg22 : memref<128x16xf32, #tpu.memory_space<vmem>>) dst(%dma_wait3A_495 : memref<10112x16xf32, #tpu.memory_space<vmem_shared>>)
      %dma_wait3A_496 = arith.constant 0 : i32
      %dma_wait3A_497 = tpu.memref_slice %arg7[%add3A_388, %dma_wait3A_496] : memref<80x128xi32, #tpu.memory_space<vmem>> -> memref<1x128xi32, #tpu.memory_space<vmem>>
      %dma_wait3A_498 = tpu.memref_squeeze %dma_wait3A_497 : memref<1x128xi32, #tpu.memory_space<vmem>> -> memref<128xi32, #tpu.memory_space<vmem>>
      %dma_wait3A_499 = arith.constant 0 : i32
      %dma_wait3A_500 = arith.constant 0 : i32
      %dma_wait3A_501 = tpu.memref_slice %arg25[%dma_wait3A_499, %dma_wait3A_500] : memref<10112x16xf32, #tpu.memory_space<vmem_shared>> -> memref<10112x16xf32, #tpu.memory_space<vmem_shared>>
      tpu.wait_indirect_dma semaphore(%arg28 : memref<!tpu.dma_semaphore, #tpu.memory_space<semaphore_mem>>) src(%arg23 : memref<128x16xf32, #tpu.memory_space<vmem>>) dst(%dma_wait3A_501 : memref<10112x16xf32, #tpu.memory_space<vmem_shared>>)
      %dma_wait3A_502 = arith.constant 0 : i32
      %dma_wait3A_503 = tpu.memref_slice %arg7[%add3A_405, %dma_wait3A_502] : memref<80x128xi32, #tpu.memory_space<vmem>> -> memref<1x128xi32, #tpu.memory_space<vmem>>
      %dma_wait3A_504 = tpu.memref_squeeze %dma_wait3A_503 : memref<1x128xi32, #tpu.memory_space<vmem>> -> memref<128xi32, #tpu.memory_space<vmem>>
      %dma_wait3A_505 = arith.constant 0 : i32
      %dma_wait3A_506 = arith.constant 0 : i32
      %dma_wait3A_507 = tpu.memref_slice %arg25[%dma_wait3A_505, %dma_wait3A_506] : memref<10112x16xf32, #tpu.memory_space<vmem_shared>> -> memref<10112x16xf32, #tpu.memory_space<vmem_shared>>
      tpu.wait_indirect_dma semaphore(%arg28 : memref<!tpu.dma_semaphore, #tpu.memory_space<semaphore_mem>>) src(%arg24 : memref<128x16xf32, #tpu.memory_space<vmem>>) dst(%dma_wait3A_507 : memref<10112x16xf32, #tpu.memory_space<vmem_shared>>)
      %scan3A_508 = arith.constant 0 : i32
      scf.yield %scan3A_508 : i32
    }
    %scan3A_16 = arith.constant 5 : i32
    %barrier3A_17 = arith.constant 0 : index
    tpu.barrier barrier_id(%barrier3A_17)
    %mul3A_18 = arith.constant 632 : i32
    %mul3A_19 = arith.muli %arg1, %mul3A_18 : i32
    %mul3A_20 = arith.constant 10112 : i32
    %mul3A_21 = arith.muli %arg0, %mul3A_20 : i32
    %mul3A_22 = arith.constant 632 : i32
    %mul3A_23 = arith.muli %arg1, %mul3A_22 : i32
    %add3A_24 = arith.addi %mul3A_21, %mul3A_23 : i32
    "tpu.region"() ({
      %run_scoped3A = tpu.sem_alloc : memref<!tpu.dma_semaphore, #tpu.memory_space<semaphore_mem>>
      %dma_start3A = arith.constant 0 : i32
      %dma_start3A_25 = tpu.memref_slice %arg6[%add3A_24, %dma_start3A] : memref<20224x16xf32, #tpu.memory_space<hbm>> -> memref<632x16xf32, #tpu.memory_space<hbm>>
      %dma_start3A_26 = arith.constant 0 : i32
      %dma_start3A_27 = tpu.memref_slice %arg25[%mul3A_19, %dma_start3A_26] : memref<10112x16xf32, #tpu.memory_space<vmem_shared>> -> memref<632x16xf32, #tpu.memory_space<vmem_shared>>
      tpu.enqueue_dma source(%dma_start3A_27 : memref<632x16xf32, #tpu.memory_space<vmem_shared>>) target(%dma_start3A_25 : memref<632x16xf32, #tpu.memory_space<hbm>>) target_semaphore(%run_scoped3A : memref<!tpu.dma_semaphore, #tpu.memory_space<semaphore_mem>>)
      %dma_wait3A = arith.constant 0 : i32
      %dma_wait3A_28 = tpu.memref_slice %arg6[%add3A_24, %dma_wait3A] : memref<20224x16xf32, #tpu.memory_space<hbm>> -> memref<632x16xf32, #tpu.memory_space<hbm>>
      %dma_wait3A_29 = arith.constant 0 : i32
      %dma_wait3A_30 = tpu.memref_slice %arg25[%mul3A_19, %dma_wait3A_29] : memref<10112x16xf32, #tpu.memory_space<vmem_shared>> -> memref<632x16xf32, #tpu.memory_space<vmem_shared>>
      tpu.wait_dma2 semaphore(%run_scoped3A : memref<!tpu.dma_semaphore, #tpu.memory_space<semaphore_mem>>) src(%dma_wait3A_30 : memref<632x16xf32, #tpu.memory_space<vmem_shared>>) dst(%dma_wait3A_28 : memref<632x16xf32, #tpu.memory_space<hbm>>)
      tpu.yield
    }) : () -> ()
    return
  }
}

#map = affine_map<(d0, d1) -> (0, 0)>
module attributes {stable_mosaic.version = 14 : i64} {
  func.func @k(%arg0: i32, %arg1: i32, %arg2: memref<2560x128xi32, #tpu.memory_space<hbm>>, %arg3: memref<128x16xf32, #tpu.memory_space<hbm>>, %arg4: memref<632x16xf32, #tpu.memory_space<hbm>>, %arg5: memref<20224x16xf32, #tpu.memory_space<hbm>>, %arg6: memref<80x128xi32, #tpu.memory_space<vmem>>, %arg7: memref<128x16xf32, #tpu.memory_space<vmem>>, %arg8: memref<10112x16xf32, #tpu.memory_space<vmem_shared>>, %arg9: memref<!tpu.dma_semaphore, #tpu.memory_space<semaphore_mem>>) attributes {dimension_semantics = [#tpu.dimension_semantics<core_parallel>, #tpu.dimension_semantics<subcore_parallel>], iteration_bounds = array<i64: 2, 16>, scalar_prefetch = 0 : i64, scratch_operands = 4 : i64, tpu.core_type = #tpu.core_type<sc_vector_subcore>, window_params = [{transform_indices = #map}, {transform_indices = #map}, {transform_indices = #map}, {transform_indices = #map}]} {
    %mul3A = arith.constant 2 : i32
    %mul3A_0 = arith.muli %arg1, %mul3A : i32
    %add3A = arith.addi %mul3A_0, %arg0 : i32
    "tpu.region"() ({
      %run_scoped3A = tpu.sem_alloc : memref<!tpu.dma_semaphore, #tpu.memory_space<semaphore_mem>>
      tpu.enqueue_dma source(%arg3 : memref<128x16xf32, #tpu.memory_space<hbm>>) target(%arg7 : memref<128x16xf32, #tpu.memory_space<vmem>>) target_semaphore(%run_scoped3A : memref<!tpu.dma_semaphore, #tpu.memory_space<semaphore_mem>>)
      tpu.wait_dma2 semaphore(%run_scoped3A : memref<!tpu.dma_semaphore, #tpu.memory_space<semaphore_mem>>) src(%arg3 : memref<128x16xf32, #tpu.memory_space<hbm>>) dst(%arg7 : memref<128x16xf32, #tpu.memory_space<vmem>>)
      tpu.yield
    }) : () -> ()
    %mul3A_1 = arith.constant 80 : i32
    %mul3A_2 = arith.muli %add3A, %mul3A_1 : i32
    "tpu.region"() ({
      %run_scoped3A = tpu.sem_alloc : memref<!tpu.dma_semaphore, #tpu.memory_space<semaphore_mem>>
      %dma_start3A = arith.constant 0 : i32
      %dma_start3A_24 = tpu.memref_slice %arg2[%mul3A_2, %dma_start3A] : memref<2560x128xi32, #tpu.memory_space<hbm>> -> memref<80x128xi32, #tpu.memory_space<hbm>>
      %dma_start3A_25 = arith.constant 0 : i32
      %dma_start3A_26 = tpu.memref_slice %arg2[%mul3A_2, %dma_start3A_25] : memref<2560x128xi32, #tpu.memory_space<hbm>> -> memref<80x128xi32, #tpu.memory_space<hbm>>
      tpu.enqueue_dma source(%dma_start3A_26 : memref<80x128xi32, #tpu.memory_space<hbm>>) target(%arg6 : memref<80x128xi32, #tpu.memory_space<vmem>>) target_semaphore(%run_scoped3A : memref<!tpu.dma_semaphore, #tpu.memory_space<semaphore_mem>>)
      %dma_wait3A = arith.constant 0 : i32
      %dma_wait3A_27 = tpu.memref_slice %arg2[%mul3A_2, %dma_wait3A] : memref<2560x128xi32, #tpu.memory_space<hbm>> -> memref<80x128xi32, #tpu.memory_space<hbm>>
      %dma_wait3A_28 = arith.constant 0 : i32
      %dma_wait3A_29 = tpu.memref_slice %arg2[%mul3A_2, %dma_wait3A_28] : memref<2560x128xi32, #tpu.memory_space<hbm>> -> memref<80x128xi32, #tpu.memory_space<hbm>>
      tpu.wait_dma2 semaphore(%run_scoped3A : memref<!tpu.dma_semaphore, #tpu.memory_space<semaphore_mem>>) src(%dma_wait3A_29 : memref<80x128xi32, #tpu.memory_space<hbm>>) dst(%arg6 : memref<80x128xi32, #tpu.memory_space<vmem>>)
      tpu.yield
    }) : () -> ()
    %mul3A_3 = arith.constant 632 : i32
    %mul3A_4 = arith.muli %arg1, %mul3A_3 : i32
    "tpu.region"() ({
      %run_scoped3A = tpu.sem_alloc : memref<!tpu.dma_semaphore, #tpu.memory_space<semaphore_mem>>
      %dma_start3A = arith.constant 0 : i32
      %dma_start3A_24 = tpu.memref_slice %arg8[%mul3A_4, %dma_start3A] : memref<10112x16xf32, #tpu.memory_space<vmem_shared>> -> memref<632x16xf32, #tpu.memory_space<vmem_shared>>
      tpu.enqueue_dma source(%arg4 : memref<632x16xf32, #tpu.memory_space<hbm>>) target(%dma_start3A_24 : memref<632x16xf32, #tpu.memory_space<vmem_shared>>) target_semaphore(%run_scoped3A : memref<!tpu.dma_semaphore, #tpu.memory_space<semaphore_mem>>)
      %dma_wait3A = arith.constant 0 : i32
      %dma_wait3A_25 = tpu.memref_slice %arg8[%mul3A_4, %dma_wait3A] : memref<10112x16xf32, #tpu.memory_space<vmem_shared>> -> memref<632x16xf32, #tpu.memory_space<vmem_shared>>
      tpu.wait_dma2 semaphore(%run_scoped3A : memref<!tpu.dma_semaphore, #tpu.memory_space<semaphore_mem>>) src(%arg4 : memref<632x16xf32, #tpu.memory_space<hbm>>) dst(%dma_wait3A_25 : memref<632x16xf32, #tpu.memory_space<vmem_shared>>)
      tpu.yield
    }) : () -> ()
    %barrier3A = arith.constant 0 : index
    tpu.barrier barrier_id(%barrier3A)
    %scan3A = arith.constant 0 : i32
    %scan3A_5 = arith.constant 0 : i32
    %scan3A_6 = arith.constant 5 : i32
    %scan3A_7 = arith.addi %scan3A_5, %scan3A_6 : i32
    %scan3A_8 = arith.constant 1 : i32
    %scan3A_9 = scf.for %scan3A_24 = %scan3A_5 to %scan3A_7 step %scan3A_8 iter_args(%scan3A_25 = %scan3A) -> (i32)  : i32 {
      %mul3A_26 = arith.constant 16 : i32
      %mul3A_27 = arith.muli %scan3A_24, %mul3A_26 : i32
      %add3A_28 = arith.constant 0 : i32
      %add3A_29 = arith.addi %mul3A_27, %add3A_28 : i32
      %dma_start3A = arith.constant 0 : i32
      %dma_start3A_30 = tpu.memref_slice %arg6[%add3A_29, %dma_start3A] : memref<80x128xi32, #tpu.memory_space<vmem>> -> memref<1x128xi32, #tpu.memory_space<vmem>>
      %dma_start3A_31 = tpu.memref_squeeze %dma_start3A_30 : memref<1x128xi32, #tpu.memory_space<vmem>> -> memref<128xi32, #tpu.memory_space<vmem>>
      %dma_start3A_32 = arith.constant 0 : i32
      %dma_start3A_33 = arith.constant 0 : i32
      %dma_start3A_34 = tpu.memref_slice %arg8[%dma_start3A_32, %dma_start3A_33] : memref<10112x16xf32, #tpu.memory_space<vmem_shared>> -> memref<10112x16xf32, #tpu.memory_space<vmem_shared>>
      tpu.enqueue_indirect_dma source(%arg7 : memref<128x16xf32, #tpu.memory_space<vmem>>) target(%dma_start3A_34 : memref<10112x16xf32, #tpu.memory_space<vmem_shared>>) offsets(%dma_start3A_31 : memref<128xi32, #tpu.memory_space<vmem>>) semaphore(%arg9 : memref<!tpu.dma_semaphore, #tpu.memory_space<semaphore_mem>>) {add = true}
      %mul3A_35 = arith.constant 16 : i32
      %mul3A_36 = arith.muli %scan3A_24, %mul3A_35 : i32
      %add3A_37 = arith.constant 1 : i32
      %add3A_38 = arith.addi %mul3A_36, %add3A_37 : i32
      %dma_start3A_39 = arith.constant 0 : i32
      %dma_start3A_40 = tpu.memref_slice %arg6[%add3A_38, %dma_start3A_39] : memref<80x128xi32, #tpu.memory_space<vmem>> -> memref<1x128xi32, #tpu.memory_space<vmem>>
      %dma_start3A_41 = tpu.memref_squeeze %dma_start3A_40 : memref<1x128xi32, #tpu.memory_space<vmem>> -> memref<128xi32, #tpu.memory_space<vmem>>
      %dma_start3A_42 = arith.constant 0 : i32
      %dma_start3A_43 = arith.constant 0 : i32
      %dma_start3A_44 = tpu.memref_slice %arg8[%dma_start3A_42, %dma_start3A_43] : memref<10112x16xf32, #tpu.memory_space<vmem_shared>> -> memref<10112x16xf32, #tpu.memory_space<vmem_shared>>
      tpu.enqueue_indirect_dma source(%arg7 : memref<128x16xf32, #tpu.memory_space<vmem>>) target(%dma_start3A_44 : memref<10112x16xf32, #tpu.memory_space<vmem_shared>>) offsets(%dma_start3A_41 : memref<128xi32, #tpu.memory_space<vmem>>) semaphore(%arg9 : memref<!tpu.dma_semaphore, #tpu.memory_space<semaphore_mem>>) {add = true}
      %mul3A_45 = arith.constant 16 : i32
      %mul3A_46 = arith.muli %scan3A_24, %mul3A_45 : i32
      %add3A_47 = arith.constant 2 : i32
      %add3A_48 = arith.addi %mul3A_46, %add3A_47 : i32
      %dma_start3A_49 = arith.constant 0 : i32
      %dma_start3A_50 = tpu.memref_slice %arg6[%add3A_48, %dma_start3A_49] : memref<80x128xi32, #tpu.memory_space<vmem>> -> memref<1x128xi32, #tpu.memory_space<vmem>>
      %dma_start3A_51 = tpu.memref_squeeze %dma_start3A_50 : memref<1x128xi32, #tpu.memory_space<vmem>> -> memref<128xi32, #tpu.memory_space<vmem>>
      %dma_start3A_52 = arith.constant 0 : i32
      %dma_start3A_53 = arith.constant 0 : i32
      %dma_start3A_54 = tpu.memref_slice %arg8[%dma_start3A_52, %dma_start3A_53] : memref<10112x16xf32, #tpu.memory_space<vmem_shared>> -> memref<10112x16xf32, #tpu.memory_space<vmem_shared>>
      tpu.enqueue_indirect_dma source(%arg7 : memref<128x16xf32, #tpu.memory_space<vmem>>) target(%dma_start3A_54 : memref<10112x16xf32, #tpu.memory_space<vmem_shared>>) offsets(%dma_start3A_51 : memref<128xi32, #tpu.memory_space<vmem>>) semaphore(%arg9 : memref<!tpu.dma_semaphore, #tpu.memory_space<semaphore_mem>>) {add = true}
      %mul3A_55 = arith.constant 16 : i32
      %mul3A_56 = arith.muli %scan3A_24, %mul3A_55 : i32
      %add3A_57 = arith.constant 3 : i32
      %add3A_58 = arith.addi %mul3A_56, %add3A_57 : i32
      %dma_start3A_59 = arith.constant 0 : i32
      %dma_start3A_60 = tpu.memref_slice %arg6[%add3A_58, %dma_start3A_59] : memref<80x128xi32, #tpu.memory_space<vmem>> -> memref<1x128xi32, #tpu.memory_space<vmem>>
      %dma_start3A_61 = tpu.memref_squeeze %dma_start3A_60 : memref<1x128xi32, #tpu.memory_space<vmem>> -> memref<128xi32, #tpu.memory_space<vmem>>
      %dma_start3A_62 = arith.constant 0 : i32
      %dma_start3A_63 = arith.constant 0 : i32
      %dma_start3A_64 = tpu.memref_slice %arg8[%dma_start3A_62, %dma_start3A_63] : memref<10112x16xf32, #tpu.memory_space<vmem_shared>> -> memref<10112x16xf32, #tpu.memory_space<vmem_shared>>
      tpu.enqueue_indirect_dma source(%arg7 : memref<128x16xf32, #tpu.memory_space<vmem>>) target(%dma_start3A_64 : memref<10112x16xf32, #tpu.memory_space<vmem_shared>>) offsets(%dma_start3A_61 : memref<128xi32, #tpu.memory_space<vmem>>) semaphore(%arg9 : memref<!tpu.dma_semaphore, #tpu.memory_space<semaphore_mem>>) {add = true}
      %mul3A_65 = arith.constant 16 : i32
      %mul3A_66 = arith.muli %scan3A_24, %mul3A_65 : i32
      %add3A_67 = arith.constant 4 : i32
      %add3A_68 = arith.addi %mul3A_66, %add3A_67 : i32
      %dma_start3A_69 = arith.constant 0 : i32
      %dma_start3A_70 = tpu.memref_slice %arg6[%add3A_68, %dma_start3A_69] : memref<80x128xi32, #tpu.memory_space<vmem>> -> memref<1x128xi32, #tpu.memory_space<vmem>>
      %dma_start3A_71 = tpu.memref_squeeze %dma_start3A_70 : memref<1x128xi32, #tpu.memory_space<vmem>> -> memref<128xi32, #tpu.memory_space<vmem>>
      %dma_start3A_72 = arith.constant 0 : i32
      %dma_start3A_73 = arith.constant 0 : i32
      %dma_start3A_74 = tpu.memref_slice %arg8[%dma_start3A_72, %dma_start3A_73] : memref<10112x16xf32, #tpu.memory_space<vmem_shared>> -> memref<10112x16xf32, #tpu.memory_space<vmem_shared>>
      tpu.enqueue_indirect_dma source(%arg7 : memref<128x16xf32, #tpu.memory_space<vmem>>) target(%dma_start3A_74 : memref<10112x16xf32, #tpu.memory_space<vmem_shared>>) offsets(%dma_start3A_71 : memref<128xi32, #tpu.memory_space<vmem>>) semaphore(%arg9 : memref<!tpu.dma_semaphore, #tpu.memory_space<semaphore_mem>>) {add = true}
      %mul3A_75 = arith.constant 16 : i32
      %mul3A_76 = arith.muli %scan3A_24, %mul3A_75 : i32
      %add3A_77 = arith.constant 5 : i32
      %add3A_78 = arith.addi %mul3A_76, %add3A_77 : i32
      %dma_start3A_79 = arith.constant 0 : i32
      %dma_start3A_80 = tpu.memref_slice %arg6[%add3A_78, %dma_start3A_79] : memref<80x128xi32, #tpu.memory_space<vmem>> -> memref<1x128xi32, #tpu.memory_space<vmem>>
      %dma_start3A_81 = tpu.memref_squeeze %dma_start3A_80 : memref<1x128xi32, #tpu.memory_space<vmem>> -> memref<128xi32, #tpu.memory_space<vmem>>
      %dma_start3A_82 = arith.constant 0 : i32
      %dma_start3A_83 = arith.constant 0 : i32
      %dma_start3A_84 = tpu.memref_slice %arg8[%dma_start3A_82, %dma_start3A_83] : memref<10112x16xf32, #tpu.memory_space<vmem_shared>> -> memref<10112x16xf32, #tpu.memory_space<vmem_shared>>
      tpu.enqueue_indirect_dma source(%arg7 : memref<128x16xf32, #tpu.memory_space<vmem>>) target(%dma_start3A_84 : memref<10112x16xf32, #tpu.memory_space<vmem_shared>>) offsets(%dma_start3A_81 : memref<128xi32, #tpu.memory_space<vmem>>) semaphore(%arg9 : memref<!tpu.dma_semaphore, #tpu.memory_space<semaphore_mem>>) {add = true}
      %mul3A_85 = arith.constant 16 : i32
      %mul3A_86 = arith.muli %scan3A_24, %mul3A_85 : i32
      %add3A_87 = arith.constant 6 : i32
      %add3A_88 = arith.addi %mul3A_86, %add3A_87 : i32
      %dma_start3A_89 = arith.constant 0 : i32
      %dma_start3A_90 = tpu.memref_slice %arg6[%add3A_88, %dma_start3A_89] : memref<80x128xi32, #tpu.memory_space<vmem>> -> memref<1x128xi32, #tpu.memory_space<vmem>>
      %dma_start3A_91 = tpu.memref_squeeze %dma_start3A_90 : memref<1x128xi32, #tpu.memory_space<vmem>> -> memref<128xi32, #tpu.memory_space<vmem>>
      %dma_start3A_92 = arith.constant 0 : i32
      %dma_start3A_93 = arith.constant 0 : i32
      %dma_start3A_94 = tpu.memref_slice %arg8[%dma_start3A_92, %dma_start3A_93] : memref<10112x16xf32, #tpu.memory_space<vmem_shared>> -> memref<10112x16xf32, #tpu.memory_space<vmem_shared>>
      tpu.enqueue_indirect_dma source(%arg7 : memref<128x16xf32, #tpu.memory_space<vmem>>) target(%dma_start3A_94 : memref<10112x16xf32, #tpu.memory_space<vmem_shared>>) offsets(%dma_start3A_91 : memref<128xi32, #tpu.memory_space<vmem>>) semaphore(%arg9 : memref<!tpu.dma_semaphore, #tpu.memory_space<semaphore_mem>>) {add = true}
      %mul3A_95 = arith.constant 16 : i32
      %mul3A_96 = arith.muli %scan3A_24, %mul3A_95 : i32
      %add3A_97 = arith.constant 7 : i32
      %add3A_98 = arith.addi %mul3A_96, %add3A_97 : i32
      %dma_start3A_99 = arith.constant 0 : i32
      %dma_start3A_100 = tpu.memref_slice %arg6[%add3A_98, %dma_start3A_99] : memref<80x128xi32, #tpu.memory_space<vmem>> -> memref<1x128xi32, #tpu.memory_space<vmem>>
      %dma_start3A_101 = tpu.memref_squeeze %dma_start3A_100 : memref<1x128xi32, #tpu.memory_space<vmem>> -> memref<128xi32, #tpu.memory_space<vmem>>
      %dma_start3A_102 = arith.constant 0 : i32
      %dma_start3A_103 = arith.constant 0 : i32
      %dma_start3A_104 = tpu.memref_slice %arg8[%dma_start3A_102, %dma_start3A_103] : memref<10112x16xf32, #tpu.memory_space<vmem_shared>> -> memref<10112x16xf32, #tpu.memory_space<vmem_shared>>
      tpu.enqueue_indirect_dma source(%arg7 : memref<128x16xf32, #tpu.memory_space<vmem>>) target(%dma_start3A_104 : memref<10112x16xf32, #tpu.memory_space<vmem_shared>>) offsets(%dma_start3A_101 : memref<128xi32, #tpu.memory_space<vmem>>) semaphore(%arg9 : memref<!tpu.dma_semaphore, #tpu.memory_space<semaphore_mem>>) {add = true}
      %mul3A_105 = arith.constant 16 : i32
      %mul3A_106 = arith.muli %scan3A_24, %mul3A_105 : i32
      %add3A_107 = arith.constant 8 : i32
      %add3A_108 = arith.addi %mul3A_106, %add3A_107 : i32
      %dma_start3A_109 = arith.constant 0 : i32
      %dma_start3A_110 = tpu.memref_slice %arg6[%add3A_108, %dma_start3A_109] : memref<80x128xi32, #tpu.memory_space<vmem>> -> memref<1x128xi32, #tpu.memory_space<vmem>>
      %dma_start3A_111 = tpu.memref_squeeze %dma_start3A_110 : memref<1x128xi32, #tpu.memory_space<vmem>> -> memref<128xi32, #tpu.memory_space<vmem>>
      %dma_start3A_112 = arith.constant 0 : i32
      %dma_start3A_113 = arith.constant 0 : i32
      %dma_start3A_114 = tpu.memref_slice %arg8[%dma_start3A_112, %dma_start3A_113] : memref<10112x16xf32, #tpu.memory_space<vmem_shared>> -> memref<10112x16xf32, #tpu.memory_space<vmem_shared>>
      tpu.enqueue_indirect_dma source(%arg7 : memref<128x16xf32, #tpu.memory_space<vmem>>) target(%dma_start3A_114 : memref<10112x16xf32, #tpu.memory_space<vmem_shared>>) offsets(%dma_start3A_111 : memref<128xi32, #tpu.memory_space<vmem>>) semaphore(%arg9 : memref<!tpu.dma_semaphore, #tpu.memory_space<semaphore_mem>>) {add = true}
      %mul3A_115 = arith.constant 16 : i32
      %mul3A_116 = arith.muli %scan3A_24, %mul3A_115 : i32
      %add3A_117 = arith.constant 9 : i32
      %add3A_118 = arith.addi %mul3A_116, %add3A_117 : i32
      %dma_start3A_119 = arith.constant 0 : i32
      %dma_start3A_120 = tpu.memref_slice %arg6[%add3A_118, %dma_start3A_119] : memref<80x128xi32, #tpu.memory_space<vmem>> -> memref<1x128xi32, #tpu.memory_space<vmem>>
      %dma_start3A_121 = tpu.memref_squeeze %dma_start3A_120 : memref<1x128xi32, #tpu.memory_space<vmem>> -> memref<128xi32, #tpu.memory_space<vmem>>
      %dma_start3A_122 = arith.constant 0 : i32
      %dma_start3A_123 = arith.constant 0 : i32
      %dma_start3A_124 = tpu.memref_slice %arg8[%dma_start3A_122, %dma_start3A_123] : memref<10112x16xf32, #tpu.memory_space<vmem_shared>> -> memref<10112x16xf32, #tpu.memory_space<vmem_shared>>
      tpu.enqueue_indirect_dma source(%arg7 : memref<128x16xf32, #tpu.memory_space<vmem>>) target(%dma_start3A_124 : memref<10112x16xf32, #tpu.memory_space<vmem_shared>>) offsets(%dma_start3A_121 : memref<128xi32, #tpu.memory_space<vmem>>) semaphore(%arg9 : memref<!tpu.dma_semaphore, #tpu.memory_space<semaphore_mem>>) {add = true}
      %mul3A_125 = arith.constant 16 : i32
      %mul3A_126 = arith.muli %scan3A_24, %mul3A_125 : i32
      %add3A_127 = arith.constant 10 : i32
      %add3A_128 = arith.addi %mul3A_126, %add3A_127 : i32
      %dma_start3A_129 = arith.constant 0 : i32
      %dma_start3A_130 = tpu.memref_slice %arg6[%add3A_128, %dma_start3A_129] : memref<80x128xi32, #tpu.memory_space<vmem>> -> memref<1x128xi32, #tpu.memory_space<vmem>>
      %dma_start3A_131 = tpu.memref_squeeze %dma_start3A_130 : memref<1x128xi32, #tpu.memory_space<vmem>> -> memref<128xi32, #tpu.memory_space<vmem>>
      %dma_start3A_132 = arith.constant 0 : i32
      %dma_start3A_133 = arith.constant 0 : i32
      %dma_start3A_134 = tpu.memref_slice %arg8[%dma_start3A_132, %dma_start3A_133] : memref<10112x16xf32, #tpu.memory_space<vmem_shared>> -> memref<10112x16xf32, #tpu.memory_space<vmem_shared>>
      tpu.enqueue_indirect_dma source(%arg7 : memref<128x16xf32, #tpu.memory_space<vmem>>) target(%dma_start3A_134 : memref<10112x16xf32, #tpu.memory_space<vmem_shared>>) offsets(%dma_start3A_131 : memref<128xi32, #tpu.memory_space<vmem>>) semaphore(%arg9 : memref<!tpu.dma_semaphore, #tpu.memory_space<semaphore_mem>>) {add = true}
      %mul3A_135 = arith.constant 16 : i32
      %mul3A_136 = arith.muli %scan3A_24, %mul3A_135 : i32
      %add3A_137 = arith.constant 11 : i32
      %add3A_138 = arith.addi %mul3A_136, %add3A_137 : i32
      %dma_start3A_139 = arith.constant 0 : i32
      %dma_start3A_140 = tpu.memref_slice %arg6[%add3A_138, %dma_start3A_139] : memref<80x128xi32, #tpu.memory_space<vmem>> -> memref<1x128xi32, #tpu.memory_space<vmem>>
      %dma_start3A_141 = tpu.memref_squeeze %dma_start3A_140 : memref<1x128xi32, #tpu.memory_space<vmem>> -> memref<128xi32, #tpu.memory_space<vmem>>
      %dma_start3A_142 = arith.constant 0 : i32
      %dma_start3A_143 = arith.constant 0 : i32
      %dma_start3A_144 = tpu.memref_slice %arg8[%dma_start3A_142, %dma_start3A_143] : memref<10112x16xf32, #tpu.memory_space<vmem_shared>> -> memref<10112x16xf32, #tpu.memory_space<vmem_shared>>
      tpu.enqueue_indirect_dma source(%arg7 : memref<128x16xf32, #tpu.memory_space<vmem>>) target(%dma_start3A_144 : memref<10112x16xf32, #tpu.memory_space<vmem_shared>>) offsets(%dma_start3A_141 : memref<128xi32, #tpu.memory_space<vmem>>) semaphore(%arg9 : memref<!tpu.dma_semaphore, #tpu.memory_space<semaphore_mem>>) {add = true}
      %mul3A_145 = arith.constant 16 : i32
      %mul3A_146 = arith.muli %scan3A_24, %mul3A_145 : i32
      %add3A_147 = arith.constant 12 : i32
      %add3A_148 = arith.addi %mul3A_146, %add3A_147 : i32
      %dma_start3A_149 = arith.constant 0 : i32
      %dma_start3A_150 = tpu.memref_slice %arg6[%add3A_148, %dma_start3A_149] : memref<80x128xi32, #tpu.memory_space<vmem>> -> memref<1x128xi32, #tpu.memory_space<vmem>>
      %dma_start3A_151 = tpu.memref_squeeze %dma_start3A_150 : memref<1x128xi32, #tpu.memory_space<vmem>> -> memref<128xi32, #tpu.memory_space<vmem>>
      %dma_start3A_152 = arith.constant 0 : i32
      %dma_start3A_153 = arith.constant 0 : i32
      %dma_start3A_154 = tpu.memref_slice %arg8[%dma_start3A_152, %dma_start3A_153] : memref<10112x16xf32, #tpu.memory_space<vmem_shared>> -> memref<10112x16xf32, #tpu.memory_space<vmem_shared>>
      tpu.enqueue_indirect_dma source(%arg7 : memref<128x16xf32, #tpu.memory_space<vmem>>) target(%dma_start3A_154 : memref<10112x16xf32, #tpu.memory_space<vmem_shared>>) offsets(%dma_start3A_151 : memref<128xi32, #tpu.memory_space<vmem>>) semaphore(%arg9 : memref<!tpu.dma_semaphore, #tpu.memory_space<semaphore_mem>>) {add = true}
      %mul3A_155 = arith.constant 16 : i32
      %mul3A_156 = arith.muli %scan3A_24, %mul3A_155 : i32
      %add3A_157 = arith.constant 13 : i32
      %add3A_158 = arith.addi %mul3A_156, %add3A_157 : i32
      %dma_start3A_159 = arith.constant 0 : i32
      %dma_start3A_160 = tpu.memref_slice %arg6[%add3A_158, %dma_start3A_159] : memref<80x128xi32, #tpu.memory_space<vmem>> -> memref<1x128xi32, #tpu.memory_space<vmem>>
      %dma_start3A_161 = tpu.memref_squeeze %dma_start3A_160 : memref<1x128xi32, #tpu.memory_space<vmem>> -> memref<128xi32, #tpu.memory_space<vmem>>
      %dma_start3A_162 = arith.constant 0 : i32
      %dma_start3A_163 = arith.constant 0 : i32
      %dma_start3A_164 = tpu.memref_slice %arg8[%dma_start3A_162, %dma_start3A_163] : memref<10112x16xf32, #tpu.memory_space<vmem_shared>> -> memref<10112x16xf32, #tpu.memory_space<vmem_shared>>
      tpu.enqueue_indirect_dma source(%arg7 : memref<128x16xf32, #tpu.memory_space<vmem>>) target(%dma_start3A_164 : memref<10112x16xf32, #tpu.memory_space<vmem_shared>>) offsets(%dma_start3A_161 : memref<128xi32, #tpu.memory_space<vmem>>) semaphore(%arg9 : memref<!tpu.dma_semaphore, #tpu.memory_space<semaphore_mem>>) {add = true}
      %mul3A_165 = arith.constant 16 : i32
      %mul3A_166 = arith.muli %scan3A_24, %mul3A_165 : i32
      %add3A_167 = arith.constant 14 : i32
      %add3A_168 = arith.addi %mul3A_166, %add3A_167 : i32
      %dma_start3A_169 = arith.constant 0 : i32
      %dma_start3A_170 = tpu.memref_slice %arg6[%add3A_168, %dma_start3A_169] : memref<80x128xi32, #tpu.memory_space<vmem>> -> memref<1x128xi32, #tpu.memory_space<vmem>>
      %dma_start3A_171 = tpu.memref_squeeze %dma_start3A_170 : memref<1x128xi32, #tpu.memory_space<vmem>> -> memref<128xi32, #tpu.memory_space<vmem>>
      %dma_start3A_172 = arith.constant 0 : i32
      %dma_start3A_173 = arith.constant 0 : i32
      %dma_start3A_174 = tpu.memref_slice %arg8[%dma_start3A_172, %dma_start3A_173] : memref<10112x16xf32, #tpu.memory_space<vmem_shared>> -> memref<10112x16xf32, #tpu.memory_space<vmem_shared>>
      tpu.enqueue_indirect_dma source(%arg7 : memref<128x16xf32, #tpu.memory_space<vmem>>) target(%dma_start3A_174 : memref<10112x16xf32, #tpu.memory_space<vmem_shared>>) offsets(%dma_start3A_171 : memref<128xi32, #tpu.memory_space<vmem>>) semaphore(%arg9 : memref<!tpu.dma_semaphore, #tpu.memory_space<semaphore_mem>>) {add = true}
      %mul3A_175 = arith.constant 16 : i32
      %mul3A_176 = arith.muli %scan3A_24, %mul3A_175 : i32
      %add3A_177 = arith.constant 15 : i32
      %add3A_178 = arith.addi %mul3A_176, %add3A_177 : i32
      %dma_start3A_179 = arith.constant 0 : i32
      %dma_start3A_180 = tpu.memref_slice %arg6[%add3A_178, %dma_start3A_179] : memref<80x128xi32, #tpu.memory_space<vmem>> -> memref<1x128xi32, #tpu.memory_space<vmem>>
      %dma_start3A_181 = tpu.memref_squeeze %dma_start3A_180 : memref<1x128xi32, #tpu.memory_space<vmem>> -> memref<128xi32, #tpu.memory_space<vmem>>
      %dma_start3A_182 = arith.constant 0 : i32
      %dma_start3A_183 = arith.constant 0 : i32
      %dma_start3A_184 = tpu.memref_slice %arg8[%dma_start3A_182, %dma_start3A_183] : memref<10112x16xf32, #tpu.memory_space<vmem_shared>> -> memref<10112x16xf32, #tpu.memory_space<vmem_shared>>
      tpu.enqueue_indirect_dma source(%arg7 : memref<128x16xf32, #tpu.memory_space<vmem>>) target(%dma_start3A_184 : memref<10112x16xf32, #tpu.memory_space<vmem_shared>>) offsets(%dma_start3A_181 : memref<128xi32, #tpu.memory_space<vmem>>) semaphore(%arg9 : memref<!tpu.dma_semaphore, #tpu.memory_space<semaphore_mem>>) {add = true}
      %dma_wait3A = arith.constant 0 : i32
      %dma_wait3A_185 = tpu.memref_slice %arg6[%add3A_29, %dma_wait3A] : memref<80x128xi32, #tpu.memory_space<vmem>> -> memref<1x128xi32, #tpu.memory_space<vmem>>
      %dma_wait3A_186 = tpu.memref_squeeze %dma_wait3A_185 : memref<1x128xi32, #tpu.memory_space<vmem>> -> memref<128xi32, #tpu.memory_space<vmem>>
      %dma_wait3A_187 = arith.constant 0 : i32
      %dma_wait3A_188 = arith.constant 0 : i32
      %dma_wait3A_189 = tpu.memref_slice %arg8[%dma_wait3A_187, %dma_wait3A_188] : memref<10112x16xf32, #tpu.memory_space<vmem_shared>> -> memref<10112x16xf32, #tpu.memory_space<vmem_shared>>
      tpu.wait_indirect_dma semaphore(%arg9 : memref<!tpu.dma_semaphore, #tpu.memory_space<semaphore_mem>>) src(%arg7 : memref<128x16xf32, #tpu.memory_space<vmem>>) dst(%dma_wait3A_189 : memref<10112x16xf32, #tpu.memory_space<vmem_shared>>)
      %dma_wait3A_190 = arith.constant 0 : i32
      %dma_wait3A_191 = tpu.memref_slice %arg6[%add3A_38, %dma_wait3A_190] : memref<80x128xi32, #tpu.memory_space<vmem>> -> memref<1x128xi32, #tpu.memory_space<vmem>>
      %dma_wait3A_192 = tpu.memref_squeeze %dma_wait3A_191 : memref<1x128xi32, #tpu.memory_space<vmem>> -> memref<128xi32, #tpu.memory_space<vmem>>
      %dma_wait3A_193 = arith.constant 0 : i32
      %dma_wait3A_194 = arith.constant 0 : i32
      %dma_wait3A_195 = tpu.memref_slice %arg8[%dma_wait3A_193, %dma_wait3A_194] : memref<10112x16xf32, #tpu.memory_space<vmem_shared>> -> memref<10112x16xf32, #tpu.memory_space<vmem_shared>>
      tpu.wait_indirect_dma semaphore(%arg9 : memref<!tpu.dma_semaphore, #tpu.memory_space<semaphore_mem>>) src(%arg7 : memref<128x16xf32, #tpu.memory_space<vmem>>) dst(%dma_wait3A_195 : memref<10112x16xf32, #tpu.memory_space<vmem_shared>>)
      %dma_wait3A_196 = arith.constant 0 : i32
      %dma_wait3A_197 = tpu.memref_slice %arg6[%add3A_48, %dma_wait3A_196] : memref<80x128xi32, #tpu.memory_space<vmem>> -> memref<1x128xi32, #tpu.memory_space<vmem>>
      %dma_wait3A_198 = tpu.memref_squeeze %dma_wait3A_197 : memref<1x128xi32, #tpu.memory_space<vmem>> -> memref<128xi32, #tpu.memory_space<vmem>>
      %dma_wait3A_199 = arith.constant 0 : i32
      %dma_wait3A_200 = arith.constant 0 : i32
      %dma_wait3A_201 = tpu.memref_slice %arg8[%dma_wait3A_199, %dma_wait3A_200] : memref<10112x16xf32, #tpu.memory_space<vmem_shared>> -> memref<10112x16xf32, #tpu.memory_space<vmem_shared>>
      tpu.wait_indirect_dma semaphore(%arg9 : memref<!tpu.dma_semaphore, #tpu.memory_space<semaphore_mem>>) src(%arg7 : memref<128x16xf32, #tpu.memory_space<vmem>>) dst(%dma_wait3A_201 : memref<10112x16xf32, #tpu.memory_space<vmem_shared>>)
      %dma_wait3A_202 = arith.constant 0 : i32
      %dma_wait3A_203 = tpu.memref_slice %arg6[%add3A_58, %dma_wait3A_202] : memref<80x128xi32, #tpu.memory_space<vmem>> -> memref<1x128xi32, #tpu.memory_space<vmem>>
      %dma_wait3A_204 = tpu.memref_squeeze %dma_wait3A_203 : memref<1x128xi32, #tpu.memory_space<vmem>> -> memref<128xi32, #tpu.memory_space<vmem>>
      %dma_wait3A_205 = arith.constant 0 : i32
      %dma_wait3A_206 = arith.constant 0 : i32
      %dma_wait3A_207 = tpu.memref_slice %arg8[%dma_wait3A_205, %dma_wait3A_206] : memref<10112x16xf32, #tpu.memory_space<vmem_shared>> -> memref<10112x16xf32, #tpu.memory_space<vmem_shared>>
      tpu.wait_indirect_dma semaphore(%arg9 : memref<!tpu.dma_semaphore, #tpu.memory_space<semaphore_mem>>) src(%arg7 : memref<128x16xf32, #tpu.memory_space<vmem>>) dst(%dma_wait3A_207 : memref<10112x16xf32, #tpu.memory_space<vmem_shared>>)
      %dma_wait3A_208 = arith.constant 0 : i32
      %dma_wait3A_209 = tpu.memref_slice %arg6[%add3A_68, %dma_wait3A_208] : memref<80x128xi32, #tpu.memory_space<vmem>> -> memref<1x128xi32, #tpu.memory_space<vmem>>
      %dma_wait3A_210 = tpu.memref_squeeze %dma_wait3A_209 : memref<1x128xi32, #tpu.memory_space<vmem>> -> memref<128xi32, #tpu.memory_space<vmem>>
      %dma_wait3A_211 = arith.constant 0 : i32
      %dma_wait3A_212 = arith.constant 0 : i32
      %dma_wait3A_213 = tpu.memref_slice %arg8[%dma_wait3A_211, %dma_wait3A_212] : memref<10112x16xf32, #tpu.memory_space<vmem_shared>> -> memref<10112x16xf32, #tpu.memory_space<vmem_shared>>
      tpu.wait_indirect_dma semaphore(%arg9 : memref<!tpu.dma_semaphore, #tpu.memory_space<semaphore_mem>>) src(%arg7 : memref<128x16xf32, #tpu.memory_space<vmem>>) dst(%dma_wait3A_213 : memref<10112x16xf32, #tpu.memory_space<vmem_shared>>)
      %dma_wait3A_214 = arith.constant 0 : i32
      %dma_wait3A_215 = tpu.memref_slice %arg6[%add3A_78, %dma_wait3A_214] : memref<80x128xi32, #tpu.memory_space<vmem>> -> memref<1x128xi32, #tpu.memory_space<vmem>>
      %dma_wait3A_216 = tpu.memref_squeeze %dma_wait3A_215 : memref<1x128xi32, #tpu.memory_space<vmem>> -> memref<128xi32, #tpu.memory_space<vmem>>
      %dma_wait3A_217 = arith.constant 0 : i32
      %dma_wait3A_218 = arith.constant 0 : i32
      %dma_wait3A_219 = tpu.memref_slice %arg8[%dma_wait3A_217, %dma_wait3A_218] : memref<10112x16xf32, #tpu.memory_space<vmem_shared>> -> memref<10112x16xf32, #tpu.memory_space<vmem_shared>>
      tpu.wait_indirect_dma semaphore(%arg9 : memref<!tpu.dma_semaphore, #tpu.memory_space<semaphore_mem>>) src(%arg7 : memref<128x16xf32, #tpu.memory_space<vmem>>) dst(%dma_wait3A_219 : memref<10112x16xf32, #tpu.memory_space<vmem_shared>>)
      %dma_wait3A_220 = arith.constant 0 : i32
      %dma_wait3A_221 = tpu.memref_slice %arg6[%add3A_88, %dma_wait3A_220] : memref<80x128xi32, #tpu.memory_space<vmem>> -> memref<1x128xi32, #tpu.memory_space<vmem>>
      %dma_wait3A_222 = tpu.memref_squeeze %dma_wait3A_221 : memref<1x128xi32, #tpu.memory_space<vmem>> -> memref<128xi32, #tpu.memory_space<vmem>>
      %dma_wait3A_223 = arith.constant 0 : i32
      %dma_wait3A_224 = arith.constant 0 : i32
      %dma_wait3A_225 = tpu.memref_slice %arg8[%dma_wait3A_223, %dma_wait3A_224] : memref<10112x16xf32, #tpu.memory_space<vmem_shared>> -> memref<10112x16xf32, #tpu.memory_space<vmem_shared>>
      tpu.wait_indirect_dma semaphore(%arg9 : memref<!tpu.dma_semaphore, #tpu.memory_space<semaphore_mem>>) src(%arg7 : memref<128x16xf32, #tpu.memory_space<vmem>>) dst(%dma_wait3A_225 : memref<10112x16xf32, #tpu.memory_space<vmem_shared>>)
      %dma_wait3A_226 = arith.constant 0 : i32
      %dma_wait3A_227 = tpu.memref_slice %arg6[%add3A_98, %dma_wait3A_226] : memref<80x128xi32, #tpu.memory_space<vmem>> -> memref<1x128xi32, #tpu.memory_space<vmem>>
      %dma_wait3A_228 = tpu.memref_squeeze %dma_wait3A_227 : memref<1x128xi32, #tpu.memory_space<vmem>> -> memref<128xi32, #tpu.memory_space<vmem>>
      %dma_wait3A_229 = arith.constant 0 : i32
      %dma_wait3A_230 = arith.constant 0 : i32
      %dma_wait3A_231 = tpu.memref_slice %arg8[%dma_wait3A_229, %dma_wait3A_230] : memref<10112x16xf32, #tpu.memory_space<vmem_shared>> -> memref<10112x16xf32, #tpu.memory_space<vmem_shared>>
      tpu.wait_indirect_dma semaphore(%arg9 : memref<!tpu.dma_semaphore, #tpu.memory_space<semaphore_mem>>) src(%arg7 : memref<128x16xf32, #tpu.memory_space<vmem>>) dst(%dma_wait3A_231 : memref<10112x16xf32, #tpu.memory_space<vmem_shared>>)
      %dma_wait3A_232 = arith.constant 0 : i32
      %dma_wait3A_233 = tpu.memref_slice %arg6[%add3A_108, %dma_wait3A_232] : memref<80x128xi32, #tpu.memory_space<vmem>> -> memref<1x128xi32, #tpu.memory_space<vmem>>
      %dma_wait3A_234 = tpu.memref_squeeze %dma_wait3A_233 : memref<1x128xi32, #tpu.memory_space<vmem>> -> memref<128xi32, #tpu.memory_space<vmem>>
      %dma_wait3A_235 = arith.constant 0 : i32
      %dma_wait3A_236 = arith.constant 0 : i32
      %dma_wait3A_237 = tpu.memref_slice %arg8[%dma_wait3A_235, %dma_wait3A_236] : memref<10112x16xf32, #tpu.memory_space<vmem_shared>> -> memref<10112x16xf32, #tpu.memory_space<vmem_shared>>
      tpu.wait_indirect_dma semaphore(%arg9 : memref<!tpu.dma_semaphore, #tpu.memory_space<semaphore_mem>>) src(%arg7 : memref<128x16xf32, #tpu.memory_space<vmem>>) dst(%dma_wait3A_237 : memref<10112x16xf32, #tpu.memory_space<vmem_shared>>)
      %dma_wait3A_238 = arith.constant 0 : i32
      %dma_wait3A_239 = tpu.memref_slice %arg6[%add3A_118, %dma_wait3A_238] : memref<80x128xi32, #tpu.memory_space<vmem>> -> memref<1x128xi32, #tpu.memory_space<vmem>>
      %dma_wait3A_240 = tpu.memref_squeeze %dma_wait3A_239 : memref<1x128xi32, #tpu.memory_space<vmem>> -> memref<128xi32, #tpu.memory_space<vmem>>
      %dma_wait3A_241 = arith.constant 0 : i32
      %dma_wait3A_242 = arith.constant 0 : i32
      %dma_wait3A_243 = tpu.memref_slice %arg8[%dma_wait3A_241, %dma_wait3A_242] : memref<10112x16xf32, #tpu.memory_space<vmem_shared>> -> memref<10112x16xf32, #tpu.memory_space<vmem_shared>>
      tpu.wait_indirect_dma semaphore(%arg9 : memref<!tpu.dma_semaphore, #tpu.memory_space<semaphore_mem>>) src(%arg7 : memref<128x16xf32, #tpu.memory_space<vmem>>) dst(%dma_wait3A_243 : memref<10112x16xf32, #tpu.memory_space<vmem_shared>>)
      %dma_wait3A_244 = arith.constant 0 : i32
      %dma_wait3A_245 = tpu.memref_slice %arg6[%add3A_128, %dma_wait3A_244] : memref<80x128xi32, #tpu.memory_space<vmem>> -> memref<1x128xi32, #tpu.memory_space<vmem>>
      %dma_wait3A_246 = tpu.memref_squeeze %dma_wait3A_245 : memref<1x128xi32, #tpu.memory_space<vmem>> -> memref<128xi32, #tpu.memory_space<vmem>>
      %dma_wait3A_247 = arith.constant 0 : i32
      %dma_wait3A_248 = arith.constant 0 : i32
      %dma_wait3A_249 = tpu.memref_slice %arg8[%dma_wait3A_247, %dma_wait3A_248] : memref<10112x16xf32, #tpu.memory_space<vmem_shared>> -> memref<10112x16xf32, #tpu.memory_space<vmem_shared>>
      tpu.wait_indirect_dma semaphore(%arg9 : memref<!tpu.dma_semaphore, #tpu.memory_space<semaphore_mem>>) src(%arg7 : memref<128x16xf32, #tpu.memory_space<vmem>>) dst(%dma_wait3A_249 : memref<10112x16xf32, #tpu.memory_space<vmem_shared>>)
      %dma_wait3A_250 = arith.constant 0 : i32
      %dma_wait3A_251 = tpu.memref_slice %arg6[%add3A_138, %dma_wait3A_250] : memref<80x128xi32, #tpu.memory_space<vmem>> -> memref<1x128xi32, #tpu.memory_space<vmem>>
      %dma_wait3A_252 = tpu.memref_squeeze %dma_wait3A_251 : memref<1x128xi32, #tpu.memory_space<vmem>> -> memref<128xi32, #tpu.memory_space<vmem>>
      %dma_wait3A_253 = arith.constant 0 : i32
      %dma_wait3A_254 = arith.constant 0 : i32
      %dma_wait3A_255 = tpu.memref_slice %arg8[%dma_wait3A_253, %dma_wait3A_254] : memref<10112x16xf32, #tpu.memory_space<vmem_shared>> -> memref<10112x16xf32, #tpu.memory_space<vmem_shared>>
      tpu.wait_indirect_dma semaphore(%arg9 : memref<!tpu.dma_semaphore, #tpu.memory_space<semaphore_mem>>) src(%arg7 : memref<128x16xf32, #tpu.memory_space<vmem>>) dst(%dma_wait3A_255 : memref<10112x16xf32, #tpu.memory_space<vmem_shared>>)
      %dma_wait3A_256 = arith.constant 0 : i32
      %dma_wait3A_257 = tpu.memref_slice %arg6[%add3A_148, %dma_wait3A_256] : memref<80x128xi32, #tpu.memory_space<vmem>> -> memref<1x128xi32, #tpu.memory_space<vmem>>
      %dma_wait3A_258 = tpu.memref_squeeze %dma_wait3A_257 : memref<1x128xi32, #tpu.memory_space<vmem>> -> memref<128xi32, #tpu.memory_space<vmem>>
      %dma_wait3A_259 = arith.constant 0 : i32
      %dma_wait3A_260 = arith.constant 0 : i32
      %dma_wait3A_261 = tpu.memref_slice %arg8[%dma_wait3A_259, %dma_wait3A_260] : memref<10112x16xf32, #tpu.memory_space<vmem_shared>> -> memref<10112x16xf32, #tpu.memory_space<vmem_shared>>
      tpu.wait_indirect_dma semaphore(%arg9 : memref<!tpu.dma_semaphore, #tpu.memory_space<semaphore_mem>>) src(%arg7 : memref<128x16xf32, #tpu.memory_space<vmem>>) dst(%dma_wait3A_261 : memref<10112x16xf32, #tpu.memory_space<vmem_shared>>)
      %dma_wait3A_262 = arith.constant 0 : i32
      %dma_wait3A_263 = tpu.memref_slice %arg6[%add3A_158, %dma_wait3A_262] : memref<80x128xi32, #tpu.memory_space<vmem>> -> memref<1x128xi32, #tpu.memory_space<vmem>>
      %dma_wait3A_264 = tpu.memref_squeeze %dma_wait3A_263 : memref<1x128xi32, #tpu.memory_space<vmem>> -> memref<128xi32, #tpu.memory_space<vmem>>
      %dma_wait3A_265 = arith.constant 0 : i32
      %dma_wait3A_266 = arith.constant 0 : i32
      %dma_wait3A_267 = tpu.memref_slice %arg8[%dma_wait3A_265, %dma_wait3A_266] : memref<10112x16xf32, #tpu.memory_space<vmem_shared>> -> memref<10112x16xf32, #tpu.memory_space<vmem_shared>>
      tpu.wait_indirect_dma semaphore(%arg9 : memref<!tpu.dma_semaphore, #tpu.memory_space<semaphore_mem>>) src(%arg7 : memref<128x16xf32, #tpu.memory_space<vmem>>) dst(%dma_wait3A_267 : memref<10112x16xf32, #tpu.memory_space<vmem_shared>>)
      %dma_wait3A_268 = arith.constant 0 : i32
      %dma_wait3A_269 = tpu.memref_slice %arg6[%add3A_168, %dma_wait3A_268] : memref<80x128xi32, #tpu.memory_space<vmem>> -> memref<1x128xi32, #tpu.memory_space<vmem>>
      %dma_wait3A_270 = tpu.memref_squeeze %dma_wait3A_269 : memref<1x128xi32, #tpu.memory_space<vmem>> -> memref<128xi32, #tpu.memory_space<vmem>>
      %dma_wait3A_271 = arith.constant 0 : i32
      %dma_wait3A_272 = arith.constant 0 : i32
      %dma_wait3A_273 = tpu.memref_slice %arg8[%dma_wait3A_271, %dma_wait3A_272] : memref<10112x16xf32, #tpu.memory_space<vmem_shared>> -> memref<10112x16xf32, #tpu.memory_space<vmem_shared>>
      tpu.wait_indirect_dma semaphore(%arg9 : memref<!tpu.dma_semaphore, #tpu.memory_space<semaphore_mem>>) src(%arg7 : memref<128x16xf32, #tpu.memory_space<vmem>>) dst(%dma_wait3A_273 : memref<10112x16xf32, #tpu.memory_space<vmem_shared>>)
      %dma_wait3A_274 = arith.constant 0 : i32
      %dma_wait3A_275 = tpu.memref_slice %arg6[%add3A_178, %dma_wait3A_274] : memref<80x128xi32, #tpu.memory_space<vmem>> -> memref<1x128xi32, #tpu.memory_space<vmem>>
      %dma_wait3A_276 = tpu.memref_squeeze %dma_wait3A_275 : memref<1x128xi32, #tpu.memory_space<vmem>> -> memref<128xi32, #tpu.memory_space<vmem>>
      %dma_wait3A_277 = arith.constant 0 : i32
      %dma_wait3A_278 = arith.constant 0 : i32
      %dma_wait3A_279 = tpu.memref_slice %arg8[%dma_wait3A_277, %dma_wait3A_278] : memref<10112x16xf32, #tpu.memory_space<vmem_shared>> -> memref<10112x16xf32, #tpu.memory_space<vmem_shared>>
      tpu.wait_indirect_dma semaphore(%arg9 : memref<!tpu.dma_semaphore, #tpu.memory_space<semaphore_mem>>) src(%arg7 : memref<128x16xf32, #tpu.memory_space<vmem>>) dst(%dma_wait3A_279 : memref<10112x16xf32, #tpu.memory_space<vmem_shared>>)
      %scan3A_280 = arith.constant 0 : i32
      scf.yield %scan3A_280 : i32
    }
    %scan3A_10 = arith.constant 5 : i32
    %scan3A_11 = arith.constant 0 : i32
    %scan3A_12 = arith.constant 80 : i32
    %scan3A_13 = arith.constant 0 : i32
    %scan3A_14 = arith.addi %scan3A_12, %scan3A_13 : i32
    %scan3A_15 = arith.constant 0 : i32
    %barrier3A_16 = arith.constant 0 : index
    tpu.barrier barrier_id(%barrier3A_16)
    %mul3A_17 = arith.constant 632 : i32
    %mul3A_18 = arith.muli %arg1, %mul3A_17 : i32
    %mul3A_19 = arith.constant 10112 : i32
    %mul3A_20 = arith.muli %arg0, %mul3A_19 : i32
    %mul3A_21 = arith.constant 632 : i32
    %mul3A_22 = arith.muli %arg1, %mul3A_21 : i32
    %add3A_23 = arith.addi %mul3A_20, %mul3A_22 : i32
    "tpu.region"() ({
      %run_scoped3A = tpu.sem_alloc : memref<!tpu.dma_semaphore, #tpu.memory_space<semaphore_mem>>
      %dma_start3A = arith.constant 0 : i32
      %dma_start3A_24 = tpu.memref_slice %arg5[%add3A_23, %dma_start3A] : memref<20224x16xf32, #tpu.memory_space<hbm>> -> memref<632x16xf32, #tpu.memory_space<hbm>>
      %dma_start3A_25 = arith.constant 0 : i32
      %dma_start3A_26 = tpu.memref_slice %arg8[%mul3A_18, %dma_start3A_25] : memref<10112x16xf32, #tpu.memory_space<vmem_shared>> -> memref<632x16xf32, #tpu.memory_space<vmem_shared>>
      tpu.enqueue_dma source(%dma_start3A_26 : memref<632x16xf32, #tpu.memory_space<vmem_shared>>) target(%dma_start3A_24 : memref<632x16xf32, #tpu.memory_space<hbm>>) target_semaphore(%run_scoped3A : memref<!tpu.dma_semaphore, #tpu.memory_space<semaphore_mem>>)
      %dma_wait3A = arith.constant 0 : i32
      %dma_wait3A_27 = tpu.memref_slice %arg5[%add3A_23, %dma_wait3A] : memref<20224x16xf32, #tpu.memory_space<hbm>> -> memref<632x16xf32, #tpu.memory_space<hbm>>
      %dma_wait3A_28 = arith.constant 0 : i32
      %dma_wait3A_29 = tpu.memref_slice %arg8[%mul3A_18, %dma_wait3A_28] : memref<10112x16xf32, #tpu.memory_space<vmem_shared>> -> memref<632x16xf32, #tpu.memory_space<vmem_shared>>
      tpu.wait_dma2 semaphore(%run_scoped3A : memref<!tpu.dma_semaphore, #tpu.memory_space<semaphore_mem>>) src(%dma_wait3A_29 : memref<632x16xf32, #tpu.memory_space<vmem_shared>>) dst(%dma_wait3A_27 : memref<632x16xf32, #tpu.memory_space<hbm>>)
      tpu.yield
    }) : () -> ()
    return
  }
}

#map = affine_map<(d0, d1) -> (0, 0)>
module attributes {stable_mosaic.version = 14 : i64} {
  func.func @k(%arg0: i32, %arg1: i32, %arg2: memref<2560x128xi32, #tpu.memory_space<hbm>>, %arg3: memref<2560x128xi32, #tpu.memory_space<hbm>>, %arg4: memref<10000x32xf32, #tpu.memory_space<hbm>>, %arg5: memref<632x32xf32, #tpu.memory_space<hbm>>, %arg6: memref<20224x32xf32, #tpu.memory_space<hbm>>, %arg7: memref<80x128xi32, #tpu.memory_space<vmem>>, %arg8: memref<16x128xi32, #tpu.memory_space<vmem>>, %arg9: memref<128x32xf32, #tpu.memory_space<vmem>>, %arg10: memref<128x32xf32, #tpu.memory_space<vmem>>, %arg11: memref<128x32xf32, #tpu.memory_space<vmem>>, %arg12: memref<128x32xf32, #tpu.memory_space<vmem>>, %arg13: memref<128x32xf32, #tpu.memory_space<vmem>>, %arg14: memref<128x32xf32, #tpu.memory_space<vmem>>, %arg15: memref<128x32xf32, #tpu.memory_space<vmem>>, %arg16: memref<128x32xf32, #tpu.memory_space<vmem>>, %arg17: memref<128x32xf32, #tpu.memory_space<vmem>>, %arg18: memref<128x32xf32, #tpu.memory_space<vmem>>, %arg19: memref<128x32xf32, #tpu.memory_space<vmem>>, %arg20: memref<128x32xf32, #tpu.memory_space<vmem>>, %arg21: memref<128x32xf32, #tpu.memory_space<vmem>>, %arg22: memref<128x32xf32, #tpu.memory_space<vmem>>, %arg23: memref<128x32xf32, #tpu.memory_space<vmem>>, %arg24: memref<128x32xf32, #tpu.memory_space<vmem>>, %arg25: memref<10112x32xf32, #tpu.memory_space<vmem_shared>>, %arg26: memref<10000x32xf32, #tpu.memory_space<vmem_shared>>, %arg27: memref<!tpu.dma_semaphore, #tpu.memory_space<semaphore_mem>>, %arg28: memref<!tpu.dma_semaphore, #tpu.memory_space<semaphore_mem>>) attributes {dimension_semantics = [#tpu.dimension_semantics<core_parallel>, #tpu.dimension_semantics<subcore_parallel>], iteration_bounds = array<i64: 2, 16>, scalar_prefetch = 0 : i64, scratch_operands = 22 : i64, tpu.core_type = #tpu.core_type<sc_vector_subcore>, window_params = [{transform_indices = #map}, {transform_indices = #map}, {transform_indices = #map}, {transform_indices = #map}, {transform_indices = #map}]} {
    %mul3A = arith.constant 2 : i32
    %mul3A_0 = arith.muli %arg1, %mul3A : i32
    %add3A = arith.addi %mul3A_0, %arg0 : i32
    %mul3A_1 = arith.constant 80 : i32
    %mul3A_2 = arith.muli %add3A, %mul3A_1 : i32
    "tpu.region"() ({
      %run_scoped3A = tpu.sem_alloc : memref<!tpu.dma_semaphore, #tpu.memory_space<semaphore_mem>>
      %dma_start3A = arith.constant 0 : i32
      %dma_start3A_25 = tpu.memref_slice %arg3[%mul3A_2, %dma_start3A] : memref<2560x128xi32, #tpu.memory_space<hbm>> -> memref<80x128xi32, #tpu.memory_space<hbm>>
      %dma_start3A_26 = arith.constant 0 : i32
      %dma_start3A_27 = tpu.memref_slice %arg3[%mul3A_2, %dma_start3A_26] : memref<2560x128xi32, #tpu.memory_space<hbm>> -> memref<80x128xi32, #tpu.memory_space<hbm>>
      tpu.enqueue_dma source(%dma_start3A_27 : memref<80x128xi32, #tpu.memory_space<hbm>>) target(%arg7 : memref<80x128xi32, #tpu.memory_space<vmem>>) target_semaphore(%run_scoped3A : memref<!tpu.dma_semaphore, #tpu.memory_space<semaphore_mem>>)
      %dma_wait3A = arith.constant 0 : i32
      %dma_wait3A_28 = tpu.memref_slice %arg3[%mul3A_2, %dma_wait3A] : memref<2560x128xi32, #tpu.memory_space<hbm>> -> memref<80x128xi32, #tpu.memory_space<hbm>>
      %dma_wait3A_29 = arith.constant 0 : i32
      %dma_wait3A_30 = tpu.memref_slice %arg3[%mul3A_2, %dma_wait3A_29] : memref<2560x128xi32, #tpu.memory_space<hbm>> -> memref<80x128xi32, #tpu.memory_space<hbm>>
      tpu.wait_dma2 semaphore(%run_scoped3A : memref<!tpu.dma_semaphore, #tpu.memory_space<semaphore_mem>>) src(%dma_wait3A_30 : memref<80x128xi32, #tpu.memory_space<hbm>>) dst(%arg7 : memref<80x128xi32, #tpu.memory_space<vmem>>)
      tpu.yield
    }) : () -> ()
    %mul3A_3 = arith.constant 625 : i32
    %mul3A_4 = arith.muli %arg1, %mul3A_3 : i32
    %mul3A_5 = arith.constant 625 : i32
    %mul3A_6 = arith.muli %arg1, %mul3A_5 : i32
    "tpu.region"() ({
      %run_scoped3A = tpu.sem_alloc : memref<!tpu.dma_semaphore, #tpu.memory_space<semaphore_mem>>
      %dma_start3A = arith.constant 0 : i32
      %dma_start3A_25 = tpu.memref_slice %arg26[%mul3A_6, %dma_start3A] : memref<10000x32xf32, #tpu.memory_space<vmem_shared>> -> memref<625x32xf32, #tpu.memory_space<vmem_shared>>
      %dma_start3A_26 = arith.constant 0 : i32
      %dma_start3A_27 = tpu.memref_slice %arg4[%mul3A_4, %dma_start3A_26] : memref<10000x32xf32, #tpu.memory_space<hbm>> -> memref<625x32xf32, #tpu.memory_space<hbm>>
      tpu.enqueue_dma source(%dma_start3A_27 : memref<625x32xf32, #tpu.memory_space<hbm>>) target(%dma_start3A_25 : memref<625x32xf32, #tpu.memory_space<vmem_shared>>) target_semaphore(%run_scoped3A : memref<!tpu.dma_semaphore, #tpu.memory_space<semaphore_mem>>)
      %dma_wait3A = arith.constant 0 : i32
      %dma_wait3A_28 = tpu.memref_slice %arg26[%mul3A_6, %dma_wait3A] : memref<10000x32xf32, #tpu.memory_space<vmem_shared>> -> memref<625x32xf32, #tpu.memory_space<vmem_shared>>
      %dma_wait3A_29 = arith.constant 0 : i32
      %dma_wait3A_30 = tpu.memref_slice %arg4[%mul3A_4, %dma_wait3A_29] : memref<10000x32xf32, #tpu.memory_space<hbm>> -> memref<625x32xf32, #tpu.memory_space<hbm>>
      tpu.wait_dma2 semaphore(%run_scoped3A : memref<!tpu.dma_semaphore, #tpu.memory_space<semaphore_mem>>) src(%dma_wait3A_30 : memref<625x32xf32, #tpu.memory_space<hbm>>) dst(%dma_wait3A_28 : memref<625x32xf32, #tpu.memory_space<vmem_shared>>)
      tpu.yield
    }) : () -> ()
    %mul3A_7 = arith.constant 632 : i32
    %mul3A_8 = arith.muli %arg1, %mul3A_7 : i32
    "tpu.region"() ({
      %run_scoped3A = tpu.sem_alloc : memref<!tpu.dma_semaphore, #tpu.memory_space<semaphore_mem>>
      %dma_start3A = arith.constant 0 : i32
      %dma_start3A_25 = tpu.memref_slice %arg25[%mul3A_8, %dma_start3A] : memref<10112x32xf32, #tpu.memory_space<vmem_shared>> -> memref<632x32xf32, #tpu.memory_space<vmem_shared>>
      tpu.enqueue_dma source(%arg5 : memref<632x32xf32, #tpu.memory_space<hbm>>) target(%dma_start3A_25 : memref<632x32xf32, #tpu.memory_space<vmem_shared>>) target_semaphore(%run_scoped3A : memref<!tpu.dma_semaphore, #tpu.memory_space<semaphore_mem>>)
      %dma_wait3A = arith.constant 0 : i32
      %dma_wait3A_26 = tpu.memref_slice %arg25[%mul3A_8, %dma_wait3A] : memref<10112x32xf32, #tpu.memory_space<vmem_shared>> -> memref<632x32xf32, #tpu.memory_space<vmem_shared>>
      tpu.wait_dma2 semaphore(%run_scoped3A : memref<!tpu.dma_semaphore, #tpu.memory_space<semaphore_mem>>) src(%arg5 : memref<632x32xf32, #tpu.memory_space<hbm>>) dst(%dma_wait3A_26 : memref<632x32xf32, #tpu.memory_space<vmem_shared>>)
      tpu.yield
    }) : () -> ()
    %barrier3A = arith.constant 0 : index
    tpu.barrier barrier_id(%barrier3A)
    %mul3A_9 = arith.constant 80 : i32
    %mul3A_10 = arith.muli %add3A, %mul3A_9 : i32
    %scan3A = arith.constant 0 : i32
    %scan3A_11 = arith.constant 0 : i32
    %scan3A_12 = arith.constant 5 : i32
    %scan3A_13 = arith.addi %scan3A_11, %scan3A_12 : i32
    %scan3A_14 = arith.constant 1 : i32
    %scan3A_15 = scf.for %scan3A_25 = %scan3A_11 to %scan3A_13 step %scan3A_14 iter_args(%scan3A_26 = %scan3A) -> (i32)  : i32 {
      %mul3A_27 = arith.constant 16 : i32
      %mul3A_28 = arith.muli %scan3A_25, %mul3A_27 : i32
      %add3A_29 = arith.addi %mul3A_10, %mul3A_28 : i32
      "tpu.region"() ({
        %run_scoped3A = tpu.sem_alloc : memref<!tpu.dma_semaphore, #tpu.memory_space<semaphore_mem>>
        %dma_start3A_509 = arith.constant 0 : i32
        %dma_start3A_510 = tpu.memref_slice %arg2[%add3A_29, %dma_start3A_509] : memref<2560x128xi32, #tpu.memory_space<hbm>> -> memref<16x128xi32, #tpu.memory_space<hbm>>
        %dma_start3A_511 = arith.constant 0 : i32
        %dma_start3A_512 = tpu.memref_slice %arg2[%add3A_29, %dma_start3A_511] : memref<2560x128xi32, #tpu.memory_space<hbm>> -> memref<16x128xi32, #tpu.memory_space<hbm>>
        tpu.enqueue_dma source(%dma_start3A_512 : memref<16x128xi32, #tpu.memory_space<hbm>>) target(%arg8 : memref<16x128xi32, #tpu.memory_space<vmem>>) target_semaphore(%run_scoped3A : memref<!tpu.dma_semaphore, #tpu.memory_space<semaphore_mem>>)
        %dma_wait3A_513 = arith.constant 0 : i32
        %dma_wait3A_514 = tpu.memref_slice %arg2[%add3A_29, %dma_wait3A_513] : memref<2560x128xi32, #tpu.memory_space<hbm>> -> memref<16x128xi32, #tpu.memory_space<hbm>>
        %dma_wait3A_515 = arith.constant 0 : i32
        %dma_wait3A_516 = tpu.memref_slice %arg2[%add3A_29, %dma_wait3A_515] : memref<2560x128xi32, #tpu.memory_space<hbm>> -> memref<16x128xi32, #tpu.memory_space<hbm>>
        tpu.wait_dma2 semaphore(%run_scoped3A : memref<!tpu.dma_semaphore, #tpu.memory_space<semaphore_mem>>) src(%dma_wait3A_516 : memref<16x128xi32, #tpu.memory_space<hbm>>) dst(%arg8 : memref<16x128xi32, #tpu.memory_space<vmem>>)
        tpu.yield
      }) : () -> ()
      %dma_start3A = arith.constant 0 : i32
      %dma_start3A_30 = arith.constant 0 : i32
      %dma_start3A_31 = tpu.memref_slice %arg8[%dma_start3A, %dma_start3A_30] : memref<16x128xi32, #tpu.memory_space<vmem>> -> memref<1x128xi32, #tpu.memory_space<vmem>>
      %dma_start3A_32 = tpu.memref_squeeze %dma_start3A_31 : memref<1x128xi32, #tpu.memory_space<vmem>> -> memref<128xi32, #tpu.memory_space<vmem>>
      %dma_start3A_33 = arith.constant 0 : i32
      %dma_start3A_34 = arith.constant 0 : i32
      %dma_start3A_35 = tpu.memref_slice %arg26[%dma_start3A_33, %dma_start3A_34] : memref<10000x32xf32, #tpu.memory_space<vmem_shared>> -> memref<10000x32xf32, #tpu.memory_space<vmem_shared>>
      tpu.enqueue_indirect_dma source(%dma_start3A_35 : memref<10000x32xf32, #tpu.memory_space<vmem_shared>>) target(%arg9 : memref<128x32xf32, #tpu.memory_space<vmem>>) offsets(%dma_start3A_32 : memref<128xi32, #tpu.memory_space<vmem>>) semaphore(%arg27 : memref<!tpu.dma_semaphore, #tpu.memory_space<semaphore_mem>>)
      %dma_start3A_36 = arith.constant 1 : i32
      %dma_start3A_37 = arith.constant 0 : i32
      %dma_start3A_38 = tpu.memref_slice %arg8[%dma_start3A_36, %dma_start3A_37] : memref<16x128xi32, #tpu.memory_space<vmem>> -> memref<1x128xi32, #tpu.memory_space<vmem>>
      %dma_start3A_39 = tpu.memref_squeeze %dma_start3A_38 : memref<1x128xi32, #tpu.memory_space<vmem>> -> memref<128xi32, #tpu.memory_space<vmem>>
      %dma_start3A_40 = arith.constant 0 : i32
      %dma_start3A_41 = arith.constant 0 : i32
      %dma_start3A_42 = tpu.memref_slice %arg26[%dma_start3A_40, %dma_start3A_41] : memref<10000x32xf32, #tpu.memory_space<vmem_shared>> -> memref<10000x32xf32, #tpu.memory_space<vmem_shared>>
      tpu.enqueue_indirect_dma source(%dma_start3A_42 : memref<10000x32xf32, #tpu.memory_space<vmem_shared>>) target(%arg10 : memref<128x32xf32, #tpu.memory_space<vmem>>) offsets(%dma_start3A_39 : memref<128xi32, #tpu.memory_space<vmem>>) semaphore(%arg27 : memref<!tpu.dma_semaphore, #tpu.memory_space<semaphore_mem>>)
      %dma_start3A_43 = arith.constant 2 : i32
      %dma_start3A_44 = arith.constant 0 : i32
      %dma_start3A_45 = tpu.memref_slice %arg8[%dma_start3A_43, %dma_start3A_44] : memref<16x128xi32, #tpu.memory_space<vmem>> -> memref<1x128xi32, #tpu.memory_space<vmem>>
      %dma_start3A_46 = tpu.memref_squeeze %dma_start3A_45 : memref<1x128xi32, #tpu.memory_space<vmem>> -> memref<128xi32, #tpu.memory_space<vmem>>
      %dma_start3A_47 = arith.constant 0 : i32
      %dma_start3A_48 = arith.constant 0 : i32
      %dma_start3A_49 = tpu.memref_slice %arg26[%dma_start3A_47, %dma_start3A_48] : memref<10000x32xf32, #tpu.memory_space<vmem_shared>> -> memref<10000x32xf32, #tpu.memory_space<vmem_shared>>
      tpu.enqueue_indirect_dma source(%dma_start3A_49 : memref<10000x32xf32, #tpu.memory_space<vmem_shared>>) target(%arg11 : memref<128x32xf32, #tpu.memory_space<vmem>>) offsets(%dma_start3A_46 : memref<128xi32, #tpu.memory_space<vmem>>) semaphore(%arg27 : memref<!tpu.dma_semaphore, #tpu.memory_space<semaphore_mem>>)
      %dma_start3A_50 = arith.constant 3 : i32
      %dma_start3A_51 = arith.constant 0 : i32
      %dma_start3A_52 = tpu.memref_slice %arg8[%dma_start3A_50, %dma_start3A_51] : memref<16x128xi32, #tpu.memory_space<vmem>> -> memref<1x128xi32, #tpu.memory_space<vmem>>
      %dma_start3A_53 = tpu.memref_squeeze %dma_start3A_52 : memref<1x128xi32, #tpu.memory_space<vmem>> -> memref<128xi32, #tpu.memory_space<vmem>>
      %dma_start3A_54 = arith.constant 0 : i32
      %dma_start3A_55 = arith.constant 0 : i32
      %dma_start3A_56 = tpu.memref_slice %arg26[%dma_start3A_54, %dma_start3A_55] : memref<10000x32xf32, #tpu.memory_space<vmem_shared>> -> memref<10000x32xf32, #tpu.memory_space<vmem_shared>>
      tpu.enqueue_indirect_dma source(%dma_start3A_56 : memref<10000x32xf32, #tpu.memory_space<vmem_shared>>) target(%arg12 : memref<128x32xf32, #tpu.memory_space<vmem>>) offsets(%dma_start3A_53 : memref<128xi32, #tpu.memory_space<vmem>>) semaphore(%arg27 : memref<!tpu.dma_semaphore, #tpu.memory_space<semaphore_mem>>)
      %dma_start3A_57 = arith.constant 4 : i32
      %dma_start3A_58 = arith.constant 0 : i32
      %dma_start3A_59 = tpu.memref_slice %arg8[%dma_start3A_57, %dma_start3A_58] : memref<16x128xi32, #tpu.memory_space<vmem>> -> memref<1x128xi32, #tpu.memory_space<vmem>>
      %dma_start3A_60 = tpu.memref_squeeze %dma_start3A_59 : memref<1x128xi32, #tpu.memory_space<vmem>> -> memref<128xi32, #tpu.memory_space<vmem>>
      %dma_start3A_61 = arith.constant 0 : i32
      %dma_start3A_62 = arith.constant 0 : i32
      %dma_start3A_63 = tpu.memref_slice %arg26[%dma_start3A_61, %dma_start3A_62] : memref<10000x32xf32, #tpu.memory_space<vmem_shared>> -> memref<10000x32xf32, #tpu.memory_space<vmem_shared>>
      tpu.enqueue_indirect_dma source(%dma_start3A_63 : memref<10000x32xf32, #tpu.memory_space<vmem_shared>>) target(%arg13 : memref<128x32xf32, #tpu.memory_space<vmem>>) offsets(%dma_start3A_60 : memref<128xi32, #tpu.memory_space<vmem>>) semaphore(%arg27 : memref<!tpu.dma_semaphore, #tpu.memory_space<semaphore_mem>>)
      %dma_start3A_64 = arith.constant 5 : i32
      %dma_start3A_65 = arith.constant 0 : i32
      %dma_start3A_66 = tpu.memref_slice %arg8[%dma_start3A_64, %dma_start3A_65] : memref<16x128xi32, #tpu.memory_space<vmem>> -> memref<1x128xi32, #tpu.memory_space<vmem>>
      %dma_start3A_67 = tpu.memref_squeeze %dma_start3A_66 : memref<1x128xi32, #tpu.memory_space<vmem>> -> memref<128xi32, #tpu.memory_space<vmem>>
      %dma_start3A_68 = arith.constant 0 : i32
      %dma_start3A_69 = arith.constant 0 : i32
      %dma_start3A_70 = tpu.memref_slice %arg26[%dma_start3A_68, %dma_start3A_69] : memref<10000x32xf32, #tpu.memory_space<vmem_shared>> -> memref<10000x32xf32, #tpu.memory_space<vmem_shared>>
      tpu.enqueue_indirect_dma source(%dma_start3A_70 : memref<10000x32xf32, #tpu.memory_space<vmem_shared>>) target(%arg14 : memref<128x32xf32, #tpu.memory_space<vmem>>) offsets(%dma_start3A_67 : memref<128xi32, #tpu.memory_space<vmem>>) semaphore(%arg27 : memref<!tpu.dma_semaphore, #tpu.memory_space<semaphore_mem>>)
      %dma_start3A_71 = arith.constant 6 : i32
      %dma_start3A_72 = arith.constant 0 : i32
      %dma_start3A_73 = tpu.memref_slice %arg8[%dma_start3A_71, %dma_start3A_72] : memref<16x128xi32, #tpu.memory_space<vmem>> -> memref<1x128xi32, #tpu.memory_space<vmem>>
      %dma_start3A_74 = tpu.memref_squeeze %dma_start3A_73 : memref<1x128xi32, #tpu.memory_space<vmem>> -> memref<128xi32, #tpu.memory_space<vmem>>
      %dma_start3A_75 = arith.constant 0 : i32
      %dma_start3A_76 = arith.constant 0 : i32
      %dma_start3A_77 = tpu.memref_slice %arg26[%dma_start3A_75, %dma_start3A_76] : memref<10000x32xf32, #tpu.memory_space<vmem_shared>> -> memref<10000x32xf32, #tpu.memory_space<vmem_shared>>
      tpu.enqueue_indirect_dma source(%dma_start3A_77 : memref<10000x32xf32, #tpu.memory_space<vmem_shared>>) target(%arg15 : memref<128x32xf32, #tpu.memory_space<vmem>>) offsets(%dma_start3A_74 : memref<128xi32, #tpu.memory_space<vmem>>) semaphore(%arg27 : memref<!tpu.dma_semaphore, #tpu.memory_space<semaphore_mem>>)
      %dma_start3A_78 = arith.constant 7 : i32
      %dma_start3A_79 = arith.constant 0 : i32
      %dma_start3A_80 = tpu.memref_slice %arg8[%dma_start3A_78, %dma_start3A_79] : memref<16x128xi32, #tpu.memory_space<vmem>> -> memref<1x128xi32, #tpu.memory_space<vmem>>
      %dma_start3A_81 = tpu.memref_squeeze %dma_start3A_80 : memref<1x128xi32, #tpu.memory_space<vmem>> -> memref<128xi32, #tpu.memory_space<vmem>>
      %dma_start3A_82 = arith.constant 0 : i32
      %dma_start3A_83 = arith.constant 0 : i32
      %dma_start3A_84 = tpu.memref_slice %arg26[%dma_start3A_82, %dma_start3A_83] : memref<10000x32xf32, #tpu.memory_space<vmem_shared>> -> memref<10000x32xf32, #tpu.memory_space<vmem_shared>>
      tpu.enqueue_indirect_dma source(%dma_start3A_84 : memref<10000x32xf32, #tpu.memory_space<vmem_shared>>) target(%arg16 : memref<128x32xf32, #tpu.memory_space<vmem>>) offsets(%dma_start3A_81 : memref<128xi32, #tpu.memory_space<vmem>>) semaphore(%arg27 : memref<!tpu.dma_semaphore, #tpu.memory_space<semaphore_mem>>)
      %dma_start3A_85 = arith.constant 8 : i32
      %dma_start3A_86 = arith.constant 0 : i32
      %dma_start3A_87 = tpu.memref_slice %arg8[%dma_start3A_85, %dma_start3A_86] : memref<16x128xi32, #tpu.memory_space<vmem>> -> memref<1x128xi32, #tpu.memory_space<vmem>>
      %dma_start3A_88 = tpu.memref_squeeze %dma_start3A_87 : memref<1x128xi32, #tpu.memory_space<vmem>> -> memref<128xi32, #tpu.memory_space<vmem>>
      %dma_start3A_89 = arith.constant 0 : i32
      %dma_start3A_90 = arith.constant 0 : i32
      %dma_start3A_91 = tpu.memref_slice %arg26[%dma_start3A_89, %dma_start3A_90] : memref<10000x32xf32, #tpu.memory_space<vmem_shared>> -> memref<10000x32xf32, #tpu.memory_space<vmem_shared>>
      tpu.enqueue_indirect_dma source(%dma_start3A_91 : memref<10000x32xf32, #tpu.memory_space<vmem_shared>>) target(%arg17 : memref<128x32xf32, #tpu.memory_space<vmem>>) offsets(%dma_start3A_88 : memref<128xi32, #tpu.memory_space<vmem>>) semaphore(%arg27 : memref<!tpu.dma_semaphore, #tpu.memory_space<semaphore_mem>>)
      %dma_start3A_92 = arith.constant 9 : i32
      %dma_start3A_93 = arith.constant 0 : i32
      %dma_start3A_94 = tpu.memref_slice %arg8[%dma_start3A_92, %dma_start3A_93] : memref<16x128xi32, #tpu.memory_space<vmem>> -> memref<1x128xi32, #tpu.memory_space<vmem>>
      %dma_start3A_95 = tpu.memref_squeeze %dma_start3A_94 : memref<1x128xi32, #tpu.memory_space<vmem>> -> memref<128xi32, #tpu.memory_space<vmem>>
      %dma_start3A_96 = arith.constant 0 : i32
      %dma_start3A_97 = arith.constant 0 : i32
      %dma_start3A_98 = tpu.memref_slice %arg26[%dma_start3A_96, %dma_start3A_97] : memref<10000x32xf32, #tpu.memory_space<vmem_shared>> -> memref<10000x32xf32, #tpu.memory_space<vmem_shared>>
      tpu.enqueue_indirect_dma source(%dma_start3A_98 : memref<10000x32xf32, #tpu.memory_space<vmem_shared>>) target(%arg18 : memref<128x32xf32, #tpu.memory_space<vmem>>) offsets(%dma_start3A_95 : memref<128xi32, #tpu.memory_space<vmem>>) semaphore(%arg27 : memref<!tpu.dma_semaphore, #tpu.memory_space<semaphore_mem>>)
      %dma_start3A_99 = arith.constant 10 : i32
      %dma_start3A_100 = arith.constant 0 : i32
      %dma_start3A_101 = tpu.memref_slice %arg8[%dma_start3A_99, %dma_start3A_100] : memref<16x128xi32, #tpu.memory_space<vmem>> -> memref<1x128xi32, #tpu.memory_space<vmem>>
      %dma_start3A_102 = tpu.memref_squeeze %dma_start3A_101 : memref<1x128xi32, #tpu.memory_space<vmem>> -> memref<128xi32, #tpu.memory_space<vmem>>
      %dma_start3A_103 = arith.constant 0 : i32
      %dma_start3A_104 = arith.constant 0 : i32
      %dma_start3A_105 = tpu.memref_slice %arg26[%dma_start3A_103, %dma_start3A_104] : memref<10000x32xf32, #tpu.memory_space<vmem_shared>> -> memref<10000x32xf32, #tpu.memory_space<vmem_shared>>
      tpu.enqueue_indirect_dma source(%dma_start3A_105 : memref<10000x32xf32, #tpu.memory_space<vmem_shared>>) target(%arg19 : memref<128x32xf32, #tpu.memory_space<vmem>>) offsets(%dma_start3A_102 : memref<128xi32, #tpu.memory_space<vmem>>) semaphore(%arg27 : memref<!tpu.dma_semaphore, #tpu.memory_space<semaphore_mem>>)
      %dma_start3A_106 = arith.constant 11 : i32
      %dma_start3A_107 = arith.constant 0 : i32
      %dma_start3A_108 = tpu.memref_slice %arg8[%dma_start3A_106, %dma_start3A_107] : memref<16x128xi32, #tpu.memory_space<vmem>> -> memref<1x128xi32, #tpu.memory_space<vmem>>
      %dma_start3A_109 = tpu.memref_squeeze %dma_start3A_108 : memref<1x128xi32, #tpu.memory_space<vmem>> -> memref<128xi32, #tpu.memory_space<vmem>>
      %dma_start3A_110 = arith.constant 0 : i32
      %dma_start3A_111 = arith.constant 0 : i32
      %dma_start3A_112 = tpu.memref_slice %arg26[%dma_start3A_110, %dma_start3A_111] : memref<10000x32xf32, #tpu.memory_space<vmem_shared>> -> memref<10000x32xf32, #tpu.memory_space<vmem_shared>>
      tpu.enqueue_indirect_dma source(%dma_start3A_112 : memref<10000x32xf32, #tpu.memory_space<vmem_shared>>) target(%arg20 : memref<128x32xf32, #tpu.memory_space<vmem>>) offsets(%dma_start3A_109 : memref<128xi32, #tpu.memory_space<vmem>>) semaphore(%arg27 : memref<!tpu.dma_semaphore, #tpu.memory_space<semaphore_mem>>)
      %dma_start3A_113 = arith.constant 12 : i32
      %dma_start3A_114 = arith.constant 0 : i32
      %dma_start3A_115 = tpu.memref_slice %arg8[%dma_start3A_113, %dma_start3A_114] : memref<16x128xi32, #tpu.memory_space<vmem>> -> memref<1x128xi32, #tpu.memory_space<vmem>>
      %dma_start3A_116 = tpu.memref_squeeze %dma_start3A_115 : memref<1x128xi32, #tpu.memory_space<vmem>> -> memref<128xi32, #tpu.memory_space<vmem>>
      %dma_start3A_117 = arith.constant 0 : i32
      %dma_start3A_118 = arith.constant 0 : i32
      %dma_start3A_119 = tpu.memref_slice %arg26[%dma_start3A_117, %dma_start3A_118] : memref<10000x32xf32, #tpu.memory_space<vmem_shared>> -> memref<10000x32xf32, #tpu.memory_space<vmem_shared>>
      tpu.enqueue_indirect_dma source(%dma_start3A_119 : memref<10000x32xf32, #tpu.memory_space<vmem_shared>>) target(%arg21 : memref<128x32xf32, #tpu.memory_space<vmem>>) offsets(%dma_start3A_116 : memref<128xi32, #tpu.memory_space<vmem>>) semaphore(%arg27 : memref<!tpu.dma_semaphore, #tpu.memory_space<semaphore_mem>>)
      %dma_start3A_120 = arith.constant 13 : i32
      %dma_start3A_121 = arith.constant 0 : i32
      %dma_start3A_122 = tpu.memref_slice %arg8[%dma_start3A_120, %dma_start3A_121] : memref<16x128xi32, #tpu.memory_space<vmem>> -> memref<1x128xi32, #tpu.memory_space<vmem>>
      %dma_start3A_123 = tpu.memref_squeeze %dma_start3A_122 : memref<1x128xi32, #tpu.memory_space<vmem>> -> memref<128xi32, #tpu.memory_space<vmem>>
      %dma_start3A_124 = arith.constant 0 : i32
      %dma_start3A_125 = arith.constant 0 : i32
      %dma_start3A_126 = tpu.memref_slice %arg26[%dma_start3A_124, %dma_start3A_125] : memref<10000x32xf32, #tpu.memory_space<vmem_shared>> -> memref<10000x32xf32, #tpu.memory_space<vmem_shared>>
      tpu.enqueue_indirect_dma source(%dma_start3A_126 : memref<10000x32xf32, #tpu.memory_space<vmem_shared>>) target(%arg22 : memref<128x32xf32, #tpu.memory_space<vmem>>) offsets(%dma_start3A_123 : memref<128xi32, #tpu.memory_space<vmem>>) semaphore(%arg27 : memref<!tpu.dma_semaphore, #tpu.memory_space<semaphore_mem>>)
      %dma_start3A_127 = arith.constant 14 : i32
      %dma_start3A_128 = arith.constant 0 : i32
      %dma_start3A_129 = tpu.memref_slice %arg8[%dma_start3A_127, %dma_start3A_128] : memref<16x128xi32, #tpu.memory_space<vmem>> -> memref<1x128xi32, #tpu.memory_space<vmem>>
      %dma_start3A_130 = tpu.memref_squeeze %dma_start3A_129 : memref<1x128xi32, #tpu.memory_space<vmem>> -> memref<128xi32, #tpu.memory_space<vmem>>
      %dma_start3A_131 = arith.constant 0 : i32
      %dma_start3A_132 = arith.constant 0 : i32
      %dma_start3A_133 = tpu.memref_slice %arg26[%dma_start3A_131, %dma_start3A_132] : memref<10000x32xf32, #tpu.memory_space<vmem_shared>> -> memref<10000x32xf32, #tpu.memory_space<vmem_shared>>
      tpu.enqueue_indirect_dma source(%dma_start3A_133 : memref<10000x32xf32, #tpu.memory_space<vmem_shared>>) target(%arg23 : memref<128x32xf32, #tpu.memory_space<vmem>>) offsets(%dma_start3A_130 : memref<128xi32, #tpu.memory_space<vmem>>) semaphore(%arg27 : memref<!tpu.dma_semaphore, #tpu.memory_space<semaphore_mem>>)
      %dma_start3A_134 = arith.constant 15 : i32
      %dma_start3A_135 = arith.constant 0 : i32
      %dma_start3A_136 = tpu.memref_slice %arg8[%dma_start3A_134, %dma_start3A_135] : memref<16x128xi32, #tpu.memory_space<vmem>> -> memref<1x128xi32, #tpu.memory_space<vmem>>
      %dma_start3A_137 = tpu.memref_squeeze %dma_start3A_136 : memref<1x128xi32, #tpu.memory_space<vmem>> -> memref<128xi32, #tpu.memory_space<vmem>>
      %dma_start3A_138 = arith.constant 0 : i32
      %dma_start3A_139 = arith.constant 0 : i32
      %dma_start3A_140 = tpu.memref_slice %arg26[%dma_start3A_138, %dma_start3A_139] : memref<10000x32xf32, #tpu.memory_space<vmem_shared>> -> memref<10000x32xf32, #tpu.memory_space<vmem_shared>>
      tpu.enqueue_indirect_dma source(%dma_start3A_140 : memref<10000x32xf32, #tpu.memory_space<vmem_shared>>) target(%arg24 : memref<128x32xf32, #tpu.memory_space<vmem>>) offsets(%dma_start3A_137 : memref<128xi32, #tpu.memory_space<vmem>>) semaphore(%arg27 : memref<!tpu.dma_semaphore, #tpu.memory_space<semaphore_mem>>)
      %dma_wait3A = arith.constant 0 : i32
      %dma_wait3A_141 = arith.constant 0 : i32
      %dma_wait3A_142 = tpu.memref_slice %arg8[%dma_wait3A, %dma_wait3A_141] : memref<16x128xi32, #tpu.memory_space<vmem>> -> memref<1x128xi32, #tpu.memory_space<vmem>>
      %dma_wait3A_143 = tpu.memref_squeeze %dma_wait3A_142 : memref<1x128xi32, #tpu.memory_space<vmem>> -> memref<128xi32, #tpu.memory_space<vmem>>
      %dma_wait3A_144 = arith.constant 0 : i32
      %dma_wait3A_145 = arith.constant 0 : i32
      %dma_wait3A_146 = tpu.memref_slice %arg26[%dma_wait3A_144, %dma_wait3A_145] : memref<10000x32xf32, #tpu.memory_space<vmem_shared>> -> memref<10000x32xf32, #tpu.memory_space<vmem_shared>>
      tpu.wait_indirect_dma semaphore(%arg27 : memref<!tpu.dma_semaphore, #tpu.memory_space<semaphore_mem>>) src(%dma_wait3A_146 : memref<10000x32xf32, #tpu.memory_space<vmem_shared>>) dst(%arg9 : memref<128x32xf32, #tpu.memory_space<vmem>>)
      %mul3A_147 = arith.constant 16 : i32
      %mul3A_148 = arith.muli %scan3A_25, %mul3A_147 : i32
      %add3A_149 = arith.constant 0 : i32
      %add3A_150 = arith.addi %mul3A_148, %add3A_149 : i32
      %dma_start3A_151 = arith.constant 0 : i32
      %dma_start3A_152 = tpu.memref_slice %arg7[%add3A_150, %dma_start3A_151] : memref<80x128xi32, #tpu.memory_space<vmem>> -> memref<1x128xi32, #tpu.memory_space<vmem>>
      %dma_start3A_153 = tpu.memref_squeeze %dma_start3A_152 : memref<1x128xi32, #tpu.memory_space<vmem>> -> memref<128xi32, #tpu.memory_space<vmem>>
      %dma_start3A_154 = arith.constant 0 : i32
      %dma_start3A_155 = arith.constant 0 : i32
      %dma_start3A_156 = tpu.memref_slice %arg25[%dma_start3A_154, %dma_start3A_155] : memref<10112x32xf32, #tpu.memory_space<vmem_shared>> -> memref<10112x32xf32, #tpu.memory_space<vmem_shared>>
      tpu.enqueue_indirect_dma source(%arg9 : memref<128x32xf32, #tpu.memory_space<vmem>>) target(%dma_start3A_156 : memref<10112x32xf32, #tpu.memory_space<vmem_shared>>) offsets(%dma_start3A_153 : memref<128xi32, #tpu.memory_space<vmem>>) semaphore(%arg28 : memref<!tpu.dma_semaphore, #tpu.memory_space<semaphore_mem>>) {add = true}
      %dma_wait3A_157 = arith.constant 1 : i32
      %dma_wait3A_158 = arith.constant 0 : i32
      %dma_wait3A_159 = tpu.memref_slice %arg8[%dma_wait3A_157, %dma_wait3A_158] : memref<16x128xi32, #tpu.memory_space<vmem>> -> memref<1x128xi32, #tpu.memory_space<vmem>>
      %dma_wait3A_160 = tpu.memref_squeeze %dma_wait3A_159 : memref<1x128xi32, #tpu.memory_space<vmem>> -> memref<128xi32, #tpu.memory_space<vmem>>
      %dma_wait3A_161 = arith.constant 0 : i32
      %dma_wait3A_162 = arith.constant 0 : i32
      %dma_wait3A_163 = tpu.memref_slice %arg26[%dma_wait3A_161, %dma_wait3A_162] : memref<10000x32xf32, #tpu.memory_space<vmem_shared>> -> memref<10000x32xf32, #tpu.memory_space<vmem_shared>>
      tpu.wait_indirect_dma semaphore(%arg27 : memref<!tpu.dma_semaphore, #tpu.memory_space<semaphore_mem>>) src(%dma_wait3A_163 : memref<10000x32xf32, #tpu.memory_space<vmem_shared>>) dst(%arg10 : memref<128x32xf32, #tpu.memory_space<vmem>>)
      %mul3A_164 = arith.constant 16 : i32
      %mul3A_165 = arith.muli %scan3A_25, %mul3A_164 : i32
      %add3A_166 = arith.constant 1 : i32
      %add3A_167 = arith.addi %mul3A_165, %add3A_166 : i32
      %dma_start3A_168 = arith.constant 0 : i32
      %dma_start3A_169 = tpu.memref_slice %arg7[%add3A_167, %dma_start3A_168] : memref<80x128xi32, #tpu.memory_space<vmem>> -> memref<1x128xi32, #tpu.memory_space<vmem>>
      %dma_start3A_170 = tpu.memref_squeeze %dma_start3A_169 : memref<1x128xi32, #tpu.memory_space<vmem>> -> memref<128xi32, #tpu.memory_space<vmem>>
      %dma_start3A_171 = arith.constant 0 : i32
      %dma_start3A_172 = arith.constant 0 : i32
      %dma_start3A_173 = tpu.memref_slice %arg25[%dma_start3A_171, %dma_start3A_172] : memref<10112x32xf32, #tpu.memory_space<vmem_shared>> -> memref<10112x32xf32, #tpu.memory_space<vmem_shared>>
      tpu.enqueue_indirect_dma source(%arg10 : memref<128x32xf32, #tpu.memory_space<vmem>>) target(%dma_start3A_173 : memref<10112x32xf32, #tpu.memory_space<vmem_shared>>) offsets(%dma_start3A_170 : memref<128xi32, #tpu.memory_space<vmem>>) semaphore(%arg28 : memref<!tpu.dma_semaphore, #tpu.memory_space<semaphore_mem>>) {add = true}
      %dma_wait3A_174 = arith.constant 2 : i32
      %dma_wait3A_175 = arith.constant 0 : i32
      %dma_wait3A_176 = tpu.memref_slice %arg8[%dma_wait3A_174, %dma_wait3A_175] : memref<16x128xi32, #tpu.memory_space<vmem>> -> memref<1x128xi32, #tpu.memory_space<vmem>>
      %dma_wait3A_177 = tpu.memref_squeeze %dma_wait3A_176 : memref<1x128xi32, #tpu.memory_space<vmem>> -> memref<128xi32, #tpu.memory_space<vmem>>
      %dma_wait3A_178 = arith.constant 0 : i32
      %dma_wait3A_179 = arith.constant 0 : i32
      %dma_wait3A_180 = tpu.memref_slice %arg26[%dma_wait3A_178, %dma_wait3A_179] : memref<10000x32xf32, #tpu.memory_space<vmem_shared>> -> memref<10000x32xf32, #tpu.memory_space<vmem_shared>>
      tpu.wait_indirect_dma semaphore(%arg27 : memref<!tpu.dma_semaphore, #tpu.memory_space<semaphore_mem>>) src(%dma_wait3A_180 : memref<10000x32xf32, #tpu.memory_space<vmem_shared>>) dst(%arg11 : memref<128x32xf32, #tpu.memory_space<vmem>>)
      %mul3A_181 = arith.constant 16 : i32
      %mul3A_182 = arith.muli %scan3A_25, %mul3A_181 : i32
      %add3A_183 = arith.constant 2 : i32
      %add3A_184 = arith.addi %mul3A_182, %add3A_183 : i32
      %dma_start3A_185 = arith.constant 0 : i32
      %dma_start3A_186 = tpu.memref_slice %arg7[%add3A_184, %dma_start3A_185] : memref<80x128xi32, #tpu.memory_space<vmem>> -> memref<1x128xi32, #tpu.memory_space<vmem>>
      %dma_start3A_187 = tpu.memref_squeeze %dma_start3A_186 : memref<1x128xi32, #tpu.memory_space<vmem>> -> memref<128xi32, #tpu.memory_space<vmem>>
      %dma_start3A_188 = arith.constant 0 : i32
      %dma_start3A_189 = arith.constant 0 : i32
      %dma_start3A_190 = tpu.memref_slice %arg25[%dma_start3A_188, %dma_start3A_189] : memref<10112x32xf32, #tpu.memory_space<vmem_shared>> -> memref<10112x32xf32, #tpu.memory_space<vmem_shared>>
      tpu.enqueue_indirect_dma source(%arg11 : memref<128x32xf32, #tpu.memory_space<vmem>>) target(%dma_start3A_190 : memref<10112x32xf32, #tpu.memory_space<vmem_shared>>) offsets(%dma_start3A_187 : memref<128xi32, #tpu.memory_space<vmem>>) semaphore(%arg28 : memref<!tpu.dma_semaphore, #tpu.memory_space<semaphore_mem>>) {add = true}
      %dma_wait3A_191 = arith.constant 3 : i32
      %dma_wait3A_192 = arith.constant 0 : i32
      %dma_wait3A_193 = tpu.memref_slice %arg8[%dma_wait3A_191, %dma_wait3A_192] : memref<16x128xi32, #tpu.memory_space<vmem>> -> memref<1x128xi32, #tpu.memory_space<vmem>>
      %dma_wait3A_194 = tpu.memref_squeeze %dma_wait3A_193 : memref<1x128xi32, #tpu.memory_space<vmem>> -> memref<128xi32, #tpu.memory_space<vmem>>
      %dma_wait3A_195 = arith.constant 0 : i32
      %dma_wait3A_196 = arith.constant 0 : i32
      %dma_wait3A_197 = tpu.memref_slice %arg26[%dma_wait3A_195, %dma_wait3A_196] : memref<10000x32xf32, #tpu.memory_space<vmem_shared>> -> memref<10000x32xf32, #tpu.memory_space<vmem_shared>>
      tpu.wait_indirect_dma semaphore(%arg27 : memref<!tpu.dma_semaphore, #tpu.memory_space<semaphore_mem>>) src(%dma_wait3A_197 : memref<10000x32xf32, #tpu.memory_space<vmem_shared>>) dst(%arg12 : memref<128x32xf32, #tpu.memory_space<vmem>>)
      %mul3A_198 = arith.constant 16 : i32
      %mul3A_199 = arith.muli %scan3A_25, %mul3A_198 : i32
      %add3A_200 = arith.constant 3 : i32
      %add3A_201 = arith.addi %mul3A_199, %add3A_200 : i32
      %dma_start3A_202 = arith.constant 0 : i32
      %dma_start3A_203 = tpu.memref_slice %arg7[%add3A_201, %dma_start3A_202] : memref<80x128xi32, #tpu.memory_space<vmem>> -> memref<1x128xi32, #tpu.memory_space<vmem>>
      %dma_start3A_204 = tpu.memref_squeeze %dma_start3A_203 : memref<1x128xi32, #tpu.memory_space<vmem>> -> memref<128xi32, #tpu.memory_space<vmem>>
      %dma_start3A_205 = arith.constant 0 : i32
      %dma_start3A_206 = arith.constant 0 : i32
      %dma_start3A_207 = tpu.memref_slice %arg25[%dma_start3A_205, %dma_start3A_206] : memref<10112x32xf32, #tpu.memory_space<vmem_shared>> -> memref<10112x32xf32, #tpu.memory_space<vmem_shared>>
      tpu.enqueue_indirect_dma source(%arg12 : memref<128x32xf32, #tpu.memory_space<vmem>>) target(%dma_start3A_207 : memref<10112x32xf32, #tpu.memory_space<vmem_shared>>) offsets(%dma_start3A_204 : memref<128xi32, #tpu.memory_space<vmem>>) semaphore(%arg28 : memref<!tpu.dma_semaphore, #tpu.memory_space<semaphore_mem>>) {add = true}
      %dma_wait3A_208 = arith.constant 4 : i32
      %dma_wait3A_209 = arith.constant 0 : i32
      %dma_wait3A_210 = tpu.memref_slice %arg8[%dma_wait3A_208, %dma_wait3A_209] : memref<16x128xi32, #tpu.memory_space<vmem>> -> memref<1x128xi32, #tpu.memory_space<vmem>>
      %dma_wait3A_211 = tpu.memref_squeeze %dma_wait3A_210 : memref<1x128xi32, #tpu.memory_space<vmem>> -> memref<128xi32, #tpu.memory_space<vmem>>
      %dma_wait3A_212 = arith.constant 0 : i32
      %dma_wait3A_213 = arith.constant 0 : i32
      %dma_wait3A_214 = tpu.memref_slice %arg26[%dma_wait3A_212, %dma_wait3A_213] : memref<10000x32xf32, #tpu.memory_space<vmem_shared>> -> memref<10000x32xf32, #tpu.memory_space<vmem_shared>>
      tpu.wait_indirect_dma semaphore(%arg27 : memref<!tpu.dma_semaphore, #tpu.memory_space<semaphore_mem>>) src(%dma_wait3A_214 : memref<10000x32xf32, #tpu.memory_space<vmem_shared>>) dst(%arg13 : memref<128x32xf32, #tpu.memory_space<vmem>>)
      %mul3A_215 = arith.constant 16 : i32
      %mul3A_216 = arith.muli %scan3A_25, %mul3A_215 : i32
      %add3A_217 = arith.constant 4 : i32
      %add3A_218 = arith.addi %mul3A_216, %add3A_217 : i32
      %dma_start3A_219 = arith.constant 0 : i32
      %dma_start3A_220 = tpu.memref_slice %arg7[%add3A_218, %dma_start3A_219] : memref<80x128xi32, #tpu.memory_space<vmem>> -> memref<1x128xi32, #tpu.memory_space<vmem>>
      %dma_start3A_221 = tpu.memref_squeeze %dma_start3A_220 : memref<1x128xi32, #tpu.memory_space<vmem>> -> memref<128xi32, #tpu.memory_space<vmem>>
      %dma_start3A_222 = arith.constant 0 : i32
      %dma_start3A_223 = arith.constant 0 : i32
      %dma_start3A_224 = tpu.memref_slice %arg25[%dma_start3A_222, %dma_start3A_223] : memref<10112x32xf32, #tpu.memory_space<vmem_shared>> -> memref<10112x32xf32, #tpu.memory_space<vmem_shared>>
      tpu.enqueue_indirect_dma source(%arg13 : memref<128x32xf32, #tpu.memory_space<vmem>>) target(%dma_start3A_224 : memref<10112x32xf32, #tpu.memory_space<vmem_shared>>) offsets(%dma_start3A_221 : memref<128xi32, #tpu.memory_space<vmem>>) semaphore(%arg28 : memref<!tpu.dma_semaphore, #tpu.memory_space<semaphore_mem>>) {add = true}
      %dma_wait3A_225 = arith.constant 5 : i32
      %dma_wait3A_226 = arith.constant 0 : i32
      %dma_wait3A_227 = tpu.memref_slice %arg8[%dma_wait3A_225, %dma_wait3A_226] : memref<16x128xi32, #tpu.memory_space<vmem>> -> memref<1x128xi32, #tpu.memory_space<vmem>>
      %dma_wait3A_228 = tpu.memref_squeeze %dma_wait3A_227 : memref<1x128xi32, #tpu.memory_space<vmem>> -> memref<128xi32, #tpu.memory_space<vmem>>
      %dma_wait3A_229 = arith.constant 0 : i32
      %dma_wait3A_230 = arith.constant 0 : i32
      %dma_wait3A_231 = tpu.memref_slice %arg26[%dma_wait3A_229, %dma_wait3A_230] : memref<10000x32xf32, #tpu.memory_space<vmem_shared>> -> memref<10000x32xf32, #tpu.memory_space<vmem_shared>>
      tpu.wait_indirect_dma semaphore(%arg27 : memref<!tpu.dma_semaphore, #tpu.memory_space<semaphore_mem>>) src(%dma_wait3A_231 : memref<10000x32xf32, #tpu.memory_space<vmem_shared>>) dst(%arg14 : memref<128x32xf32, #tpu.memory_space<vmem>>)
      %mul3A_232 = arith.constant 16 : i32
      %mul3A_233 = arith.muli %scan3A_25, %mul3A_232 : i32
      %add3A_234 = arith.constant 5 : i32
      %add3A_235 = arith.addi %mul3A_233, %add3A_234 : i32
      %dma_start3A_236 = arith.constant 0 : i32
      %dma_start3A_237 = tpu.memref_slice %arg7[%add3A_235, %dma_start3A_236] : memref<80x128xi32, #tpu.memory_space<vmem>> -> memref<1x128xi32, #tpu.memory_space<vmem>>
      %dma_start3A_238 = tpu.memref_squeeze %dma_start3A_237 : memref<1x128xi32, #tpu.memory_space<vmem>> -> memref<128xi32, #tpu.memory_space<vmem>>
      %dma_start3A_239 = arith.constant 0 : i32
      %dma_start3A_240 = arith.constant 0 : i32
      %dma_start3A_241 = tpu.memref_slice %arg25[%dma_start3A_239, %dma_start3A_240] : memref<10112x32xf32, #tpu.memory_space<vmem_shared>> -> memref<10112x32xf32, #tpu.memory_space<vmem_shared>>
      tpu.enqueue_indirect_dma source(%arg14 : memref<128x32xf32, #tpu.memory_space<vmem>>) target(%dma_start3A_241 : memref<10112x32xf32, #tpu.memory_space<vmem_shared>>) offsets(%dma_start3A_238 : memref<128xi32, #tpu.memory_space<vmem>>) semaphore(%arg28 : memref<!tpu.dma_semaphore, #tpu.memory_space<semaphore_mem>>) {add = true}
      %dma_wait3A_242 = arith.constant 6 : i32
      %dma_wait3A_243 = arith.constant 0 : i32
      %dma_wait3A_244 = tpu.memref_slice %arg8[%dma_wait3A_242, %dma_wait3A_243] : memref<16x128xi32, #tpu.memory_space<vmem>> -> memref<1x128xi32, #tpu.memory_space<vmem>>
      %dma_wait3A_245 = tpu.memref_squeeze %dma_wait3A_244 : memref<1x128xi32, #tpu.memory_space<vmem>> -> memref<128xi32, #tpu.memory_space<vmem>>
      %dma_wait3A_246 = arith.constant 0 : i32
      %dma_wait3A_247 = arith.constant 0 : i32
      %dma_wait3A_248 = tpu.memref_slice %arg26[%dma_wait3A_246, %dma_wait3A_247] : memref<10000x32xf32, #tpu.memory_space<vmem_shared>> -> memref<10000x32xf32, #tpu.memory_space<vmem_shared>>
      tpu.wait_indirect_dma semaphore(%arg27 : memref<!tpu.dma_semaphore, #tpu.memory_space<semaphore_mem>>) src(%dma_wait3A_248 : memref<10000x32xf32, #tpu.memory_space<vmem_shared>>) dst(%arg15 : memref<128x32xf32, #tpu.memory_space<vmem>>)
      %mul3A_249 = arith.constant 16 : i32
      %mul3A_250 = arith.muli %scan3A_25, %mul3A_249 : i32
      %add3A_251 = arith.constant 6 : i32
      %add3A_252 = arith.addi %mul3A_250, %add3A_251 : i32
      %dma_start3A_253 = arith.constant 0 : i32
      %dma_start3A_254 = tpu.memref_slice %arg7[%add3A_252, %dma_start3A_253] : memref<80x128xi32, #tpu.memory_space<vmem>> -> memref<1x128xi32, #tpu.memory_space<vmem>>
      %dma_start3A_255 = tpu.memref_squeeze %dma_start3A_254 : memref<1x128xi32, #tpu.memory_space<vmem>> -> memref<128xi32, #tpu.memory_space<vmem>>
      %dma_start3A_256 = arith.constant 0 : i32
      %dma_start3A_257 = arith.constant 0 : i32
      %dma_start3A_258 = tpu.memref_slice %arg25[%dma_start3A_256, %dma_start3A_257] : memref<10112x32xf32, #tpu.memory_space<vmem_shared>> -> memref<10112x32xf32, #tpu.memory_space<vmem_shared>>
      tpu.enqueue_indirect_dma source(%arg15 : memref<128x32xf32, #tpu.memory_space<vmem>>) target(%dma_start3A_258 : memref<10112x32xf32, #tpu.memory_space<vmem_shared>>) offsets(%dma_start3A_255 : memref<128xi32, #tpu.memory_space<vmem>>) semaphore(%arg28 : memref<!tpu.dma_semaphore, #tpu.memory_space<semaphore_mem>>) {add = true}
      %dma_wait3A_259 = arith.constant 7 : i32
      %dma_wait3A_260 = arith.constant 0 : i32
      %dma_wait3A_261 = tpu.memref_slice %arg8[%dma_wait3A_259, %dma_wait3A_260] : memref<16x128xi32, #tpu.memory_space<vmem>> -> memref<1x128xi32, #tpu.memory_space<vmem>>
      %dma_wait3A_262 = tpu.memref_squeeze %dma_wait3A_261 : memref<1x128xi32, #tpu.memory_space<vmem>> -> memref<128xi32, #tpu.memory_space<vmem>>
      %dma_wait3A_263 = arith.constant 0 : i32
      %dma_wait3A_264 = arith.constant 0 : i32
      %dma_wait3A_265 = tpu.memref_slice %arg26[%dma_wait3A_263, %dma_wait3A_264] : memref<10000x32xf32, #tpu.memory_space<vmem_shared>> -> memref<10000x32xf32, #tpu.memory_space<vmem_shared>>
      tpu.wait_indirect_dma semaphore(%arg27 : memref<!tpu.dma_semaphore, #tpu.memory_space<semaphore_mem>>) src(%dma_wait3A_265 : memref<10000x32xf32, #tpu.memory_space<vmem_shared>>) dst(%arg16 : memref<128x32xf32, #tpu.memory_space<vmem>>)
      %mul3A_266 = arith.constant 16 : i32
      %mul3A_267 = arith.muli %scan3A_25, %mul3A_266 : i32
      %add3A_268 = arith.constant 7 : i32
      %add3A_269 = arith.addi %mul3A_267, %add3A_268 : i32
      %dma_start3A_270 = arith.constant 0 : i32
      %dma_start3A_271 = tpu.memref_slice %arg7[%add3A_269, %dma_start3A_270] : memref<80x128xi32, #tpu.memory_space<vmem>> -> memref<1x128xi32, #tpu.memory_space<vmem>>
      %dma_start3A_272 = tpu.memref_squeeze %dma_start3A_271 : memref<1x128xi32, #tpu.memory_space<vmem>> -> memref<128xi32, #tpu.memory_space<vmem>>
      %dma_start3A_273 = arith.constant 0 : i32
      %dma_start3A_274 = arith.constant 0 : i32
      %dma_start3A_275 = tpu.memref_slice %arg25[%dma_start3A_273, %dma_start3A_274] : memref<10112x32xf32, #tpu.memory_space<vmem_shared>> -> memref<10112x32xf32, #tpu.memory_space<vmem_shared>>
      tpu.enqueue_indirect_dma source(%arg16 : memref<128x32xf32, #tpu.memory_space<vmem>>) target(%dma_start3A_275 : memref<10112x32xf32, #tpu.memory_space<vmem_shared>>) offsets(%dma_start3A_272 : memref<128xi32, #tpu.memory_space<vmem>>) semaphore(%arg28 : memref<!tpu.dma_semaphore, #tpu.memory_space<semaphore_mem>>) {add = true}
      %dma_wait3A_276 = arith.constant 8 : i32
      %dma_wait3A_277 = arith.constant 0 : i32
      %dma_wait3A_278 = tpu.memref_slice %arg8[%dma_wait3A_276, %dma_wait3A_277] : memref<16x128xi32, #tpu.memory_space<vmem>> -> memref<1x128xi32, #tpu.memory_space<vmem>>
      %dma_wait3A_279 = tpu.memref_squeeze %dma_wait3A_278 : memref<1x128xi32, #tpu.memory_space<vmem>> -> memref<128xi32, #tpu.memory_space<vmem>>
      %dma_wait3A_280 = arith.constant 0 : i32
      %dma_wait3A_281 = arith.constant 0 : i32
      %dma_wait3A_282 = tpu.memref_slice %arg26[%dma_wait3A_280, %dma_wait3A_281] : memref<10000x32xf32, #tpu.memory_space<vmem_shared>> -> memref<10000x32xf32, #tpu.memory_space<vmem_shared>>
      tpu.wait_indirect_dma semaphore(%arg27 : memref<!tpu.dma_semaphore, #tpu.memory_space<semaphore_mem>>) src(%dma_wait3A_282 : memref<10000x32xf32, #tpu.memory_space<vmem_shared>>) dst(%arg17 : memref<128x32xf32, #tpu.memory_space<vmem>>)
      %mul3A_283 = arith.constant 16 : i32
      %mul3A_284 = arith.muli %scan3A_25, %mul3A_283 : i32
      %add3A_285 = arith.constant 8 : i32
      %add3A_286 = arith.addi %mul3A_284, %add3A_285 : i32
      %dma_start3A_287 = arith.constant 0 : i32
      %dma_start3A_288 = tpu.memref_slice %arg7[%add3A_286, %dma_start3A_287] : memref<80x128xi32, #tpu.memory_space<vmem>> -> memref<1x128xi32, #tpu.memory_space<vmem>>
      %dma_start3A_289 = tpu.memref_squeeze %dma_start3A_288 : memref<1x128xi32, #tpu.memory_space<vmem>> -> memref<128xi32, #tpu.memory_space<vmem>>
      %dma_start3A_290 = arith.constant 0 : i32
      %dma_start3A_291 = arith.constant 0 : i32
      %dma_start3A_292 = tpu.memref_slice %arg25[%dma_start3A_290, %dma_start3A_291] : memref<10112x32xf32, #tpu.memory_space<vmem_shared>> -> memref<10112x32xf32, #tpu.memory_space<vmem_shared>>
      tpu.enqueue_indirect_dma source(%arg17 : memref<128x32xf32, #tpu.memory_space<vmem>>) target(%dma_start3A_292 : memref<10112x32xf32, #tpu.memory_space<vmem_shared>>) offsets(%dma_start3A_289 : memref<128xi32, #tpu.memory_space<vmem>>) semaphore(%arg28 : memref<!tpu.dma_semaphore, #tpu.memory_space<semaphore_mem>>) {add = true}
      %dma_wait3A_293 = arith.constant 9 : i32
      %dma_wait3A_294 = arith.constant 0 : i32
      %dma_wait3A_295 = tpu.memref_slice %arg8[%dma_wait3A_293, %dma_wait3A_294] : memref<16x128xi32, #tpu.memory_space<vmem>> -> memref<1x128xi32, #tpu.memory_space<vmem>>
      %dma_wait3A_296 = tpu.memref_squeeze %dma_wait3A_295 : memref<1x128xi32, #tpu.memory_space<vmem>> -> memref<128xi32, #tpu.memory_space<vmem>>
      %dma_wait3A_297 = arith.constant 0 : i32
      %dma_wait3A_298 = arith.constant 0 : i32
      %dma_wait3A_299 = tpu.memref_slice %arg26[%dma_wait3A_297, %dma_wait3A_298] : memref<10000x32xf32, #tpu.memory_space<vmem_shared>> -> memref<10000x32xf32, #tpu.memory_space<vmem_shared>>
      tpu.wait_indirect_dma semaphore(%arg27 : memref<!tpu.dma_semaphore, #tpu.memory_space<semaphore_mem>>) src(%dma_wait3A_299 : memref<10000x32xf32, #tpu.memory_space<vmem_shared>>) dst(%arg18 : memref<128x32xf32, #tpu.memory_space<vmem>>)
      %mul3A_300 = arith.constant 16 : i32
      %mul3A_301 = arith.muli %scan3A_25, %mul3A_300 : i32
      %add3A_302 = arith.constant 9 : i32
      %add3A_303 = arith.addi %mul3A_301, %add3A_302 : i32
      %dma_start3A_304 = arith.constant 0 : i32
      %dma_start3A_305 = tpu.memref_slice %arg7[%add3A_303, %dma_start3A_304] : memref<80x128xi32, #tpu.memory_space<vmem>> -> memref<1x128xi32, #tpu.memory_space<vmem>>
      %dma_start3A_306 = tpu.memref_squeeze %dma_start3A_305 : memref<1x128xi32, #tpu.memory_space<vmem>> -> memref<128xi32, #tpu.memory_space<vmem>>
      %dma_start3A_307 = arith.constant 0 : i32
      %dma_start3A_308 = arith.constant 0 : i32
      %dma_start3A_309 = tpu.memref_slice %arg25[%dma_start3A_307, %dma_start3A_308] : memref<10112x32xf32, #tpu.memory_space<vmem_shared>> -> memref<10112x32xf32, #tpu.memory_space<vmem_shared>>
      tpu.enqueue_indirect_dma source(%arg18 : memref<128x32xf32, #tpu.memory_space<vmem>>) target(%dma_start3A_309 : memref<10112x32xf32, #tpu.memory_space<vmem_shared>>) offsets(%dma_start3A_306 : memref<128xi32, #tpu.memory_space<vmem>>) semaphore(%arg28 : memref<!tpu.dma_semaphore, #tpu.memory_space<semaphore_mem>>) {add = true}
      %dma_wait3A_310 = arith.constant 10 : i32
      %dma_wait3A_311 = arith.constant 0 : i32
      %dma_wait3A_312 = tpu.memref_slice %arg8[%dma_wait3A_310, %dma_wait3A_311] : memref<16x128xi32, #tpu.memory_space<vmem>> -> memref<1x128xi32, #tpu.memory_space<vmem>>
      %dma_wait3A_313 = tpu.memref_squeeze %dma_wait3A_312 : memref<1x128xi32, #tpu.memory_space<vmem>> -> memref<128xi32, #tpu.memory_space<vmem>>
      %dma_wait3A_314 = arith.constant 0 : i32
      %dma_wait3A_315 = arith.constant 0 : i32
      %dma_wait3A_316 = tpu.memref_slice %arg26[%dma_wait3A_314, %dma_wait3A_315] : memref<10000x32xf32, #tpu.memory_space<vmem_shared>> -> memref<10000x32xf32, #tpu.memory_space<vmem_shared>>
      tpu.wait_indirect_dma semaphore(%arg27 : memref<!tpu.dma_semaphore, #tpu.memory_space<semaphore_mem>>) src(%dma_wait3A_316 : memref<10000x32xf32, #tpu.memory_space<vmem_shared>>) dst(%arg19 : memref<128x32xf32, #tpu.memory_space<vmem>>)
      %mul3A_317 = arith.constant 16 : i32
      %mul3A_318 = arith.muli %scan3A_25, %mul3A_317 : i32
      %add3A_319 = arith.constant 10 : i32
      %add3A_320 = arith.addi %mul3A_318, %add3A_319 : i32
      %dma_start3A_321 = arith.constant 0 : i32
      %dma_start3A_322 = tpu.memref_slice %arg7[%add3A_320, %dma_start3A_321] : memref<80x128xi32, #tpu.memory_space<vmem>> -> memref<1x128xi32, #tpu.memory_space<vmem>>
      %dma_start3A_323 = tpu.memref_squeeze %dma_start3A_322 : memref<1x128xi32, #tpu.memory_space<vmem>> -> memref<128xi32, #tpu.memory_space<vmem>>
      %dma_start3A_324 = arith.constant 0 : i32
      %dma_start3A_325 = arith.constant 0 : i32
      %dma_start3A_326 = tpu.memref_slice %arg25[%dma_start3A_324, %dma_start3A_325] : memref<10112x32xf32, #tpu.memory_space<vmem_shared>> -> memref<10112x32xf32, #tpu.memory_space<vmem_shared>>
      tpu.enqueue_indirect_dma source(%arg19 : memref<128x32xf32, #tpu.memory_space<vmem>>) target(%dma_start3A_326 : memref<10112x32xf32, #tpu.memory_space<vmem_shared>>) offsets(%dma_start3A_323 : memref<128xi32, #tpu.memory_space<vmem>>) semaphore(%arg28 : memref<!tpu.dma_semaphore, #tpu.memory_space<semaphore_mem>>) {add = true}
      %dma_wait3A_327 = arith.constant 11 : i32
      %dma_wait3A_328 = arith.constant 0 : i32
      %dma_wait3A_329 = tpu.memref_slice %arg8[%dma_wait3A_327, %dma_wait3A_328] : memref<16x128xi32, #tpu.memory_space<vmem>> -> memref<1x128xi32, #tpu.memory_space<vmem>>
      %dma_wait3A_330 = tpu.memref_squeeze %dma_wait3A_329 : memref<1x128xi32, #tpu.memory_space<vmem>> -> memref<128xi32, #tpu.memory_space<vmem>>
      %dma_wait3A_331 = arith.constant 0 : i32
      %dma_wait3A_332 = arith.constant 0 : i32
      %dma_wait3A_333 = tpu.memref_slice %arg26[%dma_wait3A_331, %dma_wait3A_332] : memref<10000x32xf32, #tpu.memory_space<vmem_shared>> -> memref<10000x32xf32, #tpu.memory_space<vmem_shared>>
      tpu.wait_indirect_dma semaphore(%arg27 : memref<!tpu.dma_semaphore, #tpu.memory_space<semaphore_mem>>) src(%dma_wait3A_333 : memref<10000x32xf32, #tpu.memory_space<vmem_shared>>) dst(%arg20 : memref<128x32xf32, #tpu.memory_space<vmem>>)
      %mul3A_334 = arith.constant 16 : i32
      %mul3A_335 = arith.muli %scan3A_25, %mul3A_334 : i32
      %add3A_336 = arith.constant 11 : i32
      %add3A_337 = arith.addi %mul3A_335, %add3A_336 : i32
      %dma_start3A_338 = arith.constant 0 : i32
      %dma_start3A_339 = tpu.memref_slice %arg7[%add3A_337, %dma_start3A_338] : memref<80x128xi32, #tpu.memory_space<vmem>> -> memref<1x128xi32, #tpu.memory_space<vmem>>
      %dma_start3A_340 = tpu.memref_squeeze %dma_start3A_339 : memref<1x128xi32, #tpu.memory_space<vmem>> -> memref<128xi32, #tpu.memory_space<vmem>>
      %dma_start3A_341 = arith.constant 0 : i32
      %dma_start3A_342 = arith.constant 0 : i32
      %dma_start3A_343 = tpu.memref_slice %arg25[%dma_start3A_341, %dma_start3A_342] : memref<10112x32xf32, #tpu.memory_space<vmem_shared>> -> memref<10112x32xf32, #tpu.memory_space<vmem_shared>>
      tpu.enqueue_indirect_dma source(%arg20 : memref<128x32xf32, #tpu.memory_space<vmem>>) target(%dma_start3A_343 : memref<10112x32xf32, #tpu.memory_space<vmem_shared>>) offsets(%dma_start3A_340 : memref<128xi32, #tpu.memory_space<vmem>>) semaphore(%arg28 : memref<!tpu.dma_semaphore, #tpu.memory_space<semaphore_mem>>) {add = true}
      %dma_wait3A_344 = arith.constant 12 : i32
      %dma_wait3A_345 = arith.constant 0 : i32
      %dma_wait3A_346 = tpu.memref_slice %arg8[%dma_wait3A_344, %dma_wait3A_345] : memref<16x128xi32, #tpu.memory_space<vmem>> -> memref<1x128xi32, #tpu.memory_space<vmem>>
      %dma_wait3A_347 = tpu.memref_squeeze %dma_wait3A_346 : memref<1x128xi32, #tpu.memory_space<vmem>> -> memref<128xi32, #tpu.memory_space<vmem>>
      %dma_wait3A_348 = arith.constant 0 : i32
      %dma_wait3A_349 = arith.constant 0 : i32
      %dma_wait3A_350 = tpu.memref_slice %arg26[%dma_wait3A_348, %dma_wait3A_349] : memref<10000x32xf32, #tpu.memory_space<vmem_shared>> -> memref<10000x32xf32, #tpu.memory_space<vmem_shared>>
      tpu.wait_indirect_dma semaphore(%arg27 : memref<!tpu.dma_semaphore, #tpu.memory_space<semaphore_mem>>) src(%dma_wait3A_350 : memref<10000x32xf32, #tpu.memory_space<vmem_shared>>) dst(%arg21 : memref<128x32xf32, #tpu.memory_space<vmem>>)
      %mul3A_351 = arith.constant 16 : i32
      %mul3A_352 = arith.muli %scan3A_25, %mul3A_351 : i32
      %add3A_353 = arith.constant 12 : i32
      %add3A_354 = arith.addi %mul3A_352, %add3A_353 : i32
      %dma_start3A_355 = arith.constant 0 : i32
      %dma_start3A_356 = tpu.memref_slice %arg7[%add3A_354, %dma_start3A_355] : memref<80x128xi32, #tpu.memory_space<vmem>> -> memref<1x128xi32, #tpu.memory_space<vmem>>
      %dma_start3A_357 = tpu.memref_squeeze %dma_start3A_356 : memref<1x128xi32, #tpu.memory_space<vmem>> -> memref<128xi32, #tpu.memory_space<vmem>>
      %dma_start3A_358 = arith.constant 0 : i32
      %dma_start3A_359 = arith.constant 0 : i32
      %dma_start3A_360 = tpu.memref_slice %arg25[%dma_start3A_358, %dma_start3A_359] : memref<10112x32xf32, #tpu.memory_space<vmem_shared>> -> memref<10112x32xf32, #tpu.memory_space<vmem_shared>>
      tpu.enqueue_indirect_dma source(%arg21 : memref<128x32xf32, #tpu.memory_space<vmem>>) target(%dma_start3A_360 : memref<10112x32xf32, #tpu.memory_space<vmem_shared>>) offsets(%dma_start3A_357 : memref<128xi32, #tpu.memory_space<vmem>>) semaphore(%arg28 : memref<!tpu.dma_semaphore, #tpu.memory_space<semaphore_mem>>) {add = true}
      %dma_wait3A_361 = arith.constant 13 : i32
      %dma_wait3A_362 = arith.constant 0 : i32
      %dma_wait3A_363 = tpu.memref_slice %arg8[%dma_wait3A_361, %dma_wait3A_362] : memref<16x128xi32, #tpu.memory_space<vmem>> -> memref<1x128xi32, #tpu.memory_space<vmem>>
      %dma_wait3A_364 = tpu.memref_squeeze %dma_wait3A_363 : memref<1x128xi32, #tpu.memory_space<vmem>> -> memref<128xi32, #tpu.memory_space<vmem>>
      %dma_wait3A_365 = arith.constant 0 : i32
      %dma_wait3A_366 = arith.constant 0 : i32
      %dma_wait3A_367 = tpu.memref_slice %arg26[%dma_wait3A_365, %dma_wait3A_366] : memref<10000x32xf32, #tpu.memory_space<vmem_shared>> -> memref<10000x32xf32, #tpu.memory_space<vmem_shared>>
      tpu.wait_indirect_dma semaphore(%arg27 : memref<!tpu.dma_semaphore, #tpu.memory_space<semaphore_mem>>) src(%dma_wait3A_367 : memref<10000x32xf32, #tpu.memory_space<vmem_shared>>) dst(%arg22 : memref<128x32xf32, #tpu.memory_space<vmem>>)
      %mul3A_368 = arith.constant 16 : i32
      %mul3A_369 = arith.muli %scan3A_25, %mul3A_368 : i32
      %add3A_370 = arith.constant 13 : i32
      %add3A_371 = arith.addi %mul3A_369, %add3A_370 : i32
      %dma_start3A_372 = arith.constant 0 : i32
      %dma_start3A_373 = tpu.memref_slice %arg7[%add3A_371, %dma_start3A_372] : memref<80x128xi32, #tpu.memory_space<vmem>> -> memref<1x128xi32, #tpu.memory_space<vmem>>
      %dma_start3A_374 = tpu.memref_squeeze %dma_start3A_373 : memref<1x128xi32, #tpu.memory_space<vmem>> -> memref<128xi32, #tpu.memory_space<vmem>>
      %dma_start3A_375 = arith.constant 0 : i32
      %dma_start3A_376 = arith.constant 0 : i32
      %dma_start3A_377 = tpu.memref_slice %arg25[%dma_start3A_375, %dma_start3A_376] : memref<10112x32xf32, #tpu.memory_space<vmem_shared>> -> memref<10112x32xf32, #tpu.memory_space<vmem_shared>>
      tpu.enqueue_indirect_dma source(%arg22 : memref<128x32xf32, #tpu.memory_space<vmem>>) target(%dma_start3A_377 : memref<10112x32xf32, #tpu.memory_space<vmem_shared>>) offsets(%dma_start3A_374 : memref<128xi32, #tpu.memory_space<vmem>>) semaphore(%arg28 : memref<!tpu.dma_semaphore, #tpu.memory_space<semaphore_mem>>) {add = true}
      %dma_wait3A_378 = arith.constant 14 : i32
      %dma_wait3A_379 = arith.constant 0 : i32
      %dma_wait3A_380 = tpu.memref_slice %arg8[%dma_wait3A_378, %dma_wait3A_379] : memref<16x128xi32, #tpu.memory_space<vmem>> -> memref<1x128xi32, #tpu.memory_space<vmem>>
      %dma_wait3A_381 = tpu.memref_squeeze %dma_wait3A_380 : memref<1x128xi32, #tpu.memory_space<vmem>> -> memref<128xi32, #tpu.memory_space<vmem>>
      %dma_wait3A_382 = arith.constant 0 : i32
      %dma_wait3A_383 = arith.constant 0 : i32
      %dma_wait3A_384 = tpu.memref_slice %arg26[%dma_wait3A_382, %dma_wait3A_383] : memref<10000x32xf32, #tpu.memory_space<vmem_shared>> -> memref<10000x32xf32, #tpu.memory_space<vmem_shared>>
      tpu.wait_indirect_dma semaphore(%arg27 : memref<!tpu.dma_semaphore, #tpu.memory_space<semaphore_mem>>) src(%dma_wait3A_384 : memref<10000x32xf32, #tpu.memory_space<vmem_shared>>) dst(%arg23 : memref<128x32xf32, #tpu.memory_space<vmem>>)
      %mul3A_385 = arith.constant 16 : i32
      %mul3A_386 = arith.muli %scan3A_25, %mul3A_385 : i32
      %add3A_387 = arith.constant 14 : i32
      %add3A_388 = arith.addi %mul3A_386, %add3A_387 : i32
      %dma_start3A_389 = arith.constant 0 : i32
      %dma_start3A_390 = tpu.memref_slice %arg7[%add3A_388, %dma_start3A_389] : memref<80x128xi32, #tpu.memory_space<vmem>> -> memref<1x128xi32, #tpu.memory_space<vmem>>
      %dma_start3A_391 = tpu.memref_squeeze %dma_start3A_390 : memref<1x128xi32, #tpu.memory_space<vmem>> -> memref<128xi32, #tpu.memory_space<vmem>>
      %dma_start3A_392 = arith.constant 0 : i32
      %dma_start3A_393 = arith.constant 0 : i32
      %dma_start3A_394 = tpu.memref_slice %arg25[%dma_start3A_392, %dma_start3A_393] : memref<10112x32xf32, #tpu.memory_space<vmem_shared>> -> memref<10112x32xf32, #tpu.memory_space<vmem_shared>>
      tpu.enqueue_indirect_dma source(%arg23 : memref<128x32xf32, #tpu.memory_space<vmem>>) target(%dma_start3A_394 : memref<10112x32xf32, #tpu.memory_space<vmem_shared>>) offsets(%dma_start3A_391 : memref<128xi32, #tpu.memory_space<vmem>>) semaphore(%arg28 : memref<!tpu.dma_semaphore, #tpu.memory_space<semaphore_mem>>) {add = true}
      %dma_wait3A_395 = arith.constant 15 : i32
      %dma_wait3A_396 = arith.constant 0 : i32
      %dma_wait3A_397 = tpu.memref_slice %arg8[%dma_wait3A_395, %dma_wait3A_396] : memref<16x128xi32, #tpu.memory_space<vmem>> -> memref<1x128xi32, #tpu.memory_space<vmem>>
      %dma_wait3A_398 = tpu.memref_squeeze %dma_wait3A_397 : memref<1x128xi32, #tpu.memory_space<vmem>> -> memref<128xi32, #tpu.memory_space<vmem>>
      %dma_wait3A_399 = arith.constant 0 : i32
      %dma_wait3A_400 = arith.constant 0 : i32
      %dma_wait3A_401 = tpu.memref_slice %arg26[%dma_wait3A_399, %dma_wait3A_400] : memref<10000x32xf32, #tpu.memory_space<vmem_shared>> -> memref<10000x32xf32, #tpu.memory_space<vmem_shared>>
      tpu.wait_indirect_dma semaphore(%arg27 : memref<!tpu.dma_semaphore, #tpu.memory_space<semaphore_mem>>) src(%dma_wait3A_401 : memref<10000x32xf32, #tpu.memory_space<vmem_shared>>) dst(%arg24 : memref<128x32xf32, #tpu.memory_space<vmem>>)
      %mul3A_402 = arith.constant 16 : i32
      %mul3A_403 = arith.muli %scan3A_25, %mul3A_402 : i32
      %add3A_404 = arith.constant 15 : i32
      %add3A_405 = arith.addi %mul3A_403, %add3A_404 : i32
      %dma_start3A_406 = arith.constant 0 : i32
      %dma_start3A_407 = tpu.memref_slice %arg7[%add3A_405, %dma_start3A_406] : memref<80x128xi32, #tpu.memory_space<vmem>> -> memref<1x128xi32, #tpu.memory_space<vmem>>
      %dma_start3A_408 = tpu.memref_squeeze %dma_start3A_407 : memref<1x128xi32, #tpu.memory_space<vmem>> -> memref<128xi32, #tpu.memory_space<vmem>>
      %dma_start3A_409 = arith.constant 0 : i32
      %dma_start3A_410 = arith.constant 0 : i32
      %dma_start3A_411 = tpu.memref_slice %arg25[%dma_start3A_409, %dma_start3A_410] : memref<10112x32xf32, #tpu.memory_space<vmem_shared>> -> memref<10112x32xf32, #tpu.memory_space<vmem_shared>>
      tpu.enqueue_indirect_dma source(%arg24 : memref<128x32xf32, #tpu.memory_space<vmem>>) target(%dma_start3A_411 : memref<10112x32xf32, #tpu.memory_space<vmem_shared>>) offsets(%dma_start3A_408 : memref<128xi32, #tpu.memory_space<vmem>>) semaphore(%arg28 : memref<!tpu.dma_semaphore, #tpu.memory_space<semaphore_mem>>) {add = true}
      %dma_wait3A_412 = arith.constant 0 : i32
      %dma_wait3A_413 = tpu.memref_slice %arg7[%add3A_150, %dma_wait3A_412] : memref<80x128xi32, #tpu.memory_space<vmem>> -> memref<1x128xi32, #tpu.memory_space<vmem>>
      %dma_wait3A_414 = tpu.memref_squeeze %dma_wait3A_413 : memref<1x128xi32, #tpu.memory_space<vmem>> -> memref<128xi32, #tpu.memory_space<vmem>>
      %dma_wait3A_415 = arith.constant 0 : i32
      %dma_wait3A_416 = arith.constant 0 : i32
      %dma_wait3A_417 = tpu.memref_slice %arg25[%dma_wait3A_415, %dma_wait3A_416] : memref<10112x32xf32, #tpu.memory_space<vmem_shared>> -> memref<10112x32xf32, #tpu.memory_space<vmem_shared>>
      tpu.wait_indirect_dma semaphore(%arg28 : memref<!tpu.dma_semaphore, #tpu.memory_space<semaphore_mem>>) src(%arg9 : memref<128x32xf32, #tpu.memory_space<vmem>>) dst(%dma_wait3A_417 : memref<10112x32xf32, #tpu.memory_space<vmem_shared>>)
      %dma_wait3A_418 = arith.constant 0 : i32
      %dma_wait3A_419 = tpu.memref_slice %arg7[%add3A_167, %dma_wait3A_418] : memref<80x128xi32, #tpu.memory_space<vmem>> -> memref<1x128xi32, #tpu.memory_space<vmem>>
      %dma_wait3A_420 = tpu.memref_squeeze %dma_wait3A_419 : memref<1x128xi32, #tpu.memory_space<vmem>> -> memref<128xi32, #tpu.memory_space<vmem>>
      %dma_wait3A_421 = arith.constant 0 : i32
      %dma_wait3A_422 = arith.constant 0 : i32
      %dma_wait3A_423 = tpu.memref_slice %arg25[%dma_wait3A_421, %dma_wait3A_422] : memref<10112x32xf32, #tpu.memory_space<vmem_shared>> -> memref<10112x32xf32, #tpu.memory_space<vmem_shared>>
      tpu.wait_indirect_dma semaphore(%arg28 : memref<!tpu.dma_semaphore, #tpu.memory_space<semaphore_mem>>) src(%arg10 : memref<128x32xf32, #tpu.memory_space<vmem>>) dst(%dma_wait3A_423 : memref<10112x32xf32, #tpu.memory_space<vmem_shared>>)
      %dma_wait3A_424 = arith.constant 0 : i32
      %dma_wait3A_425 = tpu.memref_slice %arg7[%add3A_184, %dma_wait3A_424] : memref<80x128xi32, #tpu.memory_space<vmem>> -> memref<1x128xi32, #tpu.memory_space<vmem>>
      %dma_wait3A_426 = tpu.memref_squeeze %dma_wait3A_425 : memref<1x128xi32, #tpu.memory_space<vmem>> -> memref<128xi32, #tpu.memory_space<vmem>>
      %dma_wait3A_427 = arith.constant 0 : i32
      %dma_wait3A_428 = arith.constant 0 : i32
      %dma_wait3A_429 = tpu.memref_slice %arg25[%dma_wait3A_427, %dma_wait3A_428] : memref<10112x32xf32, #tpu.memory_space<vmem_shared>> -> memref<10112x32xf32, #tpu.memory_space<vmem_shared>>
      tpu.wait_indirect_dma semaphore(%arg28 : memref<!tpu.dma_semaphore, #tpu.memory_space<semaphore_mem>>) src(%arg11 : memref<128x32xf32, #tpu.memory_space<vmem>>) dst(%dma_wait3A_429 : memref<10112x32xf32, #tpu.memory_space<vmem_shared>>)
      %dma_wait3A_430 = arith.constant 0 : i32
      %dma_wait3A_431 = tpu.memref_slice %arg7[%add3A_201, %dma_wait3A_430] : memref<80x128xi32, #tpu.memory_space<vmem>> -> memref<1x128xi32, #tpu.memory_space<vmem>>
      %dma_wait3A_432 = tpu.memref_squeeze %dma_wait3A_431 : memref<1x128xi32, #tpu.memory_space<vmem>> -> memref<128xi32, #tpu.memory_space<vmem>>
      %dma_wait3A_433 = arith.constant 0 : i32
      %dma_wait3A_434 = arith.constant 0 : i32
      %dma_wait3A_435 = tpu.memref_slice %arg25[%dma_wait3A_433, %dma_wait3A_434] : memref<10112x32xf32, #tpu.memory_space<vmem_shared>> -> memref<10112x32xf32, #tpu.memory_space<vmem_shared>>
      tpu.wait_indirect_dma semaphore(%arg28 : memref<!tpu.dma_semaphore, #tpu.memory_space<semaphore_mem>>) src(%arg12 : memref<128x32xf32, #tpu.memory_space<vmem>>) dst(%dma_wait3A_435 : memref<10112x32xf32, #tpu.memory_space<vmem_shared>>)
      %dma_wait3A_436 = arith.constant 0 : i32
      %dma_wait3A_437 = tpu.memref_slice %arg7[%add3A_218, %dma_wait3A_436] : memref<80x128xi32, #tpu.memory_space<vmem>> -> memref<1x128xi32, #tpu.memory_space<vmem>>
      %dma_wait3A_438 = tpu.memref_squeeze %dma_wait3A_437 : memref<1x128xi32, #tpu.memory_space<vmem>> -> memref<128xi32, #tpu.memory_space<vmem>>
      %dma_wait3A_439 = arith.constant 0 : i32
      %dma_wait3A_440 = arith.constant 0 : i32
      %dma_wait3A_441 = tpu.memref_slice %arg25[%dma_wait3A_439, %dma_wait3A_440] : memref<10112x32xf32, #tpu.memory_space<vmem_shared>> -> memref<10112x32xf32, #tpu.memory_space<vmem_shared>>
      tpu.wait_indirect_dma semaphore(%arg28 : memref<!tpu.dma_semaphore, #tpu.memory_space<semaphore_mem>>) src(%arg13 : memref<128x32xf32, #tpu.memory_space<vmem>>) dst(%dma_wait3A_441 : memref<10112x32xf32, #tpu.memory_space<vmem_shared>>)
      %dma_wait3A_442 = arith.constant 0 : i32
      %dma_wait3A_443 = tpu.memref_slice %arg7[%add3A_235, %dma_wait3A_442] : memref<80x128xi32, #tpu.memory_space<vmem>> -> memref<1x128xi32, #tpu.memory_space<vmem>>
      %dma_wait3A_444 = tpu.memref_squeeze %dma_wait3A_443 : memref<1x128xi32, #tpu.memory_space<vmem>> -> memref<128xi32, #tpu.memory_space<vmem>>
      %dma_wait3A_445 = arith.constant 0 : i32
      %dma_wait3A_446 = arith.constant 0 : i32
      %dma_wait3A_447 = tpu.memref_slice %arg25[%dma_wait3A_445, %dma_wait3A_446] : memref<10112x32xf32, #tpu.memory_space<vmem_shared>> -> memref<10112x32xf32, #tpu.memory_space<vmem_shared>>
      tpu.wait_indirect_dma semaphore(%arg28 : memref<!tpu.dma_semaphore, #tpu.memory_space<semaphore_mem>>) src(%arg14 : memref<128x32xf32, #tpu.memory_space<vmem>>) dst(%dma_wait3A_447 : memref<10112x32xf32, #tpu.memory_space<vmem_shared>>)
      %dma_wait3A_448 = arith.constant 0 : i32
      %dma_wait3A_449 = tpu.memref_slice %arg7[%add3A_252, %dma_wait3A_448] : memref<80x128xi32, #tpu.memory_space<vmem>> -> memref<1x128xi32, #tpu.memory_space<vmem>>
      %dma_wait3A_450 = tpu.memref_squeeze %dma_wait3A_449 : memref<1x128xi32, #tpu.memory_space<vmem>> -> memref<128xi32, #tpu.memory_space<vmem>>
      %dma_wait3A_451 = arith.constant 0 : i32
      %dma_wait3A_452 = arith.constant 0 : i32
      %dma_wait3A_453 = tpu.memref_slice %arg25[%dma_wait3A_451, %dma_wait3A_452] : memref<10112x32xf32, #tpu.memory_space<vmem_shared>> -> memref<10112x32xf32, #tpu.memory_space<vmem_shared>>
      tpu.wait_indirect_dma semaphore(%arg28 : memref<!tpu.dma_semaphore, #tpu.memory_space<semaphore_mem>>) src(%arg15 : memref<128x32xf32, #tpu.memory_space<vmem>>) dst(%dma_wait3A_453 : memref<10112x32xf32, #tpu.memory_space<vmem_shared>>)
      %dma_wait3A_454 = arith.constant 0 : i32
      %dma_wait3A_455 = tpu.memref_slice %arg7[%add3A_269, %dma_wait3A_454] : memref<80x128xi32, #tpu.memory_space<vmem>> -> memref<1x128xi32, #tpu.memory_space<vmem>>
      %dma_wait3A_456 = tpu.memref_squeeze %dma_wait3A_455 : memref<1x128xi32, #tpu.memory_space<vmem>> -> memref<128xi32, #tpu.memory_space<vmem>>
      %dma_wait3A_457 = arith.constant 0 : i32
      %dma_wait3A_458 = arith.constant 0 : i32
      %dma_wait3A_459 = tpu.memref_slice %arg25[%dma_wait3A_457, %dma_wait3A_458] : memref<10112x32xf32, #tpu.memory_space<vmem_shared>> -> memref<10112x32xf32, #tpu.memory_space<vmem_shared>>
      tpu.wait_indirect_dma semaphore(%arg28 : memref<!tpu.dma_semaphore, #tpu.memory_space<semaphore_mem>>) src(%arg16 : memref<128x32xf32, #tpu.memory_space<vmem>>) dst(%dma_wait3A_459 : memref<10112x32xf32, #tpu.memory_space<vmem_shared>>)
      %dma_wait3A_460 = arith.constant 0 : i32
      %dma_wait3A_461 = tpu.memref_slice %arg7[%add3A_286, %dma_wait3A_460] : memref<80x128xi32, #tpu.memory_space<vmem>> -> memref<1x128xi32, #tpu.memory_space<vmem>>
      %dma_wait3A_462 = tpu.memref_squeeze %dma_wait3A_461 : memref<1x128xi32, #tpu.memory_space<vmem>> -> memref<128xi32, #tpu.memory_space<vmem>>
      %dma_wait3A_463 = arith.constant 0 : i32
      %dma_wait3A_464 = arith.constant 0 : i32
      %dma_wait3A_465 = tpu.memref_slice %arg25[%dma_wait3A_463, %dma_wait3A_464] : memref<10112x32xf32, #tpu.memory_space<vmem_shared>> -> memref<10112x32xf32, #tpu.memory_space<vmem_shared>>
      tpu.wait_indirect_dma semaphore(%arg28 : memref<!tpu.dma_semaphore, #tpu.memory_space<semaphore_mem>>) src(%arg17 : memref<128x32xf32, #tpu.memory_space<vmem>>) dst(%dma_wait3A_465 : memref<10112x32xf32, #tpu.memory_space<vmem_shared>>)
      %dma_wait3A_466 = arith.constant 0 : i32
      %dma_wait3A_467 = tpu.memref_slice %arg7[%add3A_303, %dma_wait3A_466] : memref<80x128xi32, #tpu.memory_space<vmem>> -> memref<1x128xi32, #tpu.memory_space<vmem>>
      %dma_wait3A_468 = tpu.memref_squeeze %dma_wait3A_467 : memref<1x128xi32, #tpu.memory_space<vmem>> -> memref<128xi32, #tpu.memory_space<vmem>>
      %dma_wait3A_469 = arith.constant 0 : i32
      %dma_wait3A_470 = arith.constant 0 : i32
      %dma_wait3A_471 = tpu.memref_slice %arg25[%dma_wait3A_469, %dma_wait3A_470] : memref<10112x32xf32, #tpu.memory_space<vmem_shared>> -> memref<10112x32xf32, #tpu.memory_space<vmem_shared>>
      tpu.wait_indirect_dma semaphore(%arg28 : memref<!tpu.dma_semaphore, #tpu.memory_space<semaphore_mem>>) src(%arg18 : memref<128x32xf32, #tpu.memory_space<vmem>>) dst(%dma_wait3A_471 : memref<10112x32xf32, #tpu.memory_space<vmem_shared>>)
      %dma_wait3A_472 = arith.constant 0 : i32
      %dma_wait3A_473 = tpu.memref_slice %arg7[%add3A_320, %dma_wait3A_472] : memref<80x128xi32, #tpu.memory_space<vmem>> -> memref<1x128xi32, #tpu.memory_space<vmem>>
      %dma_wait3A_474 = tpu.memref_squeeze %dma_wait3A_473 : memref<1x128xi32, #tpu.memory_space<vmem>> -> memref<128xi32, #tpu.memory_space<vmem>>
      %dma_wait3A_475 = arith.constant 0 : i32
      %dma_wait3A_476 = arith.constant 0 : i32
      %dma_wait3A_477 = tpu.memref_slice %arg25[%dma_wait3A_475, %dma_wait3A_476] : memref<10112x32xf32, #tpu.memory_space<vmem_shared>> -> memref<10112x32xf32, #tpu.memory_space<vmem_shared>>
      tpu.wait_indirect_dma semaphore(%arg28 : memref<!tpu.dma_semaphore, #tpu.memory_space<semaphore_mem>>) src(%arg19 : memref<128x32xf32, #tpu.memory_space<vmem>>) dst(%dma_wait3A_477 : memref<10112x32xf32, #tpu.memory_space<vmem_shared>>)
      %dma_wait3A_478 = arith.constant 0 : i32
      %dma_wait3A_479 = tpu.memref_slice %arg7[%add3A_337, %dma_wait3A_478] : memref<80x128xi32, #tpu.memory_space<vmem>> -> memref<1x128xi32, #tpu.memory_space<vmem>>
      %dma_wait3A_480 = tpu.memref_squeeze %dma_wait3A_479 : memref<1x128xi32, #tpu.memory_space<vmem>> -> memref<128xi32, #tpu.memory_space<vmem>>
      %dma_wait3A_481 = arith.constant 0 : i32
      %dma_wait3A_482 = arith.constant 0 : i32
      %dma_wait3A_483 = tpu.memref_slice %arg25[%dma_wait3A_481, %dma_wait3A_482] : memref<10112x32xf32, #tpu.memory_space<vmem_shared>> -> memref<10112x32xf32, #tpu.memory_space<vmem_shared>>
      tpu.wait_indirect_dma semaphore(%arg28 : memref<!tpu.dma_semaphore, #tpu.memory_space<semaphore_mem>>) src(%arg20 : memref<128x32xf32, #tpu.memory_space<vmem>>) dst(%dma_wait3A_483 : memref<10112x32xf32, #tpu.memory_space<vmem_shared>>)
      %dma_wait3A_484 = arith.constant 0 : i32
      %dma_wait3A_485 = tpu.memref_slice %arg7[%add3A_354, %dma_wait3A_484] : memref<80x128xi32, #tpu.memory_space<vmem>> -> memref<1x128xi32, #tpu.memory_space<vmem>>
      %dma_wait3A_486 = tpu.memref_squeeze %dma_wait3A_485 : memref<1x128xi32, #tpu.memory_space<vmem>> -> memref<128xi32, #tpu.memory_space<vmem>>
      %dma_wait3A_487 = arith.constant 0 : i32
      %dma_wait3A_488 = arith.constant 0 : i32
      %dma_wait3A_489 = tpu.memref_slice %arg25[%dma_wait3A_487, %dma_wait3A_488] : memref<10112x32xf32, #tpu.memory_space<vmem_shared>> -> memref<10112x32xf32, #tpu.memory_space<vmem_shared>>
      tpu.wait_indirect_dma semaphore(%arg28 : memref<!tpu.dma_semaphore, #tpu.memory_space<semaphore_mem>>) src(%arg21 : memref<128x32xf32, #tpu.memory_space<vmem>>) dst(%dma_wait3A_489 : memref<10112x32xf32, #tpu.memory_space<vmem_shared>>)
      %dma_wait3A_490 = arith.constant 0 : i32
      %dma_wait3A_491 = tpu.memref_slice %arg7[%add3A_371, %dma_wait3A_490] : memref<80x128xi32, #tpu.memory_space<vmem>> -> memref<1x128xi32, #tpu.memory_space<vmem>>
      %dma_wait3A_492 = tpu.memref_squeeze %dma_wait3A_491 : memref<1x128xi32, #tpu.memory_space<vmem>> -> memref<128xi32, #tpu.memory_space<vmem>>
      %dma_wait3A_493 = arith.constant 0 : i32
      %dma_wait3A_494 = arith.constant 0 : i32
      %dma_wait3A_495 = tpu.memref_slice %arg25[%dma_wait3A_493, %dma_wait3A_494] : memref<10112x32xf32, #tpu.memory_space<vmem_shared>> -> memref<10112x32xf32, #tpu.memory_space<vmem_shared>>
      tpu.wait_indirect_dma semaphore(%arg28 : memref<!tpu.dma_semaphore, #tpu.memory_space<semaphore_mem>>) src(%arg22 : memref<128x32xf32, #tpu.memory_space<vmem>>) dst(%dma_wait3A_495 : memref<10112x32xf32, #tpu.memory_space<vmem_shared>>)
      %dma_wait3A_496 = arith.constant 0 : i32
      %dma_wait3A_497 = tpu.memref_slice %arg7[%add3A_388, %dma_wait3A_496] : memref<80x128xi32, #tpu.memory_space<vmem>> -> memref<1x128xi32, #tpu.memory_space<vmem>>
      %dma_wait3A_498 = tpu.memref_squeeze %dma_wait3A_497 : memref<1x128xi32, #tpu.memory_space<vmem>> -> memref<128xi32, #tpu.memory_space<vmem>>
      %dma_wait3A_499 = arith.constant 0 : i32
      %dma_wait3A_500 = arith.constant 0 : i32
      %dma_wait3A_501 = tpu.memref_slice %arg25[%dma_wait3A_499, %dma_wait3A_500] : memref<10112x32xf32, #tpu.memory_space<vmem_shared>> -> memref<10112x32xf32, #tpu.memory_space<vmem_shared>>
      tpu.wait_indirect_dma semaphore(%arg28 : memref<!tpu.dma_semaphore, #tpu.memory_space<semaphore_mem>>) src(%arg23 : memref<128x32xf32, #tpu.memory_space<vmem>>) dst(%dma_wait3A_501 : memref<10112x32xf32, #tpu.memory_space<vmem_shared>>)
      %dma_wait3A_502 = arith.constant 0 : i32
      %dma_wait3A_503 = tpu.memref_slice %arg7[%add3A_405, %dma_wait3A_502] : memref<80x128xi32, #tpu.memory_space<vmem>> -> memref<1x128xi32, #tpu.memory_space<vmem>>
      %dma_wait3A_504 = tpu.memref_squeeze %dma_wait3A_503 : memref<1x128xi32, #tpu.memory_space<vmem>> -> memref<128xi32, #tpu.memory_space<vmem>>
      %dma_wait3A_505 = arith.constant 0 : i32
      %dma_wait3A_506 = arith.constant 0 : i32
      %dma_wait3A_507 = tpu.memref_slice %arg25[%dma_wait3A_505, %dma_wait3A_506] : memref<10112x32xf32, #tpu.memory_space<vmem_shared>> -> memref<10112x32xf32, #tpu.memory_space<vmem_shared>>
      tpu.wait_indirect_dma semaphore(%arg28 : memref<!tpu.dma_semaphore, #tpu.memory_space<semaphore_mem>>) src(%arg24 : memref<128x32xf32, #tpu.memory_space<vmem>>) dst(%dma_wait3A_507 : memref<10112x32xf32, #tpu.memory_space<vmem_shared>>)
      %scan3A_508 = arith.constant 0 : i32
      scf.yield %scan3A_508 : i32
    }
    %scan3A_16 = arith.constant 5 : i32
    %barrier3A_17 = arith.constant 0 : index
    tpu.barrier barrier_id(%barrier3A_17)
    %mul3A_18 = arith.constant 632 : i32
    %mul3A_19 = arith.muli %arg1, %mul3A_18 : i32
    %mul3A_20 = arith.constant 10112 : i32
    %mul3A_21 = arith.muli %arg0, %mul3A_20 : i32
    %mul3A_22 = arith.constant 632 : i32
    %mul3A_23 = arith.muli %arg1, %mul3A_22 : i32
    %add3A_24 = arith.addi %mul3A_21, %mul3A_23 : i32
    "tpu.region"() ({
      %run_scoped3A = tpu.sem_alloc : memref<!tpu.dma_semaphore, #tpu.memory_space<semaphore_mem>>
      %dma_start3A = arith.constant 0 : i32
      %dma_start3A_25 = tpu.memref_slice %arg6[%add3A_24, %dma_start3A] : memref<20224x32xf32, #tpu.memory_space<hbm>> -> memref<632x32xf32, #tpu.memory_space<hbm>>
      %dma_start3A_26 = arith.constant 0 : i32
      %dma_start3A_27 = tpu.memref_slice %arg25[%mul3A_19, %dma_start3A_26] : memref<10112x32xf32, #tpu.memory_space<vmem_shared>> -> memref<632x32xf32, #tpu.memory_space<vmem_shared>>
      tpu.enqueue_dma source(%dma_start3A_27 : memref<632x32xf32, #tpu.memory_space<vmem_shared>>) target(%dma_start3A_25 : memref<632x32xf32, #tpu.memory_space<hbm>>) target_semaphore(%run_scoped3A : memref<!tpu.dma_semaphore, #tpu.memory_space<semaphore_mem>>)
      %dma_wait3A = arith.constant 0 : i32
      %dma_wait3A_28 = tpu.memref_slice %arg6[%add3A_24, %dma_wait3A] : memref<20224x32xf32, #tpu.memory_space<hbm>> -> memref<632x32xf32, #tpu.memory_space<hbm>>
      %dma_wait3A_29 = arith.constant 0 : i32
      %dma_wait3A_30 = tpu.memref_slice %arg25[%mul3A_19, %dma_wait3A_29] : memref<10112x32xf32, #tpu.memory_space<vmem_shared>> -> memref<632x32xf32, #tpu.memory_space<vmem_shared>>
      tpu.wait_dma2 semaphore(%run_scoped3A : memref<!tpu.dma_semaphore, #tpu.memory_space<semaphore_mem>>) src(%dma_wait3A_30 : memref<632x32xf32, #tpu.memory_space<vmem_shared>>) dst(%dma_wait3A_28 : memref<632x32xf32, #tpu.memory_space<hbm>>)
      tpu.yield
    }) : () -> ()
    return
  }
}

module attributes {stable_mosaic.version = 14 : i64} {
  func.func @body(%arg0: i32, %arg1: memref<1000x128xf32, #tpu.memory_space<vmem>>, %arg2: memref<128x16xf32, #tpu.memory_space<vmem>>, %arg3: memref<2x1000x16xf32, #tpu.memory_space<vmem>>, %arg4: memref<1000x1xf32, #tpu.memory_space<vmem>>, %arg5: memref<1000x16xf32, #tpu.memory_space<vmem>>) attributes {dimension_semantics = [#tpu.dimension_semantics<arbitrary>], iteration_bounds = array<i64: 10>, scalar_prefetch = 0 : i64, scratch_operands = 0 : i64, tpu.core_type = #tpu.core_type<tc>, window_params = [{transform_indices = @transform_0, window_bounds = array<i64: 1000, 128>}, {pipeline_mode = #tpu.pipeline_mode<synchronous>, transform_indices = @transform_1, window_bounds = array<i64: 128, 16>}, {transform_indices = @transform_2, window_bounds = array<i64: 2, 1000, 16>}, {transform_indices = @transform_3, window_bounds = array<i64: 1000, 1>}, {transform_indices = @transform_4, window_bounds = array<i64: 1000, 16>}]} {
    %get3A = arith.constant 0 : index
    %get3A_0 = arith.constant 0 : index
    %get3A_1 = arith.constant 0 : index
    %get3A_2 = vector.load %arg3[%get3A, %get3A_0, %get3A_1] : memref<2x1000x16xf32, #tpu.memory_space<vmem>>, vector<1x1000x16xf32>
    %get3A_3 = vector.shape_cast %get3A_2 : vector<1x1000x16xf32> to vector<1000x16xf32>
    %slice3A = vector.extract_strided_slice %get3A_3 {offsets = [0, 0], sizes = [1000, 1], strides = [1, 1]} : vector<1000x16xf32> to vector<1000x1xf32>
    %get3A_4 = arith.constant 1 : index
    %get3A_5 = arith.constant 0 : index
    %get3A_6 = arith.constant 0 : index
    %get3A_7 = vector.load %arg3[%get3A_4, %get3A_5, %get3A_6] : memref<2x1000x16xf32, #tpu.memory_space<vmem>>, vector<1x1000x16xf32>
    %get3A_8 = vector.shape_cast %get3A_7 : vector<1x1000x16xf32> to vector<1000x16xf32>
    %slice3A_9 = vector.extract_strided_slice %get3A_8 {offsets = [0, 0], sizes = [1000, 1], strides = [1, 1]} : vector<1000x16xf32> to vector<1000x1xf32>
    %add3A = arith.addf %slice3A, %slice3A_9 : vector<1000x1xf32>
    %add3A_10 = arith.constant 1.000000e+00 : f32
    %add3A_11 = vector.broadcast %add3A_10 : f32 to vector<1000x1xf32>
    %add3A_12 = arith.addf %add3A, %add3A_11 : vector<1000x1xf32>
    %rsqrt3A = math.rsqrt %add3A_12 : vector<1000x1xf32>
    %swap3A = arith.constant 0 : index
    %swap3A_13 = arith.constant 0 : index
    %swap3A_14 = vector.load %arg4[%swap3A, %swap3A_13] : memref<1000x1xf32, #tpu.memory_space<vmem>>, vector<1000x1xf32>
    tpu.vector_store %arg4[%swap3A, %swap3A_13], %rsqrt3A {strides = array<i32>} : memref<1000x1xf32, #tpu.memory_space<vmem>>, vector<1000x1xf32>,
    %get3A_15 = arith.constant 0 : index
    %get3A_16 = arith.constant 0 : index
    %get3A_17 = vector.load %arg1[%get3A_15, %get3A_16] : memref<1000x128xf32, #tpu.memory_space<vmem>>, vector<1000x128xf32>
    %get3A_18 = arith.constant 0 : index
    %get3A_19 = arith.constant 0 : index
    %get3A_20 = vector.load %arg2[%get3A_18, %get3A_19] : memref<128x16xf32, #tpu.memory_space<vmem>>, vector<128x16xf32>
    %dot_general3A = arith.constant dense<0.000000e+00> : vector<1000x16xf32>
    %dot_general3A_21 = tpu.matmul %get3A_17, %get3A_20, %dot_general3A {dimension_numbers = #tpu.dot_dimension_numbers<[1], [0], [0], [1], [0, 0, 1, 1], [], []>, transpose_lhs_hint = false} : vector<1000x128xf32>, vector<128x16xf32>, vector<1000x16xf32> -> vector<1000x16xf32>
    %mul3A = vector.broadcast %rsqrt3A : vector<1000x1xf32> to vector<1000x16xf32>
    %mul3A_22 = arith.mulf %dot_general3A_21, %mul3A : vector<1000x16xf32>
    %swap3A_23 = arith.constant 0 : index
    %swap3A_24 = arith.constant 0 : index
    %swap3A_25 = vector.load %arg5[%swap3A_23, %swap3A_24] : memref<1000x16xf32, #tpu.memory_space<vmem>>, vector<1000x16xf32>
    tpu.vector_store %arg5[%swap3A_23, %swap3A_24], %mul3A_22 {strides = array<i32>} : memref<1000x16xf32, #tpu.memory_space<vmem>>, vector<1000x16xf32>,
    return
  }
  func.func @transform_0(%arg0: i32) -> (i32, i32) {
    %c0_i32 = arith.constant 0 : i32
    %c0_i32_0 = arith.constant 0 : i32
    return %arg0, %c0_i32 : i32, i32
  }
  func.func @transform_1(%arg0: i32) -> (i32, i32) {
    %c0_i32 = arith.constant 0 : i32
    %c0_i32_0 = arith.constant 0 : i32
    %c0_i32_1 = arith.constant 0 : i32
    return %c0_i32, %c0_i32_0 : i32, i32
  }
  func.func @transform_2(%arg0: i32) -> (i32, i32, i32) {
    %c0_i32 = arith.constant 0 : i32
    %c0_i32_0 = arith.constant 0 : i32
    %c0_i32_1 = arith.constant 0 : i32
    return %c0_i32, %arg0, %c0_i32_0 : i32, i32, i32
  }
  func.func @transform_3(%arg0: i32) -> (i32, i32) {
    %c0_i32 = arith.constant 0 : i32
    %c0_i32_0 = arith.constant 0 : i32
    return %arg0, %c0_i32 : i32, i32
  }
  func.func @transform_4(%arg0: i32) -> (i32, i32) {
    %c0_i32 = arith.constant 0 : i32
    %c0_i32_0 = arith.constant 0 : i32
    return %arg0, %c0_i32 : i32, i32
  }
}

module attributes {stable_mosaic.version = 14 : i64} {
  func.func @body(%arg0: i32, %arg1: memref<2x1000x16xf32, #tpu.memory_space<vmem>>, %arg2: memref<1000x16xf32, #tpu.memory_space<vmem>>, %arg3: memref<1000x1xf32, #tpu.memory_space<vmem>>, %arg4: memref<1x16xf32, #tpu.memory_space<vmem>>, %arg5: memref<16x32xf32, #tpu.memory_space<vmem>>, %arg6: memref<1000x32xf32, #tpu.memory_space<vmem>>) attributes {dimension_semantics = [#tpu.dimension_semantics<arbitrary>], iteration_bounds = array<i64: 10>, scalar_prefetch = 0 : i64, scratch_operands = 0 : i64, tpu.core_type = #tpu.core_type<tc>, window_params = [{transform_indices = @transform_0, window_bounds = array<i64: 2, 1000, 16>}, {transform_indices = @transform_1, window_bounds = array<i64: 1000, 16>}, {transform_indices = @transform_2, window_bounds = array<i64: 1000, 1>}, {pipeline_mode = #tpu.pipeline_mode<synchronous>, transform_indices = @transform_3, window_bounds = array<i64: 1, 16>}, {pipeline_mode = #tpu.pipeline_mode<synchronous>, transform_indices = @transform_4, window_bounds = array<i64: 16, 32>}, {transform_indices = @transform_5, window_bounds = array<i64: 1000, 32>}]} {
    %get3A = arith.constant 0 : index
    %get3A_0 = arith.constant 0 : index
    %get3A_1 = arith.constant 0 : index
    %get3A_2 = vector.load %arg1[%get3A, %get3A_0, %get3A_1] : memref<2x1000x16xf32, #tpu.memory_space<vmem>>, vector<1x1000x16xf32>
    %get3A_3 = vector.shape_cast %get3A_2 : vector<1x1000x16xf32> to vector<1000x16xf32>
    %get3A_4 = arith.constant 1 : index
    %get3A_5 = arith.constant 0 : index
    %get3A_6 = arith.constant 0 : index
    %get3A_7 = vector.load %arg1[%get3A_4, %get3A_5, %get3A_6] : memref<2x1000x16xf32, #tpu.memory_space<vmem>>, vector<1x1000x16xf32>
    %get3A_8 = vector.shape_cast %get3A_7 : vector<1x1000x16xf32> to vector<1000x16xf32>
    %add3A = arith.addf %get3A_3, %get3A_8 : vector<1000x16xf32>
    %get3A_9 = arith.constant 0 : index
    %get3A_10 = arith.constant 0 : index
    %get3A_11 = vector.load %arg2[%get3A_9, %get3A_10] : memref<1000x16xf32, #tpu.memory_space<vmem>>, vector<1000x16xf32>
    %add3A_12 = arith.addf %add3A, %get3A_11 : vector<1000x16xf32>
    %get3A_13 = arith.constant 0 : index
    %get3A_14 = arith.constant 0 : index
    %get3A_15 = vector.load %arg3[%get3A_13, %get3A_14] : memref<1000x1xf32, #tpu.memory_space<vmem>>, vector<1000x1xf32>
    %mul3A = vector.broadcast %get3A_15 : vector<1000x1xf32> to vector<1000x16xf32>
    %mul3A_16 = arith.mulf %add3A_12, %mul3A : vector<1000x16xf32>
    %get3A_17 = arith.constant 0 : index
    %get3A_18 = arith.constant 0 : index
    %get3A_19 = vector.load %arg4[%get3A_17, %get3A_18] : memref<1x16xf32, #tpu.memory_space<vmem>>, vector<1x16xf32>
    %add3A_20 = vector.broadcast %get3A_19 : vector<1x16xf32> to vector<1000x16xf32>
    %add3A_21 = arith.addf %mul3A_16, %add3A_20 : vector<1000x16xf32>
    %max3A = arith.constant 0.000000e+00 : f32
    %max3A_22 = vector.broadcast %max3A : f32 to vector<1000x16xf32>
    %max3A_23 = arith.maximumf %add3A_21, %max3A_22 : vector<1000x16xf32>
    %get3A_24 = arith.constant 0 : index
    %get3A_25 = arith.constant 0 : index
    %get3A_26 = vector.load %arg5[%get3A_24, %get3A_25] : memref<16x32xf32, #tpu.memory_space<vmem>>, vector<16x32xf32>
    %dot_general3A = arith.constant dense<0.000000e+00> : vector<1000x32xf32>
    %dot_general3A_27 = tpu.matmul %max3A_23, %get3A_26, %dot_general3A {dimension_numbers = #tpu.dot_dimension_numbers<[1], [0], [0], [1], [0, 0, 1, 1], [], []>, transpose_lhs_hint = false} : vector<1000x16xf32>, vector<16x32xf32>, vector<1000x32xf32> -> vector<1000x32xf32>
    %get3A_28 = arith.constant 0 : index
    %get3A_29 = arith.constant 0 : index
    %get3A_30 = vector.load %arg3[%get3A_28, %get3A_29] : memref<1000x1xf32, #tpu.memory_space<vmem>>, vector<1000x1xf32>
    %mul3A_31 = vector.broadcast %get3A_30 : vector<1000x1xf32> to vector<1000x32xf32>
    %mul3A_32 = arith.mulf %dot_general3A_27, %mul3A_31 : vector<1000x32xf32>
    %swap3A = arith.constant 0 : index
    %swap3A_33 = arith.constant 0 : index
    %swap3A_34 = vector.load %arg6[%swap3A, %swap3A_33] : memref<1000x32xf32, #tpu.memory_space<vmem>>, vector<1000x32xf32>
    tpu.vector_store %arg6[%swap3A, %swap3A_33], %mul3A_32 {strides = array<i32>} : memref<1000x32xf32, #tpu.memory_space<vmem>>, vector<1000x32xf32>,
    return
  }
  func.func @transform_0(%arg0: i32) -> (i32, i32, i32) {
    %c0_i32 = arith.constant 0 : i32
    %c0_i32_0 = arith.constant 0 : i32
    %c0_i32_1 = arith.constant 0 : i32
    return %c0_i32, %arg0, %c0_i32_0 : i32, i32, i32
  }
  func.func @transform_1(%arg0: i32) -> (i32, i32) {
    %c0_i32 = arith.constant 0 : i32
    %c0_i32_0 = arith.constant 0 : i32
    return %arg0, %c0_i32 : i32, i32
  }
  func.func @transform_2(%arg0: i32) -> (i32, i32) {
    %c0_i32 = arith.constant 0 : i32
    %c0_i32_0 = arith.constant 0 : i32
    return %arg0, %c0_i32 : i32, i32
  }
  func.func @transform_3(%arg0: i32) -> (i32, i32) {
    %c0_i32 = arith.constant 0 : i32
    %c0_i32_0 = arith.constant 0 : i32
    %c0_i32_1 = arith.constant 0 : i32
    return %c0_i32, %c0_i32_0 : i32, i32
  }
  func.func @transform_4(%arg0: i32) -> (i32, i32) {
    %c0_i32 = arith.constant 0 : i32
    %c0_i32_0 = arith.constant 0 : i32
    %c0_i32_1 = arith.constant 0 : i32
    return %c0_i32, %c0_i32_0 : i32, i32
  }
  func.func @transform_5(%arg0: i32) -> (i32, i32) {
    %c0_i32 = arith.constant 0 : i32
    %c0_i32_0 = arith.constant 0 : i32
    return %arg0, %c0_i32 : i32, i32
  }
}

module attributes {stable_mosaic.version = 14 : i64} {
  func.func @body(%arg0: i32, %arg1: memref<2x1000x32xf32, #tpu.memory_space<vmem>>, %arg2: memref<1000x32xf32, #tpu.memory_space<vmem>>, %arg3: memref<1000x1xf32, #tpu.memory_space<vmem>>, %arg4: memref<1x32xf32, #tpu.memory_space<vmem>>, %arg5: memref<1x64xf32, #tpu.memory_space<vmem>>, %arg6: memref<1x1xf32, #tpu.memory_space<vmem>>, %arg7: memref<1000x32xf32, #tpu.memory_space<vmem>>, %arg8: memref<1000x1xf32, #tpu.memory_space<vmem>>, %arg9: memref<1000x1xf32, #tpu.memory_space<vmem>>) attributes {dimension_semantics = [#tpu.dimension_semantics<arbitrary>], iteration_bounds = array<i64: 10>, scalar_prefetch = 0 : i64, scratch_operands = 0 : i64, tpu.core_type = #tpu.core_type<tc>, window_params = [{transform_indices = @transform_0, window_bounds = array<i64: 2, 1000, 32>}, {transform_indices = @transform_1, window_bounds = array<i64: 1000, 32>}, {transform_indices = @transform_2, window_bounds = array<i64: 1000, 1>}, {pipeline_mode = #tpu.pipeline_mode<synchronous>, transform_indices = @transform_3, window_bounds = array<i64: 1, 32>}, {pipeline_mode = #tpu.pipeline_mode<synchronous>, transform_indices = @transform_4, window_bounds = array<i64: 1, 64>}, {pipeline_mode = #tpu.pipeline_mode<synchronous>, transform_indices = @transform_5, window_bounds = array<i64: 1, 1>}, {transform_indices = @transform_6, window_bounds = array<i64: 1000, 32>}, {transform_indices = @transform_7, window_bounds = array<i64: 1000, 1>}, {transform_indices = @transform_8, window_bounds = array<i64: 1000, 1>}]} {
    %get3A = arith.constant 0 : index
    %get3A_0 = arith.constant 0 : index
    %get3A_1 = arith.constant 0 : index
    %get3A_2 = vector.load %arg1[%get3A, %get3A_0, %get3A_1] : memref<2x1000x32xf32, #tpu.memory_space<vmem>>, vector<1x1000x32xf32>
    %get3A_3 = vector.shape_cast %get3A_2 : vector<1x1000x32xf32> to vector<1000x32xf32>
    %get3A_4 = arith.constant 1 : index
    %get3A_5 = arith.constant 0 : index
    %get3A_6 = arith.constant 0 : index
    %get3A_7 = vector.load %arg1[%get3A_4, %get3A_5, %get3A_6] : memref<2x1000x32xf32, #tpu.memory_space<vmem>>, vector<1x1000x32xf32>
    %get3A_8 = vector.shape_cast %get3A_7 : vector<1x1000x32xf32> to vector<1000x32xf32>
    %add3A = arith.addf %get3A_3, %get3A_8 : vector<1000x32xf32>
    %get3A_9 = arith.constant 0 : index
    %get3A_10 = arith.constant 0 : index
    %get3A_11 = vector.load %arg2[%get3A_9, %get3A_10] : memref<1000x32xf32, #tpu.memory_space<vmem>>, vector<1000x32xf32>
    %add3A_12 = arith.addf %add3A, %get3A_11 : vector<1000x32xf32>
    %get3A_13 = arith.constant 0 : index
    %get3A_14 = arith.constant 0 : index
    %get3A_15 = vector.load %arg3[%get3A_13, %get3A_14] : memref<1000x1xf32, #tpu.memory_space<vmem>>, vector<1000x1xf32>
    %mul3A = vector.broadcast %get3A_15 : vector<1000x1xf32> to vector<1000x32xf32>
    %mul3A_16 = arith.mulf %add3A_12, %mul3A : vector<1000x32xf32>
    %get3A_17 = arith.constant 0 : index
    %get3A_18 = arith.constant 0 : index
    %get3A_19 = vector.load %arg4[%get3A_17, %get3A_18] : memref<1x32xf32, #tpu.memory_space<vmem>>, vector<1x32xf32>
    %add3A_20 = vector.broadcast %get3A_19 : vector<1x32xf32> to vector<1000x32xf32>
    %add3A_21 = arith.addf %mul3A_16, %add3A_20 : vector<1000x32xf32>
    %swap3A = arith.constant 0 : index
    %swap3A_22 = arith.constant 0 : index
    %swap3A_23 = vector.load %arg7[%swap3A, %swap3A_22] : memref<1000x32xf32, #tpu.memory_space<vmem>>, vector<1000x32xf32>
    tpu.vector_store %arg7[%swap3A, %swap3A_22], %add3A_21 {strides = array<i32>} : memref<1000x32xf32, #tpu.memory_space<vmem>>, vector<1000x32xf32>,
    %get3A_24 = arith.constant 0 : index
    %get3A_25 = arith.constant 0 : index
    %get3A_26 = vector.load %arg5[%get3A_24, %get3A_25] : memref<1x64xf32, #tpu.memory_space<vmem>>, vector<1x32xf32>
    %get3A_27 = arith.constant 0 : index
    %get3A_28 = arith.constant 32 : index
    %get3A_29 = vector.load %arg5[%get3A_27, %get3A_28] : memref<1x64xf32, #tpu.memory_space<vmem>>, vector<1x32xf32>
    %mul3A_30 = vector.broadcast %get3A_26 : vector<1x32xf32> to vector<1000x32xf32>
    %mul3A_31 = arith.mulf %add3A_21, %mul3A_30 : vector<1000x32xf32>
    %reduce_sum3A = arith.constant dense<0.000000e+00> : vector<1000xf32>
    %reduce_sum3A_32 = vector.multi_reduction <add>, %mul3A_31, %reduce_sum3A [1] : vector<1000x32xf32> to vector<1000xf32>
    %broadcast_in_dim3A = vector.shape_cast %reduce_sum3A_32 : vector<1000xf32> to vector<1000x1xf32>
    %get3A_33 = arith.constant 0 : index
    %get3A_34 = arith.constant 0 : index
    %get3A_35 = vector.load %arg6[%get3A_33, %get3A_34] : memref<1x1xf32, #tpu.memory_space<vmem>>, vector<1x1xf32>
    %get3A_36 = vector.extract %get3A_35[0, 0] : f32 from vector<1x1xf32>
    %add3A_37 = vector.broadcast %get3A_36 : f32 to vector<1000x1xf32>
    %add3A_38 = arith.addf %broadcast_in_dim3A, %add3A_37 : vector<1000x1xf32>
    %swap3A_39 = arith.constant 0 : index
    %swap3A_40 = arith.constant 0 : index
    %swap3A_41 = vector.load %arg8[%swap3A_39, %swap3A_40] : memref<1000x1xf32, #tpu.memory_space<vmem>>, vector<1000x1xf32>
    tpu.vector_store %arg8[%swap3A_39, %swap3A_40], %add3A_38 {strides = array<i32>} : memref<1000x1xf32, #tpu.memory_space<vmem>>, vector<1000x1xf32>,
    %mul3A_42 = vector.broadcast %get3A_29 : vector<1x32xf32> to vector<1000x32xf32>
    %mul3A_43 = arith.mulf %add3A_21, %mul3A_42 : vector<1000x32xf32>
    %reduce_sum3A_44 = arith.constant dense<0.000000e+00> : vector<1000xf32>
    %reduce_sum3A_45 = vector.multi_reduction <add>, %mul3A_43, %reduce_sum3A_44 [1] : vector<1000x32xf32> to vector<1000xf32>
    %broadcast_in_dim3A_46 = vector.shape_cast %reduce_sum3A_45 : vector<1000xf32> to vector<1000x1xf32>
    %swap3A_47 = arith.constant 0 : index
    %swap3A_48 = arith.constant 0 : index
    %swap3A_49 = vector.load %arg9[%swap3A_47, %swap3A_48] : memref<1000x1xf32, #tpu.memory_space<vmem>>, vector<1000x1xf32>
    tpu.vector_store %arg9[%swap3A_47, %swap3A_48], %broadcast_in_dim3A_46 {strides = array<i32>} : memref<1000x1xf32, #tpu.memory_space<vmem>>, vector<1000x1xf32>,
    return
  }
  func.func @transform_0(%arg0: i32) -> (i32, i32, i32) {
    %c0_i32 = arith.constant 0 : i32
    %c0_i32_0 = arith.constant 0 : i32
    %c0_i32_1 = arith.constant 0 : i32
    return %c0_i32, %arg0, %c0_i32_0 : i32, i32, i32
  }
  func.func @transform_1(%arg0: i32) -> (i32, i32) {
    %c0_i32 = arith.constant 0 : i32
    %c0_i32_0 = arith.constant 0 : i32
    return %arg0, %c0_i32 : i32, i32
  }
  func.func @transform_2(%arg0: i32) -> (i32, i32) {
    %c0_i32 = arith.constant 0 : i32
    %c0_i32_0 = arith.constant 0 : i32
    return %arg0, %c0_i32 : i32, i32
  }
  func.func @transform_3(%arg0: i32) -> (i32, i32) {
    %c0_i32 = arith.constant 0 : i32
    %c0_i32_0 = arith.constant 0 : i32
    %c0_i32_1 = arith.constant 0 : i32
    return %c0_i32, %c0_i32_0 : i32, i32
  }
  func.func @transform_4(%arg0: i32) -> (i32, i32) {
    %c0_i32 = arith.constant 0 : i32
    %c0_i32_0 = arith.constant 0 : i32
    %c0_i32_1 = arith.constant 0 : i32
    return %c0_i32, %c0_i32_0 : i32, i32
  }
  func.func @transform_5(%arg0: i32) -> (i32, i32) {
    %c0_i32 = arith.constant 0 : i32
    %c0_i32_0 = arith.constant 0 : i32
    %c0_i32_1 = arith.constant 0 : i32
    return %c0_i32, %c0_i32_0 : i32, i32
  }
  func.func @transform_6(%arg0: i32) -> (i32, i32) {
    %c0_i32 = arith.constant 0 : i32
    %c0_i32_0 = arith.constant 0 : i32
    return %arg0, %c0_i32 : i32, i32
  }
  func.func @transform_7(%arg0: i32) -> (i32, i32) {
    %c0_i32 = arith.constant 0 : i32
    %c0_i32_0 = arith.constant 0 : i32
    return %arg0, %c0_i32 : i32, i32
  }
  func.func @transform_8(%arg0: i32) -> (i32, i32) {
    %c0_i32 = arith.constant 0 : i32
    %c0_i32_0 = arith.constant 0 : i32
    return %arg0, %c0_i32 : i32, i32
  }
}

</mosaic_0001>

<sc_bundles>
// kernel: kernel.12.cloned.1.call-start
scs
__scs_entry_jumppad:
0x0: {  	(pc) =	sbr.rel $0x88, $3  }
0x1: {  	(tag) =	ssettag $0x0;
	lr =	simm.s32 $0x1  }
0x2: {  	[smem:$0x3F97] =	sst lr;
	_ =	strace $0xD0000000  }
0x3: {  	_ = 	snop  }
0x4: {  	_ = 	snop  }
0x5: {  	_ = 	snop  }
0x6: {  	_ = 	snop  }
0x7: {  	_ = 	snop  }
__scs_overlays_trampoline_lowered:
0x8: {  	[smem:$0x3FA6] =	sst s0  }
0x9: {  	[smem:$0x3FA7] =	sst s1  }
0xa: {  	[smem:$0x3FA8] =	sst s2  }
0xb: {  	[smem:$0x3FA9] =	sst s3  }
0xc: {  	[smem:$0x3FAA] =	sst s4  }
0xd: {  	[smem:$0x3FAB] =	sst s5  }
0xe: {  	[smem:$0x3FAC] =	sst s6  }
0xf: {  	[smem:$0x3FAD] =	sst s7  }
0x10: {  	[smem:$0x3FAE] =	sst s8  }
0x11: {  	[smem:$0x3FAF] =	sst s9;
	s0 =	simm.s32 @!p0 $0x0  }
0x12: {  	s1 =	sld [smem:$0x3F95];
	s0 =	simm.s32 @p0 $0x1  }
0x13: {  	[smem:$0x3FB0] =	sst s0;
	s0 =	simm.s32 @!p1 $0x0  }
0x14: {  	s2 =	sld [smem:$0x3F94];
	s0 =	simm.s32 @p1 $0x1  }
0x15: {  	[smem:$0x3FB1] =	sst s0;
	s0 =	simm.s32 @!p2 $0x0  }
0x16: {  	s3 =	sld [smem:$0x3FDB];
	s0 =	simm.s32 @p2 $0x1  }
0x17: {  	s4 =	simm.s32 $0x1BF5;
	[smem:$0x3FB3] =	sst s0  }
0x18: {  	s0 =	sld [smem:$0x3F96];
	_ =	swait.ge [sflag:s4], $0x0  }
0x19: {  	s7 =	sld [smem:$0x3F97]  }
0x1a: {  	s8 =	sadd.s32 $0xFFFFE003, lr  }
0x1b: {  	s9 =	sadd.s32 $0xFFFFFEF7, lr;
	s5 =	simm.s32 $0xFFFFFFFF;
	p2 =	slt.u32 s8, $0xFFFFF086  }
0x1c: {  	p1 =	slt.u32 s9, $0xF7A;
	s5 =	simm.s32 @!p2 $0x0  }
0x1d: {  	s5 =	simm.s32 @p1 $0x1;
	p0 =	seq.s32 s7, s2  }
0x1e: {  	s7 =	smul.u32 @!p0 $0xF7A, s2;
	p2 =	seq.s32 @!p0 s5, $0x0  }
0x1f: {  	s9 =	smul.u32 $0xF7A, s1;
	s8 =	simm.s32 @!p0 $0x1BF5;
	p2 =	por !p2, p0  }
0x20: {  	[sflag:s8] =	ssyncset.s32 @!p0 $0xFFFFF086;
	s6 =	sadd.s32 @!p0 s3, s7;
	s7 =	simm.s32 @!p0 $0x108  }
0x21: {  	s3 =	sadd.s32 s3, s9;
	s6 =	sadd.s32 @!p0 $0x88, s6;
	s7 =	simm.s32 @p2 $0x1082  }
0x22: {  	[simem:s7], [sflag:s8] =	dma.local @!p0 [hbm:s6], $0xF7A  }
0x23: {  	s9 =	sor.u32 $0xD0000000, s2;
	s6 =	simm.s32 $0x108;
	_ =	swait.ge @!p0 [sflag:s8], $0x0  }
0x24: {  	s3 =	sadd.s32 $0x88, s3;
	s6 =	simm.s32 @!p1 $0x1082;
	[sflag:s4] =	ssyncset.s32 $0xFFFFF086  }
0x25: {  	[simem:s6], [sflag:s4] =	dma.local [hbm:s3], $0xF7A  }
0x26: {  	[smem:$0x3F97] =	sst s1;
	(tag) =	ssettag s2;
	_ =	strace s9  }
0x27: {  	s1 =	sld [smem:$0x3FA7]  }
0x28: {  	s2 =	sld [smem:$0x3FA8]  }
0x29: {  	s4 =	sld [smem:$0x3FAA]  }
0x2a: {  	p0 =	seq.s32 s5, $0x0;
	s5 =	sld [smem:$0x3FAB]  }
0x2b: {  	s6 =	sld [smem:$0x3FAC]  }
0x2c: {  	s7 =	sld [smem:$0x3FAD]  }
0x2d: {  	s3 =	simm.s32 $0x108;
	s8 =	sld [smem:$0x3FAE]  }
0x2e: {  	s3 =	simm.s32 @!p0 $0x1082;
	s9 =	sld [smem:$0x3FAF]  }
0x2f: {  	lr =	sadd.s32 s0, s3;
	s0 =	sld [smem:$0x3FA6]  }
0x30: {  	s3 =	sld [smem:$0x3FA9]  }
0x31: {  	[smem:$0x3FB2] =	sst s10  }
0x32: {  	s10 =	sld [smem:$0x3FB0];
	_ =	sdelay $0x3  }
0x33: {  	p0 =	seq.s32 s10, $0x1;
	s10 =	sld [smem:$0x3FB2];
	_ =	sdelay $0x3  }
0x34: {  	[smem:$0x3FB2] =	sst s10  }
0x35: {  	s10 =	sld [smem:$0x3FB1];
	_ =	sdelay $0x3  }
0x36: {  	p1 =	seq.s32 s10, $0x1;
	s10 =	sld [smem:$0x3FB2];
	_ =	sdelay $0x3  }
0x37: {  	[smem:$0x3FB2] =	sst s10  }
0x38: {  	s10 =	sld [smem:$0x3FB3]  }
0x39: {  	_ = 	snop;
	(pc) =	sbr.ind lr, $3  }
0x3a: {  	_ = 	snop  }
0x3b: {  	_ = 	snop  }
0x3c: {  	p2 =	seq.s32 s10, $0x1;
	s10 =	sld [smem:$0x3FB2]  }
0x3d: {  	_ =	shalt  }
0x3e: {  	_ =	shalt  }
0x3f: {  	_ =	shalt  }
0x40: {  	_ =	shalt  }
0x41: {  	_ =	shalt  }
0x42: {  	_ =	shalt  }
0x43: {  	_ =	shalt  }
0x44: {  	_ =	shalt  }
0x45: {  	_ =	shalt  }
0x46: {  	_ =	shalt  }
0x47: {  	_ =	shalt  }
0x48: {  	_ =	shalt  }
0x49: {  	_ =	shalt  }
0x4a: {  	_ =	shalt  }
0x4b: {  	_ =	shalt  }
0x4c: {  	_ =	shalt  }
0x4d: {  	_ =	shalt  }
0x4e: {  	_ =	shalt  }
0x4f: {  	_ =	shalt  }
0x50: {  	_ =	shalt  }
0x51: {  	_ =	shalt  }
0x52: {  	_ =	shalt  }
0x53: {  	_ =	shalt  }
0x54: {  	_ =	shalt  }
0x55: {  	_ =	shalt  }
0x56: {  	_ =	shalt  }
0x57: {  	_ =	shalt  }
0x58: {  	_ =	shalt  }
0x59: {  	_ =	shalt  }
0x5a: {  	_ =	shalt  }
0x5b: {  	_ =	shalt  }
0x5c: {  	_ =	shalt  }
0x5d: {  	_ =	shalt  }
0x5e: {  	_ =	shalt  }
0x5f: {  	_ =	shalt  }
0x60: {  	_ =	shalt  }
0x61: {  	_ =	shalt  }
0x62: {  	_ =	shalt  }
0x63: {  	_ =	shalt  }
0x64: {  	_ =	shalt  }
0x65: {  	_ =	shalt  }
0x66: {  	_ =	shalt  }
0x67: {  	_ =	shalt  }
0x68: {  	_ =	shalt  }
0x69: {  	_ =	shalt  }
0x6a: {  	_ =	shalt  }
0x6b: {  	_ =	shalt  }
0x6c: {  	_ =	shalt  }
0x6d: {  	_ =	shalt  }
0x6e: {  	_ =	shalt  }
0x6f: {  	_ =	shalt  }
0x70: {  	_ =	shalt  }
0x71: {  	_ =	shalt  }
0x72: {  	_ =	shalt  }
0x73: {  	_ =	shalt  }
0x74: {  	_ =	shalt  }
0x75: {  	_ =	shalt  }
0x76: {  	_ =	shalt  }
0x77: {  	_ =	shalt  }
0x78: {  	_ =	shalt  }
0x79: {  	_ =	shalt  }
0x7a: {  	_ =	shalt  }
0x7b: {  	_ =	shalt  }
0x7c: {  	_ =	shalt  }
0x7d: {  	_ =	shalt  }
0x7e: {  	_ =	shalt  }
0x7f: {  	_ =	shalt  }
0x80: {  	_ =	shalt  }
0x81: {  	_ =	shalt  }
0x82: {  	_ =	shalt  }
0x83: {  	_ =	shalt  }
0x84: {  	_ =	shalt  }
0x85: {  	_ =	shalt  }
0x86: {  	_ =	shalt  }
0x87: {  	_ =	shalt  }
.Lfunc_end0:
.L_simem_size_0:
called_computation.1_lowered:
.L_overlay_start_0:
0x88: {  	s2 =	sld [smem:$0x3FD9]  }
0x89: {  	s3 =	sld [smem:$0x3FFE];
	_ =	sdelay $0x1  }
0x8a: {  	s1 =	srdreg.scid  }
0x8b: {  	s0 =	sand.u32 $0x1, s1  }
0x8c: {  	s14 =	sshll.u32 s0, $0xA;
	s2 =	sadd.s32 s3, s2  }
0x8d: {  	s2 =	sadd.s32 s2, s14  }
0x8e: {  	[smem:$0x3FBE] =	sst s2  }
0x8f: {  	_ = 	snop  }
0x90: {  	s2 =	sld [smem:$0x3FD0];
	_ =	sdelay $0x2  }
0x91: {  	s15 =	simm.s32 $0xA;
	s4 =	simm.s32 $0x10  }
0x92: {  	[smem:s4], [sflag:s15] =	dma.local [hbm:s2], $0x1  }
0x93: {  	_ =	swait.eq [sflag:s15], $0x1  }
0x94: {  	[sflag:s15] =	ssyncset.done $0x0  }
0x95: {  	s16 =	sld [smem:$0x10];
	[sflag:s15] =	ssyncadd.s32 $0xFFFFFFFF  }
0x96: {  	s17 =	sld [smem:$0x11];
	(tm) =	ssettm $0x1  }
0x97: {  	s18 =	sld [smem:$0x3FFB];
	_ =	sdelay $0x3  }
0x98: {  	_ =	strace s18  }
0x99: {  	s4 =	sld [smem:$0x3FFC];
	_ =	sdelay $0x3  }
0x9a: {  	_ =	strace s4  }
0x9b: {  	s4 =	sld [smem:$0x3FFD];
	_ =	sdelay $0x3  }
0x9c: {  	_ =	strace s4  }
0x9d: {  	_ =	strace $0x8FFFFFFF  }
0x9e: {  	s19 =	sld [smem:$0x3FDB];
	_ =	sdelay $0x1  }
0x9f: {  	s5 =	simm.s32 $_scs_section_size  }
0xa0: {  	s6 =	simm.s32 $_size__tile_overlayer_lowered;
	s7 =	simm.s32 $_tile_overlayer_lowered  }
0xa1: {  	s22 =	simm.s32 $0x1BFF;
	s21 =	sshll.u32 s7, $0x1;
	s4 =	sadd.s32 s5, s19  }
0xa2: {  	s8 =	simm.s32 $0x0;
	s20 =	sshll.u32 s6, $0x1;
	s6 =	sadd.s32 s21, s4  }
0xa3: {  	[timem:s8], [sflag:s22] =	dma.local [hbm:s6], s20  }
0xa4: {  	_ =	swait.ge [sflag:s22], s20  }
0xa5: {  	s5 =	ssub.s32 $0x0, s20;
	[sflag:s22] =	ssyncset.done $0x0  }
0xa6: {  	[sflag:s22] =	ssyncadd.s32 s5;
	_ =	sdelay $0x1  }
0xa7: {  	s23 =	simm.s32 $0x1B8B  }
0xa8: {  	_ =	swait.ge [sflag:s23], $0x1  }
0xa9: {  	[sflag:s23] =	ssyncset.done $0x0  }
0xaa: {  	s25 =	simm.s32 $0x1B8E;
	s24 =	sld [smem:$0x3FFE];
	[sflag:s23] =	ssyncadd.s32 $0xFFFFFFFF  }
0xab: {  	s26 =	simm.s32 $execute0_lowered;
	[smem:$0x3FD2] =	sst s25  }
0xac: {  	s6 =	sshll.u32 s26, $0x1;
	_ =	strace $0x80000049;
	[dreg:$0x1] =	wrdreg $0xFFFFFFFF  }
0xad: {  	s28 =	simm.s32 $_size_execute0_lowered;
	s4 =	sadd.s32 s4, s6;
	[dreg:$0x0] =	wrdreg $0x0  }
0xae: {  	s6 =	sshll.u32 s28, $0x1;
	[dreg:$0x2] =	wrdreg s4  }
0xaf: {  	[dreg:$0x3] =	wrdreg s6  }
0xb0: {  	[dreg:$0x4] =	wrdreg $0xC0  }
0xb1: {  	_ =	task [dreg:s8], $0x5FFFF  }
0xb2: {  	[dreg:$0x1] =	wrdreg $0xFFFFFFFF  }
0xb3: {  	[dreg:$0x0] =	wrdreg $0x60  }
0xb4: {  	[dreg:$0x2] =	wrdreg s17  }
0xb5: {  	[dreg:$0x3] =	wrdreg s24  }
0xb6: {  	[dreg:$0x4] =	wrdreg s16  }
0xb7: {  	[dreg:$0x5] =	wrdreg $0xD7800  }
0xb8: {  	[dreg:$0x6] =	wrdreg $0xB0000  }
0xb9: {  	[dreg:$0x7] =	wrdreg $0x9  }
0xba: {  	_ =	task.clear_ibuf [dreg:s8], $0x8FFFF;
	_ =	strace $0x90000049  }
0xbb: {  	s29 =	simm.s32 $0x9;
	_ =	strace $0x8000004B  }
0xbc: {  	_ =	swait.ge [sflag:s29], $0x1  }
0xbd: {  	[sflag:s29] =	ssyncadd.s32 $0xFFFFFFFF  }
0xbe: {  	_ =	strace $0x9000004B  }
0xbf: {  	_ =	sfence  }
0xc0: {  	s30 =	sld [smem:$0x0];
	_ =	sdelay $0x2  }
0xc1: {  	s31 =	sshll.u32 s1, $0xD;
	s1 =	sshrl.u32 s1, $0x2  }
0xc2: {  	s3 =	sand.u32 $0x4000, s31;
	s1 =	sadd.s32 s1, s30  }
0xc3: {  	s0 =	sor.u32 s3, s0;
	s1 =	sshll.u32 s1, $0x11  }
0xc4: {  	s0 =	sor.u32 s1, s0  }
0xc5: {  	s0 =	sadd.s32 $0x8F2B, s0  }
0xc6: {  	[sflag:s0] =	ssyncadd.remote.s32 $0x1  }
0xc7: {  	_ =	sfence.sel $0xFFFF  }
0xc8: {  	[dreg:$0x0] =	wrdreg $0xFFFFFFFF;
	(pc) =	sbr.abs _section_cstart, $3  }
0xc9: {  	[dreg:$0x1] =	wrdreg $0xFFFFFFFF  }
0xca: {  	_ =	task.clear_ibuf [dreg:s8], $0x2FFFF;
	_ =	strace $0x9FFFFFFF  }
0xcb: {  	(tm) =	ssettm $0x7FFFFFFF  }
tec
execute0_lowered:
.L_overlay_start_1:
0x0: {  	(tag) =	ssettag $0x1  }
0x1: {  	s0 =	rddreg [dreg:$0x0]  }
0x2: {  	s1 =	rddreg [dreg:$0x1]  }
0x3: {  	s5 =	rddreg [dreg:$0x2]  }
0x4: {  	s3 =	srdreg.scid;
	s14 =	stileid.u32  }
0x5: {  	s2 =	rddreg [dreg:$0x3];
	s15 =	simm.s32 $0x2A00;
	s16 =	simm.s32 $0x2A80  }
0x6: {  	s17 =	simm.s32 $0x2B00;
	s18 =	simm.s32 $0x2B80;
	s19 =	simm.s32 $0x2C00  }
0x7: {  	s20 =	simm.s32 $0x2C80;
	s28 =	simm.s32 $0x8000;
	s8 =	smul.u32 $0x2710, s14  }
0x8: {  	s29 =	simm.s32 $0x8800;
	s30 =	simm.s32 $0x9000;
	s12 =	smul.u32 $0x4F0, s14  }
0x9: {  	s31 =	simm.s32 $0x9800;
	s6 =	sand.u32 $0x1, s3;
	s22 =	smul.u32 $0x9E00, s14  }
0xa: {  	s4 =	sshll.u32 s14, $0x1;
	s3 =	rddreg [dreg:$0x4];
	s26 =	smul.u32 $0xA00, s14  }
0xb: {  	s7 =	sor.u32 s6, s4;
	s4 =	simm.s32 $0x0;
	s24 =	smul.u32 $0x4F00, s6  }
0xc: {  	s10 =	ssub.s32 $0x2, s6;
	s6 =	smul.u32 $0x500, s6;
	[smem:$0x7FF] =	sst s4  }
0xd: {  	s7 =	smul.u32 $0x500, s7;
	_ =	strace $0x8000004A;
	[dreg:$0x9] =	wrdreg s15  }
0xe: {  	s9 =	sshrl.u32 s8, $0x3;
	s11 =	sshrl.u32 s10, $0x1;
	[dreg:$0xa] =	wrdreg s16  }
0xf: {  	s23 =	sadd.s32 s8, s2;
	s25 =	sshrl.u32 s22, $0x2;
	[dreg:$0xb] =	wrdreg s17  }
0x10: {  	s0 =	sadd.s32 s26, s0;
	s22 =	simm.s32 $0x2D80;
	[dreg:$0xc] =	wrdreg s18  }
0x11: {  	s26 =	simm.s32 $0x2F80;
	s9 =	sadd.s32 s9, s1;
	[dreg:$0xd] =	wrdreg s19  }
0x12: {  	s21 =	ssub.s32 s10, s11;
	s13 =	sadd.s32 s25, s3;
	[dreg:$0xe] =	wrdreg s20  }
0x13: {  	s8 =	sadd.s32 s12, s24;
	s0 =	sadd.s32 s6, s0;
	[dreg:$0x10] =	wrdreg s22  }
0x14: {  	s11 =	simm.s32 $0x3;
	s6 =	simm.s32 $0x2880;
	[dreg:$0x14] =	wrdreg s26  }
0x15: {  	s10 =	simm.s32 $0x2980;
	s15 =	simm.s32 $0x2800;
	[dreg:$0x1a] =	wrdreg s0  }
0x16: {  	s16 =	simm.s32 $0x80;
	s17 =	simm.s32 $0x3000;
	[dreg:$0x6] =	wrdreg s6  }
0x17: {  	s18 =	simm.s32 $0x3800;
	s24 =	simm.s32 $0x2E80;
	[dreg:$0x8] =	wrdreg s10  }
0x18: {  	s19 =	simm.s32 $0x4000;
	s25 =	simm.s32 $0x2F00;
	[dreg:$0x12] =	wrdreg s24  }
0x19: {  	s7 =	sadd.s32 s7, s1;
	s1 =	sadd.s32 $0xA200, s1;
	[dreg:$0x13] =	wrdreg s25  }
0x1a: {  	s20 =	simm.s32 $0x4800;
	s9 =	sadd.s32 $0x31A00, s9;
	[dreg:$0x15] =	wrdreg s1  }
0x1b: {  	s22 =	simm.s32 $0x5800;
	s5 =	sadd.s32 s5, s8;
	[dreg:$0x17] =	wrdreg s9  }
0x1c: {  	s8 =	sshll.u32 s14, $0x6;
	s14 =	sshrl.u32 s23, $0x3;
	[dreg:$0x18] =	wrdreg s5  }
0x1d: {  	s26 =	simm.s32 $0x7800;
	s23 =	simm.s32 $0x2E00;
	[dreg:$0x1b] =	wrdreg s14  }
0x1e: {  	s10 =	sshrl.u32 s13, $0x3;
	s24 =	simm.s32 $0x6800;
	[dreg:$0x11] =	wrdreg s23  }
0x1f: {  	s25 =	simm.s32 $0x7000;
	s7 =	sadd.s32 $0x200, s7;
	[dreg:$0x1c] =	wrdreg s10  }
0x20: {  	s0 =	simm.s32 $0xA800;
	s1 =	smax.u32 s21, $0x1;
	[dreg:$0x16] =	wrdreg s7  }
0x21: {  	s6 =	simm.s32 $0x2;
	s9 =	simm.s32 $0x2900;
	[dreg:$0x19] =	wrdreg s1  }
0x22: {  	s12 =	sor.u32 $0x1C03, s8;
	s21 =	simm.s32 $0x2D00;
	[dreg:$0x7] =	wrdreg s9  }
0x23: {  	s23 =	simm.s32 $0x6000;
	s5 =	simm.s32 $0x1;
	[dreg:$0xf] =	wrdreg s21  }
0x24: {  	s21 =	simm.s32 $0x5000;
	s1 =	simm.s32 $0xA000;
	s7 =	simm.s32 $0x0  }
.LBB2_1:
0x25: {  	s8 =	rddreg [dreg:$0x16]  }
0x26: {  	[tilespmem:s4], [sflag:$0x3] =	stream.linear.gather [hbm4b:s8+s4], $0x2800, $0x38;
	[tilespmem:$0xFE90] =	vst v63  }
0x27: {  	_ =	swait.ge [sflag:s11], $0x2800  }
0x28: {  	[sflag:s11] =	ssyncset.done $0x0;
	s14 =	rddreg [dreg:$0x17]  }
0x29: {  	s9 =	rddreg [dreg:$0x1b];
	[sflag:s11] =	ssyncadd.s32 $0xFFFFD800  }
0x2a: {  	[spmem:s9], [sflag:s12] =	dma.local [hbm:s14], $0x4E2  }
0x2b: {  	_ =	swait.ge [sflag:s11], $0x4E2  }
0x2c: {  	[sflag:s11] =	ssyncset.done $0x0  }
0x2d: {  	s9 =	rddreg [dreg:$0x15];
	[sflag:s11] =	ssyncadd.s32 $0xFFFFFB1E  }
0x2e: {  	[spmem:s10], [sflag:s12] =	dma.local [hbm:s9], $0x4F0  }
0x2f: {  	_ =	swait.ge [sflag:s11], $0x4F0  }
0x30: {  	[sflag:s11] =	ssyncset.done $0x0  }
0x31: {  	[sflag:s11] =	ssyncadd.s32 $0xFFFFFB10  }
0x32: {  	[bflag:$0x0] =	sbarrier.arrive $0xFFFF  }
0x33: {  	s9 =	rddreg [dreg:$0x1a]  }
0x34: {  	[tilespmem:s15], [sflag:$0x3] =	stream.linear.gather [hbm4b:s9+s4], $0x800, $0x38;
	[tilespmem:$0xFE90] =	vst v63  }
0x35: {  	_ =	swait.ge [sflag:s11], $0x800  }
0x36: {  	[sflag:s11] =	ssyncset.done $0x0  }
0x37: {  	[sflag:s11] =	ssyncadd.s32 $0xFFFFF800  }
0x38: {  	[tilespmem:s17], [sflag:$0x1] =	stream.indirect.gather [spmem:s2], $0x10, s15, s16, $0xb8;
	[tilespmem:$0xFE90] =	vst v63  }
0x39: {  	s13 =	rddreg [dreg:$0x6]  }
0x3a: {  	[tilespmem:s18], [sflag:$0x1] =	stream.indirect.gather [spmem:s2], $0x10, s13, s16, $0xb8;
	[tilespmem:$0xFE90] =	vst v63  }
0x3b: {  	s14 =	rddreg [dreg:$0x7]  }
0x3c: {  	[tilespmem:s19], [sflag:$0x1] =	stream.indirect.gather [spmem:s2], $0x10, s14, s16, $0xb8;
	[tilespmem:$0xFE90] =	vst v63  }
0x3d: {  	s13 =	rddreg [dreg:$0x8]  }
0x3e: {  	[tilespmem:s20], [sflag:$0x1] =	stream.indirect.gather [spmem:s2], $0x10, s13, s16, $0xb8;
	[tilespmem:$0xFE90] =	vst v63  }
0x3f: {  	s14 =	rddreg [dreg:$0x9]  }
0x40: {  	[tilespmem:s21], [sflag:$0x1] =	stream.indirect.gather [spmem:s2], $0x10, s14, s16, $0xb8;
	[tilespmem:$0xFE90] =	vst v63  }
0x41: {  	s13 =	rddreg [dreg:$0xa]  }
0x42: {  	[tilespmem:s22], [sflag:$0x1] =	stream.indirect.gather [spmem:s2], $0x10, s13, s16, $0xb8;
	[tilespmem:$0xFE90] =	vst v63  }
0x43: {  	s14 =	rddreg [dreg:$0xb]  }
0x44: {  	[tilespmem:s23], [sflag:$0x1] =	stream.indirect.gather [spmem:s2], $0x10, s14, s16, $0xb8;
	[tilespmem:$0xFE90] =	vst v63  }
0x45: {  	s13 =	rddreg [dreg:$0xc]  }
0x46: {  	[tilespmem:s24], [sflag:$0x1] =	stream.indirect.gather [spmem:s2], $0x10, s13, s16, $0xb8;
	[tilespmem:$0xFE90] =	vst v63  }
0x47: {  	s14 =	rddreg [dreg:$0xd]  }
0x48: {  	[tilespmem:s25], [sflag:$0x1] =	stream.indirect.gather [spmem:s2], $0x10, s14, s16, $0xb8;
	[tilespmem:$0xFE90] =	vst v63  }
0x49: {  	s13 =	rddreg [dreg:$0xe]  }
0x4a: {  	[tilespmem:s26], [sflag:$0x1] =	stream.indirect.gather [spmem:s2], $0x10, s13, s16, $0xb8;
	[tilespmem:$0xFE90] =	vst v63  }
0x4b: {  	s14 =	rddreg [dreg:$0xf]  }
0x4c: {  	[tilespmem:s28], [sflag:$0x1] =	stream.indirect.gather [spmem:s2], $0x10, s14, s16, $0xb8;
	[tilespmem:$0xFE90] =	vst v63  }
0x4d: {  	s13 =	rddreg [dreg:$0x10]  }
0x4e: {  	[tilespmem:s29], [sflag:$0x1] =	stream.indirect.gather [spmem:s2], $0x10, s13, s16, $0xb8;
	[tilespmem:$0xFE90] =	vst v63  }
0x4f: {  	s14 =	rddreg [dreg:$0x11]  }
0x50: {  	[tilespmem:s30], [sflag:$0x1] =	stream.indirect.gather [spmem:s2], $0x10, s14, s16, $0xb8;
	[tilespmem:$0xFE90] =	vst v63  }
0x51: {  	s13 =	rddreg [dreg:$0x12]  }
0x52: {  	[tilespmem:s31], [sflag:$0x1] =	stream.indirect.gather [spmem:s2], $0x10, s13, s16, $0xb8;
	[tilespmem:$0xFE90] =	vst v63  }
0x53: {  	s14 =	rddreg [dreg:$0x13]  }
0x54: {  	[tilespmem:s1], [sflag:$0x1] =	stream.indirect.gather [spmem:s2], $0x10, s14, s16, $0xb8;
	[tilespmem:$0xFE90] =	vst v63  }
0x55: {  	s13 =	rddreg [dreg:$0x14]  }
0x56: {  	[tilespmem:s0], [sflag:$0x1] =	stream.indirect.gather [spmem:s2], $0x10, s13, s16, $0xb8;
	[tilespmem:$0xFE90] =	vst v63  }
0x57: {  	_ =	swait.ge [sflag:s5], $0x800  }
0x58: {  	[sflag:s5] =	ssyncset.done $0x0  }
0x59: {  	s14 =	simm.s32 $0x0;
	[sflag:s5] =	ssyncadd.s32 $0xFFFFF800  }
0x5a: {  	[spmem:s3] =	stream.indirect.scatter.add.f32 [tilespmem:s17], [sflag:$0x2], $0x10, s14, s16, $0xb8;
	[tilespmem:$0xFE90] =	vst v63  }
0x5b: {  	_ =	swait.ge [sflag:s5], $0x800  }
0x5c: {  	[sflag:s5] =	ssyncset.done $0x0  }
0x5d: {  	s10 =	simm.s32 $0x80;
	[sflag:s5] =	ssyncadd.s32 $0xFFFFF800  }
0x5e: {  	[spmem:s3] =	stream.indirect.scatter.add.f32 [tilespmem:s18], [sflag:$0x2], $0x10, s10, s16, $0xb8;
	[tilespmem:$0xFE90] =	vst v63  }
0x5f: {  	_ =	swait.ge [sflag:s5], $0x800  }
0x60: {  	[sflag:s5] =	ssyncset.done $0x0  }
0x61: {  	s13 =	simm.s32 $0x100;
	[sflag:s5] =	ssyncadd.s32 $0xFFFFF800  }
0x62: {  	[spmem:s3] =	stream.indirect.scatter.add.f32 [tilespmem:s19], [sflag:$0x2], $0x10, s13, s16, $0xb8;
	[tilespmem:$0xFE90] =	vst v63  }
0x63: {  	_ =	swait.ge [sflag:s5], $0x800  }
0x64: {  	[sflag:s5] =	ssyncset.done $0x0  }
0x65: {  	s14 =	simm.s32 $0x180;
	[sflag:s5] =	ssyncadd.s32 $0xFFFFF800  }
0x66: {  	[spmem:s3] =	stream.indirect.scatter.add.f32 [tilespmem:s20], [sflag:$0x2], $0x10, s14, s16, $0xb8;
	[tilespmem:$0xFE90] =	vst v63  }
0x67: {  	_ =	swait.ge [sflag:s5], $0x800  }
0x68: {  	[sflag:s5] =	ssyncset.done $0x0  }
0x69: {  	s10 =	simm.s32 $0x200;
	[sflag:s5] =	ssyncadd.s32 $0xFFFFF800  }
0x6a: {  	[spmem:s3] =	stream.indirect.scatter.add.f32 [tilespmem:s21], [sflag:$0x2], $0x10, s10, s16, $0xb8;
	[tilespmem:$0xFE90] =	vst v63  }
0x6b: {  	_ =	swait.ge [sflag:s5], $0x800  }
0x6c: {  	[sflag:s5] =	ssyncset.done $0x0  }
0x6d: {  	s13 =	simm.s32 $0x280;
	[sflag:s5] =	ssyncadd.s32 $0xFFFFF800  }
0x6e: {  	[spmem:s3] =	stream.indirect.scatter.add.f32 [tilespmem:s22], [sflag:$0x2], $0x10, s13, s16, $0xb8;
	[tilespmem:$0xFE90] =	vst v63  }
0x6f: {  	_ =	swait.ge [sflag:s5], $0x800  }
0x70: {  	[sflag:s5] =	ssyncset.done $0x0  }
0x71: {  	s14 =	simm.s32 $0x300;
	[sflag:s5] =	ssyncadd.s32 $0xFFFFF800  }
0x72: {  	[spmem:s3] =	stream.indirect.scatter.add.f32 [tilespmem:s23], [sflag:$0x2], $0x10, s14, s16, $0xb8;
	[tilespmem:$0xFE90] =	vst v63  }
0x73: {  	_ =	swait.ge [sflag:s5], $0x800  }
0x74: {  	[sflag:s5] =	ssyncset.done $0x0  }
0x75: {  	s10 =	simm.s32 $0x380;
	[sflag:s5] =	ssyncadd.s32 $0xFFFFF800  }
0x76: {  	[spmem:s3] =	stream.indirect.scatter.add.f32 [tilespmem:s24], [sflag:$0x2], $0x10, s10, s16, $0xb8;
	[tilespmem:$0xFE90] =	vst v63  }
0x77: {  	_ =	swait.ge [sflag:s5], $0x800  }
0x78: {  	[sflag:s5] =	ssyncset.done $0x0  }
0x79: {  	s13 =	simm.s32 $0x400;
	[sflag:s5] =	ssyncadd.s32 $0xFFFFF800  }
0x7a: {  	[spmem:s3] =	stream.indirect.scatter.add.f32 [tilespmem:s25], [sflag:$0x2], $0x10, s13, s16, $0xb8;
	[tilespmem:$0xFE90] =	vst v63  }
0x7b: {  	_ =	swait.ge [sflag:s5], $0x800  }
0x7c: {  	[sflag:s5] =	ssyncset.done $0x0  }
0x7d: {  	s14 =	simm.s32 $0x480;
	[sflag:s5] =	ssyncadd.s32 $0xFFFFF800  }
0x7e: {  	[spmem:s3] =	stream.indirect.scatter.add.f32 [tilespmem:s26], [sflag:$0x2], $0x10, s14, s16, $0xb8;
	[tilespmem:$0xFE90] =	vst v63  }
0x7f: {  	_ =	swait.ge [sflag:s5], $0x800  }
0x80: {  	[sflag:s5] =	ssyncset.done $0x0  }
0x81: {  	s10 =	simm.s32 $0x500;
	[sflag:s5] =	ssyncadd.s32 $0xFFFFF800  }
0x82: {  	[spmem:s3] =	stream.indirect.scatter.add.f32 [tilespmem:s28], [sflag:$0x2], $0x10, s10, s16, $0xb8;
	[tilespmem:$0xFE90] =	vst v63  }
0x83: {  	_ =	swait.ge [sflag:s5], $0x800  }
0x84: {  	[sflag:s5] =	ssyncset.done $0x0  }
0x85: {  	s13 =	simm.s32 $0x580;
	[sflag:s5] =	ssyncadd.s32 $0xFFFFF800  }
0x86: {  	[spmem:s3] =	stream.indirect.scatter.add.f32 [tilespmem:s29], [sflag:$0x2], $0x10, s13, s16, $0xb8;
	[tilespmem:$0xFE90] =	vst v63  }
0x87: {  	_ =	swait.ge [sflag:s5], $0x800  }
0x88: {  	[sflag:s5] =	ssyncset.done $0x0  }
0x89: {  	s14 =	simm.s32 $0x600;
	[sflag:s5] =	ssyncadd.s32 $0xFFFFF800  }
0x8a: {  	[spmem:s3] =	stream.indirect.scatter.add.f32 [tilespmem:s30], [sflag:$0x2], $0x10, s14, s16, $0xb8;
	[tilespmem:$0xFE90] =	vst v63  }
0x8b: {  	_ =	swait.ge [sflag:s5], $0x800  }
0x8c: {  	[sflag:s5] =	ssyncset.done $0x0  }
0x8d: {  	s10 =	simm.s32 $0x680;
	[sflag:s5] =	ssyncadd.s32 $0xFFFFF800  }
0x8e: {  	[spmem:s3] =	stream.indirect.scatter.add.f32 [tilespmem:s31], [sflag:$0x2], $0x10, s10, s16, $0xb8;
	[tilespmem:$0xFE90] =	vst v63  }
0x8f: {  	_ =	swait.ge [sflag:s5], $0x800  }
0x90: {  	[sflag:s5] =	ssyncset.done $0x0  }
0x91: {  	s13 =	simm.s32 $0x700;
	[sflag:s5] =	ssyncadd.s32 $0xFFFFF800  }
0x92: {  	[spmem:s3] =	stream.indirect.scatter.add.f32 [tilespmem:s1], [sflag:$0x2], $0x10, s13, s16, $0xb8;
	[tilespmem:$0xFE90] =	vst v63  }
0x93: {  	_ =	swait.ge [sflag:s5], $0x800  }
0x94: {  	[sflag:s5] =	ssyncset.done $0x0  }
0x95: {  	s14 =	simm.s32 $0x780;
	[sflag:s5] =	ssyncadd.s32 $0xFFFFF800  }
0x96: {  	[spmem:s3] =	stream.indirect.scatter.add.f32 [tilespmem:s0], [sflag:$0x2], $0x10, s14, s16, $0xb8;
	[tilespmem:$0xFE90] =	vst v63  }
0x97: {  	_ =	swait.ge [sflag:s6], $0x800  }
0x98: {  	[sflag:s6] =	ssyncset.done $0x0  }
0x99: {  	[sflag:s6] =	ssyncadd.s32 $0xFFFFF800  }
0x9a: {  	_ =	swait.ge [sflag:s6], $0x800  }
0x9b: {  	[sflag:s6] =	ssyncset.done $0x0  }
0x9c: {  	[sflag:s6] =	ssyncadd.s32 $0xFFFFF800  }
0x9d: {  	_ =	swait.ge [sflag:s6], $0x800  }
0x9e: {  	[sflag:s6] =	ssyncset.done $0x0  }
0x9f: {  	[sflag:s6] =	ssyncadd.s32 $0xFFFFF800  }
0xa0: {  	_ =	swait.ge [sflag:s6], $0x800  }
0xa1: {  	[sflag:s6] =	ssyncset.done $0x0  }
0xa2: {  	[sflag:s6] =	ssyncadd.s32 $0xFFFFF800  }
0xa3: {  	_ =	swait.ge [sflag:s6], $0x800  }
0xa4: {  	[sflag:s6] =	ssyncset.done $0x0  }
0xa5: {  	[sflag:s6] =	ssyncadd.s32 $0xFFFFF800  }
0xa6: {  	_ =	swait.ge [sflag:s6], $0x800  }
0xa7: {  	[sflag:s6] =	ssyncset.done $0x0  }
0xa8: {  	[sflag:s6] =	ssyncadd.s32 $0xFFFFF800  }
0xa9: {  	_ =	swait.ge [sflag:s6], $0x800  }
0xaa: {  	[sflag:s6] =	ssyncset.done $0x0  }
0xab: {  	[sflag:s6] =	ssyncadd.s32 $0xFFFFF800  }
0xac: {  	_ =	swait.ge [sflag:s6], $0x800  }
0xad: {  	[sflag:s6] =	ssyncset.done $0x0  }
0xae: {  	[sflag:s6] =	ssyncadd.s32 $0xFFFFF800  }
0xaf: {  	_ =	swait.ge [sflag:s6], $0x800  }
0xb0: {  	[sflag:s6] =	ssyncset.done $0x0  }
0xb1: {  	[sflag:s6] =	ssyncadd.s32 $0xFFFFF800  }
0xb2: {  	_ =	swait.ge [sflag:s6], $0x800  }
0xb3: {  	[sflag:s6] =	ssyncset.done $0x0  }
0xb4: {  	[sflag:s6] =	ssyncadd.s32 $0xFFFFF800  }
0xb5: {  	_ =	swait.ge [sflag:s6], $0x800  }
0xb6: {  	[sflag:s6] =	ssyncset.done $0x0  }
0xb7: {  	[sflag:s6] =	ssyncadd.s32 $0xFFFFF800  }
0xb8: {  	_ =	swait.ge [sflag:s6], $0x800  }
0xb9: {  	[sflag:s6] =	ssyncset.done $0x0  }
0xba: {  	[sflag:s6] =	ssyncadd.s32 $0xFFFFF800  }
0xbb: {  	_ =	swait.ge [sflag:s6], $0x800  }
0xbc: {  	[sflag:s6] =	ssyncset.done $0x0  }
0xbd: {  	[sflag:s6] =	ssyncadd.s32 $0xFFFFF800  }
0xbe: {  	_ =	swait.ge [sflag:s6], $0x800  }
0xbf: {  	[sflag:s6] =	ssyncset.done $0x0  }
0xc0: {  	[sflag:s6] =	ssyncadd.s32 $0xFFFFF800  }
0xc1: {  	_ =	swait.ge [sflag:s6], $0x800  }
0xc2: {  	[sflag:s6] =	ssyncset.done $0x0  }
0xc3: {  	[sflag:s6] =	ssyncadd.s32 $0xFFFFF800  }
0xc4: {  	_ =	swait.ge [sflag:s6], $0x800  }
0xc5: {  	s8 =	simm.s32 $0x2000;
	s10 =	smov.u32 s9;
	[sflag:s6] =	ssyncset.done $0x0  }
.LBB2_2:
0xc6: {  	[sflag:s6] =	ssyncadd.s32 $0xFFFFF800;
	s10 =	sadd.s32 $0x100, s10  }
0xc7: {  	[tilespmem:s15], [sflag:$0x3] =	stream.linear.gather [hbm4b:s10+s4], $0x800, $0x38;
	[tilespmem:$0xFE90] =	vst v63  }
0xc8: {  	_ =	swait.ge [sflag:s11], $0x800  }
0xc9: {  	[sflag:s11] =	ssyncset.done $0x0  }
0xca: {  	[sflag:s11] =	ssyncadd.s32 $0xFFFFF800  }
0xcb: {  	[tilespmem:s17], [sflag:$0x1] =	stream.indirect.gather [spmem:s2], $0x10, s15, s16, $0xb8;
	[tilespmem:$0xFE90] =	vst v63  }
0xcc: {  	s9 =	rddreg [dreg:$0x6]  }
0xcd: {  	[tilespmem:s18], [sflag:$0x1] =	stream.indirect.gather [spmem:s2], $0x10, s9, s16, $0xb8;
	[tilespmem:$0xFE90] =	vst v63  }
0xce: {  	s14 =	rddreg [dreg:$0x7]  }
0xcf: {  	[tilespmem:s19], [sflag:$0x1] =	stream.indirect.gather [spmem:s2], $0x10, s14, s16, $0xb8;
	[tilespmem:$0xFE90] =	vst v63  }
0xd0: {  	s9 =	rddreg [dreg:$0x8]  }
0xd1: {  	[tilespmem:s20], [sflag:$0x1] =	stream.indirect.gather [spmem:s2], $0x10, s9, s16, $0xb8;
	[tilespmem:$0xFE90] =	vst v63  }
0xd2: {  	s14 =	rddreg [dreg:$0x9]  }
0xd3: {  	[tilespmem:s21], [sflag:$0x1] =	stream.indirect.gather [spmem:s2], $0x10, s14, s16, $0xb8;
	[tilespmem:$0xFE90] =	vst v63  }
0xd4: {  	s9 =	rddreg [dreg:$0xa]  }
0xd5: {  	[tilespmem:s22], [sflag:$0x1] =	stream.indirect.gather [spmem:s2], $0x10, s9, s16, $0xb8;
	[tilespmem:$0xFE90] =	vst v63  }
0xd6: {  	s14 =	rddreg [dreg:$0xb]  }
0xd7: {  	[tilespmem:s23], [sflag:$0x1] =	stream.indirect.gather [spmem:s2], $0x10, s14, s16, $0xb8;
	[tilespmem:$0xFE90] =	vst v63  }
0xd8: {  	s9 =	rddreg [dreg:$0xc]  }
0xd9: {  	[tilespmem:s24], [sflag:$0x1] =	stream.indirect.gather [spmem:s2], $0x10, s9, s16, $0xb8;
	[tilespmem:$0xFE90] =	vst v63  }
0xda: {  	s14 =	rddreg [dreg:$0xd]  }
0xdb: {  	[tilespmem:s25], [sflag:$0x1] =	stream.indirect.gather [spmem:s2], $0x10, s14, s16, $0xb8;
	[tilespmem:$0xFE90] =	vst v63  }
0xdc: {  	s9 =	rddreg [dreg:$0xe]  }
0xdd: {  	[tilespmem:s26], [sflag:$0x1] =	stream.indirect.gather [spmem:s2], $0x10, s9, s16, $0xb8;
	[tilespmem:$0xFE90] =	vst v63  }
0xde: {  	s14 =	rddreg [dreg:$0xf]  }
0xdf: {  	[tilespmem:s28], [sflag:$0x1] =	stream.indirect.gather [spmem:s2], $0x10, s14, s16, $0xb8;
	[tilespmem:$0xFE90] =	vst v63  }
0xe0: {  	s9 =	rddreg [dreg:$0x10]  }
0xe1: {  	[tilespmem:s29], [sflag:$0x1] =	stream.indirect.gather [spmem:s2], $0x10, s9, s16, $0xb8;
	[tilespmem:$0xFE90] =	vst v63  }
0xe2: {  	s14 =	rddreg [dreg:$0x11]  }
0xe3: {  	[tilespmem:s30], [sflag:$0x1] =	stream.indirect.gather [spmem:s2], $0x10, s14, s16, $0xb8;
	[tilespmem:$0xFE90] =	vst v63  }
0xe4: {  	s9 =	rddreg [dreg:$0x12]  }
0xe5: {  	[tilespmem:s31], [sflag:$0x1] =	stream.indirect.gather [spmem:s2], $0x10, s9, s16, $0xb8;
	[tilespmem:$0xFE90] =	vst v63  }
0xe6: {  	s14 =	rddreg [dreg:$0x13]  }
0xe7: {  	[tilespmem:s1], [sflag:$0x1] =	stream.indirect.gather [spmem:s2], $0x10, s14, s16, $0xb8;
	[tilespmem:$0xFE90] =	vst v63  }
0xe8: {  	s9 =	rddreg [dreg:$0x14]  }
0xe9: {  	[tilespmem:s0], [sflag:$0x1] =	stream.indirect.gather [spmem:s2], $0x10, s9, s16, $0xb8;
	[tilespmem:$0xFE90] =	vst v63  }
0xea: {  	_ =	swait.ge [sflag:s5], $0x800  }
0xeb: {  	s13 =	smov.u32 s8;
	[sflag:s5] =	ssyncset.done $0x0  }
0xec: {  	s13 =	sshra.s32 s13, $0x2;
	[sflag:s5] =	ssyncadd.s32 $0xFFFFF800  }
0xed: {  	[spmem:s3] =	stream.indirect.scatter.add.f32 [tilespmem:s17], [sflag:$0x2], $0x10, s13, s16, $0xb8;
	[tilespmem:$0xFE90] =	vst v63  }
0xee: {  	_ =	swait.ge [sflag:s5], $0x800  }
0xef: {  	[sflag:s5] =	ssyncset.done $0x0  }
0xf0: {  	s14 =	sadd.s32 $0x80, s13;
	[sflag:s5] =	ssyncadd.s32 $0xFFFFF800  }
0xf1: {  	[spmem:s3] =	stream.indirect.scatter.add.f32 [tilespmem:s18], [sflag:$0x2], $0x10, s14, s16, $0xb8;
	[tilespmem:$0xFE90] =	vst v63  }
0xf2: {  	_ =	swait.ge [sflag:s5], $0x800  }
0xf3: {  	[sflag:s5] =	ssyncset.done $0x0  }
0xf4: {  	s14 =	sadd.s32 $0x100, s13;
	[sflag:s5] =	ssyncadd.s32 $0xFFFFF800  }
0xf5: {  	[spmem:s3] =	stream.indirect.scatter.add.f32 [tilespmem:s19], [sflag:$0x2], $0x10, s14, s16, $0xb8;
	[tilespmem:$0xFE90] =	vst v63  }
0xf6: {  	_ =	swait.ge [sflag:s5], $0x800  }
0xf7: {  	[sflag:s5] =	ssyncset.done $0x0  }
0xf8: {  	s14 =	sadd.s32 $0x180, s13;
	[sflag:s5] =	ssyncadd.s32 $0xFFFFF800  }
0xf9: {  	[spmem:s3] =	stream.indirect.scatter.add.f32 [tilespmem:s20], [sflag:$0x2], $0x10, s14, s16, $0xb8;
	[tilespmem:$0xFE90] =	vst v63  }
0xfa: {  	_ =	swait.ge [sflag:s5], $0x800  }
0xfb: {  	[sflag:s5] =	ssyncset.done $0x0  }
0xfc: {  	s14 =	sadd.s32 $0x200, s13;
	[sflag:s5] =	ssyncadd.s32 $0xFFFFF800  }
0xfd: {  	[spmem:s3] =	stream.indirect.scatter.add.f32 [tilespmem:s21], [sflag:$0x2], $0x10, s14, s16, $0xb8;
	[tilespmem:$0xFE90] =	vst v63  }
0xfe: {  	_ =	swait.ge [sflag:s5], $0x800  }
0xff: {  	[sflag:s5] =	ssyncset.done $0x0  }
0x100: {  	s14 =	sadd.s32 $0x280, s13;
	[sflag:s5] =	ssyncadd.s32 $0xFFFFF800  }
0x101: {  	[spmem:s3] =	stream.indirect.scatter.add.f32 [tilespmem:s22], [sflag:$0x2], $0x10, s14, s16, $0xb8;
	[tilespmem:$0xFE90] =	vst v63  }
0x102: {  	_ =	swait.ge [sflag:s5], $0x800  }
0x103: {  	[sflag:s5] =	ssyncset.done $0x0  }
0x104: {  	s14 =	sadd.s32 $0x300, s13;
	[sflag:s5] =	ssyncadd.s32 $0xFFFFF800  }
0x105: {  	[spmem:s3] =	stream.indirect.scatter.add.f32 [tilespmem:s23], [sflag:$0x2], $0x10, s14, s16, $0xb8;
	[tilespmem:$0xFE90] =	vst v63  }
0x106: {  	_ =	swait.ge [sflag:s5], $0x800  }
0x107: {  	[sflag:s5] =	ssyncset.done $0x0  }
0x108: {  	s14 =	sadd.s32 $0x380, s13;
	[sflag:s5] =	ssyncadd.s32 $0xFFFFF800  }
0x109: {  	[spmem:s3] =	stream.indirect.scatter.add.f32 [tilespmem:s24], [sflag:$0x2], $0x10, s14, s16, $0xb8;
	[tilespmem:$0xFE90] =	vst v63  }
0x10a: {  	_ =	swait.ge [sflag:s5], $0x800  }
0x10b: {  	[sflag:s5] =	ssyncset.done $0x0  }
0x10c: {  	s14 =	sadd.s32 $0x400, s13;
	[sflag:s5] =	ssyncadd.s32 $0xFFFFF800  }
0x10d: {  	[spmem:s3] =	stream.indirect.scatter.add.f32 [tilespmem:s25], [sflag:$0x2], $0x10, s14, s16, $0xb8;
	[tilespmem:$0xFE90] =	vst v63  }
0x10e: {  	_ =	swait.ge [sflag:s5], $0x800  }
0x10f: {  	[sflag:s5] =	ssyncset.done $0x0  }
0x110: {  	s14 =	sadd.s32 $0x480, s13;
	[sflag:s5] =	ssyncadd.s32 $0xFFFFF800  }
0x111: {  	[spmem:s3] =	stream.indirect.scatter.add.f32 [tilespmem:s26], [sflag:$0x2], $0x10, s14, s16, $0xb8;
	[tilespmem:$0xFE90] =	vst v63  }
0x112: {  	_ =	swait.ge [sflag:s5], $0x800  }
0x113: {  	[sflag:s5] =	ssyncset.done $0x0  }
0x114: {  	s14 =	sadd.s32 $0x500, s13;
	[sflag:s5] =	ssyncadd.s32 $0xFFFFF800  }
0x115: {  	[spmem:s3] =	stream.indirect.scatter.add.f32 [tilespmem:s28], [sflag:$0x2], $0x10, s14, s16, $0xb8;
	[tilespmem:$0xFE90] =	vst v63  }
0x116: {  	_ =	swait.ge [sflag:s5], $0x800  }
0x117: {  	[sflag:s5] =	ssyncset.done $0x0  }
0x118: {  	s14 =	sadd.s32 $0x580, s13;
	[sflag:s5] =	ssyncadd.s32 $0xFFFFF800  }
0x119: {  	[spmem:s3] =	stream.indirect.scatter.add.f32 [tilespmem:s29], [sflag:$0x2], $0x10, s14, s16, $0xb8;
	[tilespmem:$0xFE90] =	vst v63  }
0x11a: {  	_ =	swait.ge [sflag:s5], $0x800  }
0x11b: {  	[sflag:s5] =	ssyncset.done $0x0  }
0x11c: {  	s14 =	sadd.s32 $0x600, s13;
	[sflag:s5] =	ssyncadd.s32 $0xFFFFF800  }
0x11d: {  	[spmem:s3] =	stream.indirect.scatter.add.f32 [tilespmem:s30], [sflag:$0x2], $0x10, s14, s16, $0xb8;
	[tilespmem:$0xFE90] =	vst v63  }
0x11e: {  	_ =	swait.ge [sflag:s5], $0x800  }
0x11f: {  	[sflag:s5] =	ssyncset.done $0x0  }
0x120: {  	s14 =	sadd.s32 $0x680, s13;
	[sflag:s5] =	ssyncadd.s32 $0xFFFFF800  }
0x121: {  	[spmem:s3] =	stream.indirect.scatter.add.f32 [tilespmem:s31], [sflag:$0x2], $0x10, s14, s16, $0xb8;
	[tilespmem:$0xFE90] =	vst v63  }
0x122: {  	_ =	swait.ge [sflag:s5], $0x800  }
0x123: {  	[sflag:s5] =	ssyncset.done $0x0  }
0x124: {  	s14 =	sadd.s32 $0x700, s13;
	[sflag:s5] =	ssyncadd.s32 $0xFFFFF800  }
0x125: {  	[spmem:s3] =	stream.indirect.scatter.add.f32 [tilespmem:s1], [sflag:$0x2], $0x10, s14, s16, $0xb8;
	[tilespmem:$0xFE90] =	vst v63  }
0x126: {  	_ =	swait.ge [sflag:s5], $0x800  }
0x127: {  	[sflag:s5] =	ssyncset.done $0x0  }
0x128: {  	s14 =	sadd.s32 $0x780, s13;
	[sflag:s5] =	ssyncadd.s32 $0xFFFFF800  }
0x129: {  	[spmem:s3] =	stream.indirect.scatter.add.f32 [tilespmem:s0], [sflag:$0x2], $0x10, s14, s16, $0xb8;
	[tilespmem:$0xFE90] =	vst v63  }
0x12a: {  	_ =	swait.ge [sflag:s6], $0x800  }
0x12b: {  	[sflag:s6] =	ssyncset.done $0x0  }
0x12c: {  	[sflag:s6] =	ssyncadd.s32 $0xFFFFF800  }
0x12d: {  	_ =	swait.ge [sflag:s6], $0x800  }
0x12e: {  	[sflag:s6] =	ssyncset.done $0x0  }
0x12f: {  	[sflag:s6] =	ssyncadd.s32 $0xFFFFF800  }
0x130: {  	_ =	swait.ge [sflag:s6], $0x800  }
0x131: {  	[sflag:s6] =	ssyncset.done $0x0  }
0x132: {  	[sflag:s6] =	ssyncadd.s32 $0xFFFFF800  }
0x133: {  	_ =	swait.ge [sflag:s6], $0x800  }
0x134: {  	[sflag:s6] =	ssyncset.done $0x0  }
0x135: {  	[sflag:s6] =	ssyncadd.s32 $0xFFFFF800  }
0x136: {  	_ =	swait.ge [sflag:s6], $0x800  }
0x137: {  	[sflag:s6] =	ssyncset.done $0x0  }
0x138: {  	[sflag:s6] =	ssyncadd.s32 $0xFFFFF800  }
0x139: {  	_ =	swait.ge [sflag:s6], $0x800  }
0x13a: {  	[sflag:s6] =	ssyncset.done $0x0  }
0x13b: {  	[sflag:s6] =	ssyncadd.s32 $0xFFFFF800  }
0x13c: {  	_ =	swait.ge [sflag:s6], $0x800  }
0x13d: {  	[sflag:s6] =	ssyncset.done $0x0  }
0x13e: {  	[sflag:s6] =	ssyncadd.s32 $0xFFFFF800  }
0x13f: {  	_ =	swait.ge [sflag:s6], $0x800  }
0x140: {  	[sflag:s6] =	ssyncset.done $0x0  }
0x141: {  	[sflag:s6] =	ssyncadd.s32 $0xFFFFF800  }
0x142: {  	_ =	swait.ge [sflag:s6], $0x800  }
0x143: {  	[sflag:s6] =	ssyncset.done $0x0  }
0x144: {  	[sflag:s6] =	ssyncadd.s32 $0xFFFFF800  }
0x145: {  	_ =	swait.ge [sflag:s6], $0x800  }
0x146: {  	[sflag:s6] =	ssyncset.done $0x0  }
0x147: {  	[sflag:s6] =	ssyncadd.s32 $0xFFFFF800  }
0x148: {  	_ =	swait.ge [sflag:s6], $0x800  }
0x149: {  	[sflag:s6] =	ssyncset.done $0x0  }
0x14a: {  	[sflag:s6] =	ssyncadd.s32 $0xFFFFF800  }
0x14b: {  	_ =	swait.ge [sflag:s6], $0x800  }
0x14c: {  	[sflag:s6] =	ssyncset.done $0x0  }
0x14d: {  	[sflag:s6] =	ssyncadd.s32 $0xFFFFF800  }
0x14e: {  	_ =	swait.ge [sflag:s6], $0x800  }
0x14f: {  	[sflag:s6] =	ssyncset.done $0x0  }
0x150: {  	[sflag:s6] =	ssyncadd.s32 $0xFFFFF800  }
0x151: {  	_ =	swait.ge [sflag:s6], $0x800  }
0x152: {  	[sflag:s6] =	ssyncset.done $0x0  }
0x153: {  	p0 =	sne.s32 s8, $0x8000;
	[sflag:s6] =	ssyncadd.s32 $0xFFFFF800  }
.Ltmp0:
0x154: {  	_ =	swait.ge [sflag:s6], $0x800;
	(pc) =	sbr.rel @p0 .LBB2_2-.Ltmp0, $4  }
0x155: {  	[sflag:s6] =	ssyncset.done $0x0  }
0x156: {  	[sflag:s6] =	ssyncadd.s32 $0xFFFFF800  }
0x157: {  	_ =	swait.ge [sflag:s6], $0x800  }
0x158: {  	s8 =	sadd.s32 $0x2000, s8;
	[sflag:s6] =	ssyncset.done $0x0  }
0x159: {  	[sflag:s6] =	ssyncadd.s32 $0xFFFFF800  }
0x15a: {  	[bflag:$0x0] =	sbarrier.arrive $0xFFFF  }
0x15b: {  	s8 =	rddreg [dreg:$0x18]  }
0x15c: {  	s10 =	rddreg [dreg:$0x1c]  }
0x15d: {  	[hbm:s8], [sflag:s12] =	dma.local [spmem:s10], $0x4F0  }
0x15e: {  	_ =	swait.ge [sflag:s11], $0x4F0  }
0x15f: {  	s7 =	sadd.s32 $0x1, s7;
	s14 =	rddreg [dreg:$0x19]  }
0x160: {  	p0 =	sne.s32 s7, s14  }
.Ltmp1:
0x161: {  	_ = 	snop;
	(pc) =	sbr.rel @p0 .LBB2_1-.Ltmp1, $3  }
0x162: {  	_ =	sdelay $0x1  }
0x163: {  	[sflag:s11] =	ssyncset.done $0x0  }
0x164: {  	[sflag:s11] =	ssyncadd.s32 $0xFFFFFB10  }
0x165: {  	_ =	sfence.sel $0x180000  }
0x166: {  	[bflag:$0x0] =	sbarrier.arrive $0xFFFF  }
0x167: {  	_ =	strace $0x9000004A  }
0x168: {  	s0 =	stileid.u32;
	[bflag:$0x2] =	sbarrier.arrive $0xFFFF  }
0x169: {  	p0 =	sne.s32 s0, $0x0;
	s0 =	rddreg [dreg:$0x5]  }
0x16a: {  	s0 =	sadd.s32 @!p0 $0x100000, s0  }
0x16b: {  	[sflag:s0] =	ssyncadd.tile.s32 @!p0 $0x1;
	_ =	shalt  }
.Lfunc_end2:
_tile_overlayer_lowered:
.L_overlay_start_2:
0x16c: {  	(tag) =	ssettag $0x2  }
0x16d: {  	s0 =	rddreg [dreg:$0x0];
	s2 =	stileid.u32  }
0x16e: {  	s1 =	rddreg [dreg:$0x1];
	p0 =	sne.s32 s2, $0x0  }
0x16f: {  	s3 =	rddreg [dreg:$0x2];
	[bflag:$0x3] =	sbarrier.arrive $0xFFFF;
	s2 =	simm.s32 @!p0 $0x1C03  }
0x170: {  	[timem:s3], [sflag:s2] =	dma.local @!p0 [hbm:s0], s1  }
0x171: {  	s0 =	simm.s32 @!p0 $0x3  }
0x172: {  	_ =	swait.ge @!p0 [sflag:s0], s1  }
0x173: {  	s1 =	ssub.s32 @!p0 $0x0, s1;
	[sflag:s0] =	ssyncset.done @!p0 $0x0  }
0x174: {  	[sflag:s0] =	ssyncadd.s32 @!p0 s1  }
0x175: {  	[bflag:$0x3] =	sbarrier.arrive $0xFFFF  }
0x176: {  	_ =	shalt  }

// kernel: kernel.15.cloned.1.call-start
scs
__scs_entry_jumppad:
0x0: {  	(pc) =	sbr.rel $0x88, $3  }
0x1: {  	(tag) =	ssettag $0x0;
	lr =	simm.s32 $0x1  }
0x2: {  	[smem:$0x3F97] =	sst lr;
	_ =	strace $0xD0000000  }
0x3: {  	_ = 	snop  }
0x4: {  	_ = 	snop  }
0x5: {  	_ = 	snop  }
0x6: {  	_ = 	snop  }
0x7: {  	_ = 	snop  }
__scs_overlays_trampoline_lowered:
0x8: {  	[smem:$0x3FA6] =	sst s0  }
0x9: {  	[smem:$0x3FA7] =	sst s1  }
0xa: {  	[smem:$0x3FA8] =	sst s2  }
0xb: {  	[smem:$0x3FA9] =	sst s3  }
0xc: {  	[smem:$0x3FAA] =	sst s4  }
0xd: {  	[smem:$0x3FAB] =	sst s5  }
0xe: {  	[smem:$0x3FAC] =	sst s6  }
0xf: {  	[smem:$0x3FAD] =	sst s7  }
0x10: {  	[smem:$0x3FAE] =	sst s8  }
0x11: {  	[smem:$0x3FAF] =	sst s9;
	s0 =	simm.s32 @!p0 $0x0  }
0x12: {  	s1 =	sld [smem:$0x3F95];
	s0 =	simm.s32 @p0 $0x1  }
0x13: {  	[smem:$0x3FB0] =	sst s0;
	s0 =	simm.s32 @!p1 $0x0  }
0x14: {  	s2 =	sld [smem:$0x3F94];
	s0 =	simm.s32 @p1 $0x1  }
0x15: {  	[smem:$0x3FB1] =	sst s0;
	s0 =	simm.s32 @!p2 $0x0  }
0x16: {  	s3 =	sld [smem:$0x3FDB];
	s0 =	simm.s32 @p2 $0x1  }
0x17: {  	s4 =	simm.s32 $0x1BF5;
	[smem:$0x3FB3] =	sst s0  }
0x18: {  	s0 =	sld [smem:$0x3F96];
	_ =	swait.ge [sflag:s4], $0x0  }
0x19: {  	s7 =	sld [smem:$0x3F97]  }
0x1a: {  	s8 =	sadd.s32 $0xFFFFE003, lr  }
0x1b: {  	s9 =	sadd.s32 $0xFFFFFEF7, lr;
	s5 =	simm.s32 $0xFFFFFFFF;
	p2 =	slt.u32 s8, $0xFFFFF086  }
0x1c: {  	p1 =	slt.u32 s9, $0xF7A;
	s5 =	simm.s32 @!p2 $0x0  }
0x1d: {  	s5 =	simm.s32 @p1 $0x1;
	p0 =	seq.s32 s7, s2  }
0x1e: {  	s7 =	smul.u32 @!p0 $0xF7A, s2;
	p2 =	seq.s32 @!p0 s5, $0x0  }
0x1f: {  	s9 =	smul.u32 $0xF7A, s1;
	s8 =	simm.s32 @!p0 $0x1BF5;
	p2 =	por !p2, p0  }
0x20: {  	[sflag:s8] =	ssyncset.s32 @!p0 $0xFFFFF086;
	s6 =	sadd.s32 @!p0 s3, s7;
	s7 =	simm.s32 @!p0 $0x108  }
0x21: {  	s3 =	sadd.s32 s3, s9;
	s6 =	sadd.s32 @!p0 $0x88, s6;
	s7 =	simm.s32 @p2 $0x1082  }
0x22: {  	[simem:s7], [sflag:s8] =	dma.local @!p0 [hbm:s6], $0xF7A  }
0x23: {  	s9 =	sor.u32 $0xD0000000, s2;
	s6 =	simm.s32 $0x108;
	_ =	swait.ge @!p0 [sflag:s8], $0x0  }
0x24: {  	s3 =	sadd.s32 $0x88, s3;
	s6 =	simm.s32 @!p1 $0x1082;
	[sflag:s4] =	ssyncset.s32 $0xFFFFF086  }
0x25: {  	[simem:s6], [sflag:s4] =	dma.local [hbm:s3], $0xF7A  }
0x26: {  	[smem:$0x3F97] =	sst s1;
	(tag) =	ssettag s2;
	_ =	strace s9  }
0x27: {  	s1 =	sld [smem:$0x3FA7]  }
0x28: {  	s2 =	sld [smem:$0x3FA8]  }
0x29: {  	s4 =	sld [smem:$0x3FAA]  }
0x2a: {  	p0 =	seq.s32 s5, $0x0;
	s5 =	sld [smem:$0x3FAB]  }
0x2b: {  	s6 =	sld [smem:$0x3FAC]  }
0x2c: {  	s7 =	sld [smem:$0x3FAD]  }
0x2d: {  	s3 =	simm.s32 $0x108;
	s8 =	sld [smem:$0x3FAE]  }
0x2e: {  	s3 =	simm.s32 @!p0 $0x1082;
	s9 =	sld [smem:$0x3FAF]  }
0x2f: {  	lr =	sadd.s32 s0, s3;
	s0 =	sld [smem:$0x3FA6]  }
0x30: {  	s3 =	sld [smem:$0x3FA9]  }
0x31: {  	[smem:$0x3FB2] =	sst s10  }
0x32: {  	s10 =	sld [smem:$0x3FB0];
	_ =	sdelay $0x3  }
0x33: {  	p0 =	seq.s32 s10, $0x1;
	s10 =	sld [smem:$0x3FB2];
	_ =	sdelay $0x3  }
0x34: {  	[smem:$0x3FB2] =	sst s10  }
0x35: {  	s10 =	sld [smem:$0x3FB1];
	_ =	sdelay $0x3  }
0x36: {  	p1 =	seq.s32 s10, $0x1;
	s10 =	sld [smem:$0x3FB2];
	_ =	sdelay $0x3  }
0x37: {  	[smem:$0x3FB2] =	sst s10  }
0x38: {  	s10 =	sld [smem:$0x3FB3]  }
0x39: {  	_ = 	snop;
	(pc) =	sbr.ind lr, $3  }
0x3a: {  	_ = 	snop  }
0x3b: {  	_ = 	snop  }
0x3c: {  	p2 =	seq.s32 s10, $0x1;
	s10 =	sld [smem:$0x3FB2]  }
0x3d: {  	_ =	shalt  }
0x3e: {  	_ =	shalt  }
0x3f: {  	_ =	shalt  }
0x40: {  	_ =	shalt  }
0x41: {  	_ =	shalt  }
0x42: {  	_ =	shalt  }
0x43: {  	_ =	shalt  }
0x44: {  	_ =	shalt  }
0x45: {  	_ =	shalt  }
0x46: {  	_ =	shalt  }
0x47: {  	_ =	shalt  }
0x48: {  	_ =	shalt  }
0x49: {  	_ =	shalt  }
0x4a: {  	_ =	shalt  }
0x4b: {  	_ =	shalt  }
0x4c: {  	_ =	shalt  }
0x4d: {  	_ =	shalt  }
0x4e: {  	_ =	shalt  }
0x4f: {  	_ =	shalt  }
0x50: {  	_ =	shalt  }
0x51: {  	_ =	shalt  }
0x52: {  	_ =	shalt  }
0x53: {  	_ =	shalt  }
0x54: {  	_ =	shalt  }
0x55: {  	_ =	shalt  }
0x56: {  	_ =	shalt  }
0x57: {  	_ =	shalt  }
0x58: {  	_ =	shalt  }
0x59: {  	_ =	shalt  }
0x5a: {  	_ =	shalt  }
0x5b: {  	_ =	shalt  }
0x5c: {  	_ =	shalt  }
0x5d: {  	_ =	shalt  }
0x5e: {  	_ =	shalt  }
0x5f: {  	_ =	shalt  }
0x60: {  	_ =	shalt  }
0x61: {  	_ =	shalt  }
0x62: {  	_ =	shalt  }
0x63: {  	_ =	shalt  }
0x64: {  	_ =	shalt  }
0x65: {  	_ =	shalt  }
0x66: {  	_ =	shalt  }
0x67: {  	_ =	shalt  }
0x68: {  	_ =	shalt  }
0x69: {  	_ =	shalt  }
0x6a: {  	_ =	shalt  }
0x6b: {  	_ =	shalt  }
0x6c: {  	_ =	shalt  }
0x6d: {  	_ =	shalt  }
0x6e: {  	_ =	shalt  }
0x6f: {  	_ =	shalt  }
0x70: {  	_ =	shalt  }
0x71: {  	_ =	shalt  }
0x72: {  	_ =	shalt  }
0x73: {  	_ =	shalt  }
0x74: {  	_ =	shalt  }
0x75: {  	_ =	shalt  }
0x76: {  	_ =	shalt  }
0x77: {  	_ =	shalt  }
0x78: {  	_ =	shalt  }
0x79: {  	_ =	shalt  }
0x7a: {  	_ =	shalt  }
0x7b: {  	_ =	shalt  }
0x7c: {  	_ =	shalt  }
0x7d: {  	_ =	shalt  }
0x7e: {  	_ =	shalt  }
0x7f: {  	_ =	shalt  }
0x80: {  	_ =	shalt  }
0x81: {  	_ =	shalt  }
0x82: {  	_ =	shalt  }
0x83: {  	_ =	shalt  }
0x84: {  	_ =	shalt  }
0x85: {  	_ =	shalt  }
0x86: {  	_ =	shalt  }
0x87: {  	_ =	shalt  }
.Lfunc_end0:
.L_simem_size_0:
called_computation.2_lowered:
.L_overlay_start_0:
0x88: {  	s2 =	sld [smem:$0x3FD9]  }
0x89: {  	s3 =	sld [smem:$0x3FFE];
	_ =	sdelay $0x1  }
0x8a: {  	s1 =	srdreg.scid  }
0x8b: {  	s0 =	sand.u32 $0x1, s1  }
0x8c: {  	s14 =	sshll.u32 s0, $0xA;
	s2 =	sadd.s32 s3, s2  }
0x8d: {  	s2 =	sadd.s32 s2, s14  }
0x8e: {  	[smem:$0x3FBE] =	sst s2  }
0x8f: {  	_ = 	snop  }
0x90: {  	s2 =	sld [smem:$0x3FD0];
	_ =	sdelay $0x2  }
0x91: {  	s15 =	simm.s32 $0xA;
	s4 =	simm.s32 $0x10  }
0x92: {  	[smem:s4], [sflag:s15] =	dma.local [hbm:s2], $0x1  }
0x93: {  	_ =	swait.eq [sflag:s15], $0x1  }
0x94: {  	[sflag:s15] =	ssyncset.done $0x0  }
0x95: {  	s16 =	sld [smem:$0x10];
	[sflag:s15] =	ssyncadd.s32 $0xFFFFFFFF  }
0x96: {  	s17 =	sld [smem:$0x11];
	(tm) =	ssettm $0x1  }
0x97: {  	s18 =	sld [smem:$0x3FFB];
	_ =	sdelay $0x3  }
0x98: {  	_ =	strace s18  }
0x99: {  	s4 =	sld [smem:$0x3FFC];
	_ =	sdelay $0x3  }
0x9a: {  	_ =	strace s4  }
0x9b: {  	s4 =	sld [smem:$0x3FFD];
	_ =	sdelay $0x3  }
0x9c: {  	_ =	strace s4  }
0x9d: {  	_ =	strace $0x8FFFFFFF  }
0x9e: {  	s19 =	sld [smem:$0x3FDB];
	_ =	sdelay $0x1  }
0x9f: {  	s5 =	simm.s32 $_scs_section_size  }
0xa0: {  	s6 =	simm.s32 $_size__tile_overlayer_lowered;
	s7 =	simm.s32 $_tile_overlayer_lowered  }
0xa1: {  	s22 =	simm.s32 $0x1BFF;
	s21 =	sshll.u32 s7, $0x1;
	s4 =	sadd.s32 s5, s19  }
0xa2: {  	s8 =	simm.s32 $0x0;
	s20 =	sshll.u32 s6, $0x1;
	s6 =	sadd.s32 s21, s4  }
0xa3: {  	[timem:s8], [sflag:s22] =	dma.local [hbm:s6], s20  }
0xa4: {  	_ =	swait.ge [sflag:s22], s20  }
0xa5: {  	s5 =	ssub.s32 $0x0, s20;
	[sflag:s22] =	ssyncset.done $0x0  }
0xa6: {  	[sflag:s22] =	ssyncadd.s32 s5;
	_ =	sdelay $0x1  }
0xa7: {  	s23 =	simm.s32 $0x1B8B  }
0xa8: {  	_ =	swait.ge [sflag:s23], $0x1  }
0xa9: {  	[sflag:s23] =	ssyncset.done $0x0  }
0xaa: {  	s25 =	simm.s32 $0x1B8E;
	s24 =	sld [smem:$0x3FFE];
	[sflag:s23] =	ssyncadd.s32 $0xFFFFFFFF  }
0xab: {  	s26 =	simm.s32 $execute0_lowered;
	[smem:$0x3FD2] =	sst s25  }
0xac: {  	s6 =	sshll.u32 s26, $0x1;
	_ =	strace $0x8000004C;
	[dreg:$0x1] =	wrdreg $0xFFFFFFFF  }
0xad: {  	s28 =	simm.s32 $_size_execute0_lowered;
	s4 =	sadd.s32 s4, s6;
	[dreg:$0x0] =	wrdreg $0x0  }
0xae: {  	s6 =	sshll.u32 s28, $0x1;
	[dreg:$0x2] =	wrdreg s4  }
0xaf: {  	[dreg:$0x3] =	wrdreg s6  }
0xb0: {  	[dreg:$0x4] =	wrdreg $0xC0  }
0xb1: {  	_ =	task [dreg:s8], $0x5FFFF  }
0xb2: {  	[dreg:$0x1] =	wrdreg $0xFFFFFFFF  }
0xb3: {  	[dreg:$0x0] =	wrdreg $0x60  }
0xb4: {  	[dreg:$0x2] =	wrdreg s17  }
0xb5: {  	[dreg:$0x3] =	wrdreg s24  }
0xb6: {  	[dreg:$0x4] =	wrdreg s16  }
0xb7: {  	[dreg:$0x5] =	wrdreg $0x17F000  }
0xb8: {  	[dreg:$0x6] =	wrdreg $0x130000  }
0xb9: {  	[dreg:$0x7] =	wrdreg $0x9  }
0xba: {  	_ =	task.clear_ibuf [dreg:s8], $0x8FFFF;
	_ =	strace $0x9000004C  }
0xbb: {  	s29 =	simm.s32 $0x9;
	_ =	strace $0x8000004E  }
0xbc: {  	_ =	swait.ge [sflag:s29], $0x1  }
0xbd: {  	[sflag:s29] =	ssyncadd.s32 $0xFFFFFFFF  }
0xbe: {  	_ =	strace $0x9000004E  }
0xbf: {  	_ =	sfence  }
0xc0: {  	s30 =	sld [smem:$0x0];
	_ =	sdelay $0x2  }
0xc1: {  	s31 =	sshll.u32 s1, $0xD;
	s1 =	sshrl.u32 s1, $0x2  }
0xc2: {  	s3 =	sand.u32 $0x4000, s31;
	s1 =	sadd.s32 s1, s30  }
0xc3: {  	s0 =	sor.u32 s3, s0;
	s1 =	sshll.u32 s1, $0x11  }
0xc4: {  	s0 =	sor.u32 s1, s0  }
0xc5: {  	s0 =	sadd.s32 $0x8F2B, s0  }
0xc6: {  	[sflag:s0] =	ssyncadd.remote.s32 $0x1  }
0xc7: {  	_ =	sfence.sel $0xFFFF  }
0xc8: {  	[dreg:$0x0] =	wrdreg $0xFFFFFFFF;
	(pc) =	sbr.abs _section_cstart, $3  }
0xc9: {  	[dreg:$0x1] =	wrdreg $0xFFFFFFFF  }
0xca: {  	_ =	task.clear_ibuf [dreg:s8], $0x2FFFF;
	_ =	strace $0x9FFFFFFF  }
0xcb: {  	(tm) =	ssettm $0x7FFFFFFF  }
tec
execute0_lowered:
.L_overlay_start_1:
0x0: {  	(tag) =	ssettag $0x1  }
0x1: {  	s0 =	rddreg [dreg:$0x0]  }
0x2: {  	s1 =	rddreg [dreg:$0x1];
	s2 =	srdreg.scid  }
0x3: {  	s12 =	stileid.u32;
	s5 =	rddreg [dreg:$0x2]  }
0x4: {  	s13 =	simm.s32 $0x2980;
	s15 =	simm.s32 $0x2A00;
	s16 =	simm.s32 $0x2A80  }
0x5: {  	s17 =	simm.s32 $0x2B00;
	s28 =	simm.s32 $0xD000;
	s8 =	smul.u32 $0x9E0, s12  }
0x6: {  	s29 =	simm.s32 $0xE000;
	s30 =	simm.s32 $0xF000;
	s19 =	smul.u32 $0x4E20, s12  }
0x7: {  	s31 =	simm.s32 $0x10000;
	s6 =	sand.u32 $0x1, s2;
	s11 =	smul.u32 $0x13C00, s12  }
0x8: {  	s3 =	sshll.u32 s12, $0x1;
	s2 =	rddreg [dreg:$0x3];
	s24 =	smul.u32 $0xA00, s12  }
0x9: {  	s10 =	sadd.s32 $0x31A00, s1;
	s4 =	sor.u32 s6, s3;
	s9 =	smul.u32 $0x9E00, s6  }
0xa: {  	s3 =	rddreg [dreg:$0x4];
	s18 =	ssub.s32 $0x2, s6;
	s6 =	smul.u32 $0x500, s6  }
0xb: {  	s7 =	smul.u32 $0x500, s4;
	s4 =	simm.s32 $0x0;
	s20 =	sshrl.u32 s18, $0x1  }
0xc: {  	s22 =	sshrl.u32 s19, $0x3;
	s0 =	sadd.s32 s24, s0;
	[smem:$0x7FF] =	sst s4  }
0xd: {  	s5 =	sadd.s32 s5, s22;
	_ =	strace $0x8000004D;
	[dreg:$0x15] =	wrdreg s10  }
0xe: {  	s21 =	sadd.s32 s19, s2;
	s0 =	sadd.s32 s6, s0;
	[dreg:$0x17] =	wrdreg s5  }
0xf: {  	s23 =	sshrl.u32 s11, $0x2;
	s14 =	sshrl.u32 s21, $0x3;
	[dreg:$0x1a] =	wrdreg s0  }
0x10: {  	s11 =	simm.s32 $0x3;
	s19 =	simm.s32 $0x2C00;
	[dreg:$0x1b] =	wrdreg s14  }
0x11: {  	s24 =	simm.s32 $0x2E80;
	s8 =	sadd.s32 s8, s9;
	[dreg:$0x8] =	wrdreg s13  }
0x12: {  	s25 =	sadd.s32 s23, s3;
	s9 =	sshll.u32 s12, $0x6;
	[dreg:$0x9] =	wrdreg s15  }
0x13: {  	s21 =	simm.s32 $0x2D00;
	s22 =	simm.s32 $0x2D80;
	[dreg:$0xa] =	wrdreg s16  }
0x14: {  	s23 =	simm.s32 $0x2E00;
	s6 =	simm.s32 $0x2;
	[dreg:$0xb] =	wrdreg s17  }
0x15: {  	s7 =	sadd.s32 s7, s1;
	s1 =	sadd.s32 s8, s1;
	[dreg:$0xd] =	wrdreg s19  }
0x16: {  	s8 =	ssub.s32 s18, s20;
	s10 =	simm.s32 $0x2900;
	[dreg:$0xf] =	wrdreg s21  }
0x17: {  	s12 =	sor.u32 $0x1C03, s9;
	s15 =	simm.s32 $0x2800;
	[dreg:$0x10] =	wrdreg s22  }
0x18: {  	s16 =	simm.s32 $0x80;
	s18 =	simm.s32 $0x2B80;
	[dreg:$0x11] =	wrdreg s23  }
0x19: {  	s17 =	simm.s32 $0x3000;
	s20 =	simm.s32 $0x2C80;
	[dreg:$0x12] =	wrdreg s24  }
0x1a: {  	s19 =	simm.s32 $0x5000;
	s21 =	simm.s32 $0x7000;
	[dreg:$0x7] =	wrdreg s10  }
0x1b: {  	s22 =	simm.s32 $0x8000;
	s23 =	simm.s32 $0x9000;
	[dreg:$0xc] =	wrdreg s18  }
0x1c: {  	s24 =	simm.s32 $0xA000;
	s7 =	sadd.s32 $0x200, s7;
	[dreg:$0xe] =	wrdreg s20  }
0x1d: {  	s0 =	simm.s32 $0x12000;
	s1 =	sadd.s32 $0x32400, s1;
	[dreg:$0x16] =	wrdreg s7  }
0x1e: {  	s5 =	simm.s32 $0x1;
	s26 =	smax.u32 s8, $0x1;
	[dreg:$0x18] =	wrdreg s1  }
0x1f: {  	s8 =	simm.s32 $0x2880;
	s10 =	sshrl.u32 s25, $0x3;
	[dreg:$0x19] =	wrdreg s26  }
0x20: {  	s18 =	simm.s32 $0x4000;
	s25 =	simm.s32 $0x2F00;
	[dreg:$0x6] =	wrdreg s8  }
0x21: {  	s20 =	simm.s32 $0x6000;
	[dreg:$0x13] =	wrdreg s25;
	s26 =	simm.s32 $0x2F80  }
0x22: {  	s25 =	simm.s32 $0xB000;
	s1 =	simm.s32 $0x11000;
	[dreg:$0x1c] =	wrdreg s10  }
0x23: {  	s7 =	simm.s32 $0x0;
	[dreg:$0x14] =	wrdreg s26;
	s26 =	simm.s32 $0xC000  }
.LBB2_1:
0x24: {  	s8 =	rddreg [dreg:$0x16]  }
0x25: {  	[tilespmem:s4], [sflag:$0x3] =	stream.linear.gather [hbm4b:s8+s4], $0x2800, $0x38;
	[tilespmem:$0x1CD20] =	vst v63  }
0x26: {  	_ =	swait.ge [sflag:s11], $0x2800  }
0x27: {  	[sflag:s11] =	ssyncset.done $0x0;
	s14 =	rddreg [dreg:$0x17]  }
0x28: {  	s9 =	rddreg [dreg:$0x1b];
	[sflag:s11] =	ssyncadd.s32 $0xFFFFD800  }
0x29: {  	[spmem:s9], [sflag:s12] =	dma.local [hbm:s14], $0x9C4  }
0x2a: {  	_ =	swait.ge [sflag:s11], $0x9C4  }
0x2b: {  	[sflag:s11] =	ssyncset.done $0x0  }
0x2c: {  	s9 =	rddreg [dreg:$0x15];
	[sflag:s11] =	ssyncadd.s32 $0xFFFFF63C  }
0x2d: {  	[spmem:s10], [sflag:s12] =	dma.local [hbm:s9], $0x9E0  }
0x2e: {  	_ =	swait.ge [sflag:s11], $0x9E0  }
0x2f: {  	[sflag:s11] =	ssyncset.done $0x0  }
0x30: {  	[sflag:s11] =	ssyncadd.s32 $0xFFFFF620  }
0x31: {  	[bflag:$0x0] =	sbarrier.arrive $0xFFFF  }
0x32: {  	s9 =	rddreg [dreg:$0x1a]  }
0x33: {  	[tilespmem:s15], [sflag:$0x3] =	stream.linear.gather [hbm4b:s9+s4], $0x800, $0x38;
	[tilespmem:$0x1CD20] =	vst v63  }
0x34: {  	_ =	swait.ge [sflag:s11], $0x800  }
0x35: {  	[sflag:s11] =	ssyncset.done $0x0  }
0x36: {  	[sflag:s11] =	ssyncadd.s32 $0xFFFFF800  }
0x37: {  	[tilespmem:s17], [sflag:$0x1] =	stream.indirect.gather [spmem:s2], $0x20, s15, s16, $0xb8;
	[tilespmem:$0x1CD20] =	vst v63  }
0x38: {  	s13 =	rddreg [dreg:$0x6]  }
0x39: {  	[tilespmem:s18], [sflag:$0x1] =	stream.indirect.gather [spmem:s2], $0x20, s13, s16, $0xb8;
	[tilespmem:$0x1CD20] =	vst v63  }
0x3a: {  	s14 =	rddreg [dreg:$0x7]  }
0x3b: {  	[tilespmem:s19], [sflag:$0x1] =	stream.indirect.gather [spmem:s2], $0x20, s14, s16, $0xb8;
	[tilespmem:$0x1CD20] =	vst v63  }
0x3c: {  	s13 =	rddreg [dreg:$0x8]  }
0x3d: {  	[tilespmem:s20], [sflag:$0x1] =	stream.indirect.gather [spmem:s2], $0x20, s13, s16, $0xb8;
	[tilespmem:$0x1CD20] =	vst v63  }
0x3e: {  	s14 =	rddreg [dreg:$0x9]  }
0x3f: {  	[tilespmem:s21], [sflag:$0x1] =	stream.indirect.gather [spmem:s2], $0x20, s14, s16, $0xb8;
	[tilespmem:$0x1CD20] =	vst v63  }
0x40: {  	s13 =	rddreg [dreg:$0xa]  }
0x41: {  	[tilespmem:s22], [sflag:$0x1] =	stream.indirect.gather [spmem:s2], $0x20, s13, s16, $0xb8;
	[tilespmem:$0x1CD20] =	vst v63  }
0x42: {  	s14 =	rddreg [dreg:$0xb]  }
0x43: {  	[tilespmem:s23], [sflag:$0x1] =	stream.indirect.gather [spmem:s2], $0x20, s14, s16, $0xb8;
	[tilespmem:$0x1CD20] =	vst v63  }
0x44: {  	s13 =	rddreg [dreg:$0xc]  }
0x45: {  	[tilespmem:s24], [sflag:$0x1] =	stream.indirect.gather [spmem:s2], $0x20, s13, s16, $0xb8;
	[tilespmem:$0x1CD20] =	vst v63  }
0x46: {  	s14 =	rddreg [dreg:$0xd]  }
0x47: {  	[tilespmem:s25], [sflag:$0x1] =	stream.indirect.gather [spmem:s2], $0x20, s14, s16, $0xb8;
	[tilespmem:$0x1CD20] =	vst v63  }
0x48: {  	s13 =	rddreg [dreg:$0xe]  }
0x49: {  	[tilespmem:s26], [sflag:$0x1] =	stream.indirect.gather [spmem:s2], $0x20, s13, s16, $0xb8;
	[tilespmem:$0x1CD20] =	vst v63  }
0x4a: {  	s14 =	rddreg [dreg:$0xf]  }
0x4b: {  	[tilespmem:s28], [sflag:$0x1] =	stream.indirect.gather [spmem:s2], $0x20, s14, s16, $0xb8;
	[tilespmem:$0x1CD20] =	vst v63  }
0x4c: {  	s13 =	rddreg [dreg:$0x10]  }
0x4d: {  	[tilespmem:s29], [sflag:$0x1] =	stream.indirect.gather [spmem:s2], $0x20, s13, s16, $0xb8;
	[tilespmem:$0x1CD20] =	vst v63  }
0x4e: {  	s14 =	rddreg [dreg:$0x11]  }
0x4f: {  	[tilespmem:s30], [sflag:$0x1] =	stream.indirect.gather [spmem:s2], $0x20, s14, s16, $0xb8;
	[tilespmem:$0x1CD20] =	vst v63  }
0x50: {  	s13 =	rddreg [dreg:$0x12]  }
0x51: {  	[tilespmem:s31], [sflag:$0x1] =	stream.indirect.gather [spmem:s2], $0x20, s13, s16, $0xb8;
	[tilespmem:$0x1CD20] =	vst v63  }
0x52: {  	s14 =	rddreg [dreg:$0x13]  }
0x53: {  	[tilespmem:s1], [sflag:$0x1] =	stream.indirect.gather [spmem:s2], $0x20, s14, s16, $0xb8;
	[tilespmem:$0x1CD20] =	vst v63  }
0x54: {  	s13 =	rddreg [dreg:$0x14]  }
0x55: {  	[tilespmem:s0], [sflag:$0x1] =	stream.indirect.gather [spmem:s2], $0x20, s13, s16, $0xb8;
	[tilespmem:$0x1CD20] =	vst v63  }
0x56: {  	_ =	swait.ge [sflag:s5], $0x1000  }
0x57: {  	[sflag:s5] =	ssyncset.done $0x0  }
0x58: {  	s14 =	simm.s32 $0x0;
	[sflag:s5] =	ssyncadd.s32 $0xFFFFF000  }
0x59: {  	[spmem:s3] =	stream.indirect.scatter.add.f32 [tilespmem:s17], [sflag:$0x2], $0x20, s14, s16, $0xb8;
	[tilespmem:$0x1CD20] =	vst v63  }
0x5a: {  	_ =	swait.ge [sflag:s5], $0x1000  }
0x5b: {  	[sflag:s5] =	ssyncset.done $0x0  }
0x5c: {  	s10 =	simm.s32 $0x80;
	[sflag:s5] =	ssyncadd.s32 $0xFFFFF000  }
0x5d: {  	[spmem:s3] =	stream.indirect.scatter.add.f32 [tilespmem:s18], [sflag:$0x2], $0x20, s10, s16, $0xb8;
	[tilespmem:$0x1CD20] =	vst v63  }
0x5e: {  	_ =	swait.ge [sflag:s5], $0x1000  }
0x5f: {  	[sflag:s5] =	ssyncset.done $0x0  }
0x60: {  	s13 =	simm.s32 $0x100;
	[sflag:s5] =	ssyncadd.s32 $0xFFFFF000  }
0x61: {  	[spmem:s3] =	stream.indirect.scatter.add.f32 [tilespmem:s19], [sflag:$0x2], $0x20, s13, s16, $0xb8;
	[tilespmem:$0x1CD20] =	vst v63  }
0x62: {  	_ =	swait.ge [sflag:s5], $0x1000  }
0x63: {  	[sflag:s5] =	ssyncset.done $0x0  }
0x64: {  	s14 =	simm.s32 $0x180;
	[sflag:s5] =	ssyncadd.s32 $0xFFFFF000  }
0x65: {  	[spmem:s3] =	stream.indirect.scatter.add.f32 [tilespmem:s20], [sflag:$0x2], $0x20, s14, s16, $0xb8;
	[tilespmem:$0x1CD20] =	vst v63  }
0x66: {  	_ =	swait.ge [sflag:s5], $0x1000  }
0x67: {  	[sflag:s5] =	ssyncset.done $0x0  }
0x68: {  	s10 =	simm.s32 $0x200;
	[sflag:s5] =	ssyncadd.s32 $0xFFFFF000  }
0x69: {  	[spmem:s3] =	stream.indirect.scatter.add.f32 [tilespmem:s21], [sflag:$0x2], $0x20, s10, s16, $0xb8;
	[tilespmem:$0x1CD20] =	vst v63  }
0x6a: {  	_ =	swait.ge [sflag:s5], $0x1000  }
0x6b: {  	[sflag:s5] =	ssyncset.done $0x0  }
0x6c: {  	s13 =	simm.s32 $0x280;
	[sflag:s5] =	ssyncadd.s32 $0xFFFFF000  }
0x6d: {  	[spmem:s3] =	stream.indirect.scatter.add.f32 [tilespmem:s22], [sflag:$0x2], $0x20, s13, s16, $0xb8;
	[tilespmem:$0x1CD20] =	vst v63  }
0x6e: {  	_ =	swait.ge [sflag:s5], $0x1000  }
0x6f: {  	[sflag:s5] =	ssyncset.done $0x0  }
0x70: {  	s14 =	simm.s32 $0x300;
	[sflag:s5] =	ssyncadd.s32 $0xFFFFF000  }
0x71: {  	[spmem:s3] =	stream.indirect.scatter.add.f32 [tilespmem:s23], [sflag:$0x2], $0x20, s14, s16, $0xb8;
	[tilespmem:$0x1CD20] =	vst v63  }
0x72: {  	_ =	swait.ge [sflag:s5], $0x1000  }
0x73: {  	[sflag:s5] =	ssyncset.done $0x0  }
0x74: {  	s10 =	simm.s32 $0x380;
	[sflag:s5] =	ssyncadd.s32 $0xFFFFF000  }
0x75: {  	[spmem:s3] =	stream.indirect.scatter.add.f32 [tilespmem:s24], [sflag:$0x2], $0x20, s10, s16, $0xb8;
	[tilespmem:$0x1CD20] =	vst v63  }
0x76: {  	_ =	swait.ge [sflag:s5], $0x1000  }
0x77: {  	[sflag:s5] =	ssyncset.done $0x0  }
0x78: {  	s13 =	simm.s32 $0x400;
	[sflag:s5] =	ssyncadd.s32 $0xFFFFF000  }
0x79: {  	[spmem:s3] =	stream.indirect.scatter.add.f32 [tilespmem:s25], [sflag:$0x2], $0x20, s13, s16, $0xb8;
	[tilespmem:$0x1CD20] =	vst v63  }
0x7a: {  	_ =	swait.ge [sflag:s5], $0x1000  }
0x7b: {  	[sflag:s5] =	ssyncset.done $0x0  }
0x7c: {  	s14 =	simm.s32 $0x480;
	[sflag:s5] =	ssyncadd.s32 $0xFFFFF000  }
0x7d: {  	[spmem:s3] =	stream.indirect.scatter.add.f32 [tilespmem:s26], [sflag:$0x2], $0x20, s14, s16, $0xb8;
	[tilespmem:$0x1CD20] =	vst v63  }
0x7e: {  	_ =	swait.ge [sflag:s5], $0x1000  }
0x7f: {  	[sflag:s5] =	ssyncset.done $0x0  }
0x80: {  	s10 =	simm.s32 $0x500;
	[sflag:s5] =	ssyncadd.s32 $0xFFFFF000  }
0x81: {  	[spmem:s3] =	stream.indirect.scatter.add.f32 [tilespmem:s28], [sflag:$0x2], $0x20, s10, s16, $0xb8;
	[tilespmem:$0x1CD20] =	vst v63  }
0x82: {  	_ =	swait.ge [sflag:s5], $0x1000  }
0x83: {  	[sflag:s5] =	ssyncset.done $0x0  }
0x84: {  	s13 =	simm.s32 $0x580;
	[sflag:s5] =	ssyncadd.s32 $0xFFFFF000  }
0x85: {  	[spmem:s3] =	stream.indirect.scatter.add.f32 [tilespmem:s29], [sflag:$0x2], $0x20, s13, s16, $0xb8;
	[tilespmem:$0x1CD20] =	vst v63  }
0x86: {  	_ =	swait.ge [sflag:s5], $0x1000  }
0x87: {  	[sflag:s5] =	ssyncset.done $0x0  }
0x88: {  	s14 =	simm.s32 $0x600;
	[sflag:s5] =	ssyncadd.s32 $0xFFFFF000  }
0x89: {  	[spmem:s3] =	stream.indirect.scatter.add.f32 [tilespmem:s30], [sflag:$0x2], $0x20, s14, s16, $0xb8;
	[tilespmem:$0x1CD20] =	vst v63  }
0x8a: {  	_ =	swait.ge [sflag:s5], $0x1000  }
0x8b: {  	[sflag:s5] =	ssyncset.done $0x0  }
0x8c: {  	s10 =	simm.s32 $0x680;
	[sflag:s5] =	ssyncadd.s32 $0xFFFFF000  }
0x8d: {  	[spmem:s3] =	stream.indirect.scatter.add.f32 [tilespmem:s31], [sflag:$0x2], $0x20, s10, s16, $0xb8;
	[tilespmem:$0x1CD20] =	vst v63  }
0x8e: {  	_ =	swait.ge [sflag:s5], $0x1000  }
0x8f: {  	[sflag:s5] =	ssyncset.done $0x0  }
0x90: {  	s13 =	simm.s32 $0x700;
	[sflag:s5] =	ssyncadd.s32 $0xFFFFF000  }
0x91: {  	[spmem:s3] =	stream.indirect.scatter.add.f32 [tilespmem:s1], [sflag:$0x2], $0x20, s13, s16, $0xb8;
	[tilespmem:$0x1CD20] =	vst v63  }
0x92: {  	_ =	swait.ge [sflag:s5], $0x1000  }
0x93: {  	[sflag:s5] =	ssyncset.done $0x0  }
0x94: {  	s14 =	simm.s32 $0x780;
	[sflag:s5] =	ssyncadd.s32 $0xFFFFF000  }
0x95: {  	[spmem:s3] =	stream.indirect.scatter.add.f32 [tilespmem:s0], [sflag:$0x2], $0x20, s14, s16, $0xb8;
	[tilespmem:$0x1CD20] =	vst v63  }
0x96: {  	_ =	swait.ge [sflag:s6], $0x1000  }
0x97: {  	[sflag:s6] =	ssyncset.done $0x0  }
0x98: {  	[sflag:s6] =	ssyncadd.s32 $0xFFFFF000  }
0x99: {  	_ =	swait.ge [sflag:s6], $0x1000  }
0x9a: {  	[sflag:s6] =	ssyncset.done $0x0  }
0x9b: {  	[sflag:s6] =	ssyncadd.s32 $0xFFFFF000  }
0x9c: {  	_ =	swait.ge [sflag:s6], $0x1000  }
0x9d: {  	[sflag:s6] =	ssyncset.done $0x0  }
0x9e: {  	[sflag:s6] =	ssyncadd.s32 $0xFFFFF000  }
0x9f: {  	_ =	swait.ge [sflag:s6], $0x1000  }
0xa0: {  	[sflag:s6] =	ssyncset.done $0x0  }
0xa1: {  	[sflag:s6] =	ssyncadd.s32 $0xFFFFF000  }
0xa2: {  	_ =	swait.ge [sflag:s6], $0x1000  }
0xa3: {  	[sflag:s6] =	ssyncset.done $0x0  }
0xa4: {  	[sflag:s6] =	ssyncadd.s32 $0xFFFFF000  }
0xa5: {  	_ =	swait.ge [sflag:s6], $0x1000  }
0xa6: {  	[sflag:s6] =	ssyncset.done $0x0  }
0xa7: {  	[sflag:s6] =	ssyncadd.s32 $0xFFFFF000  }
0xa8: {  	_ =	swait.ge [sflag:s6], $0x1000  }
0xa9: {  	[sflag:s6] =	ssyncset.done $0x0  }
0xaa: {  	[sflag:s6] =	ssyncadd.s32 $0xFFFFF000  }
0xab: {  	_ =	swait.ge [sflag:s6], $0x1000  }
0xac: {  	[sflag:s6] =	ssyncset.done $0x0  }
0xad: {  	[sflag:s6] =	ssyncadd.s32 $0xFFFFF000  }
0xae: {  	_ =	swait.ge [sflag:s6], $0x1000  }
0xaf: {  	[sflag:s6] =	ssyncset.done $0x0  }
0xb0: {  	[sflag:s6] =	ssyncadd.s32 $0xFFFFF000  }
0xb1: {  	_ =	swait.ge [sflag:s6], $0x1000  }
0xb2: {  	[sflag:s6] =	ssyncset.done $0x0  }
0xb3: {  	[sflag:s6] =	ssyncadd.s32 $0xFFFFF000  }
0xb4: {  	_ =	swait.ge [sflag:s6], $0x1000  }
0xb5: {  	[sflag:s6] =	ssyncset.done $0x0  }
0xb6: {  	[sflag:s6] =	ssyncadd.s32 $0xFFFFF000  }
0xb7: {  	_ =	swait.ge [sflag:s6], $0x1000  }
0xb8: {  	[sflag:s6] =	ssyncset.done $0x0  }
0xb9: {  	[sflag:s6] =	ssyncadd.s32 $0xFFFFF000  }
0xba: {  	_ =	swait.ge [sflag:s6], $0x1000  }
0xbb: {  	[sflag:s6] =	ssyncset.done $0x0  }
0xbc: {  	[sflag:s6] =	ssyncadd.s32 $0xFFFFF000  }
0xbd: {  	_ =	swait.ge [sflag:s6], $0x1000  }
0xbe: {  	[sflag:s6] =	ssyncset.done $0x0  }
0xbf: {  	[sflag:s6] =	ssyncadd.s32 $0xFFFFF000  }
0xc0: {  	_ =	swait.ge [sflag:s6], $0x1000  }
0xc1: {  	[sflag:s6] =	ssyncset.done $0x0  }
0xc2: {  	[sflag:s6] =	ssyncadd.s32 $0xFFFFF000  }
0xc3: {  	_ =	swait.ge [sflag:s6], $0x1000  }
0xc4: {  	s8 =	simm.s32 $0x2000;
	s10 =	smov.u32 s9;
	[sflag:s6] =	ssyncset.done $0x0  }
.LBB2_2:
0xc5: {  	[sflag:s6] =	ssyncadd.s32 $0xFFFFF000;
	s10 =	sadd.s32 $0x100, s10  }
0xc6: {  	[tilespmem:s15], [sflag:$0x3] =	stream.linear.gather [hbm4b:s10+s4], $0x800, $0x38;
	[tilespmem:$0x1CD20] =	vst v63  }
0xc7: {  	_ =	swait.ge [sflag:s11], $0x800  }
0xc8: {  	[sflag:s11] =	ssyncset.done $0x0  }
0xc9: {  	[sflag:s11] =	ssyncadd.s32 $0xFFFFF800  }
0xca: {  	[tilespmem:s17], [sflag:$0x1] =	stream.indirect.gather [spmem:s2], $0x20, s15, s16, $0xb8;
	[tilespmem:$0x1CD20] =	vst v63  }
0xcb: {  	s9 =	rddreg [dreg:$0x6]  }
0xcc: {  	[tilespmem:s18], [sflag:$0x1] =	stream.indirect.gather [spmem:s2], $0x20, s9, s16, $0xb8;
	[tilespmem:$0x1CD20] =	vst v63  }
0xcd: {  	s14 =	rddreg [dreg:$0x7]  }
0xce: {  	[tilespmem:s19], [sflag:$0x1] =	stream.indirect.gather [spmem:s2], $0x20, s14, s16, $0xb8;
	[tilespmem:$0x1CD20] =	vst v63  }
0xcf: {  	s9 =	rddreg [dreg:$0x8]  }
0xd0: {  	[tilespmem:s20], [sflag:$0x1] =	stream.indirect.gather [spmem:s2], $0x20, s9, s16, $0xb8;
	[tilespmem:$0x1CD20] =	vst v63  }
0xd1: {  	s14 =	rddreg [dreg:$0x9]  }
0xd2: {  	[tilespmem:s21], [sflag:$0x1] =	stream.indirect.gather [spmem:s2], $0x20, s14, s16, $0xb8;
	[tilespmem:$0x1CD20] =	vst v63  }
0xd3: {  	s9 =	rddreg [dreg:$0xa]  }
0xd4: {  	[tilespmem:s22], [sflag:$0x1] =	stream.indirect.gather [spmem:s2], $0x20, s9, s16, $0xb8;
	[tilespmem:$0x1CD20] =	vst v63  }
0xd5: {  	s14 =	rddreg [dreg:$0xb]  }
0xd6: {  	[tilespmem:s23], [sflag:$0x1] =	stream.indirect.gather [spmem:s2], $0x20, s14, s16, $0xb8;
	[tilespmem:$0x1CD20] =	vst v63  }
0xd7: {  	s9 =	rddreg [dreg:$0xc]  }
0xd8: {  	[tilespmem:s24], [sflag:$0x1] =	stream.indirect.gather [spmem:s2], $0x20, s9, s16, $0xb8;
	[tilespmem:$0x1CD20] =	vst v63  }
0xd9: {  	s14 =	rddreg [dreg:$0xd]  }
0xda: {  	[tilespmem:s25], [sflag:$0x1] =	stream.indirect.gather [spmem:s2], $0x20, s14, s16, $0xb8;
	[tilespmem:$0x1CD20] =	vst v63  }
0xdb: {  	s9 =	rddreg [dreg:$0xe]  }
0xdc: {  	[tilespmem:s26], [sflag:$0x1] =	stream.indirect.gather [spmem:s2], $0x20, s9, s16, $0xb8;
	[tilespmem:$0x1CD20] =	vst v63  }
0xdd: {  	s14 =	rddreg [dreg:$0xf]  }
0xde: {  	[tilespmem:s28], [sflag:$0x1] =	stream.indirect.gather [spmem:s2], $0x20, s14, s16, $0xb8;
	[tilespmem:$0x1CD20] =	vst v63  }
0xdf: {  	s9 =	rddreg [dreg:$0x10]  }
0xe0: {  	[tilespmem:s29], [sflag:$0x1] =	stream.indirect.gather [spmem:s2], $0x20, s9, s16, $0xb8;
	[tilespmem:$0x1CD20] =	vst v63  }
0xe1: {  	s14 =	rddreg [dreg:$0x11]  }
0xe2: {  	[tilespmem:s30], [sflag:$0x1] =	stream.indirect.gather [spmem:s2], $0x20, s14, s16, $0xb8;
	[tilespmem:$0x1CD20] =	vst v63  }
0xe3: {  	s9 =	rddreg [dreg:$0x12]  }
0xe4: {  	[tilespmem:s31], [sflag:$0x1] =	stream.indirect.gather [spmem:s2], $0x20, s9, s16, $0xb8;
	[tilespmem:$0x1CD20] =	vst v63  }
0xe5: {  	s14 =	rddreg [dreg:$0x13]  }
0xe6: {  	[tilespmem:s1], [sflag:$0x1] =	stream.indirect.gather [spmem:s2], $0x20, s14, s16, $0xb8;
	[tilespmem:$0x1CD20] =	vst v63  }
0xe7: {  	s9 =	rddreg [dreg:$0x14]  }
0xe8: {  	[tilespmem:s0], [sflag:$0x1] =	stream.indirect.gather [spmem:s2], $0x20, s9, s16, $0xb8;
	[tilespmem:$0x1CD20] =	vst v63  }
0xe9: {  	_ =	swait.ge [sflag:s5], $0x1000  }
0xea: {  	s13 =	smov.u32 s8;
	[sflag:s5] =	ssyncset.done $0x0  }
0xeb: {  	s13 =	sshra.s32 s13, $0x2;
	[sflag:s5] =	ssyncadd.s32 $0xFFFFF000  }
0xec: {  	[spmem:s3] =	stream.indirect.scatter.add.f32 [tilespmem:s17], [sflag:$0x2], $0x20, s13, s16, $0xb8;
	[tilespmem:$0x1CD20] =	vst v63  }
0xed: {  	_ =	swait.ge [sflag:s5], $0x1000  }
0xee: {  	[sflag:s5] =	ssyncset.done $0x0  }
0xef: {  	s14 =	sadd.s32 $0x80, s13;
	[sflag:s5] =	ssyncadd.s32 $0xFFFFF000  }
0xf0: {  	[spmem:s3] =	stream.indirect.scatter.add.f32 [tilespmem:s18], [sflag:$0x2], $0x20, s14, s16, $0xb8;
	[tilespmem:$0x1CD20] =	vst v63  }
0xf1: {  	_ =	swait.ge [sflag:s5], $0x1000  }
0xf2: {  	[sflag:s5] =	ssyncset.done $0x0  }
0xf3: {  	s14 =	sadd.s32 $0x100, s13;
	[sflag:s5] =	ssyncadd.s32 $0xFFFFF000  }
0xf4: {  	[spmem:s3] =	stream.indirect.scatter.add.f32 [tilespmem:s19], [sflag:$0x2], $0x20, s14, s16, $0xb8;
	[tilespmem:$0x1CD20] =	vst v63  }
0xf5: {  	_ =	swait.ge [sflag:s5], $0x1000  }
0xf6: {  	[sflag:s5] =	ssyncset.done $0x0  }
0xf7: {  	s14 =	sadd.s32 $0x180, s13;
	[sflag:s5] =	ssyncadd.s32 $0xFFFFF000  }
0xf8: {  	[spmem:s3] =	stream.indirect.scatter.add.f32 [tilespmem:s20], [sflag:$0x2], $0x20, s14, s16, $0xb8;
	[tilespmem:$0x1CD20] =	vst v63  }
0xf9: {  	_ =	swait.ge [sflag:s5], $0x1000  }
0xfa: {  	[sflag:s5] =	ssyncset.done $0x0  }
0xfb: {  	s14 =	sadd.s32 $0x200, s13;
	[sflag:s5] =	ssyncadd.s32 $0xFFFFF000  }
0xfc: {  	[spmem:s3] =	stream.indirect.scatter.add.f32 [tilespmem:s21], [sflag:$0x2], $0x20, s14, s16, $0xb8;
	[tilespmem:$0x1CD20] =	vst v63  }
0xfd: {  	_ =	swait.ge [sflag:s5], $0x1000  }
0xfe: {  	[sflag:s5] =	ssyncset.done $0x0  }
0xff: {  	s14 =	sadd.s32 $0x280, s13;
	[sflag:s5] =	ssyncadd.s32 $0xFFFFF000  }
0x100: {  	[spmem:s3] =	stream.indirect.scatter.add.f32 [tilespmem:s22], [sflag:$0x2], $0x20, s14, s16, $0xb8;
	[tilespmem:$0x1CD20] =	vst v63  }
0x101: {  	_ =	swait.ge [sflag:s5], $0x1000  }
0x102: {  	[sflag:s5] =	ssyncset.done $0x0  }
0x103: {  	s14 =	sadd.s32 $0x300, s13;
	[sflag:s5] =	ssyncadd.s32 $0xFFFFF000  }
0x104: {  	[spmem:s3] =	stream.indirect.scatter.add.f32 [tilespmem:s23], [sflag:$0x2], $0x20, s14, s16, $0xb8;
	[tilespmem:$0x1CD20] =	vst v63  }
0x105: {  	_ =	swait.ge [sflag:s5], $0x1000  }
0x106: {  	[sflag:s5] =	ssyncset.done $0x0  }
0x107: {  	s14 =	sadd.s32 $0x380, s13;
	[sflag:s5] =	ssyncadd.s32 $0xFFFFF000  }
0x108: {  	[spmem:s3] =	stream.indirect.scatter.add.f32 [tilespmem:s24], [sflag:$0x2], $0x20, s14, s16, $0xb8;
	[tilespmem:$0x1CD20] =	vst v63  }
0x109: {  	_ =	swait.ge [sflag:s5], $0x1000  }
0x10a: {  	[sflag:s5] =	ssyncset.done $0x0  }
0x10b: {  	s14 =	sadd.s32 $0x400, s13;
	[sflag:s5] =	ssyncadd.s32 $0xFFFFF000  }
0x10c: {  	[spmem:s3] =	stream.indirect.scatter.add.f32 [tilespmem:s25], [sflag:$0x2], $0x20, s14, s16, $0xb8;
	[tilespmem:$0x1CD20] =	vst v63  }
0x10d: {  	_ =	swait.ge [sflag:s5], $0x1000  }
0x10e: {  	[sflag:s5] =	ssyncset.done $0x0  }
0x10f: {  	s14 =	sadd.s32 $0x480, s13;
	[sflag:s5] =	ssyncadd.s32 $0xFFFFF000  }
0x110: {  	[spmem:s3] =	stream.indirect.scatter.add.f32 [tilespmem:s26], [sflag:$0x2], $0x20, s14, s16, $0xb8;
	[tilespmem:$0x1CD20] =	vst v63  }
0x111: {  	_ =	swait.ge [sflag:s5], $0x1000  }
0x112: {  	[sflag:s5] =	ssyncset.done $0x0  }
0x113: {  	s14 =	sadd.s32 $0x500, s13;
	[sflag:s5] =	ssyncadd.s32 $0xFFFFF000  }
0x114: {  	[spmem:s3] =	stream.indirect.scatter.add.f32 [tilespmem:s28], [sflag:$0x2], $0x20, s14, s16, $0xb8;
	[tilespmem:$0x1CD20] =	vst v63  }
0x115: {  	_ =	swait.ge [sflag:s5], $0x1000  }
0x116: {  	[sflag:s5] =	ssyncset.done $0x0  }
0x117: {  	s14 =	sadd.s32 $0x580, s13;
	[sflag:s5] =	ssyncadd.s32 $0xFFFFF000  }
0x118: {  	[spmem:s3] =	stream.indirect.scatter.add.f32 [tilespmem:s29], [sflag:$0x2], $0x20, s14, s16, $0xb8;
	[tilespmem:$0x1CD20] =	vst v63  }
0x119: {  	_ =	swait.ge [sflag:s5], $0x1000  }
0x11a: {  	[sflag:s5] =	ssyncset.done $0x0  }
0x11b: {  	s14 =	sadd.s32 $0x600, s13;
	[sflag:s5] =	ssyncadd.s32 $0xFFFFF000  }
0x11c: {  	[spmem:s3] =	stream.indirect.scatter.add.f32 [tilespmem:s30], [sflag:$0x2], $0x20, s14, s16, $0xb8;
	[tilespmem:$0x1CD20] =	vst v63  }
0x11d: {  	_ =	swait.ge [sflag:s5], $0x1000  }
0x11e: {  	[sflag:s5] =	ssyncset.done $0x0  }
0x11f: {  	s14 =	sadd.s32 $0x680, s13;
	[sflag:s5] =	ssyncadd.s32 $0xFFFFF000  }
0x120: {  	[spmem:s3] =	stream.indirect.scatter.add.f32 [tilespmem:s31], [sflag:$0x2], $0x20, s14, s16, $0xb8;
	[tilespmem:$0x1CD20] =	vst v63  }
0x121: {  	_ =	swait.ge [sflag:s5], $0x1000  }
0x122: {  	[sflag:s5] =	ssyncset.done $0x0  }
0x123: {  	s14 =	sadd.s32 $0x700, s13;
	[sflag:s5] =	ssyncadd.s32 $0xFFFFF000  }
0x124: {  	[spmem:s3] =	stream.indirect.scatter.add.f32 [tilespmem:s1], [sflag:$0x2], $0x20, s14, s16, $0xb8;
	[tilespmem:$0x1CD20] =	vst v63  }
0x125: {  	_ =	swait.ge [sflag:s5], $0x1000  }
0x126: {  	[sflag:s5] =	ssyncset.done $0x0  }
0x127: {  	s14 =	sadd.s32 $0x780, s13;
	[sflag:s5] =	ssyncadd.s32 $0xFFFFF000  }
0x128: {  	[spmem:s3] =	stream.indirect.scatter.add.f32 [tilespmem:s0], [sflag:$0x2], $0x20, s14, s16, $0xb8;
	[tilespmem:$0x1CD20] =	vst v63  }
0x129: {  	_ =	swait.ge [sflag:s6], $0x1000  }
0x12a: {  	[sflag:s6] =	ssyncset.done $0x0  }
0x12b: {  	[sflag:s6] =	ssyncadd.s32 $0xFFFFF000  }
0x12c: {  	_ =	swait.ge [sflag:s6], $0x1000  }
0x12d: {  	[sflag:s6] =	ssyncset.done $0x0  }
0x12e: {  	[sflag:s6] =	ssyncadd.s32 $0xFFFFF000  }
0x12f: {  	_ =	swait.ge [sflag:s6], $0x1000  }
0x130: {  	[sflag:s6] =	ssyncset.done $0x0  }
0x131: {  	[sflag:s6] =	ssyncadd.s32 $0xFFFFF000  }
0x132: {  	_ =	swait.ge [sflag:s6], $0x1000  }
0x133: {  	[sflag:s6] =	ssyncset.done $0x0  }
0x134: {  	[sflag:s6] =	ssyncadd.s32 $0xFFFFF000  }
0x135: {  	_ =	swait.ge [sflag:s6], $0x1000  }
0x136: {  	[sflag:s6] =	ssyncset.done $0x0  }
0x137: {  	[sflag:s6] =	ssyncadd.s32 $0xFFFFF000  }
0x138: {  	_ =	swait.ge [sflag:s6], $0x1000  }
0x139: {  	[sflag:s6] =	ssyncset.done $0x0  }
0x13a: {  	[sflag:s6] =	ssyncadd.s32 $0xFFFFF000  }
0x13b: {  	_ =	swait.ge [sflag:s6], $0x1000  }
0x13c: {  	[sflag:s6] =	ssyncset.done $0x0  }
0x13d: {  	[sflag:s6] =	ssyncadd.s32 $0xFFFFF000  }
0x13e: {  	_ =	swait.ge [sflag:s6], $0x1000  }
0x13f: {  	[sflag:s6] =	ssyncset.done $0x0  }
0x140: {  	[sflag:s6] =	ssyncadd.s32 $0xFFFFF000  }
0x141: {  	_ =	swait.ge [sflag:s6], $0x1000  }
0x142: {  	[sflag:s6] =	ssyncset.done $0x0  }
0x143: {  	[sflag:s6] =	ssyncadd.s32 $0xFFFFF000  }
0x144: {  	_ =	swait.ge [sflag:s6], $0x1000  }
0x145: {  	[sflag:s6] =	ssyncset.done $0x0  }
0x146: {  	[sflag:s6] =	ssyncadd.s32 $0xFFFFF000  }
0x147: {  	_ =	swait.ge [sflag:s6], $0x1000  }
0x148: {  	[sflag:s6] =	ssyncset.done $0x0  }
0x149: {  	[sflag:s6] =	ssyncadd.s32 $0xFFFFF000  }
0x14a: {  	_ =	swait.ge [sflag:s6], $0x1000  }
0x14b: {  	[sflag:s6] =	ssyncset.done $0x0  }
0x14c: {  	[sflag:s6] =	ssyncadd.s32 $0xFFFFF000  }
0x14d: {  	_ =	swait.ge [sflag:s6], $0x1000  }
0x14e: {  	[sflag:s6] =	ssyncset.done $0x0  }
0x14f: {  	[sflag:s6] =	ssyncadd.s32 $0xFFFFF000  }
0x150: {  	_ =	swait.ge [sflag:s6], $0x1000  }
0x151: {  	[sflag:s6] =	ssyncset.done $0x0  }
0x152: {  	p0 =	sne.s32 s8, $0x8000;
	[sflag:s6] =	ssyncadd.s32 $0xFFFFF000  }
.Ltmp0:
0x153: {  	_ =	swait.ge [sflag:s6], $0x1000;
	(pc) =	sbr.rel @p0 .LBB2_2-.Ltmp0, $4  }
0x154: {  	[sflag:s6] =	ssyncset.done $0x0  }
0x155: {  	[sflag:s6] =	ssyncadd.s32 $0xFFFFF000  }
0x156: {  	_ =	swait.ge [sflag:s6], $0x1000  }
0x157: {  	s8 =	sadd.s32 $0x2000, s8;
	[sflag:s6] =	ssyncset.done $0x0  }
0x158: {  	[sflag:s6] =	ssyncadd.s32 $0xFFFFF000  }
0x159: {  	[bflag:$0x0] =	sbarrier.arrive $0xFFFF  }
0x15a: {  	s8 =	rddreg [dreg:$0x18]  }
0x15b: {  	s10 =	rddreg [dreg:$0x1c]  }
0x15c: {  	[hbm:s8], [sflag:s12] =	dma.local [spmem:s10], $0x9E0  }
0x15d: {  	_ =	swait.ge [sflag:s11], $0x9E0  }
0x15e: {  	s7 =	sadd.s32 $0x1, s7;
	s14 =	rddreg [dreg:$0x19]  }
0x15f: {  	p0 =	sne.s32 s7, s14  }
.Ltmp1:
0x160: {  	_ = 	snop;
	(pc) =	sbr.rel @p0 .LBB2_1-.Ltmp1, $3  }
0x161: {  	_ =	sdelay $0x1  }
0x162: {  	[sflag:s11] =	ssyncset.done $0x0  }
0x163: {  	[sflag:s11] =	ssyncadd.s32 $0xFFFFF620  }
0x164: {  	_ =	sfence.sel $0x180000  }
0x165: {  	[bflag:$0x0] =	sbarrier.arrive $0xFFFF  }
0x166: {  	_ =	strace $0x9000004D  }
0x167: {  	s0 =	stileid.u32;
	[bflag:$0x2] =	sbarrier.arrive $0xFFFF  }
0x168: {  	p0 =	sne.s32 s0, $0x0;
	s0 =	rddreg [dreg:$0x5]  }
0x169: {  	s0 =	sadd.s32 @!p0 $0x100000, s0  }
0x16a: {  	[sflag:s0] =	ssyncadd.tile.s32 @!p0 $0x1;
	_ =	shalt  }
.Lfunc_end2:
_tile_overlayer_lowered:
.L_overlay_start_2:
0x16b: {  	(tag) =	ssettag $0x2  }
0x16c: {  	s0 =	rddreg [dreg:$0x0];
	s2 =	stileid.u32  }
0x16d: {  	s1 =	rddreg [dreg:$0x1];
	p0 =	sne.s32 s2, $0x0  }
0x16e: {  	s3 =	rddreg [dreg:$0x2];
	[bflag:$0x3] =	sbarrier.arrive $0xFFFF;
	s2 =	simm.s32 @!p0 $0x1C03  }
0x16f: {  	[timem:s3], [sflag:s2] =	dma.local @!p0 [hbm:s0], s1  }
0x170: {  	s0 =	simm.s32 @!p0 $0x3  }
0x171: {  	_ =	swait.ge @!p0 [sflag:s0], s1  }
0x172: {  	s1 =	ssub.s32 @!p0 $0x0, s1;
	[sflag:s0] =	ssyncset.done @!p0 $0x0  }
0x173: {  	[sflag:s0] =	ssyncadd.s32 @!p0 s1  }
0x174: {  	[bflag:$0x3] =	sbarrier.arrive $0xFFFF  }
0x175: {  	_ =	shalt  }

// kernel: kernel.18.cloned.1.call-start
scs
__scs_entry_jumppad:
0x0: {  	(pc) =	sbr.rel $0x88, $3  }
0x1: {  	(tag) =	ssettag $0x0;
	lr =	simm.s32 $0x1  }
0x2: {  	[smem:$0x3F97] =	sst lr;
	_ =	strace $0xD0000000  }
0x3: {  	_ = 	snop  }
0x4: {  	_ = 	snop  }
0x5: {  	_ = 	snop  }
0x6: {  	_ = 	snop  }
0x7: {  	_ = 	snop  }
__scs_overlays_trampoline_lowered:
0x8: {  	[smem:$0x3FA6] =	sst s0  }
0x9: {  	[smem:$0x3FA7] =	sst s1  }
0xa: {  	[smem:$0x3FA8] =	sst s2  }
0xb: {  	[smem:$0x3FA9] =	sst s3  }
0xc: {  	[smem:$0x3FAA] =	sst s4  }
0xd: {  	[smem:$0x3FAB] =	sst s5  }
0xe: {  	[smem:$0x3FAC] =	sst s6  }
0xf: {  	[smem:$0x3FAD] =	sst s7  }
0x10: {  	[smem:$0x3FAE] =	sst s8  }
0x11: {  	[smem:$0x3FAF] =	sst s9;
	s0 =	simm.s32 @!p0 $0x0  }
0x12: {  	s1 =	sld [smem:$0x3F95];
	s0 =	simm.s32 @p0 $0x1  }
0x13: {  	[smem:$0x3FB0] =	sst s0;
	s0 =	simm.s32 @!p1 $0x0  }
0x14: {  	s2 =	sld [smem:$0x3F94];
	s0 =	simm.s32 @p1 $0x1  }
0x15: {  	[smem:$0x3FB1] =	sst s0;
	s0 =	simm.s32 @!p2 $0x0  }
0x16: {  	s3 =	sld [smem:$0x3FDB];
	s0 =	simm.s32 @p2 $0x1  }
0x17: {  	s4 =	simm.s32 $0x1BF5;
	[smem:$0x3FB3] =	sst s0  }
0x18: {  	s0 =	sld [smem:$0x3F96];
	_ =	swait.ge [sflag:s4], $0x0  }
0x19: {  	s7 =	sld [smem:$0x3F97]  }
0x1a: {  	s8 =	sadd.s32 $0xFFFFE003, lr  }
0x1b: {  	s9 =	sadd.s32 $0xFFFFFEF7, lr;
	s5 =	simm.s32 $0xFFFFFFFF;
	p2 =	slt.u32 s8, $0xFFFFF086  }
0x1c: {  	p1 =	slt.u32 s9, $0xF7A;
	s5 =	simm.s32 @!p2 $0x0  }
0x1d: {  	s5 =	simm.s32 @p1 $0x1;
	p0 =	seq.s32 s7, s2  }
0x1e: {  	s7 =	smul.u32 @!p0 $0xF7A, s2;
	p2 =	seq.s32 @!p0 s5, $0x0  }
0x1f: {  	s9 =	smul.u32 $0xF7A, s1;
	s8 =	simm.s32 @!p0 $0x1BF5;
	p2 =	por !p2, p0  }
0x20: {  	[sflag:s8] =	ssyncset.s32 @!p0 $0xFFFFF086;
	s6 =	sadd.s32 @!p0 s3, s7;
	s7 =	simm.s32 @!p0 $0x108  }
0x21: {  	s3 =	sadd.s32 s3, s9;
	s6 =	sadd.s32 @!p0 $0x88, s6;
	s7 =	simm.s32 @p2 $0x1082  }
0x22: {  	[simem:s7], [sflag:s8] =	dma.local @!p0 [hbm:s6], $0xF7A  }
0x23: {  	s9 =	sor.u32 $0xD0000000, s2;
	s6 =	simm.s32 $0x108;
	_ =	swait.ge @!p0 [sflag:s8], $0x0  }
0x24: {  	s3 =	sadd.s32 $0x88, s3;
	s6 =	simm.s32 @!p1 $0x1082;
	[sflag:s4] =	ssyncset.s32 $0xFFFFF086  }
0x25: {  	[simem:s6], [sflag:s4] =	dma.local [hbm:s3], $0xF7A  }
0x26: {  	[smem:$0x3F97] =	sst s1;
	(tag) =	ssettag s2;
	_ =	strace s9  }
0x27: {  	s1 =	sld [smem:$0x3FA7]  }
0x28: {  	s2 =	sld [smem:$0x3FA8]  }
0x29: {  	s4 =	sld [smem:$0x3FAA]  }
0x2a: {  	p0 =	seq.s32 s5, $0x0;
	s5 =	sld [smem:$0x3FAB]  }
0x2b: {  	s6 =	sld [smem:$0x3FAC]  }
0x2c: {  	s7 =	sld [smem:$0x3FAD]  }
0x2d: {  	s3 =	simm.s32 $0x108;
	s8 =	sld [smem:$0x3FAE]  }
0x2e: {  	s3 =	simm.s32 @!p0 $0x1082;
	s9 =	sld [smem:$0x3FAF]  }
0x2f: {  	lr =	sadd.s32 s0, s3;
	s0 =	sld [smem:$0x3FA6]  }
0x30: {  	s3 =	sld [smem:$0x3FA9]  }
0x31: {  	[smem:$0x3FB2] =	sst s10  }
0x32: {  	s10 =	sld [smem:$0x3FB0];
	_ =	sdelay $0x3  }
0x33: {  	p0 =	seq.s32 s10, $0x1;
	s10 =	sld [smem:$0x3FB2];
	_ =	sdelay $0x3  }
0x34: {  	[smem:$0x3FB2] =	sst s10  }
0x35: {  	s10 =	sld [smem:$0x3FB1];
	_ =	sdelay $0x3  }
0x36: {  	p1 =	seq.s32 s10, $0x1;
	s10 =	sld [smem:$0x3FB2];
	_ =	sdelay $0x3  }
0x37: {  	[smem:$0x3FB2] =	sst s10  }
0x38: {  	s10 =	sld [smem:$0x3FB3]  }
0x39: {  	_ = 	snop;
	(pc) =	sbr.ind lr, $3  }
0x3a: {  	_ = 	snop  }
0x3b: {  	_ = 	snop  }
0x3c: {  	p2 =	seq.s32 s10, $0x1;
	s10 =	sld [smem:$0x3FB2]  }
0x3d: {  	_ =	shalt  }
0x3e: {  	_ =	shalt  }
0x3f: {  	_ =	shalt  }
0x40: {  	_ =	shalt  }
0x41: {  	_ =	shalt  }
0x42: {  	_ =	shalt  }
0x43: {  	_ =	shalt  }
0x44: {  	_ =	shalt  }
0x45: {  	_ =	shalt  }
0x46: {  	_ =	shalt  }
0x47: {  	_ =	shalt  }
0x48: {  	_ =	shalt  }
0x49: {  	_ =	shalt  }
0x4a: {  	_ =	shalt  }
0x4b: {  	_ =	shalt  }
0x4c: {  	_ =	shalt  }
0x4d: {  	_ =	shalt  }
0x4e: {  	_ =	shalt  }
0x4f: {  	_ =	shalt  }
0x50: {  	_ =	shalt  }
0x51: {  	_ =	shalt  }
0x52: {  	_ =	shalt  }
0x53: {  	_ =	shalt  }
0x54: {  	_ =	shalt  }
0x55: {  	_ =	shalt  }
0x56: {  	_ =	shalt  }
0x57: {  	_ =	shalt  }
0x58: {  	_ =	shalt  }
0x59: {  	_ =	shalt  }
0x5a: {  	_ =	shalt  }
0x5b: {  	_ =	shalt  }
0x5c: {  	_ =	shalt  }
0x5d: {  	_ =	shalt  }
0x5e: {  	_ =	shalt  }
0x5f: {  	_ =	shalt  }
0x60: {  	_ =	shalt  }
0x61: {  	_ =	shalt  }
0x62: {  	_ =	shalt  }
0x63: {  	_ =	shalt  }
0x64: {  	_ =	shalt  }
0x65: {  	_ =	shalt  }
0x66: {  	_ =	shalt  }
0x67: {  	_ =	shalt  }
0x68: {  	_ =	shalt  }
0x69: {  	_ =	shalt  }
0x6a: {  	_ =	shalt  }
0x6b: {  	_ =	shalt  }
0x6c: {  	_ =	shalt  }
0x6d: {  	_ =	shalt  }
0x6e: {  	_ =	shalt  }
0x6f: {  	_ =	shalt  }
0x70: {  	_ =	shalt  }
0x71: {  	_ =	shalt  }
0x72: {  	_ =	shalt  }
0x73: {  	_ =	shalt  }
0x74: {  	_ =	shalt  }
0x75: {  	_ =	shalt  }
0x76: {  	_ =	shalt  }
0x77: {  	_ =	shalt  }
0x78: {  	_ =	shalt  }
0x79: {  	_ =	shalt  }
0x7a: {  	_ =	shalt  }
0x7b: {  	_ =	shalt  }
0x7c: {  	_ =	shalt  }
0x7d: {  	_ =	shalt  }
0x7e: {  	_ =	shalt  }
0x7f: {  	_ =	shalt  }
0x80: {  	_ =	shalt  }
0x81: {  	_ =	shalt  }
0x82: {  	_ =	shalt  }
0x83: {  	_ =	shalt  }
0x84: {  	_ =	shalt  }
0x85: {  	_ =	shalt  }
0x86: {  	_ =	shalt  }
0x87: {  	_ =	shalt  }
.Lfunc_end0:
.L_simem_size_0:
called_computation.3_lowered:
.L_overlay_start_0:
0x88: {  	s2 =	sld [smem:$0x3FD9]  }
0x89: {  	s3 =	sld [smem:$0x3FFE];
	_ =	sdelay $0x1  }
0x8a: {  	s1 =	srdreg.scid  }
0x8b: {  	s0 =	sand.u32 $0x1, s1  }
0x8c: {  	s14 =	sshll.u32 s0, $0xA;
	s2 =	sadd.s32 s3, s2  }
0x8d: {  	s2 =	sadd.s32 s2, s14  }
0x8e: {  	[smem:$0x3FBE] =	sst s2  }
0x8f: {  	_ = 	snop  }
0x90: {  	s2 =	sld [smem:$0x3FD0];
	_ =	sdelay $0x2  }
0x91: {  	s15 =	simm.s32 $0xA;
	s4 =	simm.s32 $0x10  }
0x92: {  	[smem:s4], [sflag:s15] =	dma.local [hbm:s2], $0x1  }
0x93: {  	_ =	swait.eq [sflag:s15], $0x1  }
0x94: {  	[sflag:s15] =	ssyncset.done $0x0  }
0x95: {  	[sflag:s15] =	ssyncadd.s32 $0xFFFFFFFF  }
0x96: {  	s16 =	sld [smem:$0x11];
	(tm) =	ssettm $0x1  }
0x97: {  	s17 =	sld [smem:$0x3FFB];
	_ =	sdelay $0x3  }
0x98: {  	_ =	strace s17  }
0x99: {  	s3 =	sld [smem:$0x3FFC];
	_ =	sdelay $0x3  }
0x9a: {  	_ =	strace s3  }
0x9b: {  	s3 =	sld [smem:$0x3FFD];
	_ =	sdelay $0x3  }
0x9c: {  	_ =	strace s3  }
0x9d: {  	_ =	strace $0x8FFFFFFF  }
0x9e: {  	s18 =	sld [smem:$0x3FDB];
	_ =	sdelay $0x1  }
0x9f: {  	s19 =	simm.s32 $_scs_section_size  }
0xa0: {  	s5 =	simm.s32 $_size__tile_overlayer_lowered;
	s6 =	simm.s32 $_tile_overlayer_lowered  }
0xa1: {  	s22 =	simm.s32 $0x1BFF;
	s21 =	sshll.u32 s6, $0x1;
	s3 =	sadd.s32 s19, s18  }
0xa2: {  	s7 =	simm.s32 $0x0;
	s20 =	sshll.u32 s5, $0x1;
	s5 =	sadd.s32 s21, s3  }
0xa3: {  	[timem:s7], [sflag:s22] =	dma.local [hbm:s5], s20  }
0xa4: {  	_ =	swait.ge [sflag:s22], s20  }
0xa5: {  	s4 =	ssub.s32 $0x0, s20;
	[sflag:s22] =	ssyncset.done $0x0  }
0xa6: {  	[sflag:s22] =	ssyncadd.s32 s4;
	_ =	sdelay $0x1  }
0xa7: {  	s23 =	simm.s32 $0x1B8B  }
0xa8: {  	_ =	swait.ge [sflag:s23], $0x1  }
0xa9: {  	[sflag:s23] =	ssyncset.done $0x0  }
0xaa: {  	s25 =	simm.s32 $0x1B8E;
	s24 =	sld [smem:$0x3FFE];
	[sflag:s23] =	ssyncadd.s32 $0xFFFFFFFF  }
0xab: {  	s26 =	simm.s32 $execute0_lowered;
	[smem:$0x3FD2] =	sst s25  }
0xac: {  	s5 =	sshll.u32 s26, $0x1;
	_ =	strace $0x8000004F;
	[dreg:$0x1] =	wrdreg $0xFFFFFFFF  }
0xad: {  	s28 =	simm.s32 $_size_execute0_lowered;
	s3 =	sadd.s32 s3, s5;
	[dreg:$0x0] =	wrdreg $0x0  }
0xae: {  	s5 =	sshll.u32 s28, $0x1;
	[dreg:$0x2] =	wrdreg s3  }
0xaf: {  	[dreg:$0x3] =	wrdreg s5  }
0xb0: {  	[dreg:$0x4] =	wrdreg $0xC0  }
0xb1: {  	_ =	task [dreg:s7], $0x5FFFF  }
0xb2: {  	[dreg:$0x1] =	wrdreg $0xFFFFFFFF  }
0xb3: {  	[dreg:$0x0] =	wrdreg $0x60  }
0xb4: {  	[dreg:$0x2] =	wrdreg s24  }
0xb5: {  	[dreg:$0x3] =	wrdreg s16  }
0xb6: {  	[dreg:$0x4] =	wrdreg $0x9  }
0xb7: {  	_ =	task.clear_ibuf [dreg:s7], $0x5FFFF;
	_ =	strace $0x9000004F  }
0xb8: {  	s29 =	simm.s32 $0x9;
	_ =	strace $0x80000051  }
0xb9: {  	_ =	swait.ge [sflag:s29], $0x1  }
0xba: {  	[sflag:s29] =	ssyncadd.s32 $0xFFFFFFFF  }
0xbb: {  	_ =	strace $0x90000051  }
0xbc: {  	_ =	sfence  }
0xbd: {  	s30 =	sld [smem:$0x0];
	_ =	sdelay $0x2  }
0xbe: {  	s31 =	sshll.u32 s1, $0xD;
	s1 =	sshrl.u32 s1, $0x2  }
0xbf: {  	s3 =	sand.u32 $0x4000, s31;
	s1 =	sadd.s32 s1, s30  }
0xc0: {  	s0 =	sor.u32 s3, s0;
	s1 =	sshll.u32 s1, $0x11  }
0xc1: {  	s0 =	sor.u32 s1, s0  }
0xc2: {  	s0 =	sadd.s32 $0x8F2B, s0  }
0xc3: {  	[sflag:s0] =	ssyncadd.remote.s32 $0x1  }
0xc4: {  	_ =	sfence.sel $0xFFFF  }
0xc5: {  	[dreg:$0x0] =	wrdreg $0xFFFFFFFF;
	(pc) =	sbr.abs _section_cstart, $3  }
0xc6: {  	[dreg:$0x1] =	wrdreg $0xFFFFFFFF  }
0xc7: {  	_ =	task.clear_ibuf [dreg:s7], $0x2FFFF;
	_ =	strace $0x9FFFFFFF  }
0xc8: {  	(tm) =	ssettm $0x7FFFFFFF  }
0xc9: {  	_ =	shalt  }
tec
execute0_lowered:
.L_overlay_start_1:
0x0: {  	(tag) =	ssettag $0x1  }
0x1: {  	s1 =	srdreg.scid;
	s4 =	rddreg [dreg:$0x0]  }
0x2: {  	s0 =	stileid.u32;
	s7 =	rddreg [dreg:$0x1];
	s2 =	simm.s32 $0x0  }
0x3: {  	s12 =	simm.s32 $0x1;
	s13 =	simm.s32 $0x2780;
	s14 =	simm.s32 $0x4F00  }
0x4: {  	s15 =	simm.s32 $0x7680;
	s3 =	sand.u32 $0x1, s1;
	s30 =	sshll.u32 s0, $0x1  }
0x5: {  	s16 =	simm.s32 $0x9E00;
	s17 =	simm.s32 $0x0;
	s5 =	sor.u32 s3, s30  }
0x6: {  	[smem:$0x7FF] =	sst s2;
	s31 =	ssub.s32 $0x2, s3;
	s5 =	smul.u32 $0x2710, s5  }
0x7: {  	s1 =	rddreg [dreg:$0x2];
	_ =	strace $0x80000050;
	s6 =	sshrl.u32 s31, $0x1  }
0x8: {  	s3 =	sadd.s32 $0x200, s4;
	s11 =	ssub.s32 s31, s6;
	s8 =	sshrl.u32 s5, $0x3  }
0x9: {  	s11 =	smax.u32 s11, $0x1;
	s9 =	sadd.s32 s8, s4;
	s4 =	sadd.s32 $0x800, s4  }
0xa: {  	s7 =	sadd.s32 s7, s8;
	s5 =	sadd.s32 $0x59C00, s9;
	s6 =	sadd.s32 $0x63A00, s9  }
0xb: {  	s8 =	sadd.s32 $0x4FE00, s9;
	s9 =	sadd.s32 $0x46000, s9;
	s10 =	sadd.s32 $0x9C40, s7  }
.LBB2_1:
0xc: {  	[tilespmem:s2], [sflag:$0x1] =	stream.linear.gather [hbm4b:s3+s2], $0x2780, $0x38;
	[tilespmem:$0xC580] =	vst v63  }
0xd: {  	_ =	swait.ge [sflag:s12], $0x2780  }
0xe: {  	[sflag:s12] =	ssyncset.done $0x0  }
0xf: {  	[sflag:s12] =	ssyncadd.s32 $0xFFFFD880  }
0x10: {  	[tilespmem:s13], [sflag:$0x1] =	stream.linear.gather [hbm4b:s4+s2], $0x2780, $0x38;
	[tilespmem:$0xC580] =	vst v63  }
0x11: {  	_ =	swait.ge [sflag:s12], $0x2780  }
0x12: {  	[sflag:s12] =	ssyncset.done $0x0  }
0x13: {  	[sflag:s12] =	ssyncadd.s32 $0xFFFFD880  }
0x14: {  	[tilespmem:s14], [sflag:$0x1] =	stream.linear.gather [hbm4b:s5+s2], $0x2710, $0x38;
	[tilespmem:$0xC580] =	vst v63  }
0x15: {  	_ =	swait.ge [sflag:s12], $0x2710  }
0x16: {  	[sflag:s12] =	ssyncset.done $0x0  }
0x17: {  	[sflag:s12] =	ssyncadd.s32 $0xFFFFD8F0  }
0x18: {  	[tilespmem:s15], [sflag:$0x1] =	stream.linear.gather [hbm4b:s6+s2], $0x2710, $0x38;
	[tilespmem:$0xC580] =	vst v63  }
0x19: {  	_ =	swait.ge [sflag:s12], $0x2710  }
0x1a: {  	[sflag:s12] =	ssyncset.done $0x0  }
0x1b: {  	s18 =	simm.s32 $0x0;
	[sflag:s12] =	ssyncadd.s32 $0xFFFFD8F0  }
0x1c: {  	v0 =	vld [tilespmem:s18+$0x7680]  }
0x1d: {  	v1 =	vld [tilespmem:s18+$0x4F00];
	_ =	sdelay $0x6  }
0x1e: {  	v0 =	vld.idx.msk [tilespmem:v0+s13+$0x0], $0xffff  }
0x1f: {  	s19 =	simm.s32 $0x10;
	v2 =	vld.idx.msk [tilespmem:v1+s2+$0x0], $0xffff  }
0x20: {  	s20 =	simm.s32 $0x80;
	v1 =	vld [tilespmem:s19+$0x7680]  }
.LBB2_2:
0x21: {  	p0 =	sne.s32 s20, $0x9C00;
	v3 =	vld [tilespmem:s19+$0x4F00];
	_ =	sdelay $0x3  }
0x22: {  	v0 =	vadd.f32 v0, v2  }
.Ltmp0:
0x23: {  	(pc) =	sbr.rel @p0 .LBB2_2-.Ltmp0, $4  }
0x24: {  	[tilespmem:s18+$0x9E00] =	vst v0;
	s18 =	smov.u32 s19  }
0x25: {  	v0 =	vld.idx.msk [tilespmem:v1+s13+$0x0], $0xffff  }
0x26: {  	s19 =	sshra.s32 s20, $0x2;
	v2 =	vld.idx.msk [tilespmem:v3+s2+$0x0], $0xffff  }
0x27: {  	s20 =	sadd.s32 $0x40, s20;
	v1 =	vld [tilespmem:s19+$0x7680]  }
0x28: {  	_ = 	snop  }
0x29: {  	v3 =	vld [tilespmem:s19+$0x4F00];
	_ =	sdelay $0x3  }
0x2a: {  	v0 =	vadd.f32 v0, v2;
	_ =	sdelay $0x1  }
0x2b: {  	[tilespmem:s18+$0x9E00] =	vst v0  }
0x2c: {  	v0 =	vld.idx.msk [tilespmem:v1+s13+$0x0], $0xffff  }
0x2d: {  	v1 =	vld.idx.msk [tilespmem:v3+s2+$0x0], $0xffff;
	_ =	sdelay $0x4  }
0x2e: {  	v0 =	vadd.f32 v0, v1;
	_ =	sdelay $0x1  }
0x2f: {  	s31 =	simm.s32 $0x0;
	[tilespmem:s19+$0x9E00] =	vst v0  }
0x30: {  	[hbm4b:s7+s31] =	stream.linear.scatter [tilespmem:s16], [sflag:$0x1], $0x2710, $0x38;
	[tilespmem:$0xC580] =	vst v63  }
0x31: {  	_ =	swait.ge [sflag:s12], $0x2710  }
0x32: {  	[sflag:s12] =	ssyncset.done $0x0  }
0x33: {  	[sflag:s12] =	ssyncadd.s32 $0xFFFFD8F0  }
0x34: {  	[tilespmem:s14], [sflag:$0x1] =	stream.linear.gather [hbm4b:s8+s31], $0x2710, $0x38;
	[tilespmem:$0xC580] =	vst v63  }
0x35: {  	_ =	swait.ge [sflag:s12], $0x2710  }
0x36: {  	[sflag:s12] =	ssyncset.done $0x0  }
0x37: {  	[sflag:s12] =	ssyncadd.s32 $0xFFFFD8F0  }
0x38: {  	[tilespmem:s15], [sflag:$0x1] =	stream.linear.gather [hbm4b:s9+s31], $0x2710, $0x38;
	[tilespmem:$0xC580] =	vst v63  }
0x39: {  	_ =	swait.ge [sflag:s12], $0x2710  }
0x3a: {  	[sflag:s12] =	ssyncset.done $0x0  }
0x3b: {  	s18 =	simm.s32 $0x0;
	[sflag:s12] =	ssyncadd.s32 $0xFFFFD8F0  }
0x3c: {  	v0 =	vld [tilespmem:s18+$0x7680]  }
0x3d: {  	v1 =	vld [tilespmem:s18+$0x4F00];
	_ =	sdelay $0x6  }
0x3e: {  	v0 =	vld.idx.msk [tilespmem:v0+s13+$0x0], $0xffff  }
0x3f: {  	s19 =	simm.s32 $0x10;
	v2 =	vld.idx.msk [tilespmem:v1+s2+$0x0], $0xffff  }
0x40: {  	s20 =	simm.s32 $0x80;
	v1 =	vld [tilespmem:s19+$0x7680]  }
.LBB2_4:
0x41: {  	p0 =	sne.s32 s20, $0x9C00;
	v3 =	vld [tilespmem:s19+$0x4F00];
	_ =	sdelay $0x3  }
0x42: {  	v0 =	vadd.f32 v0, v2  }
.Ltmp1:
0x43: {  	(pc) =	sbr.rel @p0 .LBB2_4-.Ltmp1, $4  }
0x44: {  	[tilespmem:s18+$0x9E00] =	vst v0;
	s18 =	smov.u32 s19  }
0x45: {  	v0 =	vld.idx.msk [tilespmem:v1+s13+$0x0], $0xffff  }
0x46: {  	s19 =	sshra.s32 s20, $0x2;
	v2 =	vld.idx.msk [tilespmem:v3+s2+$0x0], $0xffff  }
0x47: {  	s20 =	sadd.s32 $0x40, s20;
	v1 =	vld [tilespmem:s19+$0x7680]  }
0x48: {  	_ = 	snop  }
0x49: {  	v3 =	vld [tilespmem:s19+$0x4F00];
	_ =	sdelay $0x3  }
0x4a: {  	v0 =	vadd.f32 v0, v2;
	_ =	sdelay $0x1  }
0x4b: {  	[tilespmem:s18+$0x9E00] =	vst v0  }
0x4c: {  	v0 =	vld.idx.msk [tilespmem:v1+s13+$0x0], $0xffff  }
0x4d: {  	v63 =	vld.idx.msk [tilespmem:v3+s2+$0x0], $0xffff;
	_ =	sdelay $0x4  }
0x4e: {  	s17 =	sadd.s32 $0x1, s17;
	v0 =	vadd.f32 v0, v63  }
0x4f: {  	p0 =	sne.s32 s17, s11  }
.Ltmp2:
0x50: {  	[tilespmem:s19+$0x9E00] =	vst v0;
	(pc) =	sbr.rel @p0 .LBB2_1-.Ltmp2, $4  }
0x51: {  	[hbm4b:s10+s2] =	stream.linear.scatter [tilespmem:s16], [sflag:$0x1], $0x2710, $0x38;
	[tilespmem:$0xC580] =	vst v63  }
0x52: {  	_ =	swait.ge [sflag:s12], $0x2710  }
0x53: {  	[sflag:s12] =	ssyncset.done $0x0  }
0x54: {  	[sflag:s12] =	ssyncadd.s32 $0xFFFFD8F0  }
0x55: {  	_ =	sfence.sel $0x180000  }
0x56: {  	[bflag:$0x0] =	sbarrier.arrive $0xFFFF  }
0x57: {  	p0 =	sne.s32 s0, $0x0;
	_ =	strace $0x90000050  }
0x58: {  	s0 =	sadd.s32 @!p0 $0x100000, s1;
	[bflag:$0x2] =	sbarrier.arrive $0xFFFF  }
0x59: {  	[sflag:s0] =	ssyncadd.tile.s32 @!p0 $0x1;
	_ =	shalt  }
.Lfunc_end2:
_tile_overlayer_lowered:
.L_overlay_start_2:
0x5a: {  	(tag) =	ssettag $0x2  }
0x5b: {  	s0 =	rddreg [dreg:$0x0];
	s2 =	stileid.u32  }
0x5c: {  	s1 =	rddreg [dreg:$0x1];
	p0 =	sne.s32 s2, $0x0  }
0x5d: {  	s3 =	rddreg [dreg:$0x2];
	[bflag:$0x3] =	sbarrier.arrive $0xFFFF;
	s2 =	simm.s32 @!p0 $0x1C01  }
0x5e: {  	[timem:s3], [sflag:s2] =	dma.local @!p0 [hbm:s0], s1  }
0x5f: {  	s0 =	simm.s32 @!p0 $0x1  }
0x60: {  	_ =	swait.ge @!p0 [sflag:s0], s1  }
0x61: {  	s1 =	ssub.s32 @!p0 $0x0, s1;
	[sflag:s0] =	ssyncset.done @!p0 $0x0  }
0x62: {  	[sflag:s0] =	ssyncadd.s32 @!p0 s1  }
0x63: {  	[bflag:$0x3] =	sbarrier.arrive $0xFFFF  }
0x64: {  	_ =	shalt  }

// kernel: kernel.9.cloned.1.call-start
scs
__scs_entry_jumppad:
0x0: {  	(pc) =	sbr.rel $0x88, $3  }
0x1: {  	(tag) =	ssettag $0x0;
	lr =	simm.s32 $0x1  }
0x2: {  	[smem:$0x3F97] =	sst lr;
	_ =	strace $0xD0000000  }
0x3: {  	_ = 	snop  }
0x4: {  	_ = 	snop  }
0x5: {  	_ = 	snop  }
0x6: {  	_ = 	snop  }
0x7: {  	_ = 	snop  }
__scs_overlays_trampoline_lowered:
0x8: {  	[smem:$0x3FA6] =	sst s0  }
0x9: {  	[smem:$0x3FA7] =	sst s1  }
0xa: {  	[smem:$0x3FA8] =	sst s2  }
0xb: {  	[smem:$0x3FA9] =	sst s3  }
0xc: {  	[smem:$0x3FAA] =	sst s4  }
0xd: {  	[smem:$0x3FAB] =	sst s5  }
0xe: {  	[smem:$0x3FAC] =	sst s6  }
0xf: {  	[smem:$0x3FAD] =	sst s7  }
0x10: {  	[smem:$0x3FAE] =	sst s8  }
0x11: {  	[smem:$0x3FAF] =	sst s9;
	s0 =	simm.s32 @!p0 $0x0  }
0x12: {  	s1 =	sld [smem:$0x3F95];
	s0 =	simm.s32 @p0 $0x1  }
0x13: {  	[smem:$0x3FB0] =	sst s0;
	s0 =	simm.s32 @!p1 $0x0  }
0x14: {  	s2 =	sld [smem:$0x3F94];
	s0 =	simm.s32 @p1 $0x1  }
0x15: {  	[smem:$0x3FB1] =	sst s0;
	s0 =	simm.s32 @!p2 $0x0  }
0x16: {  	s3 =	sld [smem:$0x3FDB];
	s0 =	simm.s32 @p2 $0x1  }
0x17: {  	s4 =	simm.s32 $0x1BF5;
	[smem:$0x3FB3] =	sst s0  }
0x18: {  	s0 =	sld [smem:$0x3F96];
	_ =	swait.ge [sflag:s4], $0x0  }
0x19: {  	s7 =	sld [smem:$0x3F97]  }
0x1a: {  	s8 =	sadd.s32 $0xFFFFE003, lr  }
0x1b: {  	s9 =	sadd.s32 $0xFFFFFEF7, lr;
	s5 =	simm.s32 $0xFFFFFFFF;
	p2 =	slt.u32 s8, $0xFFFFF086  }
0x1c: {  	p1 =	slt.u32 s9, $0xF7A;
	s5 =	simm.s32 @!p2 $0x0  }
0x1d: {  	s5 =	simm.s32 @p1 $0x1;
	p0 =	seq.s32 s7, s2  }
0x1e: {  	s7 =	smul.u32 @!p0 $0xF7A, s2;
	p2 =	seq.s32 @!p0 s5, $0x0  }
0x1f: {  	s9 =	smul.u32 $0xF7A, s1;
	s8 =	simm.s32 @!p0 $0x1BF5;
	p2 =	por !p2, p0  }
0x20: {  	[sflag:s8] =	ssyncset.s32 @!p0 $0xFFFFF086;
	s6 =	sadd.s32 @!p0 s3, s7;
	s7 =	simm.s32 @!p0 $0x108  }
0x21: {  	s3 =	sadd.s32 s3, s9;
	s6 =	sadd.s32 @!p0 $0x88, s6;
	s7 =	simm.s32 @p2 $0x1082  }
0x22: {  	[simem:s7], [sflag:s8] =	dma.local @!p0 [hbm:s6], $0xF7A  }
0x23: {  	s9 =	sor.u32 $0xD0000000, s2;
	s6 =	simm.s32 $0x108;
	_ =	swait.ge @!p0 [sflag:s8], $0x0  }
0x24: {  	s3 =	sadd.s32 $0x88, s3;
	s6 =	simm.s32 @!p1 $0x1082;
	[sflag:s4] =	ssyncset.s32 $0xFFFFF086  }
0x25: {  	[simem:s6], [sflag:s4] =	dma.local [hbm:s3], $0xF7A  }
0x26: {  	[smem:$0x3F97] =	sst s1;
	(tag) =	ssettag s2;
	_ =	strace s9  }
0x27: {  	s1 =	sld [smem:$0x3FA7]  }
0x28: {  	s2 =	sld [smem:$0x3FA8]  }
0x29: {  	s4 =	sld [smem:$0x3FAA]  }
0x2a: {  	p0 =	seq.s32 s5, $0x0;
	s5 =	sld [smem:$0x3FAB]  }
0x2b: {  	s6 =	sld [smem:$0x3FAC]  }
0x2c: {  	s7 =	sld [smem:$0x3FAD]  }
0x2d: {  	s3 =	simm.s32 $0x108;
	s8 =	sld [smem:$0x3FAE]  }
0x2e: {  	s3 =	simm.s32 @!p0 $0x1082;
	s9 =	sld [smem:$0x3FAF]  }
0x2f: {  	lr =	sadd.s32 s0, s3;
	s0 =	sld [smem:$0x3FA6]  }
0x30: {  	s3 =	sld [smem:$0x3FA9]  }
0x31: {  	[smem:$0x3FB2] =	sst s10  }
0x32: {  	s10 =	sld [smem:$0x3FB0];
	_ =	sdelay $0x3  }
0x33: {  	p0 =	seq.s32 s10, $0x1;
	s10 =	sld [smem:$0x3FB2];
	_ =	sdelay $0x3  }
0x34: {  	[smem:$0x3FB2] =	sst s10  }
0x35: {  	s10 =	sld [smem:$0x3FB1];
	_ =	sdelay $0x3  }
0x36: {  	p1 =	seq.s32 s10, $0x1;
	s10 =	sld [smem:$0x3FB2];
	_ =	sdelay $0x3  }
0x37: {  	[smem:$0x3FB2] =	sst s10  }
0x38: {  	s10 =	sld [smem:$0x3FB3]  }
0x39: {  	_ = 	snop;
	(pc) =	sbr.ind lr, $3  }
0x3a: {  	_ = 	snop  }
0x3b: {  	_ = 	snop  }
0x3c: {  	p2 =	seq.s32 s10, $0x1;
	s10 =	sld [smem:$0x3FB2]  }
0x3d: {  	_ =	shalt  }
0x3e: {  	_ =	shalt  }
0x3f: {  	_ =	shalt  }
0x40: {  	_ =	shalt  }
0x41: {  	_ =	shalt  }
0x42: {  	_ =	shalt  }
0x43: {  	_ =	shalt  }
0x44: {  	_ =	shalt  }
0x45: {  	_ =	shalt  }
0x46: {  	_ =	shalt  }
0x47: {  	_ =	shalt  }
0x48: {  	_ =	shalt  }
0x49: {  	_ =	shalt  }
0x4a: {  	_ =	shalt  }
0x4b: {  	_ =	shalt  }
0x4c: {  	_ =	shalt  }
0x4d: {  	_ =	shalt  }
0x4e: {  	_ =	shalt  }
0x4f: {  	_ =	shalt  }
0x50: {  	_ =	shalt  }
0x51: {  	_ =	shalt  }
0x52: {  	_ =	shalt  }
0x53: {  	_ =	shalt  }
0x54: {  	_ =	shalt  }
0x55: {  	_ =	shalt  }
0x56: {  	_ =	shalt  }
0x57: {  	_ =	shalt  }
0x58: {  	_ =	shalt  }
0x59: {  	_ =	shalt  }
0x5a: {  	_ =	shalt  }
0x5b: {  	_ =	shalt  }
0x5c: {  	_ =	shalt  }
0x5d: {  	_ =	shalt  }
0x5e: {  	_ =	shalt  }
0x5f: {  	_ =	shalt  }
0x60: {  	_ =	shalt  }
0x61: {  	_ =	shalt  }
0x62: {  	_ =	shalt  }
0x63: {  	_ =	shalt  }
0x64: {  	_ =	shalt  }
0x65: {  	_ =	shalt  }
0x66: {  	_ =	shalt  }
0x67: {  	_ =	shalt  }
0x68: {  	_ =	shalt  }
0x69: {  	_ =	shalt  }
0x6a: {  	_ =	shalt  }
0x6b: {  	_ =	shalt  }
0x6c: {  	_ =	shalt  }
0x6d: {  	_ =	shalt  }
0x6e: {  	_ =	shalt  }
0x6f: {  	_ =	shalt  }
0x70: {  	_ =	shalt  }
0x71: {  	_ =	shalt  }
0x72: {  	_ =	shalt  }
0x73: {  	_ =	shalt  }
0x74: {  	_ =	shalt  }
0x75: {  	_ =	shalt  }
0x76: {  	_ =	shalt  }
0x77: {  	_ =	shalt  }
0x78: {  	_ =	shalt  }
0x79: {  	_ =	shalt  }
0x7a: {  	_ =	shalt  }
0x7b: {  	_ =	shalt  }
0x7c: {  	_ =	shalt  }
0x7d: {  	_ =	shalt  }
0x7e: {  	_ =	shalt  }
0x7f: {  	_ =	shalt  }
0x80: {  	_ =	shalt  }
0x81: {  	_ =	shalt  }
0x82: {  	_ =	shalt  }
0x83: {  	_ =	shalt  }
0x84: {  	_ =	shalt  }
0x85: {  	_ =	shalt  }
0x86: {  	_ =	shalt  }
0x87: {  	_ =	shalt  }
.Lfunc_end0:
.L_simem_size_0:
called_computation_lowered:
.L_overlay_start_0:
0x88: {  	s2 =	sld [smem:$0x3FD9]  }
0x89: {  	s3 =	sld [smem:$0x3FFE];
	_ =	sdelay $0x1  }
0x8a: {  	s1 =	srdreg.scid  }
0x8b: {  	s0 =	sand.u32 $0x1, s1  }
0x8c: {  	s14 =	sshll.u32 s0, $0xA;
	s2 =	sadd.s32 s3, s2  }
0x8d: {  	s2 =	sadd.s32 s2, s14  }
0x8e: {  	[smem:$0x3FBE] =	sst s2  }
0x8f: {  	_ = 	snop  }
0x90: {  	s2 =	sld [smem:$0x3FD0];
	_ =	sdelay $0x2  }
0x91: {  	s15 =	simm.s32 $0xA;
	s4 =	simm.s32 $0x10  }
0x92: {  	[smem:s4], [sflag:s15] =	dma.local [hbm:s2], $0x1  }
0x93: {  	_ =	swait.eq [sflag:s15], $0x1  }
0x94: {  	[sflag:s15] =	ssyncset.done $0x0  }
0x95: {  	[sflag:s15] =	ssyncadd.s32 $0xFFFFFFFF  }
0x96: {  	s16 =	sld [smem:$0x10];
	(tm) =	ssettm $0x1  }
0x97: {  	s17 =	sld [smem:$0x3FFB];
	_ =	sdelay $0x3  }
0x98: {  	_ =	strace s17  }
0x99: {  	s3 =	sld [smem:$0x3FFC];
	_ =	sdelay $0x3  }
0x9a: {  	_ =	strace s3  }
0x9b: {  	s3 =	sld [smem:$0x3FFD];
	_ =	sdelay $0x3  }
0x9c: {  	_ =	strace s3  }
0x9d: {  	_ =	strace $0x8FFFFFFF  }
0x9e: {  	s18 =	sld [smem:$0x3FDB];
	_ =	sdelay $0x1  }
0x9f: {  	s19 =	simm.s32 $_scs_section_size  }
0xa0: {  	s5 =	simm.s32 $_size__tile_overlayer_lowered;
	s6 =	simm.s32 $_tile_overlayer_lowered  }
0xa1: {  	s22 =	simm.s32 $0x1BFF;
	s21 =	sshll.u32 s6, $0x1;
	s3 =	sadd.s32 s19, s18  }
0xa2: {  	s7 =	simm.s32 $0x0;
	s20 =	sshll.u32 s5, $0x1;
	s5 =	sadd.s32 s21, s3  }
0xa3: {  	[timem:s7], [sflag:s22] =	dma.local [hbm:s5], s20  }
0xa4: {  	_ =	swait.ge [sflag:s22], s20  }
0xa5: {  	s4 =	ssub.s32 $0x0, s20;
	[sflag:s22] =	ssyncset.done $0x0  }
0xa6: {  	[sflag:s22] =	ssyncadd.s32 s4;
	_ =	sdelay $0x1  }
0xa7: {  	s23 =	simm.s32 $0x1B8B  }
0xa8: {  	_ =	swait.ge [sflag:s23], $0x1  }
0xa9: {  	[sflag:s23] =	ssyncset.done $0x0  }
0xaa: {  	s25 =	simm.s32 $0x1B8E;
	s24 =	sld [smem:$0x3FFE];
	[sflag:s23] =	ssyncadd.s32 $0xFFFFFFFF  }
0xab: {  	s26 =	simm.s32 $execute0_lowered;
	[smem:$0x3FD2] =	sst s25  }
0xac: {  	s5 =	sshll.u32 s26, $0x1;
	_ =	strace $0x80000046;
	[dreg:$0x1] =	wrdreg $0xFFFFFFFF  }
0xad: {  	s28 =	simm.s32 $_size_execute0_lowered;
	s3 =	sadd.s32 s3, s5;
	[dreg:$0x0] =	wrdreg $0x0  }
0xae: {  	s5 =	sshll.u32 s28, $0x1;
	[dreg:$0x2] =	wrdreg s3  }
0xaf: {  	[dreg:$0x3] =	wrdreg s5  }
0xb0: {  	[dreg:$0x4] =	wrdreg $0xC0  }
0xb1: {  	_ =	task [dreg:s7], $0x5FFFF  }
0xb2: {  	[dreg:$0x1] =	wrdreg $0xFFFFFFFF  }
0xb3: {  	[dreg:$0x0] =	wrdreg $0x60  }
0xb4: {  	[dreg:$0x2] =	wrdreg s24  }
0xb5: {  	[dreg:$0x3] =	wrdreg s16  }
0xb6: {  	[dreg:$0x4] =	wrdreg $0x30000  }
0xb7: {  	[dreg:$0x5] =	wrdreg $0x9  }
0xb8: {  	_ =	task.clear_ibuf [dreg:s7], $0x6FFFF;
	_ =	strace $0x90000046  }
0xb9: {  	s29 =	simm.s32 $0x9;
	_ =	strace $0x80000048  }
0xba: {  	_ =	swait.ge [sflag:s29], $0x1  }
0xbb: {  	[sflag:s29] =	ssyncadd.s32 $0xFFFFFFFF  }
0xbc: {  	_ =	strace $0x90000048  }
0xbd: {  	_ =	sfence  }
0xbe: {  	s30 =	sld [smem:$0x0];
	_ =	sdelay $0x2  }
0xbf: {  	s31 =	sshll.u32 s1, $0xD;
	s1 =	sshrl.u32 s1, $0x2  }
0xc0: {  	s3 =	sand.u32 $0x4000, s31;
	s1 =	sadd.s32 s1, s30  }
0xc1: {  	s0 =	sor.u32 s3, s0;
	s1 =	sshll.u32 s1, $0x11  }
0xc2: {  	s0 =	sor.u32 s1, s0  }
0xc3: {  	s0 =	sadd.s32 $0x8F2B, s0  }
0xc4: {  	[sflag:s0] =	ssyncadd.remote.s32 $0x1  }
0xc5: {  	_ =	sfence.sel $0xFFFF  }
0xc6: {  	[dreg:$0x0] =	wrdreg $0xFFFFFFFF;
	(pc) =	sbr.abs _section_cstart, $3  }
0xc7: {  	[dreg:$0x1] =	wrdreg $0xFFFFFFFF  }
0xc8: {  	_ =	task.clear_ibuf [dreg:s7], $0x2FFFF;
	_ =	strace $0x9FFFFFFF  }
0xc9: {  	(tm) =	ssettm $0x7FFFFFFF  }
tec
execute0_lowered:
.L_overlay_start_1:
0x0: {  	(tag) =	ssettag $0x1  }
0x1: {  	s5 =	rddreg [dreg:$0x0]  }
0x2: {  	s1 =	srdreg.scid;
	s7 =	rddreg [dreg:$0x1]  }
0x3: {  	s0 =	stileid.u32;
	s2 =	rddreg [dreg:$0x2];
	s3 =	simm.s32 $0x0  }
0x4: {  	s13 =	simm.s32 $0x80;
	s14 =	simm.s32 $0x1;
	s15 =	simm.s32 $0x0  }
0x5: {  	s4 =	sand.u32 $0x1, s1;
	s1 =	rddreg [dreg:$0x3];
	s8 =	smul.u32 $0x4F0, s0  }
0x6: {  	s29 =	sshll.u32 s0, $0x1;
	[smem:$0x7FF] =	sst s3;
	s9 =	smul.u32 $0x9E00, s0  }
0x7: {  	s31 =	sshll.u32 s0, $0x6;
	s6 =	sor.u32 s4, s29;
	_ =	strace $0x80000047  }
0x8: {  	s10 =	ssub.s32 $0x2, s4;
	s11 =	smul.u32 $0x4F00, s4;
	s4 =	sadd.s32 $0xA800, s5  }
0x9: {  	s6 =	smul.u32 $0x500, s6;
	s12 =	sshrl.u32 s10, $0x1;
	s9 =	sshrl.u32 s9, $0x2  }
0xa: {  	s10 =	ssub.s32 s10, s12;
	s8 =	sadd.s32 s8, s11;
	s30 =	sadd.s32 s9, s2  }
0xb: {  	s9 =	simm.s32 $0x2800;
	s11 =	sor.u32 $0x1C02, s31;
	s6 =	sadd.s32 s6, s5  }
0xc: {  	s5 =	sadd.s32 $0xA200, s5;
	s7 =	sadd.s32 s7, s8;
	s8 =	smax.u32 s10, $0x1  }
0xd: {  	s10 =	simm.s32 $0x2;
	s12 =	sshrl.u32 s30, $0x3;
	s6 =	sadd.s32 $0x200, s6  }
.LBB2_1:
0xe: {  	[tilespmem:s9], [sflag:$0x2] =	stream.linear.gather [hbm4b:s4+s3], $0x800, $0x38;
	[tilespmem:$0x5780] =	vst v63  }
0xf: {  	_ =	swait.ge [sflag:s10], $0x800  }
0x10: {  	[sflag:s10] =	ssyncset.done $0x0  }
0x11: {  	[sflag:s10] =	ssyncadd.s32 $0xFFFFF800  }
0x12: {  	[tilespmem:s3], [sflag:$0x2] =	stream.linear.gather [hbm4b:s6+s3], $0x2800, $0x38;
	[tilespmem:$0x5780] =	vst v63  }
0x13: {  	_ =	swait.ge [sflag:s10], $0x2800  }
0x14: {  	[sflag:s10] =	ssyncset.done $0x0  }
0x15: {  	[sflag:s10] =	ssyncadd.s32 $0xFFFFD800  }
0x16: {  	[spmem:s12], [sflag:s11] =	dma.local [hbm:s5], $0x4F0  }
0x17: {  	_ =	swait.ge [sflag:s10], $0x4F0  }
0x18: {  	[sflag:s10] =	ssyncset.done $0x0  }
0x19: {  	[sflag:s10] =	ssyncadd.s32 $0xFFFFFB10  }
0x1a: {  	s16 =	simm.s32 $0x0;
	[bflag:$0x0] =	sbarrier.arrive $0xFFFF  }
0x1b: {  	[spmem:s2] =	stream.indirect.scatter.add.f32 [tilespmem:s9], [sflag:$0x1], $0x10, s16, s13, $0xb8;
	[tilespmem:$0x5780] =	vst v63  }
0x1c: {  	s31 =	simm.s32 $0x80  }
0x1d: {  	[spmem:s2] =	stream.indirect.scatter.add.f32 [tilespmem:s9], [sflag:$0x1], $0x10, s31, s13, $0xb8;
	[tilespmem:$0x5780] =	vst v63  }
0x1e: {  	s17 =	simm.s32 $0x100  }
0x1f: {  	[spmem:s2] =	stream.indirect.scatter.add.f32 [tilespmem:s9], [sflag:$0x1], $0x10, s17, s13, $0xb8;
	[tilespmem:$0x5780] =	vst v63  }
0x20: {  	s18 =	simm.s32 $0x180  }
0x21: {  	[spmem:s2] =	stream.indirect.scatter.add.f32 [tilespmem:s9], [sflag:$0x1], $0x10, s18, s13, $0xb8;
	[tilespmem:$0x5780] =	vst v63  }
0x22: {  	s19 =	simm.s32 $0x200  }
0x23: {  	[spmem:s2] =	stream.indirect.scatter.add.f32 [tilespmem:s9], [sflag:$0x1], $0x10, s19, s13, $0xb8;
	[tilespmem:$0x5780] =	vst v63  }
0x24: {  	s20 =	simm.s32 $0x280  }
0x25: {  	[spmem:s2] =	stream.indirect.scatter.add.f32 [tilespmem:s9], [sflag:$0x1], $0x10, s20, s13, $0xb8;
	[tilespmem:$0x5780] =	vst v63  }
0x26: {  	s21 =	simm.s32 $0x300  }
0x27: {  	[spmem:s2] =	stream.indirect.scatter.add.f32 [tilespmem:s9], [sflag:$0x1], $0x10, s21, s13, $0xb8;
	[tilespmem:$0x5780] =	vst v63  }
0x28: {  	s22 =	simm.s32 $0x380  }
0x29: {  	[spmem:s2] =	stream.indirect.scatter.add.f32 [tilespmem:s9], [sflag:$0x1], $0x10, s22, s13, $0xb8;
	[tilespmem:$0x5780] =	vst v63  }
0x2a: {  	s23 =	simm.s32 $0x400  }
0x2b: {  	[spmem:s2] =	stream.indirect.scatter.add.f32 [tilespmem:s9], [sflag:$0x1], $0x10, s23, s13, $0xb8;
	[tilespmem:$0x5780] =	vst v63  }
0x2c: {  	s24 =	simm.s32 $0x480  }
0x2d: {  	[spmem:s2] =	stream.indirect.scatter.add.f32 [tilespmem:s9], [sflag:$0x1], $0x10, s24, s13, $0xb8;
	[tilespmem:$0x5780] =	vst v63  }
0x2e: {  	s25 =	simm.s32 $0x500  }
0x2f: {  	[spmem:s2] =	stream.indirect.scatter.add.f32 [tilespmem:s9], [sflag:$0x1], $0x10, s25, s13, $0xb8;
	[tilespmem:$0x5780] =	vst v63  }
0x30: {  	s26 =	simm.s32 $0x580  }
0x31: {  	[spmem:s2] =	stream.indirect.scatter.add.f32 [tilespmem:s9], [sflag:$0x1], $0x10, s26, s13, $0xb8;
	[tilespmem:$0x5780] =	vst v63  }
0x32: {  	s28 =	simm.s32 $0x600  }
0x33: {  	[spmem:s2] =	stream.indirect.scatter.add.f32 [tilespmem:s9], [sflag:$0x1], $0x10, s28, s13, $0xb8;
	[tilespmem:$0x5780] =	vst v63  }
0x34: {  	s29 =	simm.s32 $0x680  }
0x35: {  	[spmem:s2] =	stream.indirect.scatter.add.f32 [tilespmem:s9], [sflag:$0x1], $0x10, s29, s13, $0xb8;
	[tilespmem:$0x5780] =	vst v63  }
0x36: {  	s30 =	simm.s32 $0x700  }
0x37: {  	[spmem:s2] =	stream.indirect.scatter.add.f32 [tilespmem:s9], [sflag:$0x1], $0x10, s30, s13, $0xb8;
	[tilespmem:$0x5780] =	vst v63  }
0x38: {  	s31 =	simm.s32 $0x780  }
0x39: {  	[spmem:s2] =	stream.indirect.scatter.add.f32 [tilespmem:s9], [sflag:$0x1], $0x10, s31, s13, $0xb8;
	[tilespmem:$0x5780] =	vst v63  }
0x3a: {  	_ =	swait.ge [sflag:s14], $0x800  }
0x3b: {  	[sflag:s14] =	ssyncset.done $0x0  }
0x3c: {  	[sflag:s14] =	ssyncadd.s32 $0xFFFFF800  }
0x3d: {  	_ =	swait.ge [sflag:s14], $0x800  }
0x3e: {  	[sflag:s14] =	ssyncset.done $0x0  }
0x3f: {  	[sflag:s14] =	ssyncadd.s32 $0xFFFFF800  }
0x40: {  	_ =	swait.ge [sflag:s14], $0x800  }
0x41: {  	[sflag:s14] =	ssyncset.done $0x0  }
0x42: {  	[sflag:s14] =	ssyncadd.s32 $0xFFFFF800  }
0x43: {  	_ =	swait.ge [sflag:s14], $0x800  }
0x44: {  	[sflag:s14] =	ssyncset.done $0x0  }
0x45: {  	[sflag:s14] =	ssyncadd.s32 $0xFFFFF800  }
0x46: {  	_ =	swait.ge [sflag:s14], $0x800  }
0x47: {  	[sflag:s14] =	ssyncset.done $0x0  }
0x48: {  	[sflag:s14] =	ssyncadd.s32 $0xFFFFF800  }
0x49: {  	_ =	swait.ge [sflag:s14], $0x800  }
0x4a: {  	[sflag:s14] =	ssyncset.done $0x0  }
0x4b: {  	[sflag:s14] =	ssyncadd.s32 $0xFFFFF800  }
0x4c: {  	_ =	swait.ge [sflag:s14], $0x800  }
0x4d: {  	[sflag:s14] =	ssyncset.done $0x0  }
0x4e: {  	[sflag:s14] =	ssyncadd.s32 $0xFFFFF800  }
0x4f: {  	_ =	swait.ge [sflag:s14], $0x800  }
0x50: {  	[sflag:s14] =	ssyncset.done $0x0  }
0x51: {  	[sflag:s14] =	ssyncadd.s32 $0xFFFFF800  }
0x52: {  	_ =	swait.ge [sflag:s14], $0x800  }
0x53: {  	[sflag:s14] =	ssyncset.done $0x0  }
0x54: {  	[sflag:s14] =	ssyncadd.s32 $0xFFFFF800  }
0x55: {  	_ =	swait.ge [sflag:s14], $0x800  }
0x56: {  	[sflag:s14] =	ssyncset.done $0x0  }
0x57: {  	[sflag:s14] =	ssyncadd.s32 $0xFFFFF800  }
0x58: {  	_ =	swait.ge [sflag:s14], $0x800  }
0x59: {  	[sflag:s14] =	ssyncset.done $0x0  }
0x5a: {  	[sflag:s14] =	ssyncadd.s32 $0xFFFFF800  }
0x5b: {  	_ =	swait.ge [sflag:s14], $0x800  }
0x5c: {  	[sflag:s14] =	ssyncset.done $0x0  }
0x5d: {  	[sflag:s14] =	ssyncadd.s32 $0xFFFFF800  }
0x5e: {  	_ =	swait.ge [sflag:s14], $0x800  }
0x5f: {  	[sflag:s14] =	ssyncset.done $0x0  }
0x60: {  	[sflag:s14] =	ssyncadd.s32 $0xFFFFF800  }
0x61: {  	_ =	swait.ge [sflag:s14], $0x800  }
0x62: {  	[sflag:s14] =	ssyncset.done $0x0  }
0x63: {  	[sflag:s14] =	ssyncadd.s32 $0xFFFFF800  }
0x64: {  	_ =	swait.ge [sflag:s14], $0x800  }
0x65: {  	[sflag:s14] =	ssyncset.done $0x0  }
0x66: {  	[sflag:s14] =	ssyncadd.s32 $0xFFFFF800  }
0x67: {  	_ =	swait.ge [sflag:s14], $0x800  }
0x68: {  	s16 =	simm.s32 $0x2000;
	s19 =	simm.s32 $0x4000;
	[sflag:s14] =	ssyncset.done $0x0  }
.LBB2_2:
0x69: {  	s18 =	sshra.s32 s16, $0x2  }
0x6a: {  	[sflag:s14] =	ssyncadd.s32 $0xFFFFF800;
	s16 =	smov.u32 s19;
	s17 =	sadd.s32 $0x2000, s19  }
0x6b: {  	[spmem:s2] =	stream.indirect.scatter.add.f32 [tilespmem:s9], [sflag:$0x1], $0x10, s18, s13, $0xb8;
	[tilespmem:$0x5780] =	vst v63  }
0x6c: {  	p0 =	sne.s32 s19, $0x8000;
	s19 =	sadd.s32 $0x80, s18  }
0x6d: {  	[spmem:s2] =	stream.indirect.scatter.add.f32 [tilespmem:s9], [sflag:$0x1], $0x10, s19, s13, $0xb8;
	[tilespmem:$0x5780] =	vst v63  }
0x6e: {  	s19 =	sadd.s32 $0x100, s18  }
0x6f: {  	[spmem:s2] =	stream.indirect.scatter.add.f32 [tilespmem:s9], [sflag:$0x1], $0x10, s19, s13, $0xb8;
	[tilespmem:$0x5780] =	vst v63  }
0x70: {  	s19 =	sadd.s32 $0x180, s18  }
0x71: {  	[spmem:s2] =	stream.indirect.scatter.add.f32 [tilespmem:s9], [sflag:$0x1], $0x10, s19, s13, $0xb8;
	[tilespmem:$0x5780] =	vst v63  }
0x72: {  	s19 =	sadd.s32 $0x200, s18  }
0x73: {  	[spmem:s2] =	stream.indirect.scatter.add.f32 [tilespmem:s9], [sflag:$0x1], $0x10, s19, s13, $0xb8;
	[tilespmem:$0x5780] =	vst v63  }
0x74: {  	s19 =	sadd.s32 $0x280, s18  }
0x75: {  	[spmem:s2] =	stream.indirect.scatter.add.f32 [tilespmem:s9], [sflag:$0x1], $0x10, s19, s13, $0xb8;
	[tilespmem:$0x5780] =	vst v63  }
0x76: {  	s19 =	sadd.s32 $0x300, s18  }
0x77: {  	[spmem:s2] =	stream.indirect.scatter.add.f32 [tilespmem:s9], [sflag:$0x1], $0x10, s19, s13, $0xb8;
	[tilespmem:$0x5780] =	vst v63  }
0x78: {  	s19 =	sadd.s32 $0x380, s18  }
0x79: {  	[spmem:s2] =	stream.indirect.scatter.add.f32 [tilespmem:s9], [sflag:$0x1], $0x10, s19, s13, $0xb8;
	[tilespmem:$0x5780] =	vst v63  }
0x7a: {  	s19 =	sadd.s32 $0x400, s18  }
0x7b: {  	[spmem:s2] =	stream.indirect.scatter.add.f32 [tilespmem:s9], [sflag:$0x1], $0x10, s19, s13, $0xb8;
	[tilespmem:$0x5780] =	vst v63  }
0x7c: {  	s19 =	sadd.s32 $0x480, s18  }
0x7d: {  	[spmem:s2] =	stream.indirect.scatter.add.f32 [tilespmem:s9], [sflag:$0x1], $0x10, s19, s13, $0xb8;
	[tilespmem:$0x5780] =	vst v63  }
0x7e: {  	s19 =	sadd.s32 $0x500, s18  }
0x7f: {  	[spmem:s2] =	stream.indirect.scatter.add.f32 [tilespmem:s9], [sflag:$0x1], $0x10, s19, s13, $0xb8;
	[tilespmem:$0x5780] =	vst v63  }
0x80: {  	s19 =	sadd.s32 $0x580, s18  }
0x81: {  	[spmem:s2] =	stream.indirect.scatter.add.f32 [tilespmem:s9], [sflag:$0x1], $0x10, s19, s13, $0xb8;
	[tilespmem:$0x5780] =	vst v63  }
0x82: {  	s19 =	sadd.s32 $0x600, s18  }
0x83: {  	[spmem:s2] =	stream.indirect.scatter.add.f32 [tilespmem:s9], [sflag:$0x1], $0x10, s19, s13, $0xb8;
	[tilespmem:$0x5780] =	vst v63  }
0x84: {  	s19 =	sadd.s32 $0x680, s18  }
0x85: {  	[spmem:s2] =	stream.indirect.scatter.add.f32 [tilespmem:s9], [sflag:$0x1], $0x10, s19, s13, $0xb8;
	[tilespmem:$0x5780] =	vst v63  }
0x86: {  	s19 =	sadd.s32 $0x700, s18  }
0x87: {  	[spmem:s2] =	stream.indirect.scatter.add.f32 [tilespmem:s9], [sflag:$0x1], $0x10, s19, s13, $0xb8;
	[tilespmem:$0x5780] =	vst v63  }
0x88: {  	s18 =	sadd.s32 $0x780, s18  }
0x89: {  	[spmem:s2] =	stream.indirect.scatter.add.f32 [tilespmem:s9], [sflag:$0x1], $0x10, s18, s13, $0xb8;
	[tilespmem:$0x5780] =	vst v63  }
0x8a: {  	_ =	swait.ge [sflag:s14], $0x800  }
0x8b: {  	[sflag:s14] =	ssyncset.done $0x0  }
0x8c: {  	[sflag:s14] =	ssyncadd.s32 $0xFFFFF800  }
0x8d: {  	_ =	swait.ge [sflag:s14], $0x800  }
0x8e: {  	[sflag:s14] =	ssyncset.done $0x0  }
0x8f: {  	[sflag:s14] =	ssyncadd.s32 $0xFFFFF800  }
0x90: {  	_ =	swait.ge [sflag:s14], $0x800  }
0x91: {  	[sflag:s14] =	ssyncset.done $0x0  }
0x92: {  	[sflag:s14] =	ssyncadd.s32 $0xFFFFF800  }
0x93: {  	_ =	swait.ge [sflag:s14], $0x800  }
0x94: {  	[sflag:s14] =	ssyncset.done $0x0  }
0x95: {  	[sflag:s14] =	ssyncadd.s32 $0xFFFFF800  }
0x96: {  	_ =	swait.ge [sflag:s14], $0x800  }
0x97: {  	[sflag:s14] =	ssyncset.done $0x0  }
0x98: {  	[sflag:s14] =	ssyncadd.s32 $0xFFFFF800  }
0x99: {  	_ =	swait.ge [sflag:s14], $0x800  }
0x9a: {  	[sflag:s14] =	ssyncset.done $0x0  }
0x9b: {  	[sflag:s14] =	ssyncadd.s32 $0xFFFFF800  }
0x9c: {  	_ =	swait.ge [sflag:s14], $0x800  }
0x9d: {  	[sflag:s14] =	ssyncset.done $0x0  }
0x9e: {  	[sflag:s14] =	ssyncadd.s32 $0xFFFFF800  }
0x9f: {  	_ =	swait.ge [sflag:s14], $0x800  }
0xa0: {  	[sflag:s14] =	ssyncset.done $0x0  }
0xa1: {  	[sflag:s14] =	ssyncadd.s32 $0xFFFFF800  }
0xa2: {  	_ =	swait.ge [sflag:s14], $0x800  }
0xa3: {  	[sflag:s14] =	ssyncset.done $0x0  }
0xa4: {  	[sflag:s14] =	ssyncadd.s32 $0xFFFFF800  }
0xa5: {  	_ =	swait.ge [sflag:s14], $0x800  }
0xa6: {  	[sflag:s14] =	ssyncset.done $0x0  }
0xa7: {  	[sflag:s14] =	ssyncadd.s32 $0xFFFFF800  }
0xa8: {  	_ =	swait.ge [sflag:s14], $0x800  }
0xa9: {  	[sflag:s14] =	ssyncset.done $0x0  }
0xaa: {  	[sflag:s14] =	ssyncadd.s32 $0xFFFFF800  }
0xab: {  	_ =	swait.ge [sflag:s14], $0x800  }
0xac: {  	[sflag:s14] =	ssyncset.done $0x0  }
0xad: {  	[sflag:s14] =	ssyncadd.s32 $0xFFFFF800  }
0xae: {  	_ =	swait.ge [sflag:s14], $0x800  }
0xaf: {  	[sflag:s14] =	ssyncset.done $0x0  }
0xb0: {  	[sflag:s14] =	ssyncadd.s32 $0xFFFFF800  }
0xb1: {  	_ =	swait.ge [sflag:s14], $0x800  }
0xb2: {  	[sflag:s14] =	ssyncset.done $0x0  }
0xb3: {  	[sflag:s14] =	ssyncadd.s32 $0xFFFFF800  }
.Ltmp0:
0xb4: {  	_ =	swait.ge [sflag:s14], $0x800;
	(pc) =	sbr.rel @p0 .LBB2_2-.Ltmp0, $4  }
0xb5: {  	[sflag:s14] =	ssyncset.done $0x0  }
0xb6: {  	[sflag:s14] =	ssyncadd.s32 $0xFFFFF800  }
0xb7: {  	_ =	swait.ge [sflag:s14], $0x800  }
0xb8: {  	s19 =	smov.u32 s17;
	[sflag:s14] =	ssyncset.done $0x0  }
0xb9: {  	s16 =	sshra.s32 s16, $0x2;
	[sflag:s14] =	ssyncadd.s32 $0xFFFFF800  }
0xba: {  	[spmem:s2] =	stream.indirect.scatter.add.f32 [tilespmem:s9], [sflag:$0x1], $0x10, s16, s13, $0xb8;
	[tilespmem:$0x5780] =	vst v63  }
0xbb: {  	s17 =	sadd.s32 $0x80, s16  }
0xbc: {  	[spmem:s2] =	stream.indirect.scatter.add.f32 [tilespmem:s9], [sflag:$0x1], $0x10, s17, s13, $0xb8;
	[tilespmem:$0x5780] =	vst v63  }
0xbd: {  	s18 =	sadd.s32 $0x100, s16  }
0xbe: {  	[spmem:s2] =	stream.indirect.scatter.add.f32 [tilespmem:s9], [sflag:$0x1], $0x10, s18, s13, $0xb8;
	[tilespmem:$0x5780] =	vst v63  }
0xbf: {  	s19 =	sadd.s32 $0x180, s16  }
0xc0: {  	[spmem:s2] =	stream.indirect.scatter.add.f32 [tilespmem:s9], [sflag:$0x1], $0x10, s19, s13, $0xb8;
	[tilespmem:$0x5780] =	vst v63  }
0xc1: {  	s20 =	sadd.s32 $0x200, s16  }
0xc2: {  	[spmem:s2] =	stream.indirect.scatter.add.f32 [tilespmem:s9], [sflag:$0x1], $0x10, s20, s13, $0xb8;
	[tilespmem:$0x5780] =	vst v63  }
0xc3: {  	s21 =	sadd.s32 $0x280, s16  }
0xc4: {  	[spmem:s2] =	stream.indirect.scatter.add.f32 [tilespmem:s9], [sflag:$0x1], $0x10, s21, s13, $0xb8;
	[tilespmem:$0x5780] =	vst v63  }
0xc5: {  	s22 =	sadd.s32 $0x300, s16  }
0xc6: {  	[spmem:s2] =	stream.indirect.scatter.add.f32 [tilespmem:s9], [sflag:$0x1], $0x10, s22, s13, $0xb8;
	[tilespmem:$0x5780] =	vst v63  }
0xc7: {  	s23 =	sadd.s32 $0x380, s16  }
0xc8: {  	[spmem:s2] =	stream.indirect.scatter.add.f32 [tilespmem:s9], [sflag:$0x1], $0x10, s23, s13, $0xb8;
	[tilespmem:$0x5780] =	vst v63  }
0xc9: {  	s24 =	sadd.s32 $0x400, s16  }
0xca: {  	[spmem:s2] =	stream.indirect.scatter.add.f32 [tilespmem:s9], [sflag:$0x1], $0x10, s24, s13, $0xb8;
	[tilespmem:$0x5780] =	vst v63  }
0xcb: {  	s25 =	sadd.s32 $0x480, s16  }
0xcc: {  	[spmem:s2] =	stream.indirect.scatter.add.f32 [tilespmem:s9], [sflag:$0x1], $0x10, s25, s13, $0xb8;
	[tilespmem:$0x5780] =	vst v63  }
0xcd: {  	s26 =	sadd.s32 $0x500, s16  }
0xce: {  	[spmem:s2] =	stream.indirect.scatter.add.f32 [tilespmem:s9], [sflag:$0x1], $0x10, s26, s13, $0xb8;
	[tilespmem:$0x5780] =	vst v63  }
0xcf: {  	s28 =	sadd.s32 $0x580, s16  }
0xd0: {  	[spmem:s2] =	stream.indirect.scatter.add.f32 [tilespmem:s9], [sflag:$0x1], $0x10, s28, s13, $0xb8;
	[tilespmem:$0x5780] =	vst v63  }
0xd1: {  	s29 =	sadd.s32 $0x600, s16  }
0xd2: {  	[spmem:s2] =	stream.indirect.scatter.add.f32 [tilespmem:s9], [sflag:$0x1], $0x10, s29, s13, $0xb8;
	[tilespmem:$0x5780] =	vst v63  }
0xd3: {  	s30 =	sadd.s32 $0x680, s16  }
0xd4: {  	[spmem:s2] =	stream.indirect.scatter.add.f32 [tilespmem:s9], [sflag:$0x1], $0x10, s30, s13, $0xb8;
	[tilespmem:$0x5780] =	vst v63  }
0xd5: {  	s31 =	sadd.s32 $0x700, s16  }
0xd6: {  	[spmem:s2] =	stream.indirect.scatter.add.f32 [tilespmem:s9], [sflag:$0x1], $0x10, s31, s13, $0xb8;
	[tilespmem:$0x5780] =	vst v63  }
0xd7: {  	s16 =	sadd.s32 $0x780, s16  }
0xd8: {  	[spmem:s2] =	stream.indirect.scatter.add.f32 [tilespmem:s9], [sflag:$0x1], $0x10, s16, s13, $0xb8;
	[tilespmem:$0x5780] =	vst v63  }
0xd9: {  	_ =	swait.ge [sflag:s14], $0x800  }
0xda: {  	[sflag:s14] =	ssyncset.done $0x0  }
0xdb: {  	[sflag:s14] =	ssyncadd.s32 $0xFFFFF800  }
0xdc: {  	_ =	swait.ge [sflag:s14], $0x800  }
0xdd: {  	[sflag:s14] =	ssyncset.done $0x0  }
0xde: {  	[sflag:s14] =	ssyncadd.s32 $0xFFFFF800  }
0xdf: {  	_ =	swait.ge [sflag:s14], $0x800  }
0xe0: {  	[sflag:s14] =	ssyncset.done $0x0  }
0xe1: {  	[sflag:s14] =	ssyncadd.s32 $0xFFFFF800  }
0xe2: {  	_ =	swait.ge [sflag:s14], $0x800  }
0xe3: {  	[sflag:s14] =	ssyncset.done $0x0  }
0xe4: {  	[sflag:s14] =	ssyncadd.s32 $0xFFFFF800  }
0xe5: {  	_ =	swait.ge [sflag:s14], $0x800  }
0xe6: {  	[sflag:s14] =	ssyncset.done $0x0  }
0xe7: {  	[sflag:s14] =	ssyncadd.s32 $0xFFFFF800  }
0xe8: {  	_ =	swait.ge [sflag:s14], $0x800  }
0xe9: {  	[sflag:s14] =	ssyncset.done $0x0  }
0xea: {  	[sflag:s14] =	ssyncadd.s32 $0xFFFFF800  }
0xeb: {  	_ =	swait.ge [sflag:s14], $0x800  }
0xec: {  	[sflag:s14] =	ssyncset.done $0x0  }
0xed: {  	[sflag:s14] =	ssyncadd.s32 $0xFFFFF800  }
0xee: {  	_ =	swait.ge [sflag:s14], $0x800  }
0xef: {  	[sflag:s14] =	ssyncset.done $0x0  }
0xf0: {  	[sflag:s14] =	ssyncadd.s32 $0xFFFFF800  }
0xf1: {  	_ =	swait.ge [sflag:s14], $0x800  }
0xf2: {  	[sflag:s14] =	ssyncset.done $0x0  }
0xf3: {  	[sflag:s14] =	ssyncadd.s32 $0xFFFFF800  }
0xf4: {  	_ =	swait.ge [sflag:s14], $0x800  }
0xf5: {  	[sflag:s14] =	ssyncset.done $0x0  }
0xf6: {  	[sflag:s14] =	ssyncadd.s32 $0xFFFFF800  }
0xf7: {  	_ =	swait.ge [sflag:s14], $0x800  }
0xf8: {  	[sflag:s14] =	ssyncset.done $0x0  }
0xf9: {  	[sflag:s14] =	ssyncadd.s32 $0xFFFFF800  }
0xfa: {  	_ =	swait.ge [sflag:s14], $0x800  }
0xfb: {  	[sflag:s14] =	ssyncset.done $0x0  }
0xfc: {  	[sflag:s14] =	ssyncadd.s32 $0xFFFFF800  }
0xfd: {  	_ =	swait.ge [sflag:s14], $0x800  }
0xfe: {  	[sflag:s14] =	ssyncset.done $0x0  }
0xff: {  	[sflag:s14] =	ssyncadd.s32 $0xFFFFF800  }
0x100: {  	_ =	swait.ge [sflag:s14], $0x800  }
0x101: {  	[sflag:s14] =	ssyncset.done $0x0  }
0x102: {  	[sflag:s14] =	ssyncadd.s32 $0xFFFFF800  }
0x103: {  	_ =	swait.ge [sflag:s14], $0x800  }
0x104: {  	[sflag:s14] =	ssyncset.done $0x0  }
0x105: {  	[sflag:s14] =	ssyncadd.s32 $0xFFFFF800  }
0x106: {  	_ =	swait.ge [sflag:s14], $0x800  }
0x107: {  	s15 =	sadd.s32 $0x1, s15;
	[sflag:s14] =	ssyncset.done $0x0  }
0x108: {  	p0 =	sne.s32 s15, s8;
	[sflag:s14] =	ssyncadd.s32 $0xFFFFF800  }
.Ltmp1:
0x109: {  	[bflag:$0x0] =	sbarrier.arrive $0xFFFF;
	(pc) =	sbr.rel @p0 .LBB2_1-.Ltmp1, $4  }
0x10a: {  	[hbm:s7], [sflag:s11] =	dma.local [spmem:s12], $0x4F0  }
0x10b: {  	_ =	swait.ge [sflag:s10], $0x4F0  }
0x10c: {  	[sflag:s10] =	ssyncset.done $0x0  }
0x10d: {  	[sflag:s10] =	ssyncadd.s32 $0xFFFFFB10  }
0x10e: {  	_ =	sfence.sel $0x180000  }
0x10f: {  	[bflag:$0x0] =	sbarrier.arrive $0xFFFF  }
0x110: {  	p0 =	sne.s32 s0, $0x0;
	_ =	strace $0x90000047  }
0x111: {  	s0 =	sadd.s32 @!p0 $0x100000, s1;
	[bflag:$0x2] =	sbarrier.arrive $0xFFFF  }
0x112: {  	[sflag:s0] =	ssyncadd.tile.s32 @!p0 $0x1;
	_ =	shalt  }
.Lfunc_end2:
_tile_overlayer_lowered:
.L_overlay_start_2:
0x113: {  	(tag) =	ssettag $0x2  }
0x114: {  	s0 =	rddreg [dreg:$0x0];
	s2 =	stileid.u32  }
0x115: {  	s1 =	rddreg [dreg:$0x1];
	p0 =	sne.s32 s2, $0x0  }
0x116: {  	s3 =	rddreg [dreg:$0x2];
	[bflag:$0x3] =	sbarrier.arrive $0xFFFF;
	s2 =	simm.s32 @!p0 $0x1C02  }
0x117: {  	[timem:s3], [sflag:s2] =	dma.local @!p0 [hbm:s0], s1  }
0x118: {  	s0 =	simm.s32 @!p0 $0x2  }
0x119: {  	_ =	swait.ge @!p0 [sflag:s0], s1  }
0x11a: {  	s1 =	ssub.s32 @!p0 $0x0, s1;
	[sflag:s0] =	ssyncset.done @!p0 $0x0  }
0x11b: {  	[sflag:s0] =	ssyncadd.s32 @!p0 s1  }
0x11c: {  	[bflag:$0x3] =	sbarrier.arrive $0xFFFF  }
0x11d: {  	_ =	shalt  }

</sc_bundles>
